<compile_context>
chip_gen: v7x
topology: tpu7x:2x2x1
jax: 0.10.2.dev20260603
libtpu: 0.0.44.dev20260713+nightly
codegen_flags: <defaults>
</compile_context>

<pallas_src>
import functools

import jax
import jax.numpy as jnp
from jax import lax
from jax.experimental import pallas as pl
from jax.experimental.pallas import tpu as pltpu
from jax.experimental.pallas import tpu_sc as plsc

N = 10000
E = 320000
D_IN = 128
H = 64
G = 64

NC = 2
NS = 16
NW = NC * NS
CH = 128
EP_TILE = 10240
NCHUNK = EP_TILE // CH
E_PAD = NW * EP_TILE
ACC_ROWS = 10240
DEG_ROWS = 10240

_F32 = jnp.float32

_SC_MESH = plsc.VectorSubcoreMesh(core_axis_name="c", subcore_axis_name="s")


NBUF = 4
NGROUP = NCHUNK // NBUF


@functools.partial(
    pl.kernel,
    out_type=jax.ShapeDtypeStruct((NC, DEG_ROWS), _F32),
    mesh=_SC_MESH,
    scratch_types=[
        pltpu.VMEM((NCHUNK, CH), jnp.int32),
        pltpu.VMEM((CH,), _F32),
        pltpu.VMEM_SHARED((DEG_ROWS,), _F32),
        pltpu.SemaphoreType.DMA,
    ],
)
def _sc_degree(dst_hbm, zeros1_hbm, out_hbm, idx_v, ones_v, deg_sh, sem):
    c = lax.axis_index("c")
    s = lax.axis_index("s")
    wid = c * NS + s
    rows_per_tile = DEG_ROWS // NS
    for i in range(CH // 16):
        ones_v[pl.ds(i * 16, 16)] = jnp.full((16,), 1.0, _F32)
    pltpu.sync_copy(dst_hbm.at[wid], idx_v)
    pltpu.sync_copy(zeros1_hbm.at[pl.ds(s * rows_per_tile, rows_per_tile)],
                    deg_sh.at[pl.ds(s * rows_per_tile, rows_per_tile)])
    plsc.subcore_barrier()

    def issue(i, carry):
        pltpu.async_copy(ones_v, deg_sh.at[idx_v.at[i]], sem, add=True)
        return carry

    def drain(i, carry):
        pltpu.make_async_copy(ones_v, deg_sh.at[idx_v.at[0]], sem).wait()
        return carry

    lax.fori_loop(0, NCHUNK, issue, 0)
    lax.fori_loop(0, NCHUNK, drain, 0)
    plsc.subcore_barrier()
    pltpu.sync_copy(deg_sh.at[pl.ds(s * rows_per_tile, rows_per_tile)],
                    out_hbm.at[c, pl.ds(s * rows_per_tile, rows_per_tile)])


@functools.partial(
    pl.kernel,
    out_type=jax.ShapeDtypeStruct((NC, ACC_ROWS, H), _F32),
    mesh=_SC_MESH,
    scratch_types=[
        pltpu.VMEM((NCHUNK, CH), jnp.int32),
        pltpu.VMEM((NCHUNK, CH), jnp.int32),
        pltpu.VMEM((NBUF, CH, H), _F32),
        pltpu.VMEM_SHARED((ACC_ROWS, H), _F32),
        pltpu.SemaphoreType.DMA((NBUF,)),
        pltpu.SemaphoreType.DMA((NBUF,)),
    ],
    compiler_params=pltpu.CompilerParams(use_tc_tiling_on_sc=False),
)
def _sc_aggregate(ht_hbm, src_hbm, dst_hbm, zeros2_hbm, out_hbm,
                  idx_s, idx_d, rows_v, acc_sh, sem_g, sem_s):
    c = lax.axis_index("c")
    s = lax.axis_index("s")
    wid = c * NS + s
    rows_per_tile = ACC_ROWS // NS
    pltpu.sync_copy(src_hbm.at[wid], idx_s)
    pltpu.sync_copy(dst_hbm.at[wid], idx_d)
    pltpu.sync_copy(zeros2_hbm.at[pl.ds(s * rows_per_tile, rows_per_tile)],
                    acc_sh.at[pl.ds(s * rows_per_tile, rows_per_tile)])
    plsc.subcore_barrier()

    def start_g(b, chunk):
        pltpu.async_copy(ht_hbm.at[idx_s.at[chunk]], rows_v.at[b], sem_g.at[b])

    def wait_g(b):
        pltpu.make_async_copy(ht_hbm.at[idx_s.at[0]], rows_v.at[b],
                              sem_g.at[b]).wait()

    def start_s(b, chunk):
        pltpu.async_copy(rows_v.at[b], acc_sh.at[idx_d.at[chunk]],
                         sem_s.at[b], add=True)

    def wait_s(b):
        pltpu.make_async_copy(rows_v.at[b], acc_sh.at[idx_d.at[0]],
                              sem_s.at[b]).wait()

    for b in range(NBUF):
        start_g(b, b)

    def group(g, carry):
        first = g * NBUF
        for b in range(NBUF):
            wait_g(b)
            start_s(b, first + b)
        for b in range(NBUF):
            wait_s(b)
            start_g(b, first + b + NBUF)
        return carry

    lax.fori_loop(0, NGROUP - 1, group, 0)
    first = (NGROUP - 1) * NBUF
    for b in range(NBUF):
        wait_g(b)
        start_s(b, first + b)
    for b in range(NBUF):
        wait_s(b)
    plsc.subcore_barrier()
    pltpu.sync_copy(acc_sh.at[pl.ds(s * rows_per_tile, rows_per_tile)],
                    out_hbm.at[c].at[pl.ds(s * rows_per_tile, rows_per_tile)])


def _dis(degp_ref):
    deg = degp_ref[0, :N] + degp_ref[1, :N] + 1.0
    return lax.rsqrt(deg)


def _tc_pre_body(x_ref, lin_W_ref, lin_b_ref, W1_ref, degp_ref, ht_ref):
    dis = _dis(degp_ref)
    h0 = jnp.dot(x_ref[...], lin_W_ref[...], preferred_element_type=_F32)
    h0 = h0 + lin_b_ref[...][None, :]
    ht_ref[...] = dis[:, None] * jnp.dot(h0, W1_ref[...],
                                         preferred_element_type=_F32)


def _tc_mid_body(p_ref, ht_ref, degp_ref, b_ref, Wn_ref, out_ref):
    dis = _dis(degp_ref)
    acc = p_ref[0, :N, :] + p_ref[1, :N, :] + ht_ref[...]
    h = jnp.maximum(dis[:, None] * acc + b_ref[...][None, :], 0.0)
    out_ref[...] = dis[:, None] * jnp.dot(h, Wn_ref[...],
                                          preferred_element_type=_F32)


def _tc_post_body(p_ref, ht_ref, degp_ref, b3_ref, emb_W_ref, emb_b_ref,
                  batch_ref, pred_W_ref, pred_b_ref, out_ref):
    dis = _dis(degp_ref)
    acc = p_ref[0, :N, :] + p_ref[1, :N, :] + ht_ref[...]
    h = jnp.maximum(dis[:, None] * acc + b3_ref[...][None, :], 0.0)
    emb = jnp.dot(h, emb_W_ref[...], preferred_element_type=_F32)
    emb = jnp.maximum(emb + emb_b_ref[...][None, :], 0.0)
    gid = lax.broadcasted_iota(jnp.int32, (G, N), 0)
    onehot_t = (batch_ref[...][None, :] == gid).astype(_F32)
    pooled = jnp.dot(onehot_t, emb, preferred_element_type=_F32)
    w = pred_W_ref[...][:, 0][None, :]
    out_ref[...] = jnp.sum(pooled * w, axis=1) + pred_b_ref[0]


def _tc_call(body, out_shape, *args):
    return pl.pallas_call(body, out_shape=out_shape)(*args)


def kernel(x, edge_index, batch, lin_W, lin_b, W1, b1, W2, b2, W3, b3,
           emb_W, emb_b, pred_W, pred_b):
    src = edge_index[0]
    dst = edge_index[1]
    pad = E_PAD - E
    src_p = jnp.concatenate([src, jnp.zeros((pad,), jnp.int32)])
    dst_p = jnp.concatenate([dst, jnp.full((pad,), N, jnp.int32)])
    src_p = src_p.reshape(NW, NCHUNK, CH)
    dst_p = dst_p.reshape(NW, NCHUNK, CH)
    zeros1 = jnp.zeros((DEG_ROWS,), _F32)
    zeros2 = jnp.zeros((ACC_ROWS, H), _F32)

    degp = _sc_degree(dst_p, zeros1)

    ht1 = _tc_call(_tc_pre_body, jax.ShapeDtypeStruct((N, H), _F32),
                   x, lin_W, lin_b, W1, degp)
    p1 = _sc_aggregate(ht1, src_p, dst_p, zeros2)
    ht2 = _tc_call(_tc_mid_body, jax.ShapeDtypeStruct((N, H), _F32),
                   p1, ht1, degp, b1, W2)
    p2 = _sc_aggregate(ht2, src_p, dst_p, zeros2)
    ht3 = _tc_call(_tc_mid_body, jax.ShapeDtypeStruct((N, H), _F32),
                   p2, ht2, degp, b2, W3)
    p3 = _sc_aggregate(ht3, src_p, dst_p, zeros2)
    out = _tc_call(_tc_post_body, jax.ShapeDtypeStruct((G,), _F32),
                   p3, ht3, degp, b3, emb_W, emb_b, batch, pred_W, pred_b)
    return out

# --- scband reference (transcript-rebuilt; emitter-appended) ---
"""Pipeline reference for scband-gcn-37993280701217 (READ-ONLY COPY).

The authoritative reference and input builder live on the scoring server;
editing this copy changes nothing except your own understanding.
"""

import jax, jax.numpy as jnp
import numpy as np

N_NODES = 10000
N_EDGES = 320000
NODE_DIM = 128
HID = 64
NUM_GRAPHS = 64


def setup_inputs(seed: int = 0) -> dict:
    key = jax.random.key(seed)
    ks = jax.random.split(key, 16)
    inp = {}
    inp["x"] = jax.random.normal(ks[0], (N_NODES, NODE_DIM), dtype=jnp.float32)
    inp["edge_index"] = jax.random.randint(ks[1], (2, N_EDGES), 0, N_NODES, dtype=jnp.int32)
    inp["batch"] = jnp.sort(jax.random.randint(ks[2], (N_NODES,), 0, NUM_GRAPHS, dtype=jnp.int32))
    # parameters
    inp["lin_W"] = jax.random.normal(ks[3], (NODE_DIM, HID), dtype=jnp.float32) * 0.05
    inp["lin_b"] = jnp.zeros((HID,), dtype=jnp.float32)
    inp["W1"] = jax.random.normal(ks[4], (HID, HID), dtype=jnp.float32) * 0.05
    inp["b1"] = jnp.zeros((HID,), dtype=jnp.float32)
    inp["W2"] = jax.random.normal(ks[5], (HID, HID), dtype=jnp.float32) * 0.05
    inp["b2"] = jnp.zeros((HID,), dtype=jnp.float32)
    inp["W3"] = jax.random.normal(ks[6], (HID, HID), dtype=jnp.float32) * 0.05
    inp["b3"] = jnp.zeros((HID,), dtype=jnp.float32)
    inp["emb_W"] = jax.random.normal(ks[7], (HID, HID), dtype=jnp.float32) * 0.05
    inp["emb_b"] = jnp.zeros((HID,), dtype=jnp.float32)
    inp["pred_W"] = jax.random.normal(ks[8], (HID, 1), dtype=jnp.float32) * 0.05
    inp["pred_b"] = jnp.zeros((1,), dtype=jnp.float32)
    return inp


def _gcn_conv(h, src, dst, W, b, n):
    # PyG GCNConv: h' = W h; add self-loops; sym-normalize; scatter-add at dst; + bias
    h = h @ W
    loop = jnp.arange(n, dtype=src.dtype)
    s = jnp.concatenate([src, loop])
    d = jnp.concatenate([dst, loop])
    deg = jnp.zeros((n,), dtype=h.dtype).at[d].add(1.0)
    dis = jnp.where(deg > 0, jax.lax.rsqrt(jnp.maximum(deg, 1e-12)), 0.0)
    norm = dis[s] * dis[d]
    msg = h[s] * norm[:, None]
    out = jnp.zeros_like(h).at[d].add(msg)
    return out + b


def reference(x, edge_index, batch, lin_W, lin_b, W1, b1, W2, b2, W3, b3, emb_W, emb_b, pred_W, pred_b):
    src = edge_index[0]
    dst = edge_index[1]
    n = x.shape[0]
    h = x @ lin_W + lin_b  # linatoms
    for W, b in ((W1, b1), (W2, b2), (W3, b3)):
        h = _gcn_conv(h, src, dst, W, b, n)
        h = jax.nn.relu(h)  # conv_act
    # graph_emb: Linear + ReLU (emb_set2set=False)
    h = jax.nn.relu(h @ emb_W + emb_b)
    # global_add_pool
    g = jax.ops.segment_sum(h, batch, num_segments=NUM_GRAPHS)
    out = g @ pred_W + pred_b
    return out.reshape(-1)

if __name__ == "__main__":
    import jax
    _d = setup_inputs()
    print(jax.jit(kernel)(*tuple(_d.values())))

</pallas_src>

<mosaic_0001>
#map = affine_map<(d0, d1) -> (0, 0)>
#map1 = affine_map<(d0, d1) -> (0, 0, 0)>
module attributes {stable_mosaic.version = 14 : i64} {
  func.func @_sc_aggregate(%arg0: i32, %arg1: i32, %arg2: memref<10000x64xf32, #tpu.memory_space<hbm>>, %arg3: memref<32x80x128xi32, #tpu.memory_space<hbm>>, %arg4: memref<32x80x128xi32, #tpu.memory_space<hbm>>, %arg5: memref<10240x64xf32, #tpu.memory_space<hbm>>, %arg6: memref<2x10240x64xf32, #tpu.memory_space<hbm>>, %arg7: memref<80x128xi32, #tpu.memory_space<vmem>>, %arg8: memref<80x128xi32, #tpu.memory_space<vmem>>, %arg9: memref<4x128x64xf32, #tpu.memory_space<vmem>>, %arg10: memref<10240x64xf32, #tpu.memory_space<vmem_shared>>, %arg11: memref<4x!tpu.dma_semaphore, #tpu.memory_space<semaphore_mem>>, %arg12: memref<4x!tpu.dma_semaphore, #tpu.memory_space<semaphore_mem>>) attributes {dimension_semantics = [#tpu.dimension_semantics<core_parallel>, #tpu.dimension_semantics<subcore_parallel>], iteration_bounds = array<i64: 2, 16>, scalar_prefetch = 0 : i64, scratch_operands = 6 : i64, tpu.core_type = #tpu.core_type<sc_vector_subcore>, window_params = [{transform_indices = #map}, {transform_indices = #map1}, {transform_indices = #map1}, {transform_indices = #map}, {transform_indices = #map1}]} {
    %mul3A = arith.constant 16 : i32
    %mul3A_0 = arith.muli %arg0, %mul3A : i32
    %add3A = arith.addi %mul3A_0, %arg1 : i32
    "tpu.region"() ({
      %run_scoped3A = tpu.sem_alloc : memref<!tpu.dma_semaphore, #tpu.memory_space<semaphore_mem>>
      %dma_start3A_253 = arith.constant 0 : i32
      %dma_start3A_254 = arith.constant 0 : i32
      %dma_start3A_255 = tpu.memref_slice %arg3[%add3A, %dma_start3A_253, %dma_start3A_254] : memref<32x80x128xi32, #tpu.memory_space<hbm>> -> memref<1x80x128xi32, #tpu.memory_space<hbm>>
      %dma_start3A_256 = tpu.memref_squeeze %dma_start3A_255 : memref<1x80x128xi32, #tpu.memory_space<hbm>> -> memref<80x128xi32, #tpu.memory_space<hbm>>
      %dma_start3A_257 = arith.constant 0 : i32
      %dma_start3A_258 = arith.constant 0 : i32
      %dma_start3A_259 = tpu.memref_slice %arg3[%add3A, %dma_start3A_257, %dma_start3A_258] : memref<32x80x128xi32, #tpu.memory_space<hbm>> -> memref<1x80x128xi32, #tpu.memory_space<hbm>>
      %dma_start3A_260 = tpu.memref_squeeze %dma_start3A_259 : memref<1x80x128xi32, #tpu.memory_space<hbm>> -> memref<80x128xi32, #tpu.memory_space<hbm>>
      tpu.enqueue_dma source(%dma_start3A_260 : memref<80x128xi32, #tpu.memory_space<hbm>>) target(%arg7 : memref<80x128xi32, #tpu.memory_space<vmem>>) target_semaphore(%run_scoped3A : memref<!tpu.dma_semaphore, #tpu.memory_space<semaphore_mem>>)
      %dma_wait3A_261 = arith.constant 0 : i32
      %dma_wait3A_262 = arith.constant 0 : i32
      %dma_wait3A_263 = tpu.memref_slice %arg3[%add3A, %dma_wait3A_261, %dma_wait3A_262] : memref<32x80x128xi32, #tpu.memory_space<hbm>> -> memref<1x80x128xi32, #tpu.memory_space<hbm>>
      %dma_wait3A_264 = tpu.memref_squeeze %dma_wait3A_263 : memref<1x80x128xi32, #tpu.memory_space<hbm>> -> memref<80x128xi32, #tpu.memory_space<hbm>>
      %dma_wait3A_265 = arith.constant 0 : i32
      %dma_wait3A_266 = arith.constant 0 : i32
      %dma_wait3A_267 = tpu.memref_slice %arg3[%add3A, %dma_wait3A_265, %dma_wait3A_266] : memref<32x80x128xi32, #tpu.memory_space<hbm>> -> memref<1x80x128xi32, #tpu.memory_space<hbm>>
      %dma_wait3A_268 = tpu.memref_squeeze %dma_wait3A_267 : memref<1x80x128xi32, #tpu.memory_space<hbm>> -> memref<80x128xi32, #tpu.memory_space<hbm>>
      tpu.wait_dma2 semaphore(%run_scoped3A : memref<!tpu.dma_semaphore, #tpu.memory_space<semaphore_mem>>) src(%dma_wait3A_268 : memref<80x128xi32, #tpu.memory_space<hbm>>) dst(%arg7 : memref<80x128xi32, #tpu.memory_space<vmem>>)
      tpu.yield
    }) : () -> ()
    "tpu.region"() ({
      %run_scoped3A = tpu.sem_alloc : memref<!tpu.dma_semaphore, #tpu.memory_space<semaphore_mem>>
      %dma_start3A_253 = arith.constant 0 : i32
      %dma_start3A_254 = arith.constant 0 : i32
      %dma_start3A_255 = tpu.memref_slice %arg4[%add3A, %dma_start3A_253, %dma_start3A_254] : memref<32x80x128xi32, #tpu.memory_space<hbm>> -> memref<1x80x128xi32, #tpu.memory_space<hbm>>
      %dma_start3A_256 = tpu.memref_squeeze %dma_start3A_255 : memref<1x80x128xi32, #tpu.memory_space<hbm>> -> memref<80x128xi32, #tpu.memory_space<hbm>>
      %dma_start3A_257 = arith.constant 0 : i32
      %dma_start3A_258 = arith.constant 0 : i32
      %dma_start3A_259 = tpu.memref_slice %arg4[%add3A, %dma_start3A_257, %dma_start3A_258] : memref<32x80x128xi32, #tpu.memory_space<hbm>> -> memref<1x80x128xi32, #tpu.memory_space<hbm>>
      %dma_start3A_260 = tpu.memref_squeeze %dma_start3A_259 : memref<1x80x128xi32, #tpu.memory_space<hbm>> -> memref<80x128xi32, #tpu.memory_space<hbm>>
      tpu.enqueue_dma source(%dma_start3A_260 : memref<80x128xi32, #tpu.memory_space<hbm>>) target(%arg8 : memref<80x128xi32, #tpu.memory_space<vmem>>) target_semaphore(%run_scoped3A : memref<!tpu.dma_semaphore, #tpu.memory_space<semaphore_mem>>)
      %dma_wait3A_261 = arith.constant 0 : i32
      %dma_wait3A_262 = arith.constant 0 : i32
      %dma_wait3A_263 = tpu.memref_slice %arg4[%add3A, %dma_wait3A_261, %dma_wait3A_262] : memref<32x80x128xi32, #tpu.memory_space<hbm>> -> memref<1x80x128xi32, #tpu.memory_space<hbm>>
      %dma_wait3A_264 = tpu.memref_squeeze %dma_wait3A_263 : memref<1x80x128xi32, #tpu.memory_space<hbm>> -> memref<80x128xi32, #tpu.memory_space<hbm>>
      %dma_wait3A_265 = arith.constant 0 : i32
      %dma_wait3A_266 = arith.constant 0 : i32
      %dma_wait3A_267 = tpu.memref_slice %arg4[%add3A, %dma_wait3A_265, %dma_wait3A_266] : memref<32x80x128xi32, #tpu.memory_space<hbm>> -> memref<1x80x128xi32, #tpu.memory_space<hbm>>
      %dma_wait3A_268 = tpu.memref_squeeze %dma_wait3A_267 : memref<1x80x128xi32, #tpu.memory_space<hbm>> -> memref<80x128xi32, #tpu.memory_space<hbm>>
      tpu.wait_dma2 semaphore(%run_scoped3A : memref<!tpu.dma_semaphore, #tpu.memory_space<semaphore_mem>>) src(%dma_wait3A_268 : memref<80x128xi32, #tpu.memory_space<hbm>>) dst(%arg8 : memref<80x128xi32, #tpu.memory_space<vmem>>)
      tpu.yield
    }) : () -> ()
    %mul3A_1 = arith.constant 640 : i32
    %mul3A_2 = arith.muli %arg1, %mul3A_1 : i32
    %mul3A_3 = arith.constant 640 : i32
    %mul3A_4 = arith.muli %arg1, %mul3A_3 : i32
    "tpu.region"() ({
      %run_scoped3A = tpu.sem_alloc : memref<!tpu.dma_semaphore, #tpu.memory_space<semaphore_mem>>
      %dma_start3A_253 = arith.constant 0 : i32
      %dma_start3A_254 = tpu.memref_slice %arg10[%mul3A_4, %dma_start3A_253] : memref<10240x64xf32, #tpu.memory_space<vmem_shared>> -> memref<640x64xf32, #tpu.memory_space<vmem_shared>>
      %dma_start3A_255 = arith.constant 0 : i32
      %dma_start3A_256 = tpu.memref_slice %arg5[%mul3A_2, %dma_start3A_255] : memref<10240x64xf32, #tpu.memory_space<hbm>> -> memref<640x64xf32, #tpu.memory_space<hbm>>
      tpu.enqueue_dma source(%dma_start3A_256 : memref<640x64xf32, #tpu.memory_space<hbm>>) target(%dma_start3A_254 : memref<640x64xf32, #tpu.memory_space<vmem_shared>>) target_semaphore(%run_scoped3A : memref<!tpu.dma_semaphore, #tpu.memory_space<semaphore_mem>>)
      %dma_wait3A_257 = arith.constant 0 : i32
      %dma_wait3A_258 = tpu.memref_slice %arg10[%mul3A_4, %dma_wait3A_257] : memref<10240x64xf32, #tpu.memory_space<vmem_shared>> -> memref<640x64xf32, #tpu.memory_space<vmem_shared>>
      %dma_wait3A_259 = arith.constant 0 : i32
      %dma_wait3A_260 = tpu.memref_slice %arg5[%mul3A_2, %dma_wait3A_259] : memref<10240x64xf32, #tpu.memory_space<hbm>> -> memref<640x64xf32, #tpu.memory_space<hbm>>
      tpu.wait_dma2 semaphore(%run_scoped3A : memref<!tpu.dma_semaphore, #tpu.memory_space<semaphore_mem>>) src(%dma_wait3A_260 : memref<640x64xf32, #tpu.memory_space<hbm>>) dst(%dma_wait3A_258 : memref<640x64xf32, #tpu.memory_space<vmem_shared>>)
      tpu.yield
    }) : () -> ()
    %barrier3A = arith.constant 0 : index
    tpu.barrier barrier_id(%barrier3A)
    %dma_start3A = arith.constant 0 : i32
    %dma_start3A_5 = arith.constant 0 : i32
    %dma_start3A_6 = arith.constant 0 : i32
    %dma_start3A_7 = arith.constant 0 : i32
    %dma_start3A_8 = arith.constant 0 : i32
    %dma_start3A_9 = tpu.memref_slice %arg9[%dma_start3A_5, %dma_start3A_7, %dma_start3A_8] : memref<4x128x64xf32, #tpu.memory_space<vmem>> -> memref<1x128x64xf32, #tpu.memory_space<vmem>>
    %dma_start3A_10 = tpu.memref_squeeze %dma_start3A_9 : memref<1x128x64xf32, #tpu.memory_space<vmem>> -> memref<128x64xf32, #tpu.memory_space<vmem>>
    %dma_start3A_11 = arith.constant 0 : i32
    %dma_start3A_12 = tpu.memref_slice %arg7[%dma_start3A, %dma_start3A_11] : memref<80x128xi32, #tpu.memory_space<vmem>> -> memref<1x128xi32, #tpu.memory_space<vmem>>
    %dma_start3A_13 = tpu.memref_squeeze %dma_start3A_12 : memref<1x128xi32, #tpu.memory_space<vmem>> -> memref<128xi32, #tpu.memory_space<vmem>>
    %dma_start3A_14 = arith.constant 0 : i32
    %dma_start3A_15 = arith.constant 0 : i32
    %dma_start3A_16 = tpu.memref_slice %arg2[%dma_start3A_14, %dma_start3A_15] : memref<10000x64xf32, #tpu.memory_space<hbm>> -> memref<10000x64xf32, #tpu.memory_space<hbm>>
    %dma_start3A_17 = tpu.memref_slice %arg11[%dma_start3A_6] : memref<4x!tpu.dma_semaphore, #tpu.memory_space<semaphore_mem>> -> memref<1x!tpu.dma_semaphore, #tpu.memory_space<semaphore_mem>>
    %dma_start3A_18 = tpu.memref_squeeze %dma_start3A_17 : memref<1x!tpu.dma_semaphore, #tpu.memory_space<semaphore_mem>> -> memref<!tpu.dma_semaphore, #tpu.memory_space<semaphore_mem>>
    tpu.enqueue_indirect_dma source(%dma_start3A_16 : memref<10000x64xf32, #tpu.memory_space<hbm>>) target(%dma_start3A_10 : memref<128x64xf32, #tpu.memory_space<vmem>>) offsets(%dma_start3A_13 : memref<128xi32, #tpu.memory_space<vmem>>) semaphore(%dma_start3A_18 : memref<!tpu.dma_semaphore, #tpu.memory_space<semaphore_mem>>)
    %dma_start3A_19 = arith.constant 1 : i32
    %dma_start3A_20 = arith.constant 1 : i32
    %dma_start3A_21 = arith.constant 1 : i32
    %dma_start3A_22 = arith.constant 0 : i32
    %dma_start3A_23 = arith.constant 0 : i32
    %dma_start3A_24 = tpu.memref_slice %arg9[%dma_start3A_20, %dma_start3A_22, %dma_start3A_23] : memref<4x128x64xf32, #tpu.memory_space<vmem>> -> memref<1x128x64xf32, #tpu.memory_space<vmem>>
    %dma_start3A_25 = tpu.memref_squeeze %dma_start3A_24 : memref<1x128x64xf32, #tpu.memory_space<vmem>> -> memref<128x64xf32, #tpu.memory_space<vmem>>
    %dma_start3A_26 = arith.constant 0 : i32
    %dma_start3A_27 = tpu.memref_slice %arg7[%dma_start3A_19, %dma_start3A_26] : memref<80x128xi32, #tpu.memory_space<vmem>> -> memref<1x128xi32, #tpu.memory_space<vmem>>
    %dma_start3A_28 = tpu.memref_squeeze %dma_start3A_27 : memref<1x128xi32, #tpu.memory_space<vmem>> -> memref<128xi32, #tpu.memory_space<vmem>>
    %dma_start3A_29 = arith.constant 0 : i32
    %dma_start3A_30 = arith.constant 0 : i32
    %dma_start3A_31 = tpu.memref_slice %arg2[%dma_start3A_29, %dma_start3A_30] : memref<10000x64xf32, #tpu.memory_space<hbm>> -> memref<10000x64xf32, #tpu.memory_space<hbm>>
    %dma_start3A_32 = tpu.memref_slice %arg11[%dma_start3A_21] : memref<4x!tpu.dma_semaphore, #tpu.memory_space<semaphore_mem>> -> memref<1x!tpu.dma_semaphore, #tpu.memory_space<semaphore_mem>>
    %dma_start3A_33 = tpu.memref_squeeze %dma_start3A_32 : memref<1x!tpu.dma_semaphore, #tpu.memory_space<semaphore_mem>> -> memref<!tpu.dma_semaphore, #tpu.memory_space<semaphore_mem>>
    tpu.enqueue_indirect_dma source(%dma_start3A_31 : memref<10000x64xf32, #tpu.memory_space<hbm>>) target(%dma_start3A_25 : memref<128x64xf32, #tpu.memory_space<vmem>>) offsets(%dma_start3A_28 : memref<128xi32, #tpu.memory_space<vmem>>) semaphore(%dma_start3A_33 : memref<!tpu.dma_semaphore, #tpu.memory_space<semaphore_mem>>)
    %dma_start3A_34 = arith.constant 2 : i32
    %dma_start3A_35 = arith.constant 2 : i32
    %dma_start3A_36 = arith.constant 2 : i32
    %dma_start3A_37 = arith.constant 0 : i32
    %dma_start3A_38 = arith.constant 0 : i32
    %dma_start3A_39 = tpu.memref_slice %arg9[%dma_start3A_35, %dma_start3A_37, %dma_start3A_38] : memref<4x128x64xf32, #tpu.memory_space<vmem>> -> memref<1x128x64xf32, #tpu.memory_space<vmem>>
    %dma_start3A_40 = tpu.memref_squeeze %dma_start3A_39 : memref<1x128x64xf32, #tpu.memory_space<vmem>> -> memref<128x64xf32, #tpu.memory_space<vmem>>
    %dma_start3A_41 = arith.constant 0 : i32
    %dma_start3A_42 = tpu.memref_slice %arg7[%dma_start3A_34, %dma_start3A_41] : memref<80x128xi32, #tpu.memory_space<vmem>> -> memref<1x128xi32, #tpu.memory_space<vmem>>
    %dma_start3A_43 = tpu.memref_squeeze %dma_start3A_42 : memref<1x128xi32, #tpu.memory_space<vmem>> -> memref<128xi32, #tpu.memory_space<vmem>>
    %dma_start3A_44 = arith.constant 0 : i32
    %dma_start3A_45 = arith.constant 0 : i32
    %dma_start3A_46 = tpu.memref_slice %arg2[%dma_start3A_44, %dma_start3A_45] : memref<10000x64xf32, #tpu.memory_space<hbm>> -> memref<10000x64xf32, #tpu.memory_space<hbm>>
    %dma_start3A_47 = tpu.memref_slice %arg11[%dma_start3A_36] : memref<4x!tpu.dma_semaphore, #tpu.memory_space<semaphore_mem>> -> memref<1x!tpu.dma_semaphore, #tpu.memory_space<semaphore_mem>>
    %dma_start3A_48 = tpu.memref_squeeze %dma_start3A_47 : memref<1x!tpu.dma_semaphore, #tpu.memory_space<semaphore_mem>> -> memref<!tpu.dma_semaphore, #tpu.memory_space<semaphore_mem>>
    tpu.enqueue_indirect_dma source(%dma_start3A_46 : memref<10000x64xf32, #tpu.memory_space<hbm>>) target(%dma_start3A_40 : memref<128x64xf32, #tpu.memory_space<vmem>>) offsets(%dma_start3A_43 : memref<128xi32, #tpu.memory_space<vmem>>) semaphore(%dma_start3A_48 : memref<!tpu.dma_semaphore, #tpu.memory_space<semaphore_mem>>)
    %dma_start3A_49 = arith.constant 3 : i32
    %dma_start3A_50 = arith.constant 3 : i32
    %dma_start3A_51 = arith.constant 3 : i32
    %dma_start3A_52 = arith.constant 0 : i32
    %dma_start3A_53 = arith.constant 0 : i32
    %dma_start3A_54 = tpu.memref_slice %arg9[%dma_start3A_50, %dma_start3A_52, %dma_start3A_53] : memref<4x128x64xf32, #tpu.memory_space<vmem>> -> memref<1x128x64xf32, #tpu.memory_space<vmem>>
    %dma_start3A_55 = tpu.memref_squeeze %dma_start3A_54 : memref<1x128x64xf32, #tpu.memory_space<vmem>> -> memref<128x64xf32, #tpu.memory_space<vmem>>
    %dma_start3A_56 = arith.constant 0 : i32
    %dma_start3A_57 = tpu.memref_slice %arg7[%dma_start3A_49, %dma_start3A_56] : memref<80x128xi32, #tpu.memory_space<vmem>> -> memref<1x128xi32, #tpu.memory_space<vmem>>
    %dma_start3A_58 = tpu.memref_squeeze %dma_start3A_57 : memref<1x128xi32, #tpu.memory_space<vmem>> -> memref<128xi32, #tpu.memory_space<vmem>>
    %dma_start3A_59 = arith.constant 0 : i32
    %dma_start3A_60 = arith.constant 0 : i32
    %dma_start3A_61 = tpu.memref_slice %arg2[%dma_start3A_59, %dma_start3A_60] : memref<10000x64xf32, #tpu.memory_space<hbm>> -> memref<10000x64xf32, #tpu.memory_space<hbm>>
    %dma_start3A_62 = tpu.memref_slice %arg11[%dma_start3A_51] : memref<4x!tpu.dma_semaphore, #tpu.memory_space<semaphore_mem>> -> memref<1x!tpu.dma_semaphore, #tpu.memory_space<semaphore_mem>>
    %dma_start3A_63 = tpu.memref_squeeze %dma_start3A_62 : memref<1x!tpu.dma_semaphore, #tpu.memory_space<semaphore_mem>> -> memref<!tpu.dma_semaphore, #tpu.memory_space<semaphore_mem>>
    tpu.enqueue_indirect_dma source(%dma_start3A_61 : memref<10000x64xf32, #tpu.memory_space<hbm>>) target(%dma_start3A_55 : memref<128x64xf32, #tpu.memory_space<vmem>>) offsets(%dma_start3A_58 : memref<128xi32, #tpu.memory_space<vmem>>) semaphore(%dma_start3A_63 : memref<!tpu.dma_semaphore, #tpu.memory_space<semaphore_mem>>)
    %scan3A = arith.constant 0 : i32
    %scan3A_64 = arith.constant 0 : i32
    %scan3A_65 = arith.constant 19 : i32
    %scan3A_66 = arith.addi %scan3A_64, %scan3A_65 : i32
    %scan3A_67 = arith.constant 1 : i32
    scf.for %scan3A_253 = %scan3A_64 to %scan3A_66 step %scan3A_67  : i32 {
      %mul3A_254 = arith.constant 4 : i32
      %mul3A_255 = arith.muli %scan3A_253, %mul3A_254 : i32
      %dma_wait3A_256 = arith.constant 0 : i32
      %dma_wait3A_257 = arith.constant 0 : i32
      %dma_wait3A_258 = arith.constant 0 : i32
      %dma_wait3A_259 = arith.constant 0 : i32
      %dma_wait3A_260 = arith.constant 0 : i32
      %dma_wait3A_261 = tpu.memref_slice %arg9[%dma_wait3A_257, %dma_wait3A_259, %dma_wait3A_260] : memref<4x128x64xf32, #tpu.memory_space<vmem>> -> memref<1x128x64xf32, #tpu.memory_space<vmem>>
      %dma_wait3A_262 = tpu.memref_squeeze %dma_wait3A_261 : memref<1x128x64xf32, #tpu.memory_space<vmem>> -> memref<128x64xf32, #tpu.memory_space<vmem>>
      %dma_wait3A_263 = arith.constant 0 : i32
      %dma_wait3A_264 = tpu.memref_slice %arg7[%dma_wait3A_256, %dma_wait3A_263] : memref<80x128xi32, #tpu.memory_space<vmem>> -> memref<1x128xi32, #tpu.memory_space<vmem>>
      %dma_wait3A_265 = tpu.memref_squeeze %dma_wait3A_264 : memref<1x128xi32, #tpu.memory_space<vmem>> -> memref<128xi32, #tpu.memory_space<vmem>>
      %dma_wait3A_266 = arith.constant 0 : i32
      %dma_wait3A_267 = arith.constant 0 : i32
      %dma_wait3A_268 = tpu.memref_slice %arg2[%dma_wait3A_266, %dma_wait3A_267] : memref<10000x64xf32, #tpu.memory_space<hbm>> -> memref<10000x64xf32, #tpu.memory_space<hbm>>
      %dma_wait3A_269 = tpu.memref_slice %arg11[%dma_wait3A_258] : memref<4x!tpu.dma_semaphore, #tpu.memory_space<semaphore_mem>> -> memref<1x!tpu.dma_semaphore, #tpu.memory_space<semaphore_mem>>
      %dma_wait3A_270 = tpu.memref_squeeze %dma_wait3A_269 : memref<1x!tpu.dma_semaphore, #tpu.memory_space<semaphore_mem>> -> memref<!tpu.dma_semaphore, #tpu.memory_space<semaphore_mem>>
      tpu.wait_indirect_dma semaphore(%dma_wait3A_270 : memref<!tpu.dma_semaphore, #tpu.memory_space<semaphore_mem>>) src(%dma_wait3A_268 : memref<10000x64xf32, #tpu.memory_space<hbm>>) dst(%dma_wait3A_262 : memref<128x64xf32, #tpu.memory_space<vmem>>)
      %add3A_271 = arith.constant 0 : i32
      %add3A_272 = arith.addi %mul3A_255, %add3A_271 : i32
      %dma_start3A_273 = arith.constant 0 : i32
      %dma_start3A_274 = arith.constant 0 : i32
      %dma_start3A_275 = arith.constant 0 : i32
      %dma_start3A_276 = arith.constant 0 : i32
      %dma_start3A_277 = tpu.memref_slice %arg9[%dma_start3A_273, %dma_start3A_275, %dma_start3A_276] : memref<4x128x64xf32, #tpu.memory_space<vmem>> -> memref<1x128x64xf32, #tpu.memory_space<vmem>>
      %dma_start3A_278 = tpu.memref_squeeze %dma_start3A_277 : memref<1x128x64xf32, #tpu.memory_space<vmem>> -> memref<128x64xf32, #tpu.memory_space<vmem>>
      %dma_start3A_279 = arith.constant 0 : i32
      %dma_start3A_280 = tpu.memref_slice %arg8[%add3A_272, %dma_start3A_279] : memref<80x128xi32, #tpu.memory_space<vmem>> -> memref<1x128xi32, #tpu.memory_space<vmem>>
      %dma_start3A_281 = tpu.memref_squeeze %dma_start3A_280 : memref<1x128xi32, #tpu.memory_space<vmem>> -> memref<128xi32, #tpu.memory_space<vmem>>
      %dma_start3A_282 = arith.constant 0 : i32
      %dma_start3A_283 = arith.constant 0 : i32
      %dma_start3A_284 = tpu.memref_slice %arg10[%dma_start3A_282, %dma_start3A_283] : memref<10240x64xf32, #tpu.memory_space<vmem_shared>> -> memref<10240x64xf32, #tpu.memory_space<vmem_shared>>
      %dma_start3A_285 = tpu.memref_slice %arg12[%dma_start3A_274] : memref<4x!tpu.dma_semaphore, #tpu.memory_space<semaphore_mem>> -> memref<1x!tpu.dma_semaphore, #tpu.memory_space<semaphore_mem>>
      %dma_start3A_286 = tpu.memref_squeeze %dma_start3A_285 : memref<1x!tpu.dma_semaphore, #tpu.memory_space<semaphore_mem>> -> memref<!tpu.dma_semaphore, #tpu.memory_space<semaphore_mem>>
      tpu.enqueue_indirect_dma source(%dma_start3A_278 : memref<128x64xf32, #tpu.memory_space<vmem>>) target(%dma_start3A_284 : memref<10240x64xf32, #tpu.memory_space<vmem_shared>>) offsets(%dma_start3A_281 : memref<128xi32, #tpu.memory_space<vmem>>) semaphore(%dma_start3A_286 : memref<!tpu.dma_semaphore, #tpu.memory_space<semaphore_mem>>) {add = true}
      %dma_wait3A_287 = arith.constant 0 : i32
      %dma_wait3A_288 = arith.constant 1 : i32
      %dma_wait3A_289 = arith.constant 1 : i32
      %dma_wait3A_290 = arith.constant 0 : i32
      %dma_wait3A_291 = arith.constant 0 : i32
      %dma_wait3A_292 = tpu.memref_slice %arg9[%dma_wait3A_288, %dma_wait3A_290, %dma_wait3A_291] : memref<4x128x64xf32, #tpu.memory_space<vmem>> -> memref<1x128x64xf32, #tpu.memory_space<vmem>>
      %dma_wait3A_293 = tpu.memref_squeeze %dma_wait3A_292 : memref<1x128x64xf32, #tpu.memory_space<vmem>> -> memref<128x64xf32, #tpu.memory_space<vmem>>
      %dma_wait3A_294 = arith.constant 0 : i32
      %dma_wait3A_295 = tpu.memref_slice %arg7[%dma_wait3A_287, %dma_wait3A_294] : memref<80x128xi32, #tpu.memory_space<vmem>> -> memref<1x128xi32, #tpu.memory_space<vmem>>
      %dma_wait3A_296 = tpu.memref_squeeze %dma_wait3A_295 : memref<1x128xi32, #tpu.memory_space<vmem>> -> memref<128xi32, #tpu.memory_space<vmem>>
      %dma_wait3A_297 = arith.constant 0 : i32
      %dma_wait3A_298 = arith.constant 0 : i32
      %dma_wait3A_299 = tpu.memref_slice %arg2[%dma_wait3A_297, %dma_wait3A_298] : memref<10000x64xf32, #tpu.memory_space<hbm>> -> memref<10000x64xf32, #tpu.memory_space<hbm>>
      %dma_wait3A_300 = tpu.memref_slice %arg11[%dma_wait3A_289] : memref<4x!tpu.dma_semaphore, #tpu.memory_space<semaphore_mem>> -> memref<1x!tpu.dma_semaphore, #tpu.memory_space<semaphore_mem>>
      %dma_wait3A_301 = tpu.memref_squeeze %dma_wait3A_300 : memref<1x!tpu.dma_semaphore, #tpu.memory_space<semaphore_mem>> -> memref<!tpu.dma_semaphore, #tpu.memory_space<semaphore_mem>>
      tpu.wait_indirect_dma semaphore(%dma_wait3A_301 : memref<!tpu.dma_semaphore, #tpu.memory_space<semaphore_mem>>) src(%dma_wait3A_299 : memref<10000x64xf32, #tpu.memory_space<hbm>>) dst(%dma_wait3A_293 : memref<128x64xf32, #tpu.memory_space<vmem>>)
      %add3A_302 = arith.constant 1 : i32
      %add3A_303 = arith.addi %mul3A_255, %add3A_302 : i32
      %dma_start3A_304 = arith.constant 1 : i32
      %dma_start3A_305 = arith.constant 1 : i32
      %dma_start3A_306 = arith.constant 0 : i32
      %dma_start3A_307 = arith.constant 0 : i32
      %dma_start3A_308 = tpu.memref_slice %arg9[%dma_start3A_304, %dma_start3A_306, %dma_start3A_307] : memref<4x128x64xf32, #tpu.memory_space<vmem>> -> memref<1x128x64xf32, #tpu.memory_space<vmem>>
      %dma_start3A_309 = tpu.memref_squeeze %dma_start3A_308 : memref<1x128x64xf32, #tpu.memory_space<vmem>> -> memref<128x64xf32, #tpu.memory_space<vmem>>
      %dma_start3A_310 = arith.constant 0 : i32
      %dma_start3A_311 = tpu.memref_slice %arg8[%add3A_303, %dma_start3A_310] : memref<80x128xi32, #tpu.memory_space<vmem>> -> memref<1x128xi32, #tpu.memory_space<vmem>>
      %dma_start3A_312 = tpu.memref_squeeze %dma_start3A_311 : memref<1x128xi32, #tpu.memory_space<vmem>> -> memref<128xi32, #tpu.memory_space<vmem>>
      %dma_start3A_313 = arith.constant 0 : i32
      %dma_start3A_314 = arith.constant 0 : i32
      %dma_start3A_315 = tpu.memref_slice %arg10[%dma_start3A_313, %dma_start3A_314] : memref<10240x64xf32, #tpu.memory_space<vmem_shared>> -> memref<10240x64xf32, #tpu.memory_space<vmem_shared>>
      %dma_start3A_316 = tpu.memref_slice %arg12[%dma_start3A_305] : memref<4x!tpu.dma_semaphore, #tpu.memory_space<semaphore_mem>> -> memref<1x!tpu.dma_semaphore, #tpu.memory_space<semaphore_mem>>
      %dma_start3A_317 = tpu.memref_squeeze %dma_start3A_316 : memref<1x!tpu.dma_semaphore, #tpu.memory_space<semaphore_mem>> -> memref<!tpu.dma_semaphore, #tpu.memory_space<semaphore_mem>>
      tpu.enqueue_indirect_dma source(%dma_start3A_309 : memref<128x64xf32, #tpu.memory_space<vmem>>) target(%dma_start3A_315 : memref<10240x64xf32, #tpu.memory_space<vmem_shared>>) offsets(%dma_start3A_312 : memref<128xi32, #tpu.memory_space<vmem>>) semaphore(%dma_start3A_317 : memref<!tpu.dma_semaphore, #tpu.memory_space<semaphore_mem>>) {add = true}
      %dma_wait3A_318 = arith.constant 0 : i32
      %dma_wait3A_319 = arith.constant 2 : i32
      %dma_wait3A_320 = arith.constant 2 : i32
      %dma_wait3A_321 = arith.constant 0 : i32
      %dma_wait3A_322 = arith.constant 0 : i32
      %dma_wait3A_323 = tpu.memref_slice %arg9[%dma_wait3A_319, %dma_wait3A_321, %dma_wait3A_322] : memref<4x128x64xf32, #tpu.memory_space<vmem>> -> memref<1x128x64xf32, #tpu.memory_space<vmem>>
      %dma_wait3A_324 = tpu.memref_squeeze %dma_wait3A_323 : memref<1x128x64xf32, #tpu.memory_space<vmem>> -> memref<128x64xf32, #tpu.memory_space<vmem>>
      %dma_wait3A_325 = arith.constant 0 : i32
      %dma_wait3A_326 = tpu.memref_slice %arg7[%dma_wait3A_318, %dma_wait3A_325] : memref<80x128xi32, #tpu.memory_space<vmem>> -> memref<1x128xi32, #tpu.memory_space<vmem>>
      %dma_wait3A_327 = tpu.memref_squeeze %dma_wait3A_326 : memref<1x128xi32, #tpu.memory_space<vmem>> -> memref<128xi32, #tpu.memory_space<vmem>>
      %dma_wait3A_328 = arith.constant 0 : i32
      %dma_wait3A_329 = arith.constant 0 : i32
      %dma_wait3A_330 = tpu.memref_slice %arg2[%dma_wait3A_328, %dma_wait3A_329] : memref<10000x64xf32, #tpu.memory_space<hbm>> -> memref<10000x64xf32, #tpu.memory_space<hbm>>
      %dma_wait3A_331 = tpu.memref_slice %arg11[%dma_wait3A_320] : memref<4x!tpu.dma_semaphore, #tpu.memory_space<semaphore_mem>> -> memref<1x!tpu.dma_semaphore, #tpu.memory_space<semaphore_mem>>
      %dma_wait3A_332 = tpu.memref_squeeze %dma_wait3A_331 : memref<1x!tpu.dma_semaphore, #tpu.memory_space<semaphore_mem>> -> memref<!tpu.dma_semaphore, #tpu.memory_space<semaphore_mem>>
      tpu.wait_indirect_dma semaphore(%dma_wait3A_332 : memref<!tpu.dma_semaphore, #tpu.memory_space<semaphore_mem>>) src(%dma_wait3A_330 : memref<10000x64xf32, #tpu.memory_space<hbm>>) dst(%dma_wait3A_324 : memref<128x64xf32, #tpu.memory_space<vmem>>)
      %add3A_333 = arith.constant 2 : i32
      %add3A_334 = arith.addi %mul3A_255, %add3A_333 : i32
      %dma_start3A_335 = arith.constant 2 : i32
      %dma_start3A_336 = arith.constant 2 : i32
      %dma_start3A_337 = arith.constant 0 : i32
      %dma_start3A_338 = arith.constant 0 : i32
      %dma_start3A_339 = tpu.memref_slice %arg9[%dma_start3A_335, %dma_start3A_337, %dma_start3A_338] : memref<4x128x64xf32, #tpu.memory_space<vmem>> -> memref<1x128x64xf32, #tpu.memory_space<vmem>>
      %dma_start3A_340 = tpu.memref_squeeze %dma_start3A_339 : memref<1x128x64xf32, #tpu.memory_space<vmem>> -> memref<128x64xf32, #tpu.memory_space<vmem>>
      %dma_start3A_341 = arith.constant 0 : i32
      %dma_start3A_342 = tpu.memref_slice %arg8[%add3A_334, %dma_start3A_341] : memref<80x128xi32, #tpu.memory_space<vmem>> -> memref<1x128xi32, #tpu.memory_space<vmem>>
      %dma_start3A_343 = tpu.memref_squeeze %dma_start3A_342 : memref<1x128xi32, #tpu.memory_space<vmem>> -> memref<128xi32, #tpu.memory_space<vmem>>
      %dma_start3A_344 = arith.constant 0 : i32
      %dma_start3A_345 = arith.constant 0 : i32
      %dma_start3A_346 = tpu.memref_slice %arg10[%dma_start3A_344, %dma_start3A_345] : memref<10240x64xf32, #tpu.memory_space<vmem_shared>> -> memref<10240x64xf32, #tpu.memory_space<vmem_shared>>
      %dma_start3A_347 = tpu.memref_slice %arg12[%dma_start3A_336] : memref<4x!tpu.dma_semaphore, #tpu.memory_space<semaphore_mem>> -> memref<1x!tpu.dma_semaphore, #tpu.memory_space<semaphore_mem>>
      %dma_start3A_348 = tpu.memref_squeeze %dma_start3A_347 : memref<1x!tpu.dma_semaphore, #tpu.memory_space<semaphore_mem>> -> memref<!tpu.dma_semaphore, #tpu.memory_space<semaphore_mem>>
      tpu.enqueue_indirect_dma source(%dma_start3A_340 : memref<128x64xf32, #tpu.memory_space<vmem>>) target(%dma_start3A_346 : memref<10240x64xf32, #tpu.memory_space<vmem_shared>>) offsets(%dma_start3A_343 : memref<128xi32, #tpu.memory_space<vmem>>) semaphore(%dma_start3A_348 : memref<!tpu.dma_semaphore, #tpu.memory_space<semaphore_mem>>) {add = true}
      %dma_wait3A_349 = arith.constant 0 : i32
      %dma_wait3A_350 = arith.constant 3 : i32
      %dma_wait3A_351 = arith.constant 3 : i32
      %dma_wait3A_352 = arith.constant 0 : i32
      %dma_wait3A_353 = arith.constant 0 : i32
      %dma_wait3A_354 = tpu.memref_slice %arg9[%dma_wait3A_350, %dma_wait3A_352, %dma_wait3A_353] : memref<4x128x64xf32, #tpu.memory_space<vmem>> -> memref<1x128x64xf32, #tpu.memory_space<vmem>>
      %dma_wait3A_355 = tpu.memref_squeeze %dma_wait3A_354 : memref<1x128x64xf32, #tpu.memory_space<vmem>> -> memref<128x64xf32, #tpu.memory_space<vmem>>
      %dma_wait3A_356 = arith.constant 0 : i32
      %dma_wait3A_357 = tpu.memref_slice %arg7[%dma_wait3A_349, %dma_wait3A_356] : memref<80x128xi32, #tpu.memory_space<vmem>> -> memref<1x128xi32, #tpu.memory_space<vmem>>
      %dma_wait3A_358 = tpu.memref_squeeze %dma_wait3A_357 : memref<1x128xi32, #tpu.memory_space<vmem>> -> memref<128xi32, #tpu.memory_space<vmem>>
      %dma_wait3A_359 = arith.constant 0 : i32
      %dma_wait3A_360 = arith.constant 0 : i32
      %dma_wait3A_361 = tpu.memref_slice %arg2[%dma_wait3A_359, %dma_wait3A_360] : memref<10000x64xf32, #tpu.memory_space<hbm>> -> memref<10000x64xf32, #tpu.memory_space<hbm>>
      %dma_wait3A_362 = tpu.memref_slice %arg11[%dma_wait3A_351] : memref<4x!tpu.dma_semaphore, #tpu.memory_space<semaphore_mem>> -> memref<1x!tpu.dma_semaphore, #tpu.memory_space<semaphore_mem>>
      %dma_wait3A_363 = tpu.memref_squeeze %dma_wait3A_362 : memref<1x!tpu.dma_semaphore, #tpu.memory_space<semaphore_mem>> -> memref<!tpu.dma_semaphore, #tpu.memory_space<semaphore_mem>>
      tpu.wait_indirect_dma semaphore(%dma_wait3A_363 : memref<!tpu.dma_semaphore, #tpu.memory_space<semaphore_mem>>) src(%dma_wait3A_361 : memref<10000x64xf32, #tpu.memory_space<hbm>>) dst(%dma_wait3A_355 : memref<128x64xf32, #tpu.memory_space<vmem>>)
      %add3A_364 = arith.constant 3 : i32
      %add3A_365 = arith.addi %mul3A_255, %add3A_364 : i32
      %dma_start3A_366 = arith.constant 3 : i32
      %dma_start3A_367 = arith.constant 3 : i32
      %dma_start3A_368 = arith.constant 0 : i32
      %dma_start3A_369 = arith.constant 0 : i32
      %dma_start3A_370 = tpu.memref_slice %arg9[%dma_start3A_366, %dma_start3A_368, %dma_start3A_369] : memref<4x128x64xf32, #tpu.memory_space<vmem>> -> memref<1x128x64xf32, #tpu.memory_space<vmem>>
      %dma_start3A_371 = tpu.memref_squeeze %dma_start3A_370 : memref<1x128x64xf32, #tpu.memory_space<vmem>> -> memref<128x64xf32, #tpu.memory_space<vmem>>
      %dma_start3A_372 = arith.constant 0 : i32
      %dma_start3A_373 = tpu.memref_slice %arg8[%add3A_365, %dma_start3A_372] : memref<80x128xi32, #tpu.memory_space<vmem>> -> memref<1x128xi32, #tpu.memory_space<vmem>>
      %dma_start3A_374 = tpu.memref_squeeze %dma_start3A_373 : memref<1x128xi32, #tpu.memory_space<vmem>> -> memref<128xi32, #tpu.memory_space<vmem>>
      %dma_start3A_375 = arith.constant 0 : i32
      %dma_start3A_376 = arith.constant 0 : i32
      %dma_start3A_377 = tpu.memref_slice %arg10[%dma_start3A_375, %dma_start3A_376] : memref<10240x64xf32, #tpu.memory_space<vmem_shared>> -> memref<10240x64xf32, #tpu.memory_space<vmem_shared>>
      %dma_start3A_378 = tpu.memref_slice %arg12[%dma_start3A_367] : memref<4x!tpu.dma_semaphore, #tpu.memory_space<semaphore_mem>> -> memref<1x!tpu.dma_semaphore, #tpu.memory_space<semaphore_mem>>
      %dma_start3A_379 = tpu.memref_squeeze %dma_start3A_378 : memref<1x!tpu.dma_semaphore, #tpu.memory_space<semaphore_mem>> -> memref<!tpu.dma_semaphore, #tpu.memory_space<semaphore_mem>>
      tpu.enqueue_indirect_dma source(%dma_start3A_371 : memref<128x64xf32, #tpu.memory_space<vmem>>) target(%dma_start3A_377 : memref<10240x64xf32, #tpu.memory_space<vmem_shared>>) offsets(%dma_start3A_374 : memref<128xi32, #tpu.memory_space<vmem>>) semaphore(%dma_start3A_379 : memref<!tpu.dma_semaphore, #tpu.memory_space<semaphore_mem>>) {add = true}
      %dma_wait3A_380 = arith.constant 0 : i32
      %dma_wait3A_381 = arith.constant 0 : i32
      %dma_wait3A_382 = arith.constant 0 : i32
      %dma_wait3A_383 = arith.constant 0 : i32
      %dma_wait3A_384 = arith.constant 0 : i32
      %dma_wait3A_385 = tpu.memref_slice %arg9[%dma_wait3A_380, %dma_wait3A_383, %dma_wait3A_384] : memref<4x128x64xf32, #tpu.memory_space<vmem>> -> memref<1x128x64xf32, #tpu.memory_space<vmem>>
      %dma_wait3A_386 = tpu.memref_squeeze %dma_wait3A_385 : memref<1x128x64xf32, #tpu.memory_space<vmem>> -> memref<128x64xf32, #tpu.memory_space<vmem>>
      %dma_wait3A_387 = arith.constant 0 : i32
      %dma_wait3A_388 = tpu.memref_slice %arg8[%dma_wait3A_381, %dma_wait3A_387] : memref<80x128xi32, #tpu.memory_space<vmem>> -> memref<1x128xi32, #tpu.memory_space<vmem>>
      %dma_wait3A_389 = tpu.memref_squeeze %dma_wait3A_388 : memref<1x128xi32, #tpu.memory_space<vmem>> -> memref<128xi32, #tpu.memory_space<vmem>>
      %dma_wait3A_390 = arith.constant 0 : i32
      %dma_wait3A_391 = arith.constant 0 : i32
      %dma_wait3A_392 = tpu.memref_slice %arg10[%dma_wait3A_390, %dma_wait3A_391] : memref<10240x64xf32, #tpu.memory_space<vmem_shared>> -> memref<10240x64xf32, #tpu.memory_space<vmem_shared>>
      %dma_wait3A_393 = tpu.memref_slice %arg12[%dma_wait3A_382] : memref<4x!tpu.dma_semaphore, #tpu.memory_space<semaphore_mem>> -> memref<1x!tpu.dma_semaphore, #tpu.memory_space<semaphore_mem>>
      %dma_wait3A_394 = tpu.memref_squeeze %dma_wait3A_393 : memref<1x!tpu.dma_semaphore, #tpu.memory_space<semaphore_mem>> -> memref<!tpu.dma_semaphore, #tpu.memory_space<semaphore_mem>>
      tpu.wait_indirect_dma semaphore(%dma_wait3A_394 : memref<!tpu.dma_semaphore, #tpu.memory_space<semaphore_mem>>) src(%dma_wait3A_386 : memref<128x64xf32, #tpu.memory_space<vmem>>) dst(%dma_wait3A_392 : memref<10240x64xf32, #tpu.memory_space<vmem_shared>>)
      %add3A_395 = arith.constant 0 : i32
      %add3A_396 = arith.addi %mul3A_255, %add3A_395 : i32
      %add3A_397 = arith.constant 4 : i32
      %add3A_398 = arith.addi %add3A_396, %add3A_397 : i32
      %dma_start3A_399 = arith.constant 0 : i32
      %dma_start3A_400 = arith.constant 0 : i32
      %dma_start3A_401 = arith.constant 0 : i32
      %dma_start3A_402 = arith.constant 0 : i32
      %dma_start3A_403 = tpu.memref_slice %arg9[%dma_start3A_399, %dma_start3A_401, %dma_start3A_402] : memref<4x128x64xf32, #tpu.memory_space<vmem>> -> memref<1x128x64xf32, #tpu.memory_space<vmem>>
      %dma_start3A_404 = tpu.memref_squeeze %dma_start3A_403 : memref<1x128x64xf32, #tpu.memory_space<vmem>> -> memref<128x64xf32, #tpu.memory_space<vmem>>
      %dma_start3A_405 = arith.constant 0 : i32
      %dma_start3A_406 = tpu.memref_slice %arg7[%add3A_398, %dma_start3A_405] : memref<80x128xi32, #tpu.memory_space<vmem>> -> memref<1x128xi32, #tpu.memory_space<vmem>>
      %dma_start3A_407 = tpu.memref_squeeze %dma_start3A_406 : memref<1x128xi32, #tpu.memory_space<vmem>> -> memref<128xi32, #tpu.memory_space<vmem>>
      %dma_start3A_408 = arith.constant 0 : i32
      %dma_start3A_409 = arith.constant 0 : i32
      %dma_start3A_410 = tpu.memref_slice %arg2[%dma_start3A_408, %dma_start3A_409] : memref<10000x64xf32, #tpu.memory_space<hbm>> -> memref<10000x64xf32, #tpu.memory_space<hbm>>
      %dma_start3A_411 = tpu.memref_slice %arg11[%dma_start3A_400] : memref<4x!tpu.dma_semaphore, #tpu.memory_space<semaphore_mem>> -> memref<1x!tpu.dma_semaphore, #tpu.memory_space<semaphore_mem>>
      %dma_start3A_412 = tpu.memref_squeeze %dma_start3A_411 : memref<1x!tpu.dma_semaphore, #tpu.memory_space<semaphore_mem>> -> memref<!tpu.dma_semaphore, #tpu.memory_space<semaphore_mem>>
      tpu.enqueue_indirect_dma source(%dma_start3A_410 : memref<10000x64xf32, #tpu.memory_space<hbm>>) target(%dma_start3A_404 : memref<128x64xf32, #tpu.memory_space<vmem>>) offsets(%dma_start3A_407 : memref<128xi32, #tpu.memory_space<vmem>>) semaphore(%dma_start3A_412 : memref<!tpu.dma_semaphore, #tpu.memory_space<semaphore_mem>>)
      %dma_wait3A_413 = arith.constant 1 : i32
      %dma_wait3A_414 = arith.constant 0 : i32
      %dma_wait3A_415 = arith.constant 1 : i32
      %dma_wait3A_416 = arith.constant 0 : i32
      %dma_wait3A_417 = arith.constant 0 : i32
      %dma_wait3A_418 = tpu.memref_slice %arg9[%dma_wait3A_413, %dma_wait3A_416, %dma_wait3A_417] : memref<4x128x64xf32, #tpu.memory_space<vmem>> -> memref<1x128x64xf32, #tpu.memory_space<vmem>>
      %dma_wait3A_419 = tpu.memref_squeeze %dma_wait3A_418 : memref<1x128x64xf32, #tpu.memory_space<vmem>> -> memref<128x64xf32, #tpu.memory_space<vmem>>
      %dma_wait3A_420 = arith.constant 0 : i32
      %dma_wait3A_421 = tpu.memref_slice %arg8[%dma_wait3A_414, %dma_wait3A_420] : memref<80x128xi32, #tpu.memory_space<vmem>> -> memref<1x128xi32, #tpu.memory_space<vmem>>
      %dma_wait3A_422 = tpu.memref_squeeze %dma_wait3A_421 : memref<1x128xi32, #tpu.memory_space<vmem>> -> memref<128xi32, #tpu.memory_space<vmem>>
      %dma_wait3A_423 = arith.constant 0 : i32
      %dma_wait3A_424 = arith.constant 0 : i32
      %dma_wait3A_425 = tpu.memref_slice %arg10[%dma_wait3A_423, %dma_wait3A_424] : memref<10240x64xf32, #tpu.memory_space<vmem_shared>> -> memref<10240x64xf32, #tpu.memory_space<vmem_shared>>
      %dma_wait3A_426 = tpu.memref_slice %arg12[%dma_wait3A_415] : memref<4x!tpu.dma_semaphore, #tpu.memory_space<semaphore_mem>> -> memref<1x!tpu.dma_semaphore, #tpu.memory_space<semaphore_mem>>
      %dma_wait3A_427 = tpu.memref_squeeze %dma_wait3A_426 : memref<1x!tpu.dma_semaphore, #tpu.memory_space<semaphore_mem>> -> memref<!tpu.dma_semaphore, #tpu.memory_space<semaphore_mem>>
      tpu.wait_indirect_dma semaphore(%dma_wait3A_427 : memref<!tpu.dma_semaphore, #tpu.memory_space<semaphore_mem>>) src(%dma_wait3A_419 : memref<128x64xf32, #tpu.memory_space<vmem>>) dst(%dma_wait3A_425 : memref<10240x64xf32, #tpu.memory_space<vmem_shared>>)
      %add3A_428 = arith.constant 1 : i32
      %add3A_429 = arith.addi %mul3A_255, %add3A_428 : i32
      %add3A_430 = arith.constant 4 : i32
      %add3A_431 = arith.addi %add3A_429, %add3A_430 : i32
      %dma_start3A_432 = arith.constant 1 : i32
      %dma_start3A_433 = arith.constant 1 : i32
      %dma_start3A_434 = arith.constant 0 : i32
      %dma_start3A_435 = arith.constant 0 : i32
      %dma_start3A_436 = tpu.memref_slice %arg9[%dma_start3A_432, %dma_start3A_434, %dma_start3A_435] : memref<4x128x64xf32, #tpu.memory_space<vmem>> -> memref<1x128x64xf32, #tpu.memory_space<vmem>>
      %dma_start3A_437 = tpu.memref_squeeze %dma_start3A_436 : memref<1x128x64xf32, #tpu.memory_space<vmem>> -> memref<128x64xf32, #tpu.memory_space<vmem>>
      %dma_start3A_438 = arith.constant 0 : i32
      %dma_start3A_439 = tpu.memref_slice %arg7[%add3A_431, %dma_start3A_438] : memref<80x128xi32, #tpu.memory_space<vmem>> -> memref<1x128xi32, #tpu.memory_space<vmem>>
      %dma_start3A_440 = tpu.memref_squeeze %dma_start3A_439 : memref<1x128xi32, #tpu.memory_space<vmem>> -> memref<128xi32, #tpu.memory_space<vmem>>
      %dma_start3A_441 = arith.constant 0 : i32
      %dma_start3A_442 = arith.constant 0 : i32
      %dma_start3A_443 = tpu.memref_slice %arg2[%dma_start3A_441, %dma_start3A_442] : memref<10000x64xf32, #tpu.memory_space<hbm>> -> memref<10000x64xf32, #tpu.memory_space<hbm>>
      %dma_start3A_444 = tpu.memref_slice %arg11[%dma_start3A_433] : memref<4x!tpu.dma_semaphore, #tpu.memory_space<semaphore_mem>> -> memref<1x!tpu.dma_semaphore, #tpu.memory_space<semaphore_mem>>
      %dma_start3A_445 = tpu.memref_squeeze %dma_start3A_444 : memref<1x!tpu.dma_semaphore, #tpu.memory_space<semaphore_mem>> -> memref<!tpu.dma_semaphore, #tpu.memory_space<semaphore_mem>>
      tpu.enqueue_indirect_dma source(%dma_start3A_443 : memref<10000x64xf32, #tpu.memory_space<hbm>>) target(%dma_start3A_437 : memref<128x64xf32, #tpu.memory_space<vmem>>) offsets(%dma_start3A_440 : memref<128xi32, #tpu.memory_space<vmem>>) semaphore(%dma_start3A_445 : memref<!tpu.dma_semaphore, #tpu.memory_space<semaphore_mem>>)
      %dma_wait3A_446 = arith.constant 2 : i32
      %dma_wait3A_447 = arith.constant 0 : i32
      %dma_wait3A_448 = arith.constant 2 : i32
      %dma_wait3A_449 = arith.constant 0 : i32
      %dma_wait3A_450 = arith.constant 0 : i32
      %dma_wait3A_451 = tpu.memref_slice %arg9[%dma_wait3A_446, %dma_wait3A_449, %dma_wait3A_450] : memref<4x128x64xf32, #tpu.memory_space<vmem>> -> memref<1x128x64xf32, #tpu.memory_space<vmem>>
      %dma_wait3A_452 = tpu.memref_squeeze %dma_wait3A_451 : memref<1x128x64xf32, #tpu.memory_space<vmem>> -> memref<128x64xf32, #tpu.memory_space<vmem>>
      %dma_wait3A_453 = arith.constant 0 : i32
      %dma_wait3A_454 = tpu.memref_slice %arg8[%dma_wait3A_447, %dma_wait3A_453] : memref<80x128xi32, #tpu.memory_space<vmem>> -> memref<1x128xi32, #tpu.memory_space<vmem>>
      %dma_wait3A_455 = tpu.memref_squeeze %dma_wait3A_454 : memref<1x128xi32, #tpu.memory_space<vmem>> -> memref<128xi32, #tpu.memory_space<vmem>>
      %dma_wait3A_456 = arith.constant 0 : i32
      %dma_wait3A_457 = arith.constant 0 : i32
      %dma_wait3A_458 = tpu.memref_slice %arg10[%dma_wait3A_456, %dma_wait3A_457] : memref<10240x64xf32, #tpu.memory_space<vmem_shared>> -> memref<10240x64xf32, #tpu.memory_space<vmem_shared>>
      %dma_wait3A_459 = tpu.memref_slice %arg12[%dma_wait3A_448] : memref<4x!tpu.dma_semaphore, #tpu.memory_space<semaphore_mem>> -> memref<1x!tpu.dma_semaphore, #tpu.memory_space<semaphore_mem>>
      %dma_wait3A_460 = tpu.memref_squeeze %dma_wait3A_459 : memref<1x!tpu.dma_semaphore, #tpu.memory_space<semaphore_mem>> -> memref<!tpu.dma_semaphore, #tpu.memory_space<semaphore_mem>>
      tpu.wait_indirect_dma semaphore(%dma_wait3A_460 : memref<!tpu.dma_semaphore, #tpu.memory_space<semaphore_mem>>) src(%dma_wait3A_452 : memref<128x64xf32, #tpu.memory_space<vmem>>) dst(%dma_wait3A_458 : memref<10240x64xf32, #tpu.memory_space<vmem_shared>>)
      %add3A_461 = arith.constant 2 : i32
      %add3A_462 = arith.addi %mul3A_255, %add3A_461 : i32
      %add3A_463 = arith.constant 4 : i32
      %add3A_464 = arith.addi %add3A_462, %add3A_463 : i32
      %dma_start3A_465 = arith.constant 2 : i32
      %dma_start3A_466 = arith.constant 2 : i32
      %dma_start3A_467 = arith.constant 0 : i32
      %dma_start3A_468 = arith.constant 0 : i32
      %dma_start3A_469 = tpu.memref_slice %arg9[%dma_start3A_465, %dma_start3A_467, %dma_start3A_468] : memref<4x128x64xf32, #tpu.memory_space<vmem>> -> memref<1x128x64xf32, #tpu.memory_space<vmem>>
      %dma_start3A_470 = tpu.memref_squeeze %dma_start3A_469 : memref<1x128x64xf32, #tpu.memory_space<vmem>> -> memref<128x64xf32, #tpu.memory_space<vmem>>
      %dma_start3A_471 = arith.constant 0 : i32
      %dma_start3A_472 = tpu.memref_slice %arg7[%add3A_464, %dma_start3A_471] : memref<80x128xi32, #tpu.memory_space<vmem>> -> memref<1x128xi32, #tpu.memory_space<vmem>>
      %dma_start3A_473 = tpu.memref_squeeze %dma_start3A_472 : memref<1x128xi32, #tpu.memory_space<vmem>> -> memref<128xi32, #tpu.memory_space<vmem>>
      %dma_start3A_474 = arith.constant 0 : i32
      %dma_start3A_475 = arith.constant 0 : i32
      %dma_start3A_476 = tpu.memref_slice %arg2[%dma_start3A_474, %dma_start3A_475] : memref<10000x64xf32, #tpu.memory_space<hbm>> -> memref<10000x64xf32, #tpu.memory_space<hbm>>
      %dma_start3A_477 = tpu.memref_slice %arg11[%dma_start3A_466] : memref<4x!tpu.dma_semaphore, #tpu.memory_space<semaphore_mem>> -> memref<1x!tpu.dma_semaphore, #tpu.memory_space<semaphore_mem>>
      %dma_start3A_478 = tpu.memref_squeeze %dma_start3A_477 : memref<1x!tpu.dma_semaphore, #tpu.memory_space<semaphore_mem>> -> memref<!tpu.dma_semaphore, #tpu.memory_space<semaphore_mem>>
      tpu.enqueue_indirect_dma source(%dma_start3A_476 : memref<10000x64xf32, #tpu.memory_space<hbm>>) target(%dma_start3A_470 : memref<128x64xf32, #tpu.memory_space<vmem>>) offsets(%dma_start3A_473 : memref<128xi32, #tpu.memory_space<vmem>>) semaphore(%dma_start3A_478 : memref<!tpu.dma_semaphore, #tpu.memory_space<semaphore_mem>>)
      %dma_wait3A_479 = arith.constant 3 : i32
      %dma_wait3A_480 = arith.constant 0 : i32
      %dma_wait3A_481 = arith.constant 3 : i32
      %dma_wait3A_482 = arith.constant 0 : i32
      %dma_wait3A_483 = arith.constant 0 : i32
      %dma_wait3A_484 = tpu.memref_slice %arg9[%dma_wait3A_479, %dma_wait3A_482, %dma_wait3A_483] : memref<4x128x64xf32, #tpu.memory_space<vmem>> -> memref<1x128x64xf32, #tpu.memory_space<vmem>>
      %dma_wait3A_485 = tpu.memref_squeeze %dma_wait3A_484 : memref<1x128x64xf32, #tpu.memory_space<vmem>> -> memref<128x64xf32, #tpu.memory_space<vmem>>
      %dma_wait3A_486 = arith.constant 0 : i32
      %dma_wait3A_487 = tpu.memref_slice %arg8[%dma_wait3A_480, %dma_wait3A_486] : memref<80x128xi32, #tpu.memory_space<vmem>> -> memref<1x128xi32, #tpu.memory_space<vmem>>
      %dma_wait3A_488 = tpu.memref_squeeze %dma_wait3A_487 : memref<1x128xi32, #tpu.memory_space<vmem>> -> memref<128xi32, #tpu.memory_space<vmem>>
      %dma_wait3A_489 = arith.constant 0 : i32
      %dma_wait3A_490 = arith.constant 0 : i32
      %dma_wait3A_491 = tpu.memref_slice %arg10[%dma_wait3A_489, %dma_wait3A_490] : memref<10240x64xf32, #tpu.memory_space<vmem_shared>> -> memref<10240x64xf32, #tpu.memory_space<vmem_shared>>
      %dma_wait3A_492 = tpu.memref_slice %arg12[%dma_wait3A_481] : memref<4x!tpu.dma_semaphore, #tpu.memory_space<semaphore_mem>> -> memref<1x!tpu.dma_semaphore, #tpu.memory_space<semaphore_mem>>
      %dma_wait3A_493 = tpu.memref_squeeze %dma_wait3A_492 : memref<1x!tpu.dma_semaphore, #tpu.memory_space<semaphore_mem>> -> memref<!tpu.dma_semaphore, #tpu.memory_space<semaphore_mem>>
      tpu.wait_indirect_dma semaphore(%dma_wait3A_493 : memref<!tpu.dma_semaphore, #tpu.memory_space<semaphore_mem>>) src(%dma_wait3A_485 : memref<128x64xf32, #tpu.memory_space<vmem>>) dst(%dma_wait3A_491 : memref<10240x64xf32, #tpu.memory_space<vmem_shared>>)
      %add3A_494 = arith.constant 3 : i32
      %add3A_495 = arith.addi %mul3A_255, %add3A_494 : i32
      %add3A_496 = arith.constant 4 : i32
      %add3A_497 = arith.addi %add3A_495, %add3A_496 : i32
      %dma_start3A_498 = arith.constant 3 : i32
      %dma_start3A_499 = arith.constant 3 : i32
      %dma_start3A_500 = arith.constant 0 : i32
      %dma_start3A_501 = arith.constant 0 : i32
      %dma_start3A_502 = tpu.memref_slice %arg9[%dma_start3A_498, %dma_start3A_500, %dma_start3A_501] : memref<4x128x64xf32, #tpu.memory_space<vmem>> -> memref<1x128x64xf32, #tpu.memory_space<vmem>>
      %dma_start3A_503 = tpu.memref_squeeze %dma_start3A_502 : memref<1x128x64xf32, #tpu.memory_space<vmem>> -> memref<128x64xf32, #tpu.memory_space<vmem>>
      %dma_start3A_504 = arith.constant 0 : i32
      %dma_start3A_505 = tpu.memref_slice %arg7[%add3A_497, %dma_start3A_504] : memref<80x128xi32, #tpu.memory_space<vmem>> -> memref<1x128xi32, #tpu.memory_space<vmem>>
      %dma_start3A_506 = tpu.memref_squeeze %dma_start3A_505 : memref<1x128xi32, #tpu.memory_space<vmem>> -> memref<128xi32, #tpu.memory_space<vmem>>
      %dma_start3A_507 = arith.constant 0 : i32
      %dma_start3A_508 = arith.constant 0 : i32
      %dma_start3A_509 = tpu.memref_slice %arg2[%dma_start3A_507, %dma_start3A_508] : memref<10000x64xf32, #tpu.memory_space<hbm>> -> memref<10000x64xf32, #tpu.memory_space<hbm>>
      %dma_start3A_510 = tpu.memref_slice %arg11[%dma_start3A_499] : memref<4x!tpu.dma_semaphore, #tpu.memory_space<semaphore_mem>> -> memref<1x!tpu.dma_semaphore, #tpu.memory_space<semaphore_mem>>
      %dma_start3A_511 = tpu.memref_squeeze %dma_start3A_510 : memref<1x!tpu.dma_semaphore, #tpu.memory_space<semaphore_mem>> -> memref<!tpu.dma_semaphore, #tpu.memory_space<semaphore_mem>>
      tpu.enqueue_indirect_dma source(%dma_start3A_509 : memref<10000x64xf32, #tpu.memory_space<hbm>>) target(%dma_start3A_503 : memref<128x64xf32, #tpu.memory_space<vmem>>) offsets(%dma_start3A_506 : memref<128xi32, #tpu.memory_space<vmem>>) semaphore(%dma_start3A_511 : memref<!tpu.dma_semaphore, #tpu.memory_space<semaphore_mem>>)
    }
    %scan3A_68 = arith.constant 19 : i32
    %dma_wait3A = arith.constant 0 : i32
    %dma_wait3A_69 = arith.constant 0 : i32
    %dma_wait3A_70 = arith.constant 0 : i32
    %dma_wait3A_71 = arith.constant 0 : i32
    %dma_wait3A_72 = arith.constant 0 : i32
    %dma_wait3A_73 = tpu.memref_slice %arg9[%dma_wait3A_69, %dma_wait3A_71, %dma_wait3A_72] : memref<4x128x64xf32, #tpu.memory_space<vmem>> -> memref<1x128x64xf32, #tpu.memory_space<vmem>>
    %dma_wait3A_74 = tpu.memref_squeeze %dma_wait3A_73 : memref<1x128x64xf32, #tpu.memory_space<vmem>> -> memref<128x64xf32, #tpu.memory_space<vmem>>
    %dma_wait3A_75 = arith.constant 0 : i32
    %dma_wait3A_76 = tpu.memref_slice %arg7[%dma_wait3A, %dma_wait3A_75] : memref<80x128xi32, #tpu.memory_space<vmem>> -> memref<1x128xi32, #tpu.memory_space<vmem>>
    %dma_wait3A_77 = tpu.memref_squeeze %dma_wait3A_76 : memref<1x128xi32, #tpu.memory_space<vmem>> -> memref<128xi32, #tpu.memory_space<vmem>>
    %dma_wait3A_78 = arith.constant 0 : i32
    %dma_wait3A_79 = arith.constant 0 : i32
    %dma_wait3A_80 = tpu.memref_slice %arg2[%dma_wait3A_78, %dma_wait3A_79] : memref<10000x64xf32, #tpu.memory_space<hbm>> -> memref<10000x64xf32, #tpu.memory_space<hbm>>
    %dma_wait3A_81 = tpu.memref_slice %arg11[%dma_wait3A_70] : memref<4x!tpu.dma_semaphore, #tpu.memory_space<semaphore_mem>> -> memref<1x!tpu.dma_semaphore, #tpu.memory_space<semaphore_mem>>
    %dma_wait3A_82 = tpu.memref_squeeze %dma_wait3A_81 : memref<1x!tpu.dma_semaphore, #tpu.memory_space<semaphore_mem>> -> memref<!tpu.dma_semaphore, #tpu.memory_space<semaphore_mem>>
    tpu.wait_indirect_dma semaphore(%dma_wait3A_82 : memref<!tpu.dma_semaphore, #tpu.memory_space<semaphore_mem>>) src(%dma_wait3A_80 : memref<10000x64xf32, #tpu.memory_space<hbm>>) dst(%dma_wait3A_74 : memref<128x64xf32, #tpu.memory_space<vmem>>)
    %dma_start3A_83 = arith.constant 0 : i32
    %dma_start3A_84 = arith.constant 76 : i32
    %dma_start3A_85 = arith.constant 0 : i32
    %dma_start3A_86 = arith.constant 0 : i32
    %dma_start3A_87 = arith.constant 0 : i32
    %dma_start3A_88 = tpu.memref_slice %arg9[%dma_start3A_83, %dma_start3A_86, %dma_start3A_87] : memref<4x128x64xf32, #tpu.memory_space<vmem>> -> memref<1x128x64xf32, #tpu.memory_space<vmem>>
    %dma_start3A_89 = tpu.memref_squeeze %dma_start3A_88 : memref<1x128x64xf32, #tpu.memory_space<vmem>> -> memref<128x64xf32, #tpu.memory_space<vmem>>
    %dma_start3A_90 = arith.constant 0 : i32
    %dma_start3A_91 = tpu.memref_slice %arg8[%dma_start3A_84, %dma_start3A_90] : memref<80x128xi32, #tpu.memory_space<vmem>> -> memref<1x128xi32, #tpu.memory_space<vmem>>
    %dma_start3A_92 = tpu.memref_squeeze %dma_start3A_91 : memref<1x128xi32, #tpu.memory_space<vmem>> -> memref<128xi32, #tpu.memory_space<vmem>>
    %dma_start3A_93 = arith.constant 0 : i32
    %dma_start3A_94 = arith.constant 0 : i32
    %dma_start3A_95 = tpu.memref_slice %arg10[%dma_start3A_93, %dma_start3A_94] : memref<10240x64xf32, #tpu.memory_space<vmem_shared>> -> memref<10240x64xf32, #tpu.memory_space<vmem_shared>>
    %dma_start3A_96 = tpu.memref_slice %arg12[%dma_start3A_85] : memref<4x!tpu.dma_semaphore, #tpu.memory_space<semaphore_mem>> -> memref<1x!tpu.dma_semaphore, #tpu.memory_space<semaphore_mem>>
    %dma_start3A_97 = tpu.memref_squeeze %dma_start3A_96 : memref<1x!tpu.dma_semaphore, #tpu.memory_space<semaphore_mem>> -> memref<!tpu.dma_semaphore, #tpu.memory_space<semaphore_mem>>
    tpu.enqueue_indirect_dma source(%dma_start3A_89 : memref<128x64xf32, #tpu.memory_space<vmem>>) target(%dma_start3A_95 : memref<10240x64xf32, #tpu.memory_space<vmem_shared>>) offsets(%dma_start3A_92 : memref<128xi32, #tpu.memory_space<vmem>>) semaphore(%dma_start3A_97 : memref<!tpu.dma_semaphore, #tpu.memory_space<semaphore_mem>>) {add = true}
    %dma_wait3A_98 = arith.constant 0 : i32
    %dma_wait3A_99 = arith.constant 1 : i32
    %dma_wait3A_100 = arith.constant 1 : i32
    %dma_wait3A_101 = arith.constant 0 : i32
    %dma_wait3A_102 = arith.constant 0 : i32
    %dma_wait3A_103 = tpu.memref_slice %arg9[%dma_wait3A_99, %dma_wait3A_101, %dma_wait3A_102] : memref<4x128x64xf32, #tpu.memory_space<vmem>> -> memref<1x128x64xf32, #tpu.memory_space<vmem>>
    %dma_wait3A_104 = tpu.memref_squeeze %dma_wait3A_103 : memref<1x128x64xf32, #tpu.memory_space<vmem>> -> memref<128x64xf32, #tpu.memory_space<vmem>>
    %dma_wait3A_105 = arith.constant 0 : i32
    %dma_wait3A_106 = tpu.memref_slice %arg7[%dma_wait3A_98, %dma_wait3A_105] : memref<80x128xi32, #tpu.memory_space<vmem>> -> memref<1x128xi32, #tpu.memory_space<vmem>>
    %dma_wait3A_107 = tpu.memref_squeeze %dma_wait3A_106 : memref<1x128xi32, #tpu.memory_space<vmem>> -> memref<128xi32, #tpu.memory_space<vmem>>
    %dma_wait3A_108 = arith.constant 0 : i32
    %dma_wait3A_109 = arith.constant 0 : i32
    %dma_wait3A_110 = tpu.memref_slice %arg2[%dma_wait3A_108, %dma_wait3A_109] : memref<10000x64xf32, #tpu.memory_space<hbm>> -> memref<10000x64xf32, #tpu.memory_space<hbm>>
    %dma_wait3A_111 = tpu.memref_slice %arg11[%dma_wait3A_100] : memref<4x!tpu.dma_semaphore, #tpu.memory_space<semaphore_mem>> -> memref<1x!tpu.dma_semaphore, #tpu.memory_space<semaphore_mem>>
    %dma_wait3A_112 = tpu.memref_squeeze %dma_wait3A_111 : memref<1x!tpu.dma_semaphore, #tpu.memory_space<semaphore_mem>> -> memref<!tpu.dma_semaphore, #tpu.memory_space<semaphore_mem>>
    tpu.wait_indirect_dma semaphore(%dma_wait3A_112 : memref<!tpu.dma_semaphore, #tpu.memory_space<semaphore_mem>>) src(%dma_wait3A_110 : memref<10000x64xf32, #tpu.memory_space<hbm>>) dst(%dma_wait3A_104 : memref<128x64xf32, #tpu.memory_space<vmem>>)
    %dma_start3A_113 = arith.constant 1 : i32
    %dma_start3A_114 = arith.constant 77 : i32
    %dma_start3A_115 = arith.constant 1 : i32
    %dma_start3A_116 = arith.constant 0 : i32
    %dma_start3A_117 = arith.constant 0 : i32
    %dma_start3A_118 = tpu.memref_slice %arg9[%dma_start3A_113, %dma_start3A_116, %dma_start3A_117] : memref<4x128x64xf32, #tpu.memory_space<vmem>> -> memref<1x128x64xf32, #tpu.memory_space<vmem>>
    %dma_start3A_119 = tpu.memref_squeeze %dma_start3A_118 : memref<1x128x64xf32, #tpu.memory_space<vmem>> -> memref<128x64xf32, #tpu.memory_space<vmem>>
    %dma_start3A_120 = arith.constant 0 : i32
    %dma_start3A_121 = tpu.memref_slice %arg8[%dma_start3A_114, %dma_start3A_120] : memref<80x128xi32, #tpu.memory_space<vmem>> -> memref<1x128xi32, #tpu.memory_space<vmem>>
    %dma_start3A_122 = tpu.memref_squeeze %dma_start3A_121 : memref<1x128xi32, #tpu.memory_space<vmem>> -> memref<128xi32, #tpu.memory_space<vmem>>
    %dma_start3A_123 = arith.constant 0 : i32
    %dma_start3A_124 = arith.constant 0 : i32
    %dma_start3A_125 = tpu.memref_slice %arg10[%dma_start3A_123, %dma_start3A_124] : memref<10240x64xf32, #tpu.memory_space<vmem_shared>> -> memref<10240x64xf32, #tpu.memory_space<vmem_shared>>
    %dma_start3A_126 = tpu.memref_slice %arg12[%dma_start3A_115] : memref<4x!tpu.dma_semaphore, #tpu.memory_space<semaphore_mem>> -> memref<1x!tpu.dma_semaphore, #tpu.memory_space<semaphore_mem>>
    %dma_start3A_127 = tpu.memref_squeeze %dma_start3A_126 : memref<1x!tpu.dma_semaphore, #tpu.memory_space<semaphore_mem>> -> memref<!tpu.dma_semaphore, #tpu.memory_space<semaphore_mem>>
    tpu.enqueue_indirect_dma source(%dma_start3A_119 : memref<128x64xf32, #tpu.memory_space<vmem>>) target(%dma_start3A_125 : memref<10240x64xf32, #tpu.memory_space<vmem_shared>>) offsets(%dma_start3A_122 : memref<128xi32, #tpu.memory_space<vmem>>) semaphore(%dma_start3A_127 : memref<!tpu.dma_semaphore, #tpu.memory_space<semaphore_mem>>) {add = true}
    %dma_wait3A_128 = arith.constant 0 : i32
    %dma_wait3A_129 = arith.constant 2 : i32
    %dma_wait3A_130 = arith.constant 2 : i32
    %dma_wait3A_131 = arith.constant 0 : i32
    %dma_wait3A_132 = arith.constant 0 : i32
    %dma_wait3A_133 = tpu.memref_slice %arg9[%dma_wait3A_129, %dma_wait3A_131, %dma_wait3A_132] : memref<4x128x64xf32, #tpu.memory_space<vmem>> -> memref<1x128x64xf32, #tpu.memory_space<vmem>>
    %dma_wait3A_134 = tpu.memref_squeeze %dma_wait3A_133 : memref<1x128x64xf32, #tpu.memory_space<vmem>> -> memref<128x64xf32, #tpu.memory_space<vmem>>
    %dma_wait3A_135 = arith.constant 0 : i32
    %dma_wait3A_136 = tpu.memref_slice %arg7[%dma_wait3A_128, %dma_wait3A_135] : memref<80x128xi32, #tpu.memory_space<vmem>> -> memref<1x128xi32, #tpu.memory_space<vmem>>
    %dma_wait3A_137 = tpu.memref_squeeze %dma_wait3A_136 : memref<1x128xi32, #tpu.memory_space<vmem>> -> memref<128xi32, #tpu.memory_space<vmem>>
    %dma_wait3A_138 = arith.constant 0 : i32
    %dma_wait3A_139 = arith.constant 0 : i32
    %dma_wait3A_140 = tpu.memref_slice %arg2[%dma_wait3A_138, %dma_wait3A_139] : memref<10000x64xf32, #tpu.memory_space<hbm>> -> memref<10000x64xf32, #tpu.memory_space<hbm>>
    %dma_wait3A_141 = tpu.memref_slice %arg11[%dma_wait3A_130] : memref<4x!tpu.dma_semaphore, #tpu.memory_space<semaphore_mem>> -> memref<1x!tpu.dma_semaphore, #tpu.memory_space<semaphore_mem>>
    %dma_wait3A_142 = tpu.memref_squeeze %dma_wait3A_141 : memref<1x!tpu.dma_semaphore, #tpu.memory_space<semaphore_mem>> -> memref<!tpu.dma_semaphore, #tpu.memory_space<semaphore_mem>>
    tpu.wait_indirect_dma semaphore(%dma_wait3A_142 : memref<!tpu.dma_semaphore, #tpu.memory_space<semaphore_mem>>) src(%dma_wait3A_140 : memref<10000x64xf32, #tpu.memory_space<hbm>>) dst(%dma_wait3A_134 : memref<128x64xf32, #tpu.memory_space<vmem>>)
    %dma_start3A_143 = arith.constant 2 : i32
    %dma_start3A_144 = arith.constant 78 : i32
    %dma_start3A_145 = arith.constant 2 : i32
    %dma_start3A_146 = arith.constant 0 : i32
    %dma_start3A_147 = arith.constant 0 : i32
    %dma_start3A_148 = tpu.memref_slice %arg9[%dma_start3A_143, %dma_start3A_146, %dma_start3A_147] : memref<4x128x64xf32, #tpu.memory_space<vmem>> -> memref<1x128x64xf32, #tpu.memory_space<vmem>>
    %dma_start3A_149 = tpu.memref_squeeze %dma_start3A_148 : memref<1x128x64xf32, #tpu.memory_space<vmem>> -> memref<128x64xf32, #tpu.memory_space<vmem>>
    %dma_start3A_150 = arith.constant 0 : i32
    %dma_start3A_151 = tpu.memref_slice %arg8[%dma_start3A_144, %dma_start3A_150] : memref<80x128xi32, #tpu.memory_space<vmem>> -> memref<1x128xi32, #tpu.memory_space<vmem>>
    %dma_start3A_152 = tpu.memref_squeeze %dma_start3A_151 : memref<1x128xi32, #tpu.memory_space<vmem>> -> memref<128xi32, #tpu.memory_space<vmem>>
    %dma_start3A_153 = arith.constant 0 : i32
    %dma_start3A_154 = arith.constant 0 : i32
    %dma_start3A_155 = tpu.memref_slice %arg10[%dma_start3A_153, %dma_start3A_154] : memref<10240x64xf32, #tpu.memory_space<vmem_shared>> -> memref<10240x64xf32, #tpu.memory_space<vmem_shared>>
    %dma_start3A_156 = tpu.memref_slice %arg12[%dma_start3A_145] : memref<4x!tpu.dma_semaphore, #tpu.memory_space<semaphore_mem>> -> memref<1x!tpu.dma_semaphore, #tpu.memory_space<semaphore_mem>>
    %dma_start3A_157 = tpu.memref_squeeze %dma_start3A_156 : memref<1x!tpu.dma_semaphore, #tpu.memory_space<semaphore_mem>> -> memref<!tpu.dma_semaphore, #tpu.memory_space<semaphore_mem>>
    tpu.enqueue_indirect_dma source(%dma_start3A_149 : memref<128x64xf32, #tpu.memory_space<vmem>>) target(%dma_start3A_155 : memref<10240x64xf32, #tpu.memory_space<vmem_shared>>) offsets(%dma_start3A_152 : memref<128xi32, #tpu.memory_space<vmem>>) semaphore(%dma_start3A_157 : memref<!tpu.dma_semaphore, #tpu.memory_space<semaphore_mem>>) {add = true}
    %dma_wait3A_158 = arith.constant 0 : i32
    %dma_wait3A_159 = arith.constant 3 : i32
    %dma_wait3A_160 = arith.constant 3 : i32
    %dma_wait3A_161 = arith.constant 0 : i32
    %dma_wait3A_162 = arith.constant 0 : i32
    %dma_wait3A_163 = tpu.memref_slice %arg9[%dma_wait3A_159, %dma_wait3A_161, %dma_wait3A_162] : memref<4x128x64xf32, #tpu.memory_space<vmem>> -> memref<1x128x64xf32, #tpu.memory_space<vmem>>
    %dma_wait3A_164 = tpu.memref_squeeze %dma_wait3A_163 : memref<1x128x64xf32, #tpu.memory_space<vmem>> -> memref<128x64xf32, #tpu.memory_space<vmem>>
    %dma_wait3A_165 = arith.constant 0 : i32
    %dma_wait3A_166 = tpu.memref_slice %arg7[%dma_wait3A_158, %dma_wait3A_165] : memref<80x128xi32, #tpu.memory_space<vmem>> -> memref<1x128xi32, #tpu.memory_space<vmem>>
    %dma_wait3A_167 = tpu.memref_squeeze %dma_wait3A_166 : memref<1x128xi32, #tpu.memory_space<vmem>> -> memref<128xi32, #tpu.memory_space<vmem>>
    %dma_wait3A_168 = arith.constant 0 : i32
    %dma_wait3A_169 = arith.constant 0 : i32
    %dma_wait3A_170 = tpu.memref_slice %arg2[%dma_wait3A_168, %dma_wait3A_169] : memref<10000x64xf32, #tpu.memory_space<hbm>> -> memref<10000x64xf32, #tpu.memory_space<hbm>>
    %dma_wait3A_171 = tpu.memref_slice %arg11[%dma_wait3A_160] : memref<4x!tpu.dma_semaphore, #tpu.memory_space<semaphore_mem>> -> memref<1x!tpu.dma_semaphore, #tpu.memory_space<semaphore_mem>>
    %dma_wait3A_172 = tpu.memref_squeeze %dma_wait3A_171 : memref<1x!tpu.dma_semaphore, #tpu.memory_space<semaphore_mem>> -> memref<!tpu.dma_semaphore, #tpu.memory_space<semaphore_mem>>
    tpu.wait_indirect_dma semaphore(%dma_wait3A_172 : memref<!tpu.dma_semaphore, #tpu.memory_space<semaphore_mem>>) src(%dma_wait3A_170 : memref<10000x64xf32, #tpu.memory_space<hbm>>) dst(%dma_wait3A_164 : memref<128x64xf32, #tpu.memory_space<vmem>>)
    %dma_start3A_173 = arith.constant 3 : i32
    %dma_start3A_174 = arith.constant 79 : i32
    %dma_start3A_175 = arith.constant 3 : i32
    %dma_start3A_176 = arith.constant 0 : i32
    %dma_start3A_177 = arith.constant 0 : i32
    %dma_start3A_178 = tpu.memref_slice %arg9[%dma_start3A_173, %dma_start3A_176, %dma_start3A_177] : memref<4x128x64xf32, #tpu.memory_space<vmem>> -> memref<1x128x64xf32, #tpu.memory_space<vmem>>
    %dma_start3A_179 = tpu.memref_squeeze %dma_start3A_178 : memref<1x128x64xf32, #tpu.memory_space<vmem>> -> memref<128x64xf32, #tpu.memory_space<vmem>>
    %dma_start3A_180 = arith.constant 0 : i32
    %dma_start3A_181 = tpu.memref_slice %arg8[%dma_start3A_174, %dma_start3A_180] : memref<80x128xi32, #tpu.memory_space<vmem>> -> memref<1x128xi32, #tpu.memory_space<vmem>>
    %dma_start3A_182 = tpu.memref_squeeze %dma_start3A_181 : memref<1x128xi32, #tpu.memory_space<vmem>> -> memref<128xi32, #tpu.memory_space<vmem>>
    %dma_start3A_183 = arith.constant 0 : i32
    %dma_start3A_184 = arith.constant 0 : i32
    %dma_start3A_185 = tpu.memref_slice %arg10[%dma_start3A_183, %dma_start3A_184] : memref<10240x64xf32, #tpu.memory_space<vmem_shared>> -> memref<10240x64xf32, #tpu.memory_space<vmem_shared>>
    %dma_start3A_186 = tpu.memref_slice %arg12[%dma_start3A_175] : memref<4x!tpu.dma_semaphore, #tpu.memory_space<semaphore_mem>> -> memref<1x!tpu.dma_semaphore, #tpu.memory_space<semaphore_mem>>
    %dma_start3A_187 = tpu.memref_squeeze %dma_start3A_186 : memref<1x!tpu.dma_semaphore, #tpu.memory_space<semaphore_mem>> -> memref<!tpu.dma_semaphore, #tpu.memory_space<semaphore_mem>>
    tpu.enqueue_indirect_dma source(%dma_start3A_179 : memref<128x64xf32, #tpu.memory_space<vmem>>) target(%dma_start3A_185 : memref<10240x64xf32, #tpu.memory_space<vmem_shared>>) offsets(%dma_start3A_182 : memref<128xi32, #tpu.memory_space<vmem>>) semaphore(%dma_start3A_187 : memref<!tpu.dma_semaphore, #tpu.memory_space<semaphore_mem>>) {add = true}
    %dma_wait3A_188 = arith.constant 0 : i32
    %dma_wait3A_189 = arith.constant 0 : i32
    %dma_wait3A_190 = arith.constant 0 : i32
    %dma_wait3A_191 = arith.constant 0 : i32
    %dma_wait3A_192 = arith.constant 0 : i32
    %dma_wait3A_193 = tpu.memref_slice %arg9[%dma_wait3A_188, %dma_wait3A_191, %dma_wait3A_192] : memref<4x128x64xf32, #tpu.memory_space<vmem>> -> memref<1x128x64xf32, #tpu.memory_space<vmem>>
    %dma_wait3A_194 = tpu.memref_squeeze %dma_wait3A_193 : memref<1x128x64xf32, #tpu.memory_space<vmem>> -> memref<128x64xf32, #tpu.memory_space<vmem>>
    %dma_wait3A_195 = arith.constant 0 : i32
    %dma_wait3A_196 = tpu.memref_slice %arg8[%dma_wait3A_189, %dma_wait3A_195] : memref<80x128xi32, #tpu.memory_space<vmem>> -> memref<1x128xi32, #tpu.memory_space<vmem>>
    %dma_wait3A_197 = tpu.memref_squeeze %dma_wait3A_196 : memref<1x128xi32, #tpu.memory_space<vmem>> -> memref<128xi32, #tpu.memory_space<vmem>>
    %dma_wait3A_198 = arith.constant 0 : i32
    %dma_wait3A_199 = arith.constant 0 : i32
    %dma_wait3A_200 = tpu.memref_slice %arg10[%dma_wait3A_198, %dma_wait3A_199] : memref<10240x64xf32, #tpu.memory_space<vmem_shared>> -> memref<10240x64xf32, #tpu.memory_space<vmem_shared>>
    %dma_wait3A_201 = tpu.memref_slice %arg12[%dma_wait3A_190] : memref<4x!tpu.dma_semaphore, #tpu.memory_space<semaphore_mem>> -> memref<1x!tpu.dma_semaphore, #tpu.memory_space<semaphore_mem>>
    %dma_wait3A_202 = tpu.memref_squeeze %dma_wait3A_201 : memref<1x!tpu.dma_semaphore, #tpu.memory_space<semaphore_mem>> -> memref<!tpu.dma_semaphore, #tpu.memory_space<semaphore_mem>>
    tpu.wait_indirect_dma semaphore(%dma_wait3A_202 : memref<!tpu.dma_semaphore, #tpu.memory_space<semaphore_mem>>) src(%dma_wait3A_194 : memref<128x64xf32, #tpu.memory_space<vmem>>) dst(%dma_wait3A_200 : memref<10240x64xf32, #tpu.memory_space<vmem_shared>>)
    %dma_wait3A_203 = arith.constant 1 : i32
    %dma_wait3A_204 = arith.constant 0 : i32
    %dma_wait3A_205 = arith.constant 1 : i32
    %dma_wait3A_206 = arith.constant 0 : i32
    %dma_wait3A_207 = arith.constant 0 : i32
    %dma_wait3A_208 = tpu.memref_slice %arg9[%dma_wait3A_203, %dma_wait3A_206, %dma_wait3A_207] : memref<4x128x64xf32, #tpu.memory_space<vmem>> -> memref<1x128x64xf32, #tpu.memory_space<vmem>>
    %dma_wait3A_209 = tpu.memref_squeeze %dma_wait3A_208 : memref<1x128x64xf32, #tpu.memory_space<vmem>> -> memref<128x64xf32, #tpu.memory_space<vmem>>
    %dma_wait3A_210 = arith.constant 0 : i32
    %dma_wait3A_211 = tpu.memref_slice %arg8[%dma_wait3A_204, %dma_wait3A_210] : memref<80x128xi32, #tpu.memory_space<vmem>> -> memref<1x128xi32, #tpu.memory_space<vmem>>
    %dma_wait3A_212 = tpu.memref_squeeze %dma_wait3A_211 : memref<1x128xi32, #tpu.memory_space<vmem>> -> memref<128xi32, #tpu.memory_space<vmem>>
    %dma_wait3A_213 = arith.constant 0 : i32
    %dma_wait3A_214 = arith.constant 0 : i32
    %dma_wait3A_215 = tpu.memref_slice %arg10[%dma_wait3A_213, %dma_wait3A_214] : memref<10240x64xf32, #tpu.memory_space<vmem_shared>> -> memref<10240x64xf32, #tpu.memory_space<vmem_shared>>
    %dma_wait3A_216 = tpu.memref_slice %arg12[%dma_wait3A_205] : memref<4x!tpu.dma_semaphore, #tpu.memory_space<semaphore_mem>> -> memref<1x!tpu.dma_semaphore, #tpu.memory_space<semaphore_mem>>
    %dma_wait3A_217 = tpu.memref_squeeze %dma_wait3A_216 : memref<1x!tpu.dma_semaphore, #tpu.memory_space<semaphore_mem>> -> memref<!tpu.dma_semaphore, #tpu.memory_space<semaphore_mem>>
    tpu.wait_indirect_dma semaphore(%dma_wait3A_217 : memref<!tpu.dma_semaphore, #tpu.memory_space<semaphore_mem>>) src(%dma_wait3A_209 : memref<128x64xf32, #tpu.memory_space<vmem>>) dst(%dma_wait3A_215 : memref<10240x64xf32, #tpu.memory_space<vmem_shared>>)
    %dma_wait3A_218 = arith.constant 2 : i32
    %dma_wait3A_219 = arith.constant 0 : i32
    %dma_wait3A_220 = arith.constant 2 : i32
    %dma_wait3A_221 = arith.constant 0 : i32
    %dma_wait3A_222 = arith.constant 0 : i32
    %dma_wait3A_223 = tpu.memref_slice %arg9[%dma_wait3A_218, %dma_wait3A_221, %dma_wait3A_222] : memref<4x128x64xf32, #tpu.memory_space<vmem>> -> memref<1x128x64xf32, #tpu.memory_space<vmem>>
    %dma_wait3A_224 = tpu.memref_squeeze %dma_wait3A_223 : memref<1x128x64xf32, #tpu.memory_space<vmem>> -> memref<128x64xf32, #tpu.memory_space<vmem>>
    %dma_wait3A_225 = arith.constant 0 : i32
    %dma_wait3A_226 = tpu.memref_slice %arg8[%dma_wait3A_219, %dma_wait3A_225] : memref<80x128xi32, #tpu.memory_space<vmem>> -> memref<1x128xi32, #tpu.memory_space<vmem>>
    %dma_wait3A_227 = tpu.memref_squeeze %dma_wait3A_226 : memref<1x128xi32, #tpu.memory_space<vmem>> -> memref<128xi32, #tpu.memory_space<vmem>>
    %dma_wait3A_228 = arith.constant 0 : i32
    %dma_wait3A_229 = arith.constant 0 : i32
    %dma_wait3A_230 = tpu.memref_slice %arg10[%dma_wait3A_228, %dma_wait3A_229] : memref<10240x64xf32, #tpu.memory_space<vmem_shared>> -> memref<10240x64xf32, #tpu.memory_space<vmem_shared>>
    %dma_wait3A_231 = tpu.memref_slice %arg12[%dma_wait3A_220] : memref<4x!tpu.dma_semaphore, #tpu.memory_space<semaphore_mem>> -> memref<1x!tpu.dma_semaphore, #tpu.memory_space<semaphore_mem>>
    %dma_wait3A_232 = tpu.memref_squeeze %dma_wait3A_231 : memref<1x!tpu.dma_semaphore, #tpu.memory_space<semaphore_mem>> -> memref<!tpu.dma_semaphore, #tpu.memory_space<semaphore_mem>>
    tpu.wait_indirect_dma semaphore(%dma_wait3A_232 : memref<!tpu.dma_semaphore, #tpu.memory_space<semaphore_mem>>) src(%dma_wait3A_224 : memref<128x64xf32, #tpu.memory_space<vmem>>) dst(%dma_wait3A_230 : memref<10240x64xf32, #tpu.memory_space<vmem_shared>>)
    %dma_wait3A_233 = arith.constant 3 : i32
    %dma_wait3A_234 = arith.constant 0 : i32
    %dma_wait3A_235 = arith.constant 3 : i32
    %dma_wait3A_236 = arith.constant 0 : i32
    %dma_wait3A_237 = arith.constant 0 : i32
    %dma_wait3A_238 = tpu.memref_slice %arg9[%dma_wait3A_233, %dma_wait3A_236, %dma_wait3A_237] : memref<4x128x64xf32, #tpu.memory_space<vmem>> -> memref<1x128x64xf32, #tpu.memory_space<vmem>>
    %dma_wait3A_239 = tpu.memref_squeeze %dma_wait3A_238 : memref<1x128x64xf32, #tpu.memory_space<vmem>> -> memref<128x64xf32, #tpu.memory_space<vmem>>
    %dma_wait3A_240 = arith.constant 0 : i32
    %dma_wait3A_241 = tpu.memref_slice %arg8[%dma_wait3A_234, %dma_wait3A_240] : memref<80x128xi32, #tpu.memory_space<vmem>> -> memref<1x128xi32, #tpu.memory_space<vmem>>
    %dma_wait3A_242 = tpu.memref_squeeze %dma_wait3A_241 : memref<1x128xi32, #tpu.memory_space<vmem>> -> memref<128xi32, #tpu.memory_space<vmem>>
    %dma_wait3A_243 = arith.constant 0 : i32
    %dma_wait3A_244 = arith.constant 0 : i32
    %dma_wait3A_245 = tpu.memref_slice %arg10[%dma_wait3A_243, %dma_wait3A_244] : memref<10240x64xf32, #tpu.memory_space<vmem_shared>> -> memref<10240x64xf32, #tpu.memory_space<vmem_shared>>
    %dma_wait3A_246 = tpu.memref_slice %arg12[%dma_wait3A_235] : memref<4x!tpu.dma_semaphore, #tpu.memory_space<semaphore_mem>> -> memref<1x!tpu.dma_semaphore, #tpu.memory_space<semaphore_mem>>
    %dma_wait3A_247 = tpu.memref_squeeze %dma_wait3A_246 : memref<1x!tpu.dma_semaphore, #tpu.memory_space<semaphore_mem>> -> memref<!tpu.dma_semaphore, #tpu.memory_space<semaphore_mem>>
    tpu.wait_indirect_dma semaphore(%dma_wait3A_247 : memref<!tpu.dma_semaphore, #tpu.memory_space<semaphore_mem>>) src(%dma_wait3A_239 : memref<128x64xf32, #tpu.memory_space<vmem>>) dst(%dma_wait3A_245 : memref<10240x64xf32, #tpu.memory_space<vmem_shared>>)
    %barrier3A_248 = arith.constant 0 : index
    tpu.barrier barrier_id(%barrier3A_248)
    %mul3A_249 = arith.constant 640 : i32
    %mul3A_250 = arith.muli %arg1, %mul3A_249 : i32
    %mul3A_251 = arith.constant 640 : i32
    %mul3A_252 = arith.muli %arg1, %mul3A_251 : i32
    "tpu.region"() ({
      %run_scoped3A = tpu.sem_alloc : memref<!tpu.dma_semaphore, #tpu.memory_space<semaphore_mem>>
      %dma_start3A_253 = arith.constant 0 : i32
      %dma_start3A_254 = arith.constant 0 : i32
      %dma_start3A_255 = tpu.memref_slice %arg6[%arg0, %dma_start3A_253, %dma_start3A_254] : memref<2x10240x64xf32, #tpu.memory_space<hbm>> -> memref<1x10240x64xf32, #tpu.memory_space<hbm>>
      %dma_start3A_256 = tpu.memref_squeeze %dma_start3A_255 : memref<1x10240x64xf32, #tpu.memory_space<hbm>> -> memref<10240x64xf32, #tpu.memory_space<hbm>>
      %dma_start3A_257 = arith.constant 0 : i32
      %dma_start3A_258 = tpu.memref_slice %dma_start3A_256[%mul3A_252, %dma_start3A_257] : memref<10240x64xf32, #tpu.memory_space<hbm>> -> memref<640x64xf32, #tpu.memory_space<hbm>>
      %dma_start3A_259 = arith.constant 0 : i32
      %dma_start3A_260 = tpu.memref_slice %arg10[%mul3A_250, %dma_start3A_259] : memref<10240x64xf32, #tpu.memory_space<vmem_shared>> -> memref<640x64xf32, #tpu.memory_space<vmem_shared>>
      tpu.enqueue_dma source(%dma_start3A_260 : memref<640x64xf32, #tpu.memory_space<vmem_shared>>) target(%dma_start3A_258 : memref<640x64xf32, #tpu.memory_space<hbm>>) target_semaphore(%run_scoped3A : memref<!tpu.dma_semaphore, #tpu.memory_space<semaphore_mem>>)
      %dma_wait3A_261 = arith.constant 0 : i32
      %dma_wait3A_262 = arith.constant 0 : i32
      %dma_wait3A_263 = tpu.memref_slice %arg6[%arg0, %dma_wait3A_261, %dma_wait3A_262] : memref<2x10240x64xf32, #tpu.memory_space<hbm>> -> memref<1x10240x64xf32, #tpu.memory_space<hbm>>
      %dma_wait3A_264 = tpu.memref_squeeze %dma_wait3A_263 : memref<1x10240x64xf32, #tpu.memory_space<hbm>> -> memref<10240x64xf32, #tpu.memory_space<hbm>>
      %dma_wait3A_265 = arith.constant 0 : i32
      %dma_wait3A_266 = tpu.memref_slice %dma_wait3A_264[%mul3A_252, %dma_wait3A_265] : memref<10240x64xf32, #tpu.memory_space<hbm>> -> memref<640x64xf32, #tpu.memory_space<hbm>>
      %dma_wait3A_267 = arith.constant 0 : i32
      %dma_wait3A_268 = tpu.memref_slice %arg10[%mul3A_250, %dma_wait3A_267] : memref<10240x64xf32, #tpu.memory_space<vmem_shared>> -> memref<640x64xf32, #tpu.memory_space<vmem_shared>>
      tpu.wait_dma2 semaphore(%run_scoped3A : memref<!tpu.dma_semaphore, #tpu.memory_space<semaphore_mem>>) src(%dma_wait3A_268 : memref<640x64xf32, #tpu.memory_space<vmem_shared>>) dst(%dma_wait3A_266 : memref<640x64xf32, #tpu.memory_space<hbm>>)
      tpu.yield
    }) : () -> ()
    return
  }
}

#map = affine_map<(d0, d1) -> (0, 0, 0)>
#map1 = affine_map<(d0, d1) -> (0)>
#map2 = affine_map<(d0, d1) -> (0, 0)>
module attributes {stable_mosaic.version = 14 : i64} {
  func.func @_sc_degree(%arg0: i32, %arg1: i32, %arg2: memref<32x80x128xi32, #tpu.memory_space<hbm>>, %arg3: memref<10240xf32, #tpu.memory_space<hbm>>, %arg4: memref<2x10240xf32, #tpu.memory_space<hbm>>, %arg5: memref<80x128xi32, #tpu.memory_space<vmem>>, %arg6: memref<128xf32, #tpu.memory_space<vmem>>, %arg7: memref<10240xf32, #tpu.memory_space<vmem_shared>>, %arg8: memref<!tpu.dma_semaphore, #tpu.memory_space<semaphore_mem>>) attributes {dimension_semantics = [#tpu.dimension_semantics<core_parallel>, #tpu.dimension_semantics<subcore_parallel>], iteration_bounds = array<i64: 2, 16>, scalar_prefetch = 0 : i64, scratch_operands = 4 : i64, tpu.core_type = #tpu.core_type<sc_vector_subcore>, window_params = [{transform_indices = #map}, {transform_indices = #map1}, {transform_indices = #map2}]} {
    %mul3A = arith.constant 16 : i32
    %mul3A_0 = arith.muli %arg0, %mul3A : i32
    %add3A = arith.addi %mul3A_0, %arg1 : i32
    %broadcast_in_dim3A = arith.constant 1.000000e+00 : f32
    %broadcast_in_dim3A_1 = vector.broadcast %broadcast_in_dim3A : f32 to vector<16xf32>
    %swap3A = arith.constant 0 : index
    %swap3A_2 = tpu.vector_load %arg6[%swap3A] {strides = array<i32>} : memref<128xf32, #tpu.memory_space<vmem>>, vector<16xf32>,
    %swap3A_3 = vector.shape_cast %swap3A_2 : vector<16xf32> to vector<16xf32>
    %swap3A_4 = vector.shape_cast %broadcast_in_dim3A_1 : vector<16xf32> to vector<16xf32>
    tpu.vector_store %arg6[%swap3A], %swap3A_4 {strides = array<i32>} : memref<128xf32, #tpu.memory_space<vmem>>, vector<16xf32>,
    %broadcast_in_dim3A_5 = arith.constant 1.000000e+00 : f32
    %broadcast_in_dim3A_6 = vector.broadcast %broadcast_in_dim3A_5 : f32 to vector<16xf32>
    %swap3A_7 = arith.constant 16 : index
    %swap3A_8 = tpu.vector_load %arg6[%swap3A_7] {strides = array<i32>} : memref<128xf32, #tpu.memory_space<vmem>>, vector<16xf32>,
    %swap3A_9 = vector.shape_cast %swap3A_8 : vector<16xf32> to vector<16xf32>
    %swap3A_10 = vector.shape_cast %broadcast_in_dim3A_6 : vector<16xf32> to vector<16xf32>
    tpu.vector_store %arg6[%swap3A_7], %swap3A_10 {strides = array<i32>} : memref<128xf32, #tpu.memory_space<vmem>>, vector<16xf32>,
    %broadcast_in_dim3A_11 = arith.constant 1.000000e+00 : f32
    %broadcast_in_dim3A_12 = vector.broadcast %broadcast_in_dim3A_11 : f32 to vector<16xf32>
    %swap3A_13 = arith.constant 32 : index
    %swap3A_14 = tpu.vector_load %arg6[%swap3A_13] {strides = array<i32>} : memref<128xf32, #tpu.memory_space<vmem>>, vector<16xf32>,
    %swap3A_15 = vector.shape_cast %swap3A_14 : vector<16xf32> to vector<16xf32>
    %swap3A_16 = vector.shape_cast %broadcast_in_dim3A_12 : vector<16xf32> to vector<16xf32>
    tpu.vector_store %arg6[%swap3A_13], %swap3A_16 {strides = array<i32>} : memref<128xf32, #tpu.memory_space<vmem>>, vector<16xf32>,
    %broadcast_in_dim3A_17 = arith.constant 1.000000e+00 : f32
    %broadcast_in_dim3A_18 = vector.broadcast %broadcast_in_dim3A_17 : f32 to vector<16xf32>
    %swap3A_19 = arith.constant 48 : index
    %swap3A_20 = tpu.vector_load %arg6[%swap3A_19] {strides = array<i32>} : memref<128xf32, #tpu.memory_space<vmem>>, vector<16xf32>,
    %swap3A_21 = vector.shape_cast %swap3A_20 : vector<16xf32> to vector<16xf32>
    %swap3A_22 = vector.shape_cast %broadcast_in_dim3A_18 : vector<16xf32> to vector<16xf32>
    tpu.vector_store %arg6[%swap3A_19], %swap3A_22 {strides = array<i32>} : memref<128xf32, #tpu.memory_space<vmem>>, vector<16xf32>,
    %broadcast_in_dim3A_23 = arith.constant 1.000000e+00 : f32
    %broadcast_in_dim3A_24 = vector.broadcast %broadcast_in_dim3A_23 : f32 to vector<16xf32>
    %swap3A_25 = arith.constant 64 : index
    %swap3A_26 = tpu.vector_load %arg6[%swap3A_25] {strides = array<i32>} : memref<128xf32, #tpu.memory_space<vmem>>, vector<16xf32>,
    %swap3A_27 = vector.shape_cast %swap3A_26 : vector<16xf32> to vector<16xf32>
    %swap3A_28 = vector.shape_cast %broadcast_in_dim3A_24 : vector<16xf32> to vector<16xf32>
    tpu.vector_store %arg6[%swap3A_25], %swap3A_28 {strides = array<i32>} : memref<128xf32, #tpu.memory_space<vmem>>, vector<16xf32>,
    %broadcast_in_dim3A_29 = arith.constant 1.000000e+00 : f32
    %broadcast_in_dim3A_30 = vector.broadcast %broadcast_in_dim3A_29 : f32 to vector<16xf32>
    %swap3A_31 = arith.constant 80 : index
    %swap3A_32 = tpu.vector_load %arg6[%swap3A_31] {strides = array<i32>} : memref<128xf32, #tpu.memory_space<vmem>>, vector<16xf32>,
    %swap3A_33 = vector.shape_cast %swap3A_32 : vector<16xf32> to vector<16xf32>
    %swap3A_34 = vector.shape_cast %broadcast_in_dim3A_30 : vector<16xf32> to vector<16xf32>
    tpu.vector_store %arg6[%swap3A_31], %swap3A_34 {strides = array<i32>} : memref<128xf32, #tpu.memory_space<vmem>>, vector<16xf32>,
    %broadcast_in_dim3A_35 = arith.constant 1.000000e+00 : f32
    %broadcast_in_dim3A_36 = vector.broadcast %broadcast_in_dim3A_35 : f32 to vector<16xf32>
    %swap3A_37 = arith.constant 96 : index
    %swap3A_38 = tpu.vector_load %arg6[%swap3A_37] {strides = array<i32>} : memref<128xf32, #tpu.memory_space<vmem>>, vector<16xf32>,
    %swap3A_39 = vector.shape_cast %swap3A_38 : vector<16xf32> to vector<16xf32>
    %swap3A_40 = vector.shape_cast %broadcast_in_dim3A_36 : vector<16xf32> to vector<16xf32>
    tpu.vector_store %arg6[%swap3A_37], %swap3A_40 {strides = array<i32>} : memref<128xf32, #tpu.memory_space<vmem>>, vector<16xf32>,
    %broadcast_in_dim3A_41 = arith.constant 1.000000e+00 : f32
    %broadcast_in_dim3A_42 = vector.broadcast %broadcast_in_dim3A_41 : f32 to vector<16xf32>
    %swap3A_43 = arith.constant 112 : index
    %swap3A_44 = tpu.vector_load %arg6[%swap3A_43] {strides = array<i32>} : memref<128xf32, #tpu.memory_space<vmem>>, vector<16xf32>,
    %swap3A_45 = vector.shape_cast %swap3A_44 : vector<16xf32> to vector<16xf32>
    %swap3A_46 = vector.shape_cast %broadcast_in_dim3A_42 : vector<16xf32> to vector<16xf32>
    tpu.vector_store %arg6[%swap3A_43], %swap3A_46 {strides = array<i32>} : memref<128xf32, #tpu.memory_space<vmem>>, vector<16xf32>,
    "tpu.region"() ({
      %run_scoped3A = tpu.sem_alloc : memref<!tpu.dma_semaphore, #tpu.memory_space<semaphore_mem>>
      %dma_start3A = arith.constant 0 : i32
      %dma_start3A_67 = arith.constant 0 : i32
      %dma_start3A_68 = tpu.memref_slice %arg2[%add3A, %dma_start3A, %dma_start3A_67] : memref<32x80x128xi32, #tpu.memory_space<hbm>> -> memref<1x80x128xi32, #tpu.memory_space<hbm>>
      %dma_start3A_69 = tpu.memref_squeeze %dma_start3A_68 : memref<1x80x128xi32, #tpu.memory_space<hbm>> -> memref<80x128xi32, #tpu.memory_space<hbm>>
      %dma_start3A_70 = arith.constant 0 : i32
      %dma_start3A_71 = arith.constant 0 : i32
      %dma_start3A_72 = tpu.memref_slice %arg2[%add3A, %dma_start3A_70, %dma_start3A_71] : memref<32x80x128xi32, #tpu.memory_space<hbm>> -> memref<1x80x128xi32, #tpu.memory_space<hbm>>
      %dma_start3A_73 = tpu.memref_squeeze %dma_start3A_72 : memref<1x80x128xi32, #tpu.memory_space<hbm>> -> memref<80x128xi32, #tpu.memory_space<hbm>>
      tpu.enqueue_dma source(%dma_start3A_73 : memref<80x128xi32, #tpu.memory_space<hbm>>) target(%arg5 : memref<80x128xi32, #tpu.memory_space<vmem>>) target_semaphore(%run_scoped3A : memref<!tpu.dma_semaphore, #tpu.memory_space<semaphore_mem>>)
      %dma_wait3A = arith.constant 0 : i32
      %dma_wait3A_74 = arith.constant 0 : i32
      %dma_wait3A_75 = tpu.memref_slice %arg2[%add3A, %dma_wait3A, %dma_wait3A_74] : memref<32x80x128xi32, #tpu.memory_space<hbm>> -> memref<1x80x128xi32, #tpu.memory_space<hbm>>
      %dma_wait3A_76 = tpu.memref_squeeze %dma_wait3A_75 : memref<1x80x128xi32, #tpu.memory_space<hbm>> -> memref<80x128xi32, #tpu.memory_space<hbm>>
      %dma_wait3A_77 = arith.constant 0 : i32
      %dma_wait3A_78 = arith.constant 0 : i32
      %dma_wait3A_79 = tpu.memref_slice %arg2[%add3A, %dma_wait3A_77, %dma_wait3A_78] : memref<32x80x128xi32, #tpu.memory_space<hbm>> -> memref<1x80x128xi32, #tpu.memory_space<hbm>>
      %dma_wait3A_80 = tpu.memref_squeeze %dma_wait3A_79 : memref<1x80x128xi32, #tpu.memory_space<hbm>> -> memref<80x128xi32, #tpu.memory_space<hbm>>
      tpu.wait_dma2 semaphore(%run_scoped3A : memref<!tpu.dma_semaphore, #tpu.memory_space<semaphore_mem>>) src(%dma_wait3A_80 : memref<80x128xi32, #tpu.memory_space<hbm>>) dst(%arg5 : memref<80x128xi32, #tpu.memory_space<vmem>>)
      tpu.yield
    }) : () -> ()
    %mul3A_47 = arith.constant 640 : i32
    %mul3A_48 = arith.muli %arg1, %mul3A_47 : i32
    %mul3A_49 = arith.constant 640 : i32
    %mul3A_50 = arith.muli %arg1, %mul3A_49 : i32
    "tpu.region"() ({
      %run_scoped3A = tpu.sem_alloc : memref<!tpu.dma_semaphore, #tpu.memory_space<semaphore_mem>>
      %dma_start3A = tpu.memref_slice %arg7[%mul3A_50] : memref<10240xf32, #tpu.memory_space<vmem_shared>> -> memref<640xf32, #tpu.memory_space<vmem_shared>>
      %dma_start3A_67 = tpu.memref_slice %arg3[%mul3A_48] : memref<10240xf32, #tpu.memory_space<hbm>> -> memref<640xf32, #tpu.memory_space<hbm>>
      tpu.enqueue_dma source(%dma_start3A_67 : memref<640xf32, #tpu.memory_space<hbm>>) target(%dma_start3A : memref<640xf32, #tpu.memory_space<vmem_shared>>) target_semaphore(%run_scoped3A : memref<!tpu.dma_semaphore, #tpu.memory_space<semaphore_mem>>)
      %dma_wait3A = tpu.memref_slice %arg7[%mul3A_50] : memref<10240xf32, #tpu.memory_space<vmem_shared>> -> memref<640xf32, #tpu.memory_space<vmem_shared>>
      %dma_wait3A_68 = tpu.memref_slice %arg3[%mul3A_48] : memref<10240xf32, #tpu.memory_space<hbm>> -> memref<640xf32, #tpu.memory_space<hbm>>
      tpu.wait_dma2 semaphore(%run_scoped3A : memref<!tpu.dma_semaphore, #tpu.memory_space<semaphore_mem>>) src(%dma_wait3A_68 : memref<640xf32, #tpu.memory_space<hbm>>) dst(%dma_wait3A : memref<640xf32, #tpu.memory_space<vmem_shared>>)
      tpu.yield
    }) : () -> ()
    %barrier3A = arith.constant 0 : index
    tpu.barrier barrier_id(%barrier3A)
    %scan3A = arith.constant 0 : i32
    %scan3A_51 = arith.constant 0 : i32
    %scan3A_52 = arith.constant 80 : i32
    %scan3A_53 = arith.addi %scan3A_51, %scan3A_52 : i32
    %scan3A_54 = arith.constant 1 : i32
    scf.for %scan3A_67 = %scan3A_51 to %scan3A_53 step %scan3A_54  : i32 {
      %dma_start3A = arith.constant 0 : i32
      %dma_start3A_68 = tpu.memref_slice %arg5[%scan3A_67, %dma_start3A] : memref<80x128xi32, #tpu.memory_space<vmem>> -> memref<1x128xi32, #tpu.memory_space<vmem>>
      %dma_start3A_69 = tpu.memref_squeeze %dma_start3A_68 : memref<1x128xi32, #tpu.memory_space<vmem>> -> memref<128xi32, #tpu.memory_space<vmem>>
      %dma_start3A_70 = arith.constant 0 : i32
      %dma_start3A_71 = tpu.memref_slice %arg7[%dma_start3A_70] : memref<10240xf32, #tpu.memory_space<vmem_shared>> -> memref<10240xf32, #tpu.memory_space<vmem_shared>>
      tpu.enqueue_indirect_dma source(%arg6 : memref<128xf32, #tpu.memory_space<vmem>>) target(%dma_start3A_71 : memref<10240xf32, #tpu.memory_space<vmem_shared>>) offsets(%dma_start3A_69 : memref<128xi32, #tpu.memory_space<vmem>>) semaphore(%arg8 : memref<!tpu.dma_semaphore, #tpu.memory_space<semaphore_mem>>) {add = true}
    }
    %scan3A_55 = arith.constant 80 : i32
    %scan3A_56 = arith.constant 0 : i32
    %scan3A_57 = arith.constant 0 : i32
    %scan3A_58 = arith.constant 80 : i32
    %scan3A_59 = arith.addi %scan3A_57, %scan3A_58 : i32
    %scan3A_60 = arith.constant 1 : i32
    scf.for %scan3A_67 = %scan3A_57 to %scan3A_59 step %scan3A_60  : i32 {
      %dma_wait3A = arith.constant 0 : i32
      %dma_wait3A_68 = arith.constant 0 : i32
      %dma_wait3A_69 = tpu.memref_slice %arg5[%dma_wait3A, %dma_wait3A_68] : memref<80x128xi32, #tpu.memory_space<vmem>> -> memref<1x128xi32, #tpu.memory_space<vmem>>
      %dma_wait3A_70 = tpu.memref_squeeze %dma_wait3A_69 : memref<1x128xi32, #tpu.memory_space<vmem>> -> memref<128xi32, #tpu.memory_space<vmem>>
      %dma_wait3A_71 = arith.constant 0 : i32
      %dma_wait3A_72 = tpu.memref_slice %arg7[%dma_wait3A_71] : memref<10240xf32, #tpu.memory_space<vmem_shared>> -> memref<10240xf32, #tpu.memory_space<vmem_shared>>
      tpu.wait_indirect_dma semaphore(%arg8 : memref<!tpu.dma_semaphore, #tpu.memory_space<semaphore_mem>>) src(%arg6 : memref<128xf32, #tpu.memory_space<vmem>>) dst(%dma_wait3A_72 : memref<10240xf32, #tpu.memory_space<vmem_shared>>)
    }
    %scan3A_61 = arith.constant 80 : i32
    %barrier3A_62 = arith.constant 0 : index
    tpu.barrier barrier_id(%barrier3A_62)
    %mul3A_63 = arith.constant 640 : i32
    %mul3A_64 = arith.muli %arg1, %mul3A_63 : i32
    %mul3A_65 = arith.constant 640 : i32
    %mul3A_66 = arith.muli %arg1, %mul3A_65 : i32
    "tpu.region"() ({
      %run_scoped3A = tpu.sem_alloc : memref<!tpu.dma_semaphore, #tpu.memory_space<semaphore_mem>>
      %dma_start3A = tpu.memref_slice %arg4[%arg0, %mul3A_66] : memref<2x10240xf32, #tpu.memory_space<hbm>> -> memref<1x640xf32, #tpu.memory_space<hbm>>
      %dma_start3A_67 = tpu.memref_squeeze %dma_start3A : memref<1x640xf32, #tpu.memory_space<hbm>> -> memref<640xf32, #tpu.memory_space<hbm>>
      %dma_start3A_68 = tpu.memref_slice %arg7[%mul3A_64] : memref<10240xf32, #tpu.memory_space<vmem_shared>> -> memref<640xf32, #tpu.memory_space<vmem_shared>>
      tpu.enqueue_dma source(%dma_start3A_68 : memref<640xf32, #tpu.memory_space<vmem_shared>>) target(%dma_start3A_67 : memref<640xf32, #tpu.memory_space<hbm>>) target_semaphore(%run_scoped3A : memref<!tpu.dma_semaphore, #tpu.memory_space<semaphore_mem>>)
      %dma_wait3A = tpu.memref_slice %arg4[%arg0, %mul3A_66] : memref<2x10240xf32, #tpu.memory_space<hbm>> -> memref<1x640xf32, #tpu.memory_space<hbm>>
      %dma_wait3A_69 = tpu.memref_squeeze %dma_wait3A : memref<1x640xf32, #tpu.memory_space<hbm>> -> memref<640xf32, #tpu.memory_space<hbm>>
      %dma_wait3A_70 = tpu.memref_slice %arg7[%mul3A_64] : memref<10240xf32, #tpu.memory_space<vmem_shared>> -> memref<640xf32, #tpu.memory_space<vmem_shared>>
      tpu.wait_dma2 semaphore(%run_scoped3A : memref<!tpu.dma_semaphore, #tpu.memory_space<semaphore_mem>>) src(%dma_wait3A_70 : memref<640xf32, #tpu.memory_space<vmem_shared>>) dst(%dma_wait3A_69 : memref<640xf32, #tpu.memory_space<hbm>>)
      tpu.yield
    }) : () -> ()
    return
  }
}

#map = affine_map<(d0, d1) -> (0, 0)>
#map1 = affine_map<(d0, d1) -> (0, 0, 0)>
module attributes {stable_mosaic.version = 14 : i64} {
  func.func @_sc_aggregate(%arg0: i32, %arg1: i32, %arg2: memref<10000x64xf32, #tpu.memory_space<hbm>>, %arg3: memref<32x80x128xi32, #tpu.memory_space<hbm>>, %arg4: memref<32x80x128xi32, #tpu.memory_space<hbm>>, %arg5: memref<10240x64xf32, #tpu.memory_space<hbm>>, %arg6: memref<2x10240x64xf32, #tpu.memory_space<hbm>>, %arg7: memref<80x128xi32, #tpu.memory_space<vmem>>, %arg8: memref<80x128xi32, #tpu.memory_space<vmem>>, %arg9: memref<4x128x64xf32, #tpu.memory_space<vmem>>, %arg10: memref<10240x64xf32, #tpu.memory_space<vmem_shared>>, %arg11: memref<4x!tpu.dma_semaphore, #tpu.memory_space<semaphore_mem>>, %arg12: memref<4x!tpu.dma_semaphore, #tpu.memory_space<semaphore_mem>>) attributes {dimension_semantics = [#tpu.dimension_semantics<core_parallel>, #tpu.dimension_semantics<subcore_parallel>], iteration_bounds = array<i64: 2, 16>, scalar_prefetch = 0 : i64, scratch_operands = 6 : i64, tpu.core_type = #tpu.core_type<sc_vector_subcore>, window_params = [{transform_indices = #map}, {transform_indices = #map1}, {transform_indices = #map1}, {transform_indices = #map}, {transform_indices = #map1}]} {
    %mul3A = arith.constant 16 : i32
    %mul3A_0 = arith.muli %arg0, %mul3A : i32
    %add3A = arith.addi %mul3A_0, %arg1 : i32
    "tpu.region"() ({
      %run_scoped3A = tpu.sem_alloc : memref<!tpu.dma_semaphore, #tpu.memory_space<semaphore_mem>>
      %dma_start3A_253 = arith.constant 0 : i32
      %dma_start3A_254 = arith.constant 0 : i32
      %dma_start3A_255 = tpu.memref_slice %arg3[%add3A, %dma_start3A_253, %dma_start3A_254] : memref<32x80x128xi32, #tpu.memory_space<hbm>> -> memref<1x80x128xi32, #tpu.memory_space<hbm>>
      %dma_start3A_256 = tpu.memref_squeeze %dma_start3A_255 : memref<1x80x128xi32, #tpu.memory_space<hbm>> -> memref<80x128xi32, #tpu.memory_space<hbm>>
      %dma_start3A_257 = arith.constant 0 : i32
      %dma_start3A_258 = arith.constant 0 : i32
      %dma_start3A_259 = tpu.memref_slice %arg3[%add3A, %dma_start3A_257, %dma_start3A_258] : memref<32x80x128xi32, #tpu.memory_space<hbm>> -> memref<1x80x128xi32, #tpu.memory_space<hbm>>
      %dma_start3A_260 = tpu.memref_squeeze %dma_start3A_259 : memref<1x80x128xi32, #tpu.memory_space<hbm>> -> memref<80x128xi32, #tpu.memory_space<hbm>>
      tpu.enqueue_dma source(%dma_start3A_260 : memref<80x128xi32, #tpu.memory_space<hbm>>) target(%arg7 : memref<80x128xi32, #tpu.memory_space<vmem>>) target_semaphore(%run_scoped3A : memref<!tpu.dma_semaphore, #tpu.memory_space<semaphore_mem>>)
      %dma_wait3A_261 = arith.constant 0 : i32
      %dma_wait3A_262 = arith.constant 0 : i32
      %dma_wait3A_263 = tpu.memref_slice %arg3[%add3A, %dma_wait3A_261, %dma_wait3A_262] : memref<32x80x128xi32, #tpu.memory_space<hbm>> -> memref<1x80x128xi32, #tpu.memory_space<hbm>>
      %dma_wait3A_264 = tpu.memref_squeeze %dma_wait3A_263 : memref<1x80x128xi32, #tpu.memory_space<hbm>> -> memref<80x128xi32, #tpu.memory_space<hbm>>
      %dma_wait3A_265 = arith.constant 0 : i32
      %dma_wait3A_266 = arith.constant 0 : i32
      %dma_wait3A_267 = tpu.memref_slice %arg3[%add3A, %dma_wait3A_265, %dma_wait3A_266] : memref<32x80x128xi32, #tpu.memory_space<hbm>> -> memref<1x80x128xi32, #tpu.memory_space<hbm>>
      %dma_wait3A_268 = tpu.memref_squeeze %dma_wait3A_267 : memref<1x80x128xi32, #tpu.memory_space<hbm>> -> memref<80x128xi32, #tpu.memory_space<hbm>>
      tpu.wait_dma2 semaphore(%run_scoped3A : memref<!tpu.dma_semaphore, #tpu.memory_space<semaphore_mem>>) src(%dma_wait3A_268 : memref<80x128xi32, #tpu.memory_space<hbm>>) dst(%arg7 : memref<80x128xi32, #tpu.memory_space<vmem>>)
      tpu.yield
    }) : () -> ()
    "tpu.region"() ({
      %run_scoped3A = tpu.sem_alloc : memref<!tpu.dma_semaphore, #tpu.memory_space<semaphore_mem>>
      %dma_start3A_253 = arith.constant 0 : i32
      %dma_start3A_254 = arith.constant 0 : i32
      %dma_start3A_255 = tpu.memref_slice %arg4[%add3A, %dma_start3A_253, %dma_start3A_254] : memref<32x80x128xi32, #tpu.memory_space<hbm>> -> memref<1x80x128xi32, #tpu.memory_space<hbm>>
      %dma_start3A_256 = tpu.memref_squeeze %dma_start3A_255 : memref<1x80x128xi32, #tpu.memory_space<hbm>> -> memref<80x128xi32, #tpu.memory_space<hbm>>
      %dma_start3A_257 = arith.constant 0 : i32
      %dma_start3A_258 = arith.constant 0 : i32
      %dma_start3A_259 = tpu.memref_slice %arg4[%add3A, %dma_start3A_257, %dma_start3A_258] : memref<32x80x128xi32, #tpu.memory_space<hbm>> -> memref<1x80x128xi32, #tpu.memory_space<hbm>>
      %dma_start3A_260 = tpu.memref_squeeze %dma_start3A_259 : memref<1x80x128xi32, #tpu.memory_space<hbm>> -> memref<80x128xi32, #tpu.memory_space<hbm>>
      tpu.enqueue_dma source(%dma_start3A_260 : memref<80x128xi32, #tpu.memory_space<hbm>>) target(%arg8 : memref<80x128xi32, #tpu.memory_space<vmem>>) target_semaphore(%run_scoped3A : memref<!tpu.dma_semaphore, #tpu.memory_space<semaphore_mem>>)
      %dma_wait3A_261 = arith.constant 0 : i32
      %dma_wait3A_262 = arith.constant 0 : i32
      %dma_wait3A_263 = tpu.memref_slice %arg4[%add3A, %dma_wait3A_261, %dma_wait3A_262] : memref<32x80x128xi32, #tpu.memory_space<hbm>> -> memref<1x80x128xi32, #tpu.memory_space<hbm>>
      %dma_wait3A_264 = tpu.memref_squeeze %dma_wait3A_263 : memref<1x80x128xi32, #tpu.memory_space<hbm>> -> memref<80x128xi32, #tpu.memory_space<hbm>>
      %dma_wait3A_265 = arith.constant 0 : i32
      %dma_wait3A_266 = arith.constant 0 : i32
      %dma_wait3A_267 = tpu.memref_slice %arg4[%add3A, %dma_wait3A_265, %dma_wait3A_266] : memref<32x80x128xi32, #tpu.memory_space<hbm>> -> memref<1x80x128xi32, #tpu.memory_space<hbm>>
      %dma_wait3A_268 = tpu.memref_squeeze %dma_wait3A_267 : memref<1x80x128xi32, #tpu.memory_space<hbm>> -> memref<80x128xi32, #tpu.memory_space<hbm>>
      tpu.wait_dma2 semaphore(%run_scoped3A : memref<!tpu.dma_semaphore, #tpu.memory_space<semaphore_mem>>) src(%dma_wait3A_268 : memref<80x128xi32, #tpu.memory_space<hbm>>) dst(%arg8 : memref<80x128xi32, #tpu.memory_space<vmem>>)
      tpu.yield
    }) : () -> ()
    %mul3A_1 = arith.constant 640 : i32
    %mul3A_2 = arith.muli %arg1, %mul3A_1 : i32
    %mul3A_3 = arith.constant 640 : i32
    %mul3A_4 = arith.muli %arg1, %mul3A_3 : i32
    "tpu.region"() ({
      %run_scoped3A = tpu.sem_alloc : memref<!tpu.dma_semaphore, #tpu.memory_space<semaphore_mem>>
      %dma_start3A_253 = arith.constant 0 : i32
      %dma_start3A_254 = tpu.memref_slice %arg10[%mul3A_4, %dma_start3A_253] : memref<10240x64xf32, #tpu.memory_space<vmem_shared>> -> memref<640x64xf32, #tpu.memory_space<vmem_shared>>
      %dma_start3A_255 = arith.constant 0 : i32
      %dma_start3A_256 = tpu.memref_slice %arg5[%mul3A_2, %dma_start3A_255] : memref<10240x64xf32, #tpu.memory_space<hbm>> -> memref<640x64xf32, #tpu.memory_space<hbm>>
      tpu.enqueue_dma source(%dma_start3A_256 : memref<640x64xf32, #tpu.memory_space<hbm>>) target(%dma_start3A_254 : memref<640x64xf32, #tpu.memory_space<vmem_shared>>) target_semaphore(%run_scoped3A : memref<!tpu.dma_semaphore, #tpu.memory_space<semaphore_mem>>)
      %dma_wait3A_257 = arith.constant 0 : i32
      %dma_wait3A_258 = tpu.memref_slice %arg10[%mul3A_4, %dma_wait3A_257] : memref<10240x64xf32, #tpu.memory_space<vmem_shared>> -> memref<640x64xf32, #tpu.memory_space<vmem_shared>>
      %dma_wait3A_259 = arith.constant 0 : i32
      %dma_wait3A_260 = tpu.memref_slice %arg5[%mul3A_2, %dma_wait3A_259] : memref<10240x64xf32, #tpu.memory_space<hbm>> -> memref<640x64xf32, #tpu.memory_space<hbm>>
      tpu.wait_dma2 semaphore(%run_scoped3A : memref<!tpu.dma_semaphore, #tpu.memory_space<semaphore_mem>>) src(%dma_wait3A_260 : memref<640x64xf32, #tpu.memory_space<hbm>>) dst(%dma_wait3A_258 : memref<640x64xf32, #tpu.memory_space<vmem_shared>>)
      tpu.yield
    }) : () -> ()
    %barrier3A = arith.constant 0 : index
    tpu.barrier barrier_id(%barrier3A)
    %dma_start3A = arith.constant 0 : i32
    %dma_start3A_5 = arith.constant 0 : i32
    %dma_start3A_6 = arith.constant 0 : i32
    %dma_start3A_7 = arith.constant 0 : i32
    %dma_start3A_8 = arith.constant 0 : i32
    %dma_start3A_9 = tpu.memref_slice %arg9[%dma_start3A_5, %dma_start3A_7, %dma_start3A_8] : memref<4x128x64xf32, #tpu.memory_space<vmem>> -> memref<1x128x64xf32, #tpu.memory_space<vmem>>
    %dma_start3A_10 = tpu.memref_squeeze %dma_start3A_9 : memref<1x128x64xf32, #tpu.memory_space<vmem>> -> memref<128x64xf32, #tpu.memory_space<vmem>>
    %dma_start3A_11 = arith.constant 0 : i32
    %dma_start3A_12 = tpu.memref_slice %arg7[%dma_start3A, %dma_start3A_11] : memref<80x128xi32, #tpu.memory_space<vmem>> -> memref<1x128xi32, #tpu.memory_space<vmem>>
    %dma_start3A_13 = tpu.memref_squeeze %dma_start3A_12 : memref<1x128xi32, #tpu.memory_space<vmem>> -> memref<128xi32, #tpu.memory_space<vmem>>
    %dma_start3A_14 = arith.constant 0 : i32
    %dma_start3A_15 = arith.constant 0 : i32
    %dma_start3A_16 = tpu.memref_slice %arg2[%dma_start3A_14, %dma_start3A_15] : memref<10000x64xf32, #tpu.memory_space<hbm>> -> memref<10000x64xf32, #tpu.memory_space<hbm>>
    %dma_start3A_17 = tpu.memref_slice %arg11[%dma_start3A_6] : memref<4x!tpu.dma_semaphore, #tpu.memory_space<semaphore_mem>> -> memref<1x!tpu.dma_semaphore, #tpu.memory_space<semaphore_mem>>
    %dma_start3A_18 = tpu.memref_squeeze %dma_start3A_17 : memref<1x!tpu.dma_semaphore, #tpu.memory_space<semaphore_mem>> -> memref<!tpu.dma_semaphore, #tpu.memory_space<semaphore_mem>>
    tpu.enqueue_indirect_dma source(%dma_start3A_16 : memref<10000x64xf32, #tpu.memory_space<hbm>>) target(%dma_start3A_10 : memref<128x64xf32, #tpu.memory_space<vmem>>) offsets(%dma_start3A_13 : memref<128xi32, #tpu.memory_space<vmem>>) semaphore(%dma_start3A_18 : memref<!tpu.dma_semaphore, #tpu.memory_space<semaphore_mem>>)
    %dma_start3A_19 = arith.constant 1 : i32
    %dma_start3A_20 = arith.constant 1 : i32
    %dma_start3A_21 = arith.constant 1 : i32
    %dma_start3A_22 = arith.constant 0 : i32
    %dma_start3A_23 = arith.constant 0 : i32
    %dma_start3A_24 = tpu.memref_slice %arg9[%dma_start3A_20, %dma_start3A_22, %dma_start3A_23] : memref<4x128x64xf32, #tpu.memory_space<vmem>> -> memref<1x128x64xf32, #tpu.memory_space<vmem>>
    %dma_start3A_25 = tpu.memref_squeeze %dma_start3A_24 : memref<1x128x64xf32, #tpu.memory_space<vmem>> -> memref<128x64xf32, #tpu.memory_space<vmem>>
    %dma_start3A_26 = arith.constant 0 : i32
    %dma_start3A_27 = tpu.memref_slice %arg7[%dma_start3A_19, %dma_start3A_26] : memref<80x128xi32, #tpu.memory_space<vmem>> -> memref<1x128xi32, #tpu.memory_space<vmem>>
    %dma_start3A_28 = tpu.memref_squeeze %dma_start3A_27 : memref<1x128xi32, #tpu.memory_space<vmem>> -> memref<128xi32, #tpu.memory_space<vmem>>
    %dma_start3A_29 = arith.constant 0 : i32
    %dma_start3A_30 = arith.constant 0 : i32
    %dma_start3A_31 = tpu.memref_slice %arg2[%dma_start3A_29, %dma_start3A_30] : memref<10000x64xf32, #tpu.memory_space<hbm>> -> memref<10000x64xf32, #tpu.memory_space<hbm>>
    %dma_start3A_32 = tpu.memref_slice %arg11[%dma_start3A_21] : memref<4x!tpu.dma_semaphore, #tpu.memory_space<semaphore_mem>> -> memref<1x!tpu.dma_semaphore, #tpu.memory_space<semaphore_mem>>
    %dma_start3A_33 = tpu.memref_squeeze %dma_start3A_32 : memref<1x!tpu.dma_semaphore, #tpu.memory_space<semaphore_mem>> -> memref<!tpu.dma_semaphore, #tpu.memory_space<semaphore_mem>>
    tpu.enqueue_indirect_dma source(%dma_start3A_31 : memref<10000x64xf32, #tpu.memory_space<hbm>>) target(%dma_start3A_25 : memref<128x64xf32, #tpu.memory_space<vmem>>) offsets(%dma_start3A_28 : memref<128xi32, #tpu.memory_space<vmem>>) semaphore(%dma_start3A_33 : memref<!tpu.dma_semaphore, #tpu.memory_space<semaphore_mem>>)
    %dma_start3A_34 = arith.constant 2 : i32
    %dma_start3A_35 = arith.constant 2 : i32
    %dma_start3A_36 = arith.constant 2 : i32
    %dma_start3A_37 = arith.constant 0 : i32
    %dma_start3A_38 = arith.constant 0 : i32
    %dma_start3A_39 = tpu.memref_slice %arg9[%dma_start3A_35, %dma_start3A_37, %dma_start3A_38] : memref<4x128x64xf32, #tpu.memory_space<vmem>> -> memref<1x128x64xf32, #tpu.memory_space<vmem>>
    %dma_start3A_40 = tpu.memref_squeeze %dma_start3A_39 : memref<1x128x64xf32, #tpu.memory_space<vmem>> -> memref<128x64xf32, #tpu.memory_space<vmem>>
    %dma_start3A_41 = arith.constant 0 : i32
    %dma_start3A_42 = tpu.memref_slice %arg7[%dma_start3A_34, %dma_start3A_41] : memref<80x128xi32, #tpu.memory_space<vmem>> -> memref<1x128xi32, #tpu.memory_space<vmem>>
    %dma_start3A_43 = tpu.memref_squeeze %dma_start3A_42 : memref<1x128xi32, #tpu.memory_space<vmem>> -> memref<128xi32, #tpu.memory_space<vmem>>
    %dma_start3A_44 = arith.constant 0 : i32
    %dma_start3A_45 = arith.constant 0 : i32
    %dma_start3A_46 = tpu.memref_slice %arg2[%dma_start3A_44, %dma_start3A_45] : memref<10000x64xf32, #tpu.memory_space<hbm>> -> memref<10000x64xf32, #tpu.memory_space<hbm>>
    %dma_start3A_47 = tpu.memref_slice %arg11[%dma_start3A_36] : memref<4x!tpu.dma_semaphore, #tpu.memory_space<semaphore_mem>> -> memref<1x!tpu.dma_semaphore, #tpu.memory_space<semaphore_mem>>
    %dma_start3A_48 = tpu.memref_squeeze %dma_start3A_47 : memref<1x!tpu.dma_semaphore, #tpu.memory_space<semaphore_mem>> -> memref<!tpu.dma_semaphore, #tpu.memory_space<semaphore_mem>>
    tpu.enqueue_indirect_dma source(%dma_start3A_46 : memref<10000x64xf32, #tpu.memory_space<hbm>>) target(%dma_start3A_40 : memref<128x64xf32, #tpu.memory_space<vmem>>) offsets(%dma_start3A_43 : memref<128xi32, #tpu.memory_space<vmem>>) semaphore(%dma_start3A_48 : memref<!tpu.dma_semaphore, #tpu.memory_space<semaphore_mem>>)
    %dma_start3A_49 = arith.constant 3 : i32
    %dma_start3A_50 = arith.constant 3 : i32
    %dma_start3A_51 = arith.constant 3 : i32
    %dma_start3A_52 = arith.constant 0 : i32
    %dma_start3A_53 = arith.constant 0 : i32
    %dma_start3A_54 = tpu.memref_slice %arg9[%dma_start3A_50, %dma_start3A_52, %dma_start3A_53] : memref<4x128x64xf32, #tpu.memory_space<vmem>> -> memref<1x128x64xf32, #tpu.memory_space<vmem>>
    %dma_start3A_55 = tpu.memref_squeeze %dma_start3A_54 : memref<1x128x64xf32, #tpu.memory_space<vmem>> -> memref<128x64xf32, #tpu.memory_space<vmem>>
    %dma_start3A_56 = arith.constant 0 : i32
    %dma_start3A_57 = tpu.memref_slice %arg7[%dma_start3A_49, %dma_start3A_56] : memref<80x128xi32, #tpu.memory_space<vmem>> -> memref<1x128xi32, #tpu.memory_space<vmem>>
    %dma_start3A_58 = tpu.memref_squeeze %dma_start3A_57 : memref<1x128xi32, #tpu.memory_space<vmem>> -> memref<128xi32, #tpu.memory_space<vmem>>
    %dma_start3A_59 = arith.constant 0 : i32
    %dma_start3A_60 = arith.constant 0 : i32
    %dma_start3A_61 = tpu.memref_slice %arg2[%dma_start3A_59, %dma_start3A_60] : memref<10000x64xf32, #tpu.memory_space<hbm>> -> memref<10000x64xf32, #tpu.memory_space<hbm>>
    %dma_start3A_62 = tpu.memref_slice %arg11[%dma_start3A_51] : memref<4x!tpu.dma_semaphore, #tpu.memory_space<semaphore_mem>> -> memref<1x!tpu.dma_semaphore, #tpu.memory_space<semaphore_mem>>
    %dma_start3A_63 = tpu.memref_squeeze %dma_start3A_62 : memref<1x!tpu.dma_semaphore, #tpu.memory_space<semaphore_mem>> -> memref<!tpu.dma_semaphore, #tpu.memory_space<semaphore_mem>>
    tpu.enqueue_indirect_dma source(%dma_start3A_61 : memref<10000x64xf32, #tpu.memory_space<hbm>>) target(%dma_start3A_55 : memref<128x64xf32, #tpu.memory_space<vmem>>) offsets(%dma_start3A_58 : memref<128xi32, #tpu.memory_space<vmem>>) semaphore(%dma_start3A_63 : memref<!tpu.dma_semaphore, #tpu.memory_space<semaphore_mem>>)
    %scan3A = arith.constant 0 : i32
    %scan3A_64 = arith.constant 0 : i32
    %scan3A_65 = arith.constant 19 : i32
    %scan3A_66 = arith.addi %scan3A_64, %scan3A_65 : i32
    %scan3A_67 = arith.constant 1 : i32
    scf.for %scan3A_253 = %scan3A_64 to %scan3A_66 step %scan3A_67  : i32 {
      %mul3A_254 = arith.constant 4 : i32
      %mul3A_255 = arith.muli %scan3A_253, %mul3A_254 : i32
      %dma_wait3A_256 = arith.constant 0 : i32
      %dma_wait3A_257 = arith.constant 0 : i32
      %dma_wait3A_258 = arith.constant 0 : i32
      %dma_wait3A_259 = arith.constant 0 : i32
      %dma_wait3A_260 = arith.constant 0 : i32
      %dma_wait3A_261 = tpu.memref_slice %arg9[%dma_wait3A_257, %dma_wait3A_259, %dma_wait3A_260] : memref<4x128x64xf32, #tpu.memory_space<vmem>> -> memref<1x128x64xf32, #tpu.memory_space<vmem>>
      %dma_wait3A_262 = tpu.memref_squeeze %dma_wait3A_261 : memref<1x128x64xf32, #tpu.memory_space<vmem>> -> memref<128x64xf32, #tpu.memory_space<vmem>>
      %dma_wait3A_263 = arith.constant 0 : i32
      %dma_wait3A_264 = tpu.memref_slice %arg7[%dma_wait3A_256, %dma_wait3A_263] : memref<80x128xi32, #tpu.memory_space<vmem>> -> memref<1x128xi32, #tpu.memory_space<vmem>>
      %dma_wait3A_265 = tpu.memref_squeeze %dma_wait3A_264 : memref<1x128xi32, #tpu.memory_space<vmem>> -> memref<128xi32, #tpu.memory_space<vmem>>
      %dma_wait3A_266 = arith.constant 0 : i32
      %dma_wait3A_267 = arith.constant 0 : i32
      %dma_wait3A_268 = tpu.memref_slice %arg2[%dma_wait3A_266, %dma_wait3A_267] : memref<10000x64xf32, #tpu.memory_space<hbm>> -> memref<10000x64xf32, #tpu.memory_space<hbm>>
      %dma_wait3A_269 = tpu.memref_slice %arg11[%dma_wait3A_258] : memref<4x!tpu.dma_semaphore, #tpu.memory_space<semaphore_mem>> -> memref<1x!tpu.dma_semaphore, #tpu.memory_space<semaphore_mem>>
      %dma_wait3A_270 = tpu.memref_squeeze %dma_wait3A_269 : memref<1x!tpu.dma_semaphore, #tpu.memory_space<semaphore_mem>> -> memref<!tpu.dma_semaphore, #tpu.memory_space<semaphore_mem>>
      tpu.wait_indirect_dma semaphore(%dma_wait3A_270 : memref<!tpu.dma_semaphore, #tpu.memory_space<semaphore_mem>>) src(%dma_wait3A_268 : memref<10000x64xf32, #tpu.memory_space<hbm>>) dst(%dma_wait3A_262 : memref<128x64xf32, #tpu.memory_space<vmem>>)
      %add3A_271 = arith.constant 0 : i32
      %add3A_272 = arith.addi %mul3A_255, %add3A_271 : i32
      %dma_start3A_273 = arith.constant 0 : i32
      %dma_start3A_274 = arith.constant 0 : i32
      %dma_start3A_275 = arith.constant 0 : i32
      %dma_start3A_276 = arith.constant 0 : i32
      %dma_start3A_277 = tpu.memref_slice %arg9[%dma_start3A_273, %dma_start3A_275, %dma_start3A_276] : memref<4x128x64xf32, #tpu.memory_space<vmem>> -> memref<1x128x64xf32, #tpu.memory_space<vmem>>
      %dma_start3A_278 = tpu.memref_squeeze %dma_start3A_277 : memref<1x128x64xf32, #tpu.memory_space<vmem>> -> memref<128x64xf32, #tpu.memory_space<vmem>>
      %dma_start3A_279 = arith.constant 0 : i32
      %dma_start3A_280 = tpu.memref_slice %arg8[%add3A_272, %dma_start3A_279] : memref<80x128xi32, #tpu.memory_space<vmem>> -> memref<1x128xi32, #tpu.memory_space<vmem>>
      %dma_start3A_281 = tpu.memref_squeeze %dma_start3A_280 : memref<1x128xi32, #tpu.memory_space<vmem>> -> memref<128xi32, #tpu.memory_space<vmem>>
      %dma_start3A_282 = arith.constant 0 : i32
      %dma_start3A_283 = arith.constant 0 : i32
      %dma_start3A_284 = tpu.memref_slice %arg10[%dma_start3A_282, %dma_start3A_283] : memref<10240x64xf32, #tpu.memory_space<vmem_shared>> -> memref<10240x64xf32, #tpu.memory_space<vmem_shared>>
      %dma_start3A_285 = tpu.memref_slice %arg12[%dma_start3A_274] : memref<4x!tpu.dma_semaphore, #tpu.memory_space<semaphore_mem>> -> memref<1x!tpu.dma_semaphore, #tpu.memory_space<semaphore_mem>>
      %dma_start3A_286 = tpu.memref_squeeze %dma_start3A_285 : memref<1x!tpu.dma_semaphore, #tpu.memory_space<semaphore_mem>> -> memref<!tpu.dma_semaphore, #tpu.memory_space<semaphore_mem>>
      tpu.enqueue_indirect_dma source(%dma_start3A_278 : memref<128x64xf32, #tpu.memory_space<vmem>>) target(%dma_start3A_284 : memref<10240x64xf32, #tpu.memory_space<vmem_shared>>) offsets(%dma_start3A_281 : memref<128xi32, #tpu.memory_space<vmem>>) semaphore(%dma_start3A_286 : memref<!tpu.dma_semaphore, #tpu.memory_space<semaphore_mem>>) {add = true}
      %dma_wait3A_287 = arith.constant 0 : i32
      %dma_wait3A_288 = arith.constant 1 : i32
      %dma_wait3A_289 = arith.constant 1 : i32
      %dma_wait3A_290 = arith.constant 0 : i32
      %dma_wait3A_291 = arith.constant 0 : i32
      %dma_wait3A_292 = tpu.memref_slice %arg9[%dma_wait3A_288, %dma_wait3A_290, %dma_wait3A_291] : memref<4x128x64xf32, #tpu.memory_space<vmem>> -> memref<1x128x64xf32, #tpu.memory_space<vmem>>
      %dma_wait3A_293 = tpu.memref_squeeze %dma_wait3A_292 : memref<1x128x64xf32, #tpu.memory_space<vmem>> -> memref<128x64xf32, #tpu.memory_space<vmem>>
      %dma_wait3A_294 = arith.constant 0 : i32
      %dma_wait3A_295 = tpu.memref_slice %arg7[%dma_wait3A_287, %dma_wait3A_294] : memref<80x128xi32, #tpu.memory_space<vmem>> -> memref<1x128xi32, #tpu.memory_space<vmem>>
      %dma_wait3A_296 = tpu.memref_squeeze %dma_wait3A_295 : memref<1x128xi32, #tpu.memory_space<vmem>> -> memref<128xi32, #tpu.memory_space<vmem>>
      %dma_wait3A_297 = arith.constant 0 : i32
      %dma_wait3A_298 = arith.constant 0 : i32
      %dma_wait3A_299 = tpu.memref_slice %arg2[%dma_wait3A_297, %dma_wait3A_298] : memref<10000x64xf32, #tpu.memory_space<hbm>> -> memref<10000x64xf32, #tpu.memory_space<hbm>>
      %dma_wait3A_300 = tpu.memref_slice %arg11[%dma_wait3A_289] : memref<4x!tpu.dma_semaphore, #tpu.memory_space<semaphore_mem>> -> memref<1x!tpu.dma_semaphore, #tpu.memory_space<semaphore_mem>>
      %dma_wait3A_301 = tpu.memref_squeeze %dma_wait3A_300 : memref<1x!tpu.dma_semaphore, #tpu.memory_space<semaphore_mem>> -> memref<!tpu.dma_semaphore, #tpu.memory_space<semaphore_mem>>
      tpu.wait_indirect_dma semaphore(%dma_wait3A_301 : memref<!tpu.dma_semaphore, #tpu.memory_space<semaphore_mem>>) src(%dma_wait3A_299 : memref<10000x64xf32, #tpu.memory_space<hbm>>) dst(%dma_wait3A_293 : memref<128x64xf32, #tpu.memory_space<vmem>>)
      %add3A_302 = arith.constant 1 : i32
      %add3A_303 = arith.addi %mul3A_255, %add3A_302 : i32
      %dma_start3A_304 = arith.constant 1 : i32
      %dma_start3A_305 = arith.constant 1 : i32
      %dma_start3A_306 = arith.constant 0 : i32
      %dma_start3A_307 = arith.constant 0 : i32
      %dma_start3A_308 = tpu.memref_slice %arg9[%dma_start3A_304, %dma_start3A_306, %dma_start3A_307] : memref<4x128x64xf32, #tpu.memory_space<vmem>> -> memref<1x128x64xf32, #tpu.memory_space<vmem>>
      %dma_start3A_309 = tpu.memref_squeeze %dma_start3A_308 : memref<1x128x64xf32, #tpu.memory_space<vmem>> -> memref<128x64xf32, #tpu.memory_space<vmem>>
      %dma_start3A_310 = arith.constant 0 : i32
      %dma_start3A_311 = tpu.memref_slice %arg8[%add3A_303, %dma_start3A_310] : memref<80x128xi32, #tpu.memory_space<vmem>> -> memref<1x128xi32, #tpu.memory_space<vmem>>
      %dma_start3A_312 = tpu.memref_squeeze %dma_start3A_311 : memref<1x128xi32, #tpu.memory_space<vmem>> -> memref<128xi32, #tpu.memory_space<vmem>>
      %dma_start3A_313 = arith.constant 0 : i32
      %dma_start3A_314 = arith.constant 0 : i32
      %dma_start3A_315 = tpu.memref_slice %arg10[%dma_start3A_313, %dma_start3A_314] : memref<10240x64xf32, #tpu.memory_space<vmem_shared>> -> memref<10240x64xf32, #tpu.memory_space<vmem_shared>>
      %dma_start3A_316 = tpu.memref_slice %arg12[%dma_start3A_305] : memref<4x!tpu.dma_semaphore, #tpu.memory_space<semaphore_mem>> -> memref<1x!tpu.dma_semaphore, #tpu.memory_space<semaphore_mem>>
      %dma_start3A_317 = tpu.memref_squeeze %dma_start3A_316 : memref<1x!tpu.dma_semaphore, #tpu.memory_space<semaphore_mem>> -> memref<!tpu.dma_semaphore, #tpu.memory_space<semaphore_mem>>
      tpu.enqueue_indirect_dma source(%dma_start3A_309 : memref<128x64xf32, #tpu.memory_space<vmem>>) target(%dma_start3A_315 : memref<10240x64xf32, #tpu.memory_space<vmem_shared>>) offsets(%dma_start3A_312 : memref<128xi32, #tpu.memory_space<vmem>>) semaphore(%dma_start3A_317 : memref<!tpu.dma_semaphore, #tpu.memory_space<semaphore_mem>>) {add = true}
      %dma_wait3A_318 = arith.constant 0 : i32
      %dma_wait3A_319 = arith.constant 2 : i32
      %dma_wait3A_320 = arith.constant 2 : i32
      %dma_wait3A_321 = arith.constant 0 : i32
      %dma_wait3A_322 = arith.constant 0 : i32
      %dma_wait3A_323 = tpu.memref_slice %arg9[%dma_wait3A_319, %dma_wait3A_321, %dma_wait3A_322] : memref<4x128x64xf32, #tpu.memory_space<vmem>> -> memref<1x128x64xf32, #tpu.memory_space<vmem>>
      %dma_wait3A_324 = tpu.memref_squeeze %dma_wait3A_323 : memref<1x128x64xf32, #tpu.memory_space<vmem>> -> memref<128x64xf32, #tpu.memory_space<vmem>>
      %dma_wait3A_325 = arith.constant 0 : i32
      %dma_wait3A_326 = tpu.memref_slice %arg7[%dma_wait3A_318, %dma_wait3A_325] : memref<80x128xi32, #tpu.memory_space<vmem>> -> memref<1x128xi32, #tpu.memory_space<vmem>>
      %dma_wait3A_327 = tpu.memref_squeeze %dma_wait3A_326 : memref<1x128xi32, #tpu.memory_space<vmem>> -> memref<128xi32, #tpu.memory_space<vmem>>
      %dma_wait3A_328 = arith.constant 0 : i32
      %dma_wait3A_329 = arith.constant 0 : i32
      %dma_wait3A_330 = tpu.memref_slice %arg2[%dma_wait3A_328, %dma_wait3A_329] : memref<10000x64xf32, #tpu.memory_space<hbm>> -> memref<10000x64xf32, #tpu.memory_space<hbm>>
      %dma_wait3A_331 = tpu.memref_slice %arg11[%dma_wait3A_320] : memref<4x!tpu.dma_semaphore, #tpu.memory_space<semaphore_mem>> -> memref<1x!tpu.dma_semaphore, #tpu.memory_space<semaphore_mem>>
      %dma_wait3A_332 = tpu.memref_squeeze %dma_wait3A_331 : memref<1x!tpu.dma_semaphore, #tpu.memory_space<semaphore_mem>> -> memref<!tpu.dma_semaphore, #tpu.memory_space<semaphore_mem>>
      tpu.wait_indirect_dma semaphore(%dma_wait3A_332 : memref<!tpu.dma_semaphore, #tpu.memory_space<semaphore_mem>>) src(%dma_wait3A_330 : memref<10000x64xf32, #tpu.memory_space<hbm>>) dst(%dma_wait3A_324 : memref<128x64xf32, #tpu.memory_space<vmem>>)
      %add3A_333 = arith.constant 2 : i32
      %add3A_334 = arith.addi %mul3A_255, %add3A_333 : i32
      %dma_start3A_335 = arith.constant 2 : i32
      %dma_start3A_336 = arith.constant 2 : i32
      %dma_start3A_337 = arith.constant 0 : i32
      %dma_start3A_338 = arith.constant 0 : i32
      %dma_start3A_339 = tpu.memref_slice %arg9[%dma_start3A_335, %dma_start3A_337, %dma_start3A_338] : memref<4x128x64xf32, #tpu.memory_space<vmem>> -> memref<1x128x64xf32, #tpu.memory_space<vmem>>
      %dma_start3A_340 = tpu.memref_squeeze %dma_start3A_339 : memref<1x128x64xf32, #tpu.memory_space<vmem>> -> memref<128x64xf32, #tpu.memory_space<vmem>>
      %dma_start3A_341 = arith.constant 0 : i32
      %dma_start3A_342 = tpu.memref_slice %arg8[%add3A_334, %dma_start3A_341] : memref<80x128xi32, #tpu.memory_space<vmem>> -> memref<1x128xi32, #tpu.memory_space<vmem>>
      %dma_start3A_343 = tpu.memref_squeeze %dma_start3A_342 : memref<1x128xi32, #tpu.memory_space<vmem>> -> memref<128xi32, #tpu.memory_space<vmem>>
      %dma_start3A_344 = arith.constant 0 : i32
      %dma_start3A_345 = arith.constant 0 : i32
      %dma_start3A_346 = tpu.memref_slice %arg10[%dma_start3A_344, %dma_start3A_345] : memref<10240x64xf32, #tpu.memory_space<vmem_shared>> -> memref<10240x64xf32, #tpu.memory_space<vmem_shared>>
      %dma_start3A_347 = tpu.memref_slice %arg12[%dma_start3A_336] : memref<4x!tpu.dma_semaphore, #tpu.memory_space<semaphore_mem>> -> memref<1x!tpu.dma_semaphore, #tpu.memory_space<semaphore_mem>>
      %dma_start3A_348 = tpu.memref_squeeze %dma_start3A_347 : memref<1x!tpu.dma_semaphore, #tpu.memory_space<semaphore_mem>> -> memref<!tpu.dma_semaphore, #tpu.memory_space<semaphore_mem>>
      tpu.enqueue_indirect_dma source(%dma_start3A_340 : memref<128x64xf32, #tpu.memory_space<vmem>>) target(%dma_start3A_346 : memref<10240x64xf32, #tpu.memory_space<vmem_shared>>) offsets(%dma_start3A_343 : memref<128xi32, #tpu.memory_space<vmem>>) semaphore(%dma_start3A_348 : memref<!tpu.dma_semaphore, #tpu.memory_space<semaphore_mem>>) {add = true}
      %dma_wait3A_349 = arith.constant 0 : i32
      %dma_wait3A_350 = arith.constant 3 : i32
      %dma_wait3A_351 = arith.constant 3 : i32
      %dma_wait3A_352 = arith.constant 0 : i32
      %dma_wait3A_353 = arith.constant 0 : i32
      %dma_wait3A_354 = tpu.memref_slice %arg9[%dma_wait3A_350, %dma_wait3A_352, %dma_wait3A_353] : memref<4x128x64xf32, #tpu.memory_space<vmem>> -> memref<1x128x64xf32, #tpu.memory_space<vmem>>
      %dma_wait3A_355 = tpu.memref_squeeze %dma_wait3A_354 : memref<1x128x64xf32, #tpu.memory_space<vmem>> -> memref<128x64xf32, #tpu.memory_space<vmem>>
      %dma_wait3A_356 = arith.constant 0 : i32
      %dma_wait3A_357 = tpu.memref_slice %arg7[%dma_wait3A_349, %dma_wait3A_356] : memref<80x128xi32, #tpu.memory_space<vmem>> -> memref<1x128xi32, #tpu.memory_space<vmem>>
      %dma_wait3A_358 = tpu.memref_squeeze %dma_wait3A_357 : memref<1x128xi32, #tpu.memory_space<vmem>> -> memref<128xi32, #tpu.memory_space<vmem>>
      %dma_wait3A_359 = arith.constant 0 : i32
      %dma_wait3A_360 = arith.constant 0 : i32
      %dma_wait3A_361 = tpu.memref_slice %arg2[%dma_wait3A_359, %dma_wait3A_360] : memref<10000x64xf32, #tpu.memory_space<hbm>> -> memref<10000x64xf32, #tpu.memory_space<hbm>>
      %dma_wait3A_362 = tpu.memref_slice %arg11[%dma_wait3A_351] : memref<4x!tpu.dma_semaphore, #tpu.memory_space<semaphore_mem>> -> memref<1x!tpu.dma_semaphore, #tpu.memory_space<semaphore_mem>>
      %dma_wait3A_363 = tpu.memref_squeeze %dma_wait3A_362 : memref<1x!tpu.dma_semaphore, #tpu.memory_space<semaphore_mem>> -> memref<!tpu.dma_semaphore, #tpu.memory_space<semaphore_mem>>
      tpu.wait_indirect_dma semaphore(%dma_wait3A_363 : memref<!tpu.dma_semaphore, #tpu.memory_space<semaphore_mem>>) src(%dma_wait3A_361 : memref<10000x64xf32, #tpu.memory_space<hbm>>) dst(%dma_wait3A_355 : memref<128x64xf32, #tpu.memory_space<vmem>>)
      %add3A_364 = arith.constant 3 : i32
      %add3A_365 = arith.addi %mul3A_255, %add3A_364 : i32
      %dma_start3A_366 = arith.constant 3 : i32
      %dma_start3A_367 = arith.constant 3 : i32
      %dma_start3A_368 = arith.constant 0 : i32
      %dma_start3A_369 = arith.constant 0 : i32
      %dma_start3A_370 = tpu.memref_slice %arg9[%dma_start3A_366, %dma_start3A_368, %dma_start3A_369] : memref<4x128x64xf32, #tpu.memory_space<vmem>> -> memref<1x128x64xf32, #tpu.memory_space<vmem>>
      %dma_start3A_371 = tpu.memref_squeeze %dma_start3A_370 : memref<1x128x64xf32, #tpu.memory_space<vmem>> -> memref<128x64xf32, #tpu.memory_space<vmem>>
      %dma_start3A_372 = arith.constant 0 : i32
      %dma_start3A_373 = tpu.memref_slice %arg8[%add3A_365, %dma_start3A_372] : memref<80x128xi32, #tpu.memory_space<vmem>> -> memref<1x128xi32, #tpu.memory_space<vmem>>
      %dma_start3A_374 = tpu.memref_squeeze %dma_start3A_373 : memref<1x128xi32, #tpu.memory_space<vmem>> -> memref<128xi32, #tpu.memory_space<vmem>>
      %dma_start3A_375 = arith.constant 0 : i32
      %dma_start3A_376 = arith.constant 0 : i32
      %dma_start3A_377 = tpu.memref_slice %arg10[%dma_start3A_375, %dma_start3A_376] : memref<10240x64xf32, #tpu.memory_space<vmem_shared>> -> memref<10240x64xf32, #tpu.memory_space<vmem_shared>>
      %dma_start3A_378 = tpu.memref_slice %arg12[%dma_start3A_367] : memref<4x!tpu.dma_semaphore, #tpu.memory_space<semaphore_mem>> -> memref<1x!tpu.dma_semaphore, #tpu.memory_space<semaphore_mem>>
      %dma_start3A_379 = tpu.memref_squeeze %dma_start3A_378 : memref<1x!tpu.dma_semaphore, #tpu.memory_space<semaphore_mem>> -> memref<!tpu.dma_semaphore, #tpu.memory_space<semaphore_mem>>
      tpu.enqueue_indirect_dma source(%dma_start3A_371 : memref<128x64xf32, #tpu.memory_space<vmem>>) target(%dma_start3A_377 : memref<10240x64xf32, #tpu.memory_space<vmem_shared>>) offsets(%dma_start3A_374 : memref<128xi32, #tpu.memory_space<vmem>>) semaphore(%dma_start3A_379 : memref<!tpu.dma_semaphore, #tpu.memory_space<semaphore_mem>>) {add = true}
      %dma_wait3A_380 = arith.constant 0 : i32
      %dma_wait3A_381 = arith.constant 0 : i32
      %dma_wait3A_382 = arith.constant 0 : i32
      %dma_wait3A_383 = arith.constant 0 : i32
      %dma_wait3A_384 = arith.constant 0 : i32
      %dma_wait3A_385 = tpu.memref_slice %arg9[%dma_wait3A_380, %dma_wait3A_383, %dma_wait3A_384] : memref<4x128x64xf32, #tpu.memory_space<vmem>> -> memref<1x128x64xf32, #tpu.memory_space<vmem>>
      %dma_wait3A_386 = tpu.memref_squeeze %dma_wait3A_385 : memref<1x128x64xf32, #tpu.memory_space<vmem>> -> memref<128x64xf32, #tpu.memory_space<vmem>>
      %dma_wait3A_387 = arith.constant 0 : i32
      %dma_wait3A_388 = tpu.memref_slice %arg8[%dma_wait3A_381, %dma_wait3A_387] : memref<80x128xi32, #tpu.memory_space<vmem>> -> memref<1x128xi32, #tpu.memory_space<vmem>>
      %dma_wait3A_389 = tpu.memref_squeeze %dma_wait3A_388 : memref<1x128xi32, #tpu.memory_space<vmem>> -> memref<128xi32, #tpu.memory_space<vmem>>
      %dma_wait3A_390 = arith.constant 0 : i32
      %dma_wait3A_391 = arith.constant 0 : i32
      %dma_wait3A_392 = tpu.memref_slice %arg10[%dma_wait3A_390, %dma_wait3A_391] : memref<10240x64xf32, #tpu.memory_space<vmem_shared>> -> memref<10240x64xf32, #tpu.memory_space<vmem_shared>>
      %dma_wait3A_393 = tpu.memref_slice %arg12[%dma_wait3A_382] : memref<4x!tpu.dma_semaphore, #tpu.memory_space<semaphore_mem>> -> memref<1x!tpu.dma_semaphore, #tpu.memory_space<semaphore_mem>>
      %dma_wait3A_394 = tpu.memref_squeeze %dma_wait3A_393 : memref<1x!tpu.dma_semaphore, #tpu.memory_space<semaphore_mem>> -> memref<!tpu.dma_semaphore, #tpu.memory_space<semaphore_mem>>
      tpu.wait_indirect_dma semaphore(%dma_wait3A_394 : memref<!tpu.dma_semaphore, #tpu.memory_space<semaphore_mem>>) src(%dma_wait3A_386 : memref<128x64xf32, #tpu.memory_space<vmem>>) dst(%dma_wait3A_392 : memref<10240x64xf32, #tpu.memory_space<vmem_shared>>)
      %add3A_395 = arith.constant 0 : i32
      %add3A_396 = arith.addi %mul3A_255, %add3A_395 : i32
      %add3A_397 = arith.constant 4 : i32
      %add3A_398 = arith.addi %add3A_396, %add3A_397 : i32
      %dma_start3A_399 = arith.constant 0 : i32
      %dma_start3A_400 = arith.constant 0 : i32
      %dma_start3A_401 = arith.constant 0 : i32
      %dma_start3A_402 = arith.constant 0 : i32
      %dma_start3A_403 = tpu.memref_slice %arg9[%dma_start3A_399, %dma_start3A_401, %dma_start3A_402] : memref<4x128x64xf32, #tpu.memory_space<vmem>> -> memref<1x128x64xf32, #tpu.memory_space<vmem>>
      %dma_start3A_404 = tpu.memref_squeeze %dma_start3A_403 : memref<1x128x64xf32, #tpu.memory_space<vmem>> -> memref<128x64xf32, #tpu.memory_space<vmem>>
      %dma_start3A_405 = arith.constant 0 : i32
      %dma_start3A_406 = tpu.memref_slice %arg7[%add3A_398, %dma_start3A_405] : memref<80x128xi32, #tpu.memory_space<vmem>> -> memref<1x128xi32, #tpu.memory_space<vmem>>
      %dma_start3A_407 = tpu.memref_squeeze %dma_start3A_406 : memref<1x128xi32, #tpu.memory_space<vmem>> -> memref<128xi32, #tpu.memory_space<vmem>>
      %dma_start3A_408 = arith.constant 0 : i32
      %dma_start3A_409 = arith.constant 0 : i32
      %dma_start3A_410 = tpu.memref_slice %arg2[%dma_start3A_408, %dma_start3A_409] : memref<10000x64xf32, #tpu.memory_space<hbm>> -> memref<10000x64xf32, #tpu.memory_space<hbm>>
      %dma_start3A_411 = tpu.memref_slice %arg11[%dma_start3A_400] : memref<4x!tpu.dma_semaphore, #tpu.memory_space<semaphore_mem>> -> memref<1x!tpu.dma_semaphore, #tpu.memory_space<semaphore_mem>>
      %dma_start3A_412 = tpu.memref_squeeze %dma_start3A_411 : memref<1x!tpu.dma_semaphore, #tpu.memory_space<semaphore_mem>> -> memref<!tpu.dma_semaphore, #tpu.memory_space<semaphore_mem>>
      tpu.enqueue_indirect_dma source(%dma_start3A_410 : memref<10000x64xf32, #tpu.memory_space<hbm>>) target(%dma_start3A_404 : memref<128x64xf32, #tpu.memory_space<vmem>>) offsets(%dma_start3A_407 : memref<128xi32, #tpu.memory_space<vmem>>) semaphore(%dma_start3A_412 : memref<!tpu.dma_semaphore, #tpu.memory_space<semaphore_mem>>)
      %dma_wait3A_413 = arith.constant 1 : i32
      %dma_wait3A_414 = arith.constant 0 : i32
      %dma_wait3A_415 = arith.constant 1 : i32
      %dma_wait3A_416 = arith.constant 0 : i32
      %dma_wait3A_417 = arith.constant 0 : i32
      %dma_wait3A_418 = tpu.memref_slice %arg9[%dma_wait3A_413, %dma_wait3A_416, %dma_wait3A_417] : memref<4x128x64xf32, #tpu.memory_space<vmem>> -> memref<1x128x64xf32, #tpu.memory_space<vmem>>
      %dma_wait3A_419 = tpu.memref_squeeze %dma_wait3A_418 : memref<1x128x64xf32, #tpu.memory_space<vmem>> -> memref<128x64xf32, #tpu.memory_space<vmem>>
      %dma_wait3A_420 = arith.constant 0 : i32
      %dma_wait3A_421 = tpu.memref_slice %arg8[%dma_wait3A_414, %dma_wait3A_420] : memref<80x128xi32, #tpu.memory_space<vmem>> -> memref<1x128xi32, #tpu.memory_space<vmem>>
      %dma_wait3A_422 = tpu.memref_squeeze %dma_wait3A_421 : memref<1x128xi32, #tpu.memory_space<vmem>> -> memref<128xi32, #tpu.memory_space<vmem>>
      %dma_wait3A_423 = arith.constant 0 : i32
      %dma_wait3A_424 = arith.constant 0 : i32
      %dma_wait3A_425 = tpu.memref_slice %arg10[%dma_wait3A_423, %dma_wait3A_424] : memref<10240x64xf32, #tpu.memory_space<vmem_shared>> -> memref<10240x64xf32, #tpu.memory_space<vmem_shared>>
      %dma_wait3A_426 = tpu.memref_slice %arg12[%dma_wait3A_415] : memref<4x!tpu.dma_semaphore, #tpu.memory_space<semaphore_mem>> -> memref<1x!tpu.dma_semaphore, #tpu.memory_space<semaphore_mem>>
      %dma_wait3A_427 = tpu.memref_squeeze %dma_wait3A_426 : memref<1x!tpu.dma_semaphore, #tpu.memory_space<semaphore_mem>> -> memref<!tpu.dma_semaphore, #tpu.memory_space<semaphore_mem>>
      tpu.wait_indirect_dma semaphore(%dma_wait3A_427 : memref<!tpu.dma_semaphore, #tpu.memory_space<semaphore_mem>>) src(%dma_wait3A_419 : memref<128x64xf32, #tpu.memory_space<vmem>>) dst(%dma_wait3A_425 : memref<10240x64xf32, #tpu.memory_space<vmem_shared>>)
      %add3A_428 = arith.constant 1 : i32
      %add3A_429 = arith.addi %mul3A_255, %add3A_428 : i32
      %add3A_430 = arith.constant 4 : i32
      %add3A_431 = arith.addi %add3A_429, %add3A_430 : i32
      %dma_start3A_432 = arith.constant 1 : i32
      %dma_start3A_433 = arith.constant 1 : i32
      %dma_start3A_434 = arith.constant 0 : i32
      %dma_start3A_435 = arith.constant 0 : i32
      %dma_start3A_436 = tpu.memref_slice %arg9[%dma_start3A_432, %dma_start3A_434, %dma_start3A_435] : memref<4x128x64xf32, #tpu.memory_space<vmem>> -> memref<1x128x64xf32, #tpu.memory_space<vmem>>
      %dma_start3A_437 = tpu.memref_squeeze %dma_start3A_436 : memref<1x128x64xf32, #tpu.memory_space<vmem>> -> memref<128x64xf32, #tpu.memory_space<vmem>>
      %dma_start3A_438 = arith.constant 0 : i32
      %dma_start3A_439 = tpu.memref_slice %arg7[%add3A_431, %dma_start3A_438] : memref<80x128xi32, #tpu.memory_space<vmem>> -> memref<1x128xi32, #tpu.memory_space<vmem>>
      %dma_start3A_440 = tpu.memref_squeeze %dma_start3A_439 : memref<1x128xi32, #tpu.memory_space<vmem>> -> memref<128xi32, #tpu.memory_space<vmem>>
      %dma_start3A_441 = arith.constant 0 : i32
      %dma_start3A_442 = arith.constant 0 : i32
      %dma_start3A_443 = tpu.memref_slice %arg2[%dma_start3A_441, %dma_start3A_442] : memref<10000x64xf32, #tpu.memory_space<hbm>> -> memref<10000x64xf32, #tpu.memory_space<hbm>>
      %dma_start3A_444 = tpu.memref_slice %arg11[%dma_start3A_433] : memref<4x!tpu.dma_semaphore, #tpu.memory_space<semaphore_mem>> -> memref<1x!tpu.dma_semaphore, #tpu.memory_space<semaphore_mem>>
      %dma_start3A_445 = tpu.memref_squeeze %dma_start3A_444 : memref<1x!tpu.dma_semaphore, #tpu.memory_space<semaphore_mem>> -> memref<!tpu.dma_semaphore, #tpu.memory_space<semaphore_mem>>
      tpu.enqueue_indirect_dma source(%dma_start3A_443 : memref<10000x64xf32, #tpu.memory_space<hbm>>) target(%dma_start3A_437 : memref<128x64xf32, #tpu.memory_space<vmem>>) offsets(%dma_start3A_440 : memref<128xi32, #tpu.memory_space<vmem>>) semaphore(%dma_start3A_445 : memref<!tpu.dma_semaphore, #tpu.memory_space<semaphore_mem>>)
      %dma_wait3A_446 = arith.constant 2 : i32
      %dma_wait3A_447 = arith.constant 0 : i32
      %dma_wait3A_448 = arith.constant 2 : i32
      %dma_wait3A_449 = arith.constant 0 : i32
      %dma_wait3A_450 = arith.constant 0 : i32
      %dma_wait3A_451 = tpu.memref_slice %arg9[%dma_wait3A_446, %dma_wait3A_449, %dma_wait3A_450] : memref<4x128x64xf32, #tpu.memory_space<vmem>> -> memref<1x128x64xf32, #tpu.memory_space<vmem>>
      %dma_wait3A_452 = tpu.memref_squeeze %dma_wait3A_451 : memref<1x128x64xf32, #tpu.memory_space<vmem>> -> memref<128x64xf32, #tpu.memory_space<vmem>>
      %dma_wait3A_453 = arith.constant 0 : i32
      %dma_wait3A_454 = tpu.memref_slice %arg8[%dma_wait3A_447, %dma_wait3A_453] : memref<80x128xi32, #tpu.memory_space<vmem>> -> memref<1x128xi32, #tpu.memory_space<vmem>>
      %dma_wait3A_455 = tpu.memref_squeeze %dma_wait3A_454 : memref<1x128xi32, #tpu.memory_space<vmem>> -> memref<128xi32, #tpu.memory_space<vmem>>
      %dma_wait3A_456 = arith.constant 0 : i32
      %dma_wait3A_457 = arith.constant 0 : i32
      %dma_wait3A_458 = tpu.memref_slice %arg10[%dma_wait3A_456, %dma_wait3A_457] : memref<10240x64xf32, #tpu.memory_space<vmem_shared>> -> memref<10240x64xf32, #tpu.memory_space<vmem_shared>>
      %dma_wait3A_459 = tpu.memref_slice %arg12[%dma_wait3A_448] : memref<4x!tpu.dma_semaphore, #tpu.memory_space<semaphore_mem>> -> memref<1x!tpu.dma_semaphore, #tpu.memory_space<semaphore_mem>>
      %dma_wait3A_460 = tpu.memref_squeeze %dma_wait3A_459 : memref<1x!tpu.dma_semaphore, #tpu.memory_space<semaphore_mem>> -> memref<!tpu.dma_semaphore, #tpu.memory_space<semaphore_mem>>
      tpu.wait_indirect_dma semaphore(%dma_wait3A_460 : memref<!tpu.dma_semaphore, #tpu.memory_space<semaphore_mem>>) src(%dma_wait3A_452 : memref<128x64xf32, #tpu.memory_space<vmem>>) dst(%dma_wait3A_458 : memref<10240x64xf32, #tpu.memory_space<vmem_shared>>)
      %add3A_461 = arith.constant 2 : i32
      %add3A_462 = arith.addi %mul3A_255, %add3A_461 : i32
      %add3A_463 = arith.constant 4 : i32
      %add3A_464 = arith.addi %add3A_462, %add3A_463 : i32
      %dma_start3A_465 = arith.constant 2 : i32
      %dma_start3A_466 = arith.constant 2 : i32
      %dma_start3A_467 = arith.constant 0 : i32
      %dma_start3A_468 = arith.constant 0 : i32
      %dma_start3A_469 = tpu.memref_slice %arg9[%dma_start3A_465, %dma_start3A_467, %dma_start3A_468] : memref<4x128x64xf32, #tpu.memory_space<vmem>> -> memref<1x128x64xf32, #tpu.memory_space<vmem>>
      %dma_start3A_470 = tpu.memref_squeeze %dma_start3A_469 : memref<1x128x64xf32, #tpu.memory_space<vmem>> -> memref<128x64xf32, #tpu.memory_space<vmem>>
      %dma_start3A_471 = arith.constant 0 : i32
      %dma_start3A_472 = tpu.memref_slice %arg7[%add3A_464, %dma_start3A_471] : memref<80x128xi32, #tpu.memory_space<vmem>> -> memref<1x128xi32, #tpu.memory_space<vmem>>
      %dma_start3A_473 = tpu.memref_squeeze %dma_start3A_472 : memref<1x128xi32, #tpu.memory_space<vmem>> -> memref<128xi32, #tpu.memory_space<vmem>>
      %dma_start3A_474 = arith.constant 0 : i32
      %dma_start3A_475 = arith.constant 0 : i32
      %dma_start3A_476 = tpu.memref_slice %arg2[%dma_start3A_474, %dma_start3A_475] : memref<10000x64xf32, #tpu.memory_space<hbm>> -> memref<10000x64xf32, #tpu.memory_space<hbm>>
      %dma_start3A_477 = tpu.memref_slice %arg11[%dma_start3A_466] : memref<4x!tpu.dma_semaphore, #tpu.memory_space<semaphore_mem>> -> memref<1x!tpu.dma_semaphore, #tpu.memory_space<semaphore_mem>>
      %dma_start3A_478 = tpu.memref_squeeze %dma_start3A_477 : memref<1x!tpu.dma_semaphore, #tpu.memory_space<semaphore_mem>> -> memref<!tpu.dma_semaphore, #tpu.memory_space<semaphore_mem>>
      tpu.enqueue_indirect_dma source(%dma_start3A_476 : memref<10000x64xf32, #tpu.memory_space<hbm>>) target(%dma_start3A_470 : memref<128x64xf32, #tpu.memory_space<vmem>>) offsets(%dma_start3A_473 : memref<128xi32, #tpu.memory_space<vmem>>) semaphore(%dma_start3A_478 : memref<!tpu.dma_semaphore, #tpu.memory_space<semaphore_mem>>)
      %dma_wait3A_479 = arith.constant 3 : i32
      %dma_wait3A_480 = arith.constant 0 : i32
      %dma_wait3A_481 = arith.constant 3 : i32
      %dma_wait3A_482 = arith.constant 0 : i32
      %dma_wait3A_483 = arith.constant 0 : i32
      %dma_wait3A_484 = tpu.memref_slice %arg9[%dma_wait3A_479, %dma_wait3A_482, %dma_wait3A_483] : memref<4x128x64xf32, #tpu.memory_space<vmem>> -> memref<1x128x64xf32, #tpu.memory_space<vmem>>
      %dma_wait3A_485 = tpu.memref_squeeze %dma_wait3A_484 : memref<1x128x64xf32, #tpu.memory_space<vmem>> -> memref<128x64xf32, #tpu.memory_space<vmem>>
      %dma_wait3A_486 = arith.constant 0 : i32
      %dma_wait3A_487 = tpu.memref_slice %arg8[%dma_wait3A_480, %dma_wait3A_486] : memref<80x128xi32, #tpu.memory_space<vmem>> -> memref<1x128xi32, #tpu.memory_space<vmem>>
      %dma_wait3A_488 = tpu.memref_squeeze %dma_wait3A_487 : memref<1x128xi32, #tpu.memory_space<vmem>> -> memref<128xi32, #tpu.memory_space<vmem>>
      %dma_wait3A_489 = arith.constant 0 : i32
      %dma_wait3A_490 = arith.constant 0 : i32
      %dma_wait3A_491 = tpu.memref_slice %arg10[%dma_wait3A_489, %dma_wait3A_490] : memref<10240x64xf32, #tpu.memory_space<vmem_shared>> -> memref<10240x64xf32, #tpu.memory_space<vmem_shared>>
      %dma_wait3A_492 = tpu.memref_slice %arg12[%dma_wait3A_481] : memref<4x!tpu.dma_semaphore, #tpu.memory_space<semaphore_mem>> -> memref<1x!tpu.dma_semaphore, #tpu.memory_space<semaphore_mem>>
      %dma_wait3A_493 = tpu.memref_squeeze %dma_wait3A_492 : memref<1x!tpu.dma_semaphore, #tpu.memory_space<semaphore_mem>> -> memref<!tpu.dma_semaphore, #tpu.memory_space<semaphore_mem>>
      tpu.wait_indirect_dma semaphore(%dma_wait3A_493 : memref<!tpu.dma_semaphore, #tpu.memory_space<semaphore_mem>>) src(%dma_wait3A_485 : memref<128x64xf32, #tpu.memory_space<vmem>>) dst(%dma_wait3A_491 : memref<10240x64xf32, #tpu.memory_space<vmem_shared>>)
      %add3A_494 = arith.constant 3 : i32
      %add3A_495 = arith.addi %mul3A_255, %add3A_494 : i32
      %add3A_496 = arith.constant 4 : i32
      %add3A_497 = arith.addi %add3A_495, %add3A_496 : i32
      %dma_start3A_498 = arith.constant 3 : i32
      %dma_start3A_499 = arith.constant 3 : i32
      %dma_start3A_500 = arith.constant 0 : i32
      %dma_start3A_501 = arith.constant 0 : i32
      %dma_start3A_502 = tpu.memref_slice %arg9[%dma_start3A_498, %dma_start3A_500, %dma_start3A_501] : memref<4x128x64xf32, #tpu.memory_space<vmem>> -> memref<1x128x64xf32, #tpu.memory_space<vmem>>
      %dma_start3A_503 = tpu.memref_squeeze %dma_start3A_502 : memref<1x128x64xf32, #tpu.memory_space<vmem>> -> memref<128x64xf32, #tpu.memory_space<vmem>>
      %dma_start3A_504 = arith.constant 0 : i32
      %dma_start3A_505 = tpu.memref_slice %arg7[%add3A_497, %dma_start3A_504] : memref<80x128xi32, #tpu.memory_space<vmem>> -> memref<1x128xi32, #tpu.memory_space<vmem>>
      %dma_start3A_506 = tpu.memref_squeeze %dma_start3A_505 : memref<1x128xi32, #tpu.memory_space<vmem>> -> memref<128xi32, #tpu.memory_space<vmem>>
      %dma_start3A_507 = arith.constant 0 : i32
      %dma_start3A_508 = arith.constant 0 : i32
      %dma_start3A_509 = tpu.memref_slice %arg2[%dma_start3A_507, %dma_start3A_508] : memref<10000x64xf32, #tpu.memory_space<hbm>> -> memref<10000x64xf32, #tpu.memory_space<hbm>>
      %dma_start3A_510 = tpu.memref_slice %arg11[%dma_start3A_499] : memref<4x!tpu.dma_semaphore, #tpu.memory_space<semaphore_mem>> -> memref<1x!tpu.dma_semaphore, #tpu.memory_space<semaphore_mem>>
      %dma_start3A_511 = tpu.memref_squeeze %dma_start3A_510 : memref<1x!tpu.dma_semaphore, #tpu.memory_space<semaphore_mem>> -> memref<!tpu.dma_semaphore, #tpu.memory_space<semaphore_mem>>
      tpu.enqueue_indirect_dma source(%dma_start3A_509 : memref<10000x64xf32, #tpu.memory_space<hbm>>) target(%dma_start3A_503 : memref<128x64xf32, #tpu.memory_space<vmem>>) offsets(%dma_start3A_506 : memref<128xi32, #tpu.memory_space<vmem>>) semaphore(%dma_start3A_511 : memref<!tpu.dma_semaphore, #tpu.memory_space<semaphore_mem>>)
    }
    %scan3A_68 = arith.constant 19 : i32
    %dma_wait3A = arith.constant 0 : i32
    %dma_wait3A_69 = arith.constant 0 : i32
    %dma_wait3A_70 = arith.constant 0 : i32
    %dma_wait3A_71 = arith.constant 0 : i32
    %dma_wait3A_72 = arith.constant 0 : i32
    %dma_wait3A_73 = tpu.memref_slice %arg9[%dma_wait3A_69, %dma_wait3A_71, %dma_wait3A_72] : memref<4x128x64xf32, #tpu.memory_space<vmem>> -> memref<1x128x64xf32, #tpu.memory_space<vmem>>
    %dma_wait3A_74 = tpu.memref_squeeze %dma_wait3A_73 : memref<1x128x64xf32, #tpu.memory_space<vmem>> -> memref<128x64xf32, #tpu.memory_space<vmem>>
    %dma_wait3A_75 = arith.constant 0 : i32
    %dma_wait3A_76 = tpu.memref_slice %arg7[%dma_wait3A, %dma_wait3A_75] : memref<80x128xi32, #tpu.memory_space<vmem>> -> memref<1x128xi32, #tpu.memory_space<vmem>>
    %dma_wait3A_77 = tpu.memref_squeeze %dma_wait3A_76 : memref<1x128xi32, #tpu.memory_space<vmem>> -> memref<128xi32, #tpu.memory_space<vmem>>
    %dma_wait3A_78 = arith.constant 0 : i32
    %dma_wait3A_79 = arith.constant 0 : i32
    %dma_wait3A_80 = tpu.memref_slice %arg2[%dma_wait3A_78, %dma_wait3A_79] : memref<10000x64xf32, #tpu.memory_space<hbm>> -> memref<10000x64xf32, #tpu.memory_space<hbm>>
    %dma_wait3A_81 = tpu.memref_slice %arg11[%dma_wait3A_70] : memref<4x!tpu.dma_semaphore, #tpu.memory_space<semaphore_mem>> -> memref<1x!tpu.dma_semaphore, #tpu.memory_space<semaphore_mem>>
    %dma_wait3A_82 = tpu.memref_squeeze %dma_wait3A_81 : memref<1x!tpu.dma_semaphore, #tpu.memory_space<semaphore_mem>> -> memref<!tpu.dma_semaphore, #tpu.memory_space<semaphore_mem>>
    tpu.wait_indirect_dma semaphore(%dma_wait3A_82 : memref<!tpu.dma_semaphore, #tpu.memory_space<semaphore_mem>>) src(%dma_wait3A_80 : memref<10000x64xf32, #tpu.memory_space<hbm>>) dst(%dma_wait3A_74 : memref<128x64xf32, #tpu.memory_space<vmem>>)
    %dma_start3A_83 = arith.constant 0 : i32
    %dma_start3A_84 = arith.constant 76 : i32
    %dma_start3A_85 = arith.constant 0 : i32
    %dma_start3A_86 = arith.constant 0 : i32
    %dma_start3A_87 = arith.constant 0 : i32
    %dma_start3A_88 = tpu.memref_slice %arg9[%dma_start3A_83, %dma_start3A_86, %dma_start3A_87] : memref<4x128x64xf32, #tpu.memory_space<vmem>> -> memref<1x128x64xf32, #tpu.memory_space<vmem>>
    %dma_start3A_89 = tpu.memref_squeeze %dma_start3A_88 : memref<1x128x64xf32, #tpu.memory_space<vmem>> -> memref<128x64xf32, #tpu.memory_space<vmem>>
    %dma_start3A_90 = arith.constant 0 : i32
    %dma_start3A_91 = tpu.memref_slice %arg8[%dma_start3A_84, %dma_start3A_90] : memref<80x128xi32, #tpu.memory_space<vmem>> -> memref<1x128xi32, #tpu.memory_space<vmem>>
    %dma_start3A_92 = tpu.memref_squeeze %dma_start3A_91 : memref<1x128xi32, #tpu.memory_space<vmem>> -> memref<128xi32, #tpu.memory_space<vmem>>
    %dma_start3A_93 = arith.constant 0 : i32
    %dma_start3A_94 = arith.constant 0 : i32
    %dma_start3A_95 = tpu.memref_slice %arg10[%dma_start3A_93, %dma_start3A_94] : memref<10240x64xf32, #tpu.memory_space<vmem_shared>> -> memref<10240x64xf32, #tpu.memory_space<vmem_shared>>
    %dma_start3A_96 = tpu.memref_slice %arg12[%dma_start3A_85] : memref<4x!tpu.dma_semaphore, #tpu.memory_space<semaphore_mem>> -> memref<1x!tpu.dma_semaphore, #tpu.memory_space<semaphore_mem>>
    %dma_start3A_97 = tpu.memref_squeeze %dma_start3A_96 : memref<1x!tpu.dma_semaphore, #tpu.memory_space<semaphore_mem>> -> memref<!tpu.dma_semaphore, #tpu.memory_space<semaphore_mem>>
    tpu.enqueue_indirect_dma source(%dma_start3A_89 : memref<128x64xf32, #tpu.memory_space<vmem>>) target(%dma_start3A_95 : memref<10240x64xf32, #tpu.memory_space<vmem_shared>>) offsets(%dma_start3A_92 : memref<128xi32, #tpu.memory_space<vmem>>) semaphore(%dma_start3A_97 : memref<!tpu.dma_semaphore, #tpu.memory_space<semaphore_mem>>) {add = true}
    %dma_wait3A_98 = arith.constant 0 : i32
    %dma_wait3A_99 = arith.constant 1 : i32
    %dma_wait3A_100 = arith.constant 1 : i32
    %dma_wait3A_101 = arith.constant 0 : i32
    %dma_wait3A_102 = arith.constant 0 : i32
    %dma_wait3A_103 = tpu.memref_slice %arg9[%dma_wait3A_99, %dma_wait3A_101, %dma_wait3A_102] : memref<4x128x64xf32, #tpu.memory_space<vmem>> -> memref<1x128x64xf32, #tpu.memory_space<vmem>>
    %dma_wait3A_104 = tpu.memref_squeeze %dma_wait3A_103 : memref<1x128x64xf32, #tpu.memory_space<vmem>> -> memref<128x64xf32, #tpu.memory_space<vmem>>
    %dma_wait3A_105 = arith.constant 0 : i32
    %dma_wait3A_106 = tpu.memref_slice %arg7[%dma_wait3A_98, %dma_wait3A_105] : memref<80x128xi32, #tpu.memory_space<vmem>> -> memref<1x128xi32, #tpu.memory_space<vmem>>
    %dma_wait3A_107 = tpu.memref_squeeze %dma_wait3A_106 : memref<1x128xi32, #tpu.memory_space<vmem>> -> memref<128xi32, #tpu.memory_space<vmem>>
    %dma_wait3A_108 = arith.constant 0 : i32
    %dma_wait3A_109 = arith.constant 0 : i32
    %dma_wait3A_110 = tpu.memref_slice %arg2[%dma_wait3A_108, %dma_wait3A_109] : memref<10000x64xf32, #tpu.memory_space<hbm>> -> memref<10000x64xf32, #tpu.memory_space<hbm>>
    %dma_wait3A_111 = tpu.memref_slice %arg11[%dma_wait3A_100] : memref<4x!tpu.dma_semaphore, #tpu.memory_space<semaphore_mem>> -> memref<1x!tpu.dma_semaphore, #tpu.memory_space<semaphore_mem>>
    %dma_wait3A_112 = tpu.memref_squeeze %dma_wait3A_111 : memref<1x!tpu.dma_semaphore, #tpu.memory_space<semaphore_mem>> -> memref<!tpu.dma_semaphore, #tpu.memory_space<semaphore_mem>>
    tpu.wait_indirect_dma semaphore(%dma_wait3A_112 : memref<!tpu.dma_semaphore, #tpu.memory_space<semaphore_mem>>) src(%dma_wait3A_110 : memref<10000x64xf32, #tpu.memory_space<hbm>>) dst(%dma_wait3A_104 : memref<128x64xf32, #tpu.memory_space<vmem>>)
    %dma_start3A_113 = arith.constant 1 : i32
    %dma_start3A_114 = arith.constant 77 : i32
    %dma_start3A_115 = arith.constant 1 : i32
    %dma_start3A_116 = arith.constant 0 : i32
    %dma_start3A_117 = arith.constant 0 : i32
    %dma_start3A_118 = tpu.memref_slice %arg9[%dma_start3A_113, %dma_start3A_116, %dma_start3A_117] : memref<4x128x64xf32, #tpu.memory_space<vmem>> -> memref<1x128x64xf32, #tpu.memory_space<vmem>>
    %dma_start3A_119 = tpu.memref_squeeze %dma_start3A_118 : memref<1x128x64xf32, #tpu.memory_space<vmem>> -> memref<128x64xf32, #tpu.memory_space<vmem>>
    %dma_start3A_120 = arith.constant 0 : i32
    %dma_start3A_121 = tpu.memref_slice %arg8[%dma_start3A_114, %dma_start3A_120] : memref<80x128xi32, #tpu.memory_space<vmem>> -> memref<1x128xi32, #tpu.memory_space<vmem>>
    %dma_start3A_122 = tpu.memref_squeeze %dma_start3A_121 : memref<1x128xi32, #tpu.memory_space<vmem>> -> memref<128xi32, #tpu.memory_space<vmem>>
    %dma_start3A_123 = arith.constant 0 : i32
    %dma_start3A_124 = arith.constant 0 : i32
    %dma_start3A_125 = tpu.memref_slice %arg10[%dma_start3A_123, %dma_start3A_124] : memref<10240x64xf32, #tpu.memory_space<vmem_shared>> -> memref<10240x64xf32, #tpu.memory_space<vmem_shared>>
    %dma_start3A_126 = tpu.memref_slice %arg12[%dma_start3A_115] : memref<4x!tpu.dma_semaphore, #tpu.memory_space<semaphore_mem>> -> memref<1x!tpu.dma_semaphore, #tpu.memory_space<semaphore_mem>>
    %dma_start3A_127 = tpu.memref_squeeze %dma_start3A_126 : memref<1x!tpu.dma_semaphore, #tpu.memory_space<semaphore_mem>> -> memref<!tpu.dma_semaphore, #tpu.memory_space<semaphore_mem>>
    tpu.enqueue_indirect_dma source(%dma_start3A_119 : memref<128x64xf32, #tpu.memory_space<vmem>>) target(%dma_start3A_125 : memref<10240x64xf32, #tpu.memory_space<vmem_shared>>) offsets(%dma_start3A_122 : memref<128xi32, #tpu.memory_space<vmem>>) semaphore(%dma_start3A_127 : memref<!tpu.dma_semaphore, #tpu.memory_space<semaphore_mem>>) {add = true}
    %dma_wait3A_128 = arith.constant 0 : i32
    %dma_wait3A_129 = arith.constant 2 : i32
    %dma_wait3A_130 = arith.constant 2 : i32
    %dma_wait3A_131 = arith.constant 0 : i32
    %dma_wait3A_132 = arith.constant 0 : i32
    %dma_wait3A_133 = tpu.memref_slice %arg9[%dma_wait3A_129, %dma_wait3A_131, %dma_wait3A_132] : memref<4x128x64xf32, #tpu.memory_space<vmem>> -> memref<1x128x64xf32, #tpu.memory_space<vmem>>
    %dma_wait3A_134 = tpu.memref_squeeze %dma_wait3A_133 : memref<1x128x64xf32, #tpu.memory_space<vmem>> -> memref<128x64xf32, #tpu.memory_space<vmem>>
    %dma_wait3A_135 = arith.constant 0 : i32
    %dma_wait3A_136 = tpu.memref_slice %arg7[%dma_wait3A_128, %dma_wait3A_135] : memref<80x128xi32, #tpu.memory_space<vmem>> -> memref<1x128xi32, #tpu.memory_space<vmem>>
    %dma_wait3A_137 = tpu.memref_squeeze %dma_wait3A_136 : memref<1x128xi32, #tpu.memory_space<vmem>> -> memref<128xi32, #tpu.memory_space<vmem>>
    %dma_wait3A_138 = arith.constant 0 : i32
    %dma_wait3A_139 = arith.constant 0 : i32
    %dma_wait3A_140 = tpu.memref_slice %arg2[%dma_wait3A_138, %dma_wait3A_139] : memref<10000x64xf32, #tpu.memory_space<hbm>> -> memref<10000x64xf32, #tpu.memory_space<hbm>>
    %dma_wait3A_141 = tpu.memref_slice %arg11[%dma_wait3A_130] : memref<4x!tpu.dma_semaphore, #tpu.memory_space<semaphore_mem>> -> memref<1x!tpu.dma_semaphore, #tpu.memory_space<semaphore_mem>>
    %dma_wait3A_142 = tpu.memref_squeeze %dma_wait3A_141 : memref<1x!tpu.dma_semaphore, #tpu.memory_space<semaphore_mem>> -> memref<!tpu.dma_semaphore, #tpu.memory_space<semaphore_mem>>
    tpu.wait_indirect_dma semaphore(%dma_wait3A_142 : memref<!tpu.dma_semaphore, #tpu.memory_space<semaphore_mem>>) src(%dma_wait3A_140 : memref<10000x64xf32, #tpu.memory_space<hbm>>) dst(%dma_wait3A_134 : memref<128x64xf32, #tpu.memory_space<vmem>>)
    %dma_start3A_143 = arith.constant 2 : i32
    %dma_start3A_144 = arith.constant 78 : i32
    %dma_start3A_145 = arith.constant 2 : i32
    %dma_start3A_146 = arith.constant 0 : i32
    %dma_start3A_147 = arith.constant 0 : i32
    %dma_start3A_148 = tpu.memref_slice %arg9[%dma_start3A_143, %dma_start3A_146, %dma_start3A_147] : memref<4x128x64xf32, #tpu.memory_space<vmem>> -> memref<1x128x64xf32, #tpu.memory_space<vmem>>
    %dma_start3A_149 = tpu.memref_squeeze %dma_start3A_148 : memref<1x128x64xf32, #tpu.memory_space<vmem>> -> memref<128x64xf32, #tpu.memory_space<vmem>>
    %dma_start3A_150 = arith.constant 0 : i32
    %dma_start3A_151 = tpu.memref_slice %arg8[%dma_start3A_144, %dma_start3A_150] : memref<80x128xi32, #tpu.memory_space<vmem>> -> memref<1x128xi32, #tpu.memory_space<vmem>>
    %dma_start3A_152 = tpu.memref_squeeze %dma_start3A_151 : memref<1x128xi32, #tpu.memory_space<vmem>> -> memref<128xi32, #tpu.memory_space<vmem>>
    %dma_start3A_153 = arith.constant 0 : i32
    %dma_start3A_154 = arith.constant 0 : i32
    %dma_start3A_155 = tpu.memref_slice %arg10[%dma_start3A_153, %dma_start3A_154] : memref<10240x64xf32, #tpu.memory_space<vmem_shared>> -> memref<10240x64xf32, #tpu.memory_space<vmem_shared>>
    %dma_start3A_156 = tpu.memref_slice %arg12[%dma_start3A_145] : memref<4x!tpu.dma_semaphore, #tpu.memory_space<semaphore_mem>> -> memref<1x!tpu.dma_semaphore, #tpu.memory_space<semaphore_mem>>
    %dma_start3A_157 = tpu.memref_squeeze %dma_start3A_156 : memref<1x!tpu.dma_semaphore, #tpu.memory_space<semaphore_mem>> -> memref<!tpu.dma_semaphore, #tpu.memory_space<semaphore_mem>>
    tpu.enqueue_indirect_dma source(%dma_start3A_149 : memref<128x64xf32, #tpu.memory_space<vmem>>) target(%dma_start3A_155 : memref<10240x64xf32, #tpu.memory_space<vmem_shared>>) offsets(%dma_start3A_152 : memref<128xi32, #tpu.memory_space<vmem>>) semaphore(%dma_start3A_157 : memref<!tpu.dma_semaphore, #tpu.memory_space<semaphore_mem>>) {add = true}
    %dma_wait3A_158 = arith.constant 0 : i32
    %dma_wait3A_159 = arith.constant 3 : i32
    %dma_wait3A_160 = arith.constant 3 : i32
    %dma_wait3A_161 = arith.constant 0 : i32
    %dma_wait3A_162 = arith.constant 0 : i32
    %dma_wait3A_163 = tpu.memref_slice %arg9[%dma_wait3A_159, %dma_wait3A_161, %dma_wait3A_162] : memref<4x128x64xf32, #tpu.memory_space<vmem>> -> memref<1x128x64xf32, #tpu.memory_space<vmem>>
    %dma_wait3A_164 = tpu.memref_squeeze %dma_wait3A_163 : memref<1x128x64xf32, #tpu.memory_space<vmem>> -> memref<128x64xf32, #tpu.memory_space<vmem>>
    %dma_wait3A_165 = arith.constant 0 : i32
    %dma_wait3A_166 = tpu.memref_slice %arg7[%dma_wait3A_158, %dma_wait3A_165] : memref<80x128xi32, #tpu.memory_space<vmem>> -> memref<1x128xi32, #tpu.memory_space<vmem>>
    %dma_wait3A_167 = tpu.memref_squeeze %dma_wait3A_166 : memref<1x128xi32, #tpu.memory_space<vmem>> -> memref<128xi32, #tpu.memory_space<vmem>>
    %dma_wait3A_168 = arith.constant 0 : i32
    %dma_wait3A_169 = arith.constant 0 : i32
    %dma_wait3A_170 = tpu.memref_slice %arg2[%dma_wait3A_168, %dma_wait3A_169] : memref<10000x64xf32, #tpu.memory_space<hbm>> -> memref<10000x64xf32, #tpu.memory_space<hbm>>
    %dma_wait3A_171 = tpu.memref_slice %arg11[%dma_wait3A_160] : memref<4x!tpu.dma_semaphore, #tpu.memory_space<semaphore_mem>> -> memref<1x!tpu.dma_semaphore, #tpu.memory_space<semaphore_mem>>
    %dma_wait3A_172 = tpu.memref_squeeze %dma_wait3A_171 : memref<1x!tpu.dma_semaphore, #tpu.memory_space<semaphore_mem>> -> memref<!tpu.dma_semaphore, #tpu.memory_space<semaphore_mem>>
    tpu.wait_indirect_dma semaphore(%dma_wait3A_172 : memref<!tpu.dma_semaphore, #tpu.memory_space<semaphore_mem>>) src(%dma_wait3A_170 : memref<10000x64xf32, #tpu.memory_space<hbm>>) dst(%dma_wait3A_164 : memref<128x64xf32, #tpu.memory_space<vmem>>)
    %dma_start3A_173 = arith.constant 3 : i32
    %dma_start3A_174 = arith.constant 79 : i32
    %dma_start3A_175 = arith.constant 3 : i32
    %dma_start3A_176 = arith.constant 0 : i32
    %dma_start3A_177 = arith.constant 0 : i32
    %dma_start3A_178 = tpu.memref_slice %arg9[%dma_start3A_173, %dma_start3A_176, %dma_start3A_177] : memref<4x128x64xf32, #tpu.memory_space<vmem>> -> memref<1x128x64xf32, #tpu.memory_space<vmem>>
    %dma_start3A_179 = tpu.memref_squeeze %dma_start3A_178 : memref<1x128x64xf32, #tpu.memory_space<vmem>> -> memref<128x64xf32, #tpu.memory_space<vmem>>
    %dma_start3A_180 = arith.constant 0 : i32
    %dma_start3A_181 = tpu.memref_slice %arg8[%dma_start3A_174, %dma_start3A_180] : memref<80x128xi32, #tpu.memory_space<vmem>> -> memref<1x128xi32, #tpu.memory_space<vmem>>
    %dma_start3A_182 = tpu.memref_squeeze %dma_start3A_181 : memref<1x128xi32, #tpu.memory_space<vmem>> -> memref<128xi32, #tpu.memory_space<vmem>>
    %dma_start3A_183 = arith.constant 0 : i32
    %dma_start3A_184 = arith.constant 0 : i32
    %dma_start3A_185 = tpu.memref_slice %arg10[%dma_start3A_183, %dma_start3A_184] : memref<10240x64xf32, #tpu.memory_space<vmem_shared>> -> memref<10240x64xf32, #tpu.memory_space<vmem_shared>>
    %dma_start3A_186 = tpu.memref_slice %arg12[%dma_start3A_175] : memref<4x!tpu.dma_semaphore, #tpu.memory_space<semaphore_mem>> -> memref<1x!tpu.dma_semaphore, #tpu.memory_space<semaphore_mem>>
    %dma_start3A_187 = tpu.memref_squeeze %dma_start3A_186 : memref<1x!tpu.dma_semaphore, #tpu.memory_space<semaphore_mem>> -> memref<!tpu.dma_semaphore, #tpu.memory_space<semaphore_mem>>
    tpu.enqueue_indirect_dma source(%dma_start3A_179 : memref<128x64xf32, #tpu.memory_space<vmem>>) target(%dma_start3A_185 : memref<10240x64xf32, #tpu.memory_space<vmem_shared>>) offsets(%dma_start3A_182 : memref<128xi32, #tpu.memory_space<vmem>>) semaphore(%dma_start3A_187 : memref<!tpu.dma_semaphore, #tpu.memory_space<semaphore_mem>>) {add = true}
    %dma_wait3A_188 = arith.constant 0 : i32
    %dma_wait3A_189 = arith.constant 0 : i32
    %dma_wait3A_190 = arith.constant 0 : i32
    %dma_wait3A_191 = arith.constant 0 : i32
    %dma_wait3A_192 = arith.constant 0 : i32
    %dma_wait3A_193 = tpu.memref_slice %arg9[%dma_wait3A_188, %dma_wait3A_191, %dma_wait3A_192] : memref<4x128x64xf32, #tpu.memory_space<vmem>> -> memref<1x128x64xf32, #tpu.memory_space<vmem>>
    %dma_wait3A_194 = tpu.memref_squeeze %dma_wait3A_193 : memref<1x128x64xf32, #tpu.memory_space<vmem>> -> memref<128x64xf32, #tpu.memory_space<vmem>>
    %dma_wait3A_195 = arith.constant 0 : i32
    %dma_wait3A_196 = tpu.memref_slice %arg8[%dma_wait3A_189, %dma_wait3A_195] : memref<80x128xi32, #tpu.memory_space<vmem>> -> memref<1x128xi32, #tpu.memory_space<vmem>>
    %dma_wait3A_197 = tpu.memref_squeeze %dma_wait3A_196 : memref<1x128xi32, #tpu.memory_space<vmem>> -> memref<128xi32, #tpu.memory_space<vmem>>
    %dma_wait3A_198 = arith.constant 0 : i32
    %dma_wait3A_199 = arith.constant 0 : i32
    %dma_wait3A_200 = tpu.memref_slice %arg10[%dma_wait3A_198, %dma_wait3A_199] : memref<10240x64xf32, #tpu.memory_space<vmem_shared>> -> memref<10240x64xf32, #tpu.memory_space<vmem_shared>>
    %dma_wait3A_201 = tpu.memref_slice %arg12[%dma_wait3A_190] : memref<4x!tpu.dma_semaphore, #tpu.memory_space<semaphore_mem>> -> memref<1x!tpu.dma_semaphore, #tpu.memory_space<semaphore_mem>>
    %dma_wait3A_202 = tpu.memref_squeeze %dma_wait3A_201 : memref<1x!tpu.dma_semaphore, #tpu.memory_space<semaphore_mem>> -> memref<!tpu.dma_semaphore, #tpu.memory_space<semaphore_mem>>
    tpu.wait_indirect_dma semaphore(%dma_wait3A_202 : memref<!tpu.dma_semaphore, #tpu.memory_space<semaphore_mem>>) src(%dma_wait3A_194 : memref<128x64xf32, #tpu.memory_space<vmem>>) dst(%dma_wait3A_200 : memref<10240x64xf32, #tpu.memory_space<vmem_shared>>)
    %dma_wait3A_203 = arith.constant 1 : i32
    %dma_wait3A_204 = arith.constant 0 : i32
    %dma_wait3A_205 = arith.constant 1 : i32
    %dma_wait3A_206 = arith.constant 0 : i32
    %dma_wait3A_207 = arith.constant 0 : i32
    %dma_wait3A_208 = tpu.memref_slice %arg9[%dma_wait3A_203, %dma_wait3A_206, %dma_wait3A_207] : memref<4x128x64xf32, #tpu.memory_space<vmem>> -> memref<1x128x64xf32, #tpu.memory_space<vmem>>
    %dma_wait3A_209 = tpu.memref_squeeze %dma_wait3A_208 : memref<1x128x64xf32, #tpu.memory_space<vmem>> -> memref<128x64xf32, #tpu.memory_space<vmem>>
    %dma_wait3A_210 = arith.constant 0 : i32
    %dma_wait3A_211 = tpu.memref_slice %arg8[%dma_wait3A_204, %dma_wait3A_210] : memref<80x128xi32, #tpu.memory_space<vmem>> -> memref<1x128xi32, #tpu.memory_space<vmem>>
    %dma_wait3A_212 = tpu.memref_squeeze %dma_wait3A_211 : memref<1x128xi32, #tpu.memory_space<vmem>> -> memref<128xi32, #tpu.memory_space<vmem>>
    %dma_wait3A_213 = arith.constant 0 : i32
    %dma_wait3A_214 = arith.constant 0 : i32
    %dma_wait3A_215 = tpu.memref_slice %arg10[%dma_wait3A_213, %dma_wait3A_214] : memref<10240x64xf32, #tpu.memory_space<vmem_shared>> -> memref<10240x64xf32, #tpu.memory_space<vmem_shared>>
    %dma_wait3A_216 = tpu.memref_slice %arg12[%dma_wait3A_205] : memref<4x!tpu.dma_semaphore, #tpu.memory_space<semaphore_mem>> -> memref<1x!tpu.dma_semaphore, #tpu.memory_space<semaphore_mem>>
    %dma_wait3A_217 = tpu.memref_squeeze %dma_wait3A_216 : memref<1x!tpu.dma_semaphore, #tpu.memory_space<semaphore_mem>> -> memref<!tpu.dma_semaphore, #tpu.memory_space<semaphore_mem>>
    tpu.wait_indirect_dma semaphore(%dma_wait3A_217 : memref<!tpu.dma_semaphore, #tpu.memory_space<semaphore_mem>>) src(%dma_wait3A_209 : memref<128x64xf32, #tpu.memory_space<vmem>>) dst(%dma_wait3A_215 : memref<10240x64xf32, #tpu.memory_space<vmem_shared>>)
    %dma_wait3A_218 = arith.constant 2 : i32
    %dma_wait3A_219 = arith.constant 0 : i32
    %dma_wait3A_220 = arith.constant 2 : i32
    %dma_wait3A_221 = arith.constant 0 : i32
    %dma_wait3A_222 = arith.constant 0 : i32
    %dma_wait3A_223 = tpu.memref_slice %arg9[%dma_wait3A_218, %dma_wait3A_221, %dma_wait3A_222] : memref<4x128x64xf32, #tpu.memory_space<vmem>> -> memref<1x128x64xf32, #tpu.memory_space<vmem>>
    %dma_wait3A_224 = tpu.memref_squeeze %dma_wait3A_223 : memref<1x128x64xf32, #tpu.memory_space<vmem>> -> memref<128x64xf32, #tpu.memory_space<vmem>>
    %dma_wait3A_225 = arith.constant 0 : i32
    %dma_wait3A_226 = tpu.memref_slice %arg8[%dma_wait3A_219, %dma_wait3A_225] : memref<80x128xi32, #tpu.memory_space<vmem>> -> memref<1x128xi32, #tpu.memory_space<vmem>>
    %dma_wait3A_227 = tpu.memref_squeeze %dma_wait3A_226 : memref<1x128xi32, #tpu.memory_space<vmem>> -> memref<128xi32, #tpu.memory_space<vmem>>
    %dma_wait3A_228 = arith.constant 0 : i32
    %dma_wait3A_229 = arith.constant 0 : i32
    %dma_wait3A_230 = tpu.memref_slice %arg10[%dma_wait3A_228, %dma_wait3A_229] : memref<10240x64xf32, #tpu.memory_space<vmem_shared>> -> memref<10240x64xf32, #tpu.memory_space<vmem_shared>>
    %dma_wait3A_231 = tpu.memref_slice %arg12[%dma_wait3A_220] : memref<4x!tpu.dma_semaphore, #tpu.memory_space<semaphore_mem>> -> memref<1x!tpu.dma_semaphore, #tpu.memory_space<semaphore_mem>>
    %dma_wait3A_232 = tpu.memref_squeeze %dma_wait3A_231 : memref<1x!tpu.dma_semaphore, #tpu.memory_space<semaphore_mem>> -> memref<!tpu.dma_semaphore, #tpu.memory_space<semaphore_mem>>
    tpu.wait_indirect_dma semaphore(%dma_wait3A_232 : memref<!tpu.dma_semaphore, #tpu.memory_space<semaphore_mem>>) src(%dma_wait3A_224 : memref<128x64xf32, #tpu.memory_space<vmem>>) dst(%dma_wait3A_230 : memref<10240x64xf32, #tpu.memory_space<vmem_shared>>)
    %dma_wait3A_233 = arith.constant 3 : i32
    %dma_wait3A_234 = arith.constant 0 : i32
    %dma_wait3A_235 = arith.constant 3 : i32
    %dma_wait3A_236 = arith.constant 0 : i32
    %dma_wait3A_237 = arith.constant 0 : i32
    %dma_wait3A_238 = tpu.memref_slice %arg9[%dma_wait3A_233, %dma_wait3A_236, %dma_wait3A_237] : memref<4x128x64xf32, #tpu.memory_space<vmem>> -> memref<1x128x64xf32, #tpu.memory_space<vmem>>
    %dma_wait3A_239 = tpu.memref_squeeze %dma_wait3A_238 : memref<1x128x64xf32, #tpu.memory_space<vmem>> -> memref<128x64xf32, #tpu.memory_space<vmem>>
    %dma_wait3A_240 = arith.constant 0 : i32
    %dma_wait3A_241 = tpu.memref_slice %arg8[%dma_wait3A_234, %dma_wait3A_240] : memref<80x128xi32, #tpu.memory_space<vmem>> -> memref<1x128xi32, #tpu.memory_space<vmem>>
    %dma_wait3A_242 = tpu.memref_squeeze %dma_wait3A_241 : memref<1x128xi32, #tpu.memory_space<vmem>> -> memref<128xi32, #tpu.memory_space<vmem>>
    %dma_wait3A_243 = arith.constant 0 : i32
    %dma_wait3A_244 = arith.constant 0 : i32
    %dma_wait3A_245 = tpu.memref_slice %arg10[%dma_wait3A_243, %dma_wait3A_244] : memref<10240x64xf32, #tpu.memory_space<vmem_shared>> -> memref<10240x64xf32, #tpu.memory_space<vmem_shared>>
    %dma_wait3A_246 = tpu.memref_slice %arg12[%dma_wait3A_235] : memref<4x!tpu.dma_semaphore, #tpu.memory_space<semaphore_mem>> -> memref<1x!tpu.dma_semaphore, #tpu.memory_space<semaphore_mem>>
    %dma_wait3A_247 = tpu.memref_squeeze %dma_wait3A_246 : memref<1x!tpu.dma_semaphore, #tpu.memory_space<semaphore_mem>> -> memref<!tpu.dma_semaphore, #tpu.memory_space<semaphore_mem>>
    tpu.wait_indirect_dma semaphore(%dma_wait3A_247 : memref<!tpu.dma_semaphore, #tpu.memory_space<semaphore_mem>>) src(%dma_wait3A_239 : memref<128x64xf32, #tpu.memory_space<vmem>>) dst(%dma_wait3A_245 : memref<10240x64xf32, #tpu.memory_space<vmem_shared>>)
    %barrier3A_248 = arith.constant 0 : index
    tpu.barrier barrier_id(%barrier3A_248)
    %mul3A_249 = arith.constant 640 : i32
    %mul3A_250 = arith.muli %arg1, %mul3A_249 : i32
    %mul3A_251 = arith.constant 640 : i32
    %mul3A_252 = arith.muli %arg1, %mul3A_251 : i32
    "tpu.region"() ({
      %run_scoped3A = tpu.sem_alloc : memref<!tpu.dma_semaphore, #tpu.memory_space<semaphore_mem>>
      %dma_start3A_253 = arith.constant 0 : i32
      %dma_start3A_254 = arith.constant 0 : i32
      %dma_start3A_255 = tpu.memref_slice %arg6[%arg0, %dma_start3A_253, %dma_start3A_254] : memref<2x10240x64xf32, #tpu.memory_space<hbm>> -> memref<1x10240x64xf32, #tpu.memory_space<hbm>>
      %dma_start3A_256 = tpu.memref_squeeze %dma_start3A_255 : memref<1x10240x64xf32, #tpu.memory_space<hbm>> -> memref<10240x64xf32, #tpu.memory_space<hbm>>
      %dma_start3A_257 = arith.constant 0 : i32
      %dma_start3A_258 = tpu.memref_slice %dma_start3A_256[%mul3A_252, %dma_start3A_257] : memref<10240x64xf32, #tpu.memory_space<hbm>> -> memref<640x64xf32, #tpu.memory_space<hbm>>
      %dma_start3A_259 = arith.constant 0 : i32
      %dma_start3A_260 = tpu.memref_slice %arg10[%mul3A_250, %dma_start3A_259] : memref<10240x64xf32, #tpu.memory_space<vmem_shared>> -> memref<640x64xf32, #tpu.memory_space<vmem_shared>>
      tpu.enqueue_dma source(%dma_start3A_260 : memref<640x64xf32, #tpu.memory_space<vmem_shared>>) target(%dma_start3A_258 : memref<640x64xf32, #tpu.memory_space<hbm>>) target_semaphore(%run_scoped3A : memref<!tpu.dma_semaphore, #tpu.memory_space<semaphore_mem>>)
      %dma_wait3A_261 = arith.constant 0 : i32
      %dma_wait3A_262 = arith.constant 0 : i32
      %dma_wait3A_263 = tpu.memref_slice %arg6[%arg0, %dma_wait3A_261, %dma_wait3A_262] : memref<2x10240x64xf32, #tpu.memory_space<hbm>> -> memref<1x10240x64xf32, #tpu.memory_space<hbm>>
      %dma_wait3A_264 = tpu.memref_squeeze %dma_wait3A_263 : memref<1x10240x64xf32, #tpu.memory_space<hbm>> -> memref<10240x64xf32, #tpu.memory_space<hbm>>
      %dma_wait3A_265 = arith.constant 0 : i32
      %dma_wait3A_266 = tpu.memref_slice %dma_wait3A_264[%mul3A_252, %dma_wait3A_265] : memref<10240x64xf32, #tpu.memory_space<hbm>> -> memref<640x64xf32, #tpu.memory_space<hbm>>
      %dma_wait3A_267 = arith.constant 0 : i32
      %dma_wait3A_268 = tpu.memref_slice %arg10[%mul3A_250, %dma_wait3A_267] : memref<10240x64xf32, #tpu.memory_space<vmem_shared>> -> memref<640x64xf32, #tpu.memory_space<vmem_shared>>
      tpu.wait_dma2 semaphore(%run_scoped3A : memref<!tpu.dma_semaphore, #tpu.memory_space<semaphore_mem>>) src(%dma_wait3A_268 : memref<640x64xf32, #tpu.memory_space<vmem_shared>>) dst(%dma_wait3A_266 : memref<640x64xf32, #tpu.memory_space<hbm>>)
      tpu.yield
    }) : () -> ()
    return
  }
}

#map = affine_map<(d0, d1) -> (0, 0)>
#map1 = affine_map<(d0, d1) -> (0, 0, 0)>
module attributes {stable_mosaic.version = 14 : i64} {
  func.func @_sc_aggregate(%arg0: i32, %arg1: i32, %arg2: memref<10000x64xf32, #tpu.memory_space<hbm>>, %arg3: memref<32x80x128xi32, #tpu.memory_space<hbm>>, %arg4: memref<32x80x128xi32, #tpu.memory_space<hbm>>, %arg5: memref<10240x64xf32, #tpu.memory_space<hbm>>, %arg6: memref<2x10240x64xf32, #tpu.memory_space<hbm>>, %arg7: memref<80x128xi32, #tpu.memory_space<vmem>>, %arg8: memref<80x128xi32, #tpu.memory_space<vmem>>, %arg9: memref<4x128x64xf32, #tpu.memory_space<vmem>>, %arg10: memref<10240x64xf32, #tpu.memory_space<vmem_shared>>, %arg11: memref<4x!tpu.dma_semaphore, #tpu.memory_space<semaphore_mem>>, %arg12: memref<4x!tpu.dma_semaphore, #tpu.memory_space<semaphore_mem>>) attributes {dimension_semantics = [#tpu.dimension_semantics<core_parallel>, #tpu.dimension_semantics<subcore_parallel>], iteration_bounds = array<i64: 2, 16>, scalar_prefetch = 0 : i64, scratch_operands = 6 : i64, tpu.core_type = #tpu.core_type<sc_vector_subcore>, window_params = [{transform_indices = #map}, {transform_indices = #map1}, {transform_indices = #map1}, {transform_indices = #map}, {transform_indices = #map1}]} {
    %mul3A = arith.constant 16 : i32
    %mul3A_0 = arith.muli %arg0, %mul3A : i32
    %add3A = arith.addi %mul3A_0, %arg1 : i32
    "tpu.region"() ({
      %run_scoped3A = tpu.sem_alloc : memref<!tpu.dma_semaphore, #tpu.memory_space<semaphore_mem>>
      %dma_start3A_253 = arith.constant 0 : i32
      %dma_start3A_254 = arith.constant 0 : i32
      %dma_start3A_255 = tpu.memref_slice %arg3[%add3A, %dma_start3A_253, %dma_start3A_254] : memref<32x80x128xi32, #tpu.memory_space<hbm>> -> memref<1x80x128xi32, #tpu.memory_space<hbm>>
      %dma_start3A_256 = tpu.memref_squeeze %dma_start3A_255 : memref<1x80x128xi32, #tpu.memory_space<hbm>> -> memref<80x128xi32, #tpu.memory_space<hbm>>
      %dma_start3A_257 = arith.constant 0 : i32
      %dma_start3A_258 = arith.constant 0 : i32
      %dma_start3A_259 = tpu.memref_slice %arg3[%add3A, %dma_start3A_257, %dma_start3A_258] : memref<32x80x128xi32, #tpu.memory_space<hbm>> -> memref<1x80x128xi32, #tpu.memory_space<hbm>>
      %dma_start3A_260 = tpu.memref_squeeze %dma_start3A_259 : memref<1x80x128xi32, #tpu.memory_space<hbm>> -> memref<80x128xi32, #tpu.memory_space<hbm>>
      tpu.enqueue_dma source(%dma_start3A_260 : memref<80x128xi32, #tpu.memory_space<hbm>>) target(%arg7 : memref<80x128xi32, #tpu.memory_space<vmem>>) target_semaphore(%run_scoped3A : memref<!tpu.dma_semaphore, #tpu.memory_space<semaphore_mem>>)
      %dma_wait3A_261 = arith.constant 0 : i32
      %dma_wait3A_262 = arith.constant 0 : i32
      %dma_wait3A_263 = tpu.memref_slice %arg3[%add3A, %dma_wait3A_261, %dma_wait3A_262] : memref<32x80x128xi32, #tpu.memory_space<hbm>> -> memref<1x80x128xi32, #tpu.memory_space<hbm>>
      %dma_wait3A_264 = tpu.memref_squeeze %dma_wait3A_263 : memref<1x80x128xi32, #tpu.memory_space<hbm>> -> memref<80x128xi32, #tpu.memory_space<hbm>>
      %dma_wait3A_265 = arith.constant 0 : i32
      %dma_wait3A_266 = arith.constant 0 : i32
      %dma_wait3A_267 = tpu.memref_slice %arg3[%add3A, %dma_wait3A_265, %dma_wait3A_266] : memref<32x80x128xi32, #tpu.memory_space<hbm>> -> memref<1x80x128xi32, #tpu.memory_space<hbm>>
      %dma_wait3A_268 = tpu.memref_squeeze %dma_wait3A_267 : memref<1x80x128xi32, #tpu.memory_space<hbm>> -> memref<80x128xi32, #tpu.memory_space<hbm>>
      tpu.wait_dma2 semaphore(%run_scoped3A : memref<!tpu.dma_semaphore, #tpu.memory_space<semaphore_mem>>) src(%dma_wait3A_268 : memref<80x128xi32, #tpu.memory_space<hbm>>) dst(%arg7 : memref<80x128xi32, #tpu.memory_space<vmem>>)
      tpu.yield
    }) : () -> ()
    "tpu.region"() ({
      %run_scoped3A = tpu.sem_alloc : memref<!tpu.dma_semaphore, #tpu.memory_space<semaphore_mem>>
      %dma_start3A_253 = arith.constant 0 : i32
      %dma_start3A_254 = arith.constant 0 : i32
      %dma_start3A_255 = tpu.memref_slice %arg4[%add3A, %dma_start3A_253, %dma_start3A_254] : memref<32x80x128xi32, #tpu.memory_space<hbm>> -> memref<1x80x128xi32, #tpu.memory_space<hbm>>
      %dma_start3A_256 = tpu.memref_squeeze %dma_start3A_255 : memref<1x80x128xi32, #tpu.memory_space<hbm>> -> memref<80x128xi32, #tpu.memory_space<hbm>>
      %dma_start3A_257 = arith.constant 0 : i32
      %dma_start3A_258 = arith.constant 0 : i32
      %dma_start3A_259 = tpu.memref_slice %arg4[%add3A, %dma_start3A_257, %dma_start3A_258] : memref<32x80x128xi32, #tpu.memory_space<hbm>> -> memref<1x80x128xi32, #tpu.memory_space<hbm>>
      %dma_start3A_260 = tpu.memref_squeeze %dma_start3A_259 : memref<1x80x128xi32, #tpu.memory_space<hbm>> -> memref<80x128xi32, #tpu.memory_space<hbm>>
      tpu.enqueue_dma source(%dma_start3A_260 : memref<80x128xi32, #tpu.memory_space<hbm>>) target(%arg8 : memref<80x128xi32, #tpu.memory_space<vmem>>) target_semaphore(%run_scoped3A : memref<!tpu.dma_semaphore, #tpu.memory_space<semaphore_mem>>)
      %dma_wait3A_261 = arith.constant 0 : i32
      %dma_wait3A_262 = arith.constant 0 : i32
      %dma_wait3A_263 = tpu.memref_slice %arg4[%add3A, %dma_wait3A_261, %dma_wait3A_262] : memref<32x80x128xi32, #tpu.memory_space<hbm>> -> memref<1x80x128xi32, #tpu.memory_space<hbm>>
      %dma_wait3A_264 = tpu.memref_squeeze %dma_wait3A_263 : memref<1x80x128xi32, #tpu.memory_space<hbm>> -> memref<80x128xi32, #tpu.memory_space<hbm>>
      %dma_wait3A_265 = arith.constant 0 : i32
      %dma_wait3A_266 = arith.constant 0 : i32
      %dma_wait3A_267 = tpu.memref_slice %arg4[%add3A, %dma_wait3A_265, %dma_wait3A_266] : memref<32x80x128xi32, #tpu.memory_space<hbm>> -> memref<1x80x128xi32, #tpu.memory_space<hbm>>
      %dma_wait3A_268 = tpu.memref_squeeze %dma_wait3A_267 : memref<1x80x128xi32, #tpu.memory_space<hbm>> -> memref<80x128xi32, #tpu.memory_space<hbm>>
      tpu.wait_dma2 semaphore(%run_scoped3A : memref<!tpu.dma_semaphore, #tpu.memory_space<semaphore_mem>>) src(%dma_wait3A_268 : memref<80x128xi32, #tpu.memory_space<hbm>>) dst(%arg8 : memref<80x128xi32, #tpu.memory_space<vmem>>)
      tpu.yield
    }) : () -> ()
    %mul3A_1 = arith.constant 640 : i32
    %mul3A_2 = arith.muli %arg1, %mul3A_1 : i32
    %mul3A_3 = arith.constant 640 : i32
    %mul3A_4 = arith.muli %arg1, %mul3A_3 : i32
    "tpu.region"() ({
      %run_scoped3A = tpu.sem_alloc : memref<!tpu.dma_semaphore, #tpu.memory_space<semaphore_mem>>
      %dma_start3A_253 = arith.constant 0 : i32
      %dma_start3A_254 = tpu.memref_slice %arg10[%mul3A_4, %dma_start3A_253] : memref<10240x64xf32, #tpu.memory_space<vmem_shared>> -> memref<640x64xf32, #tpu.memory_space<vmem_shared>>
      %dma_start3A_255 = arith.constant 0 : i32
      %dma_start3A_256 = tpu.memref_slice %arg5[%mul3A_2, %dma_start3A_255] : memref<10240x64xf32, #tpu.memory_space<hbm>> -> memref<640x64xf32, #tpu.memory_space<hbm>>
      tpu.enqueue_dma source(%dma_start3A_256 : memref<640x64xf32, #tpu.memory_space<hbm>>) target(%dma_start3A_254 : memref<640x64xf32, #tpu.memory_space<vmem_shared>>) target_semaphore(%run_scoped3A : memref<!tpu.dma_semaphore, #tpu.memory_space<semaphore_mem>>)
      %dma_wait3A_257 = arith.constant 0 : i32
      %dma_wait3A_258 = tpu.memref_slice %arg10[%mul3A_4, %dma_wait3A_257] : memref<10240x64xf32, #tpu.memory_space<vmem_shared>> -> memref<640x64xf32, #tpu.memory_space<vmem_shared>>
      %dma_wait3A_259 = arith.constant 0 : i32
      %dma_wait3A_260 = tpu.memref_slice %arg5[%mul3A_2, %dma_wait3A_259] : memref<10240x64xf32, #tpu.memory_space<hbm>> -> memref<640x64xf32, #tpu.memory_space<hbm>>
      tpu.wait_dma2 semaphore(%run_scoped3A : memref<!tpu.dma_semaphore, #tpu.memory_space<semaphore_mem>>) src(%dma_wait3A_260 : memref<640x64xf32, #tpu.memory_space<hbm>>) dst(%dma_wait3A_258 : memref<640x64xf32, #tpu.memory_space<vmem_shared>>)
      tpu.yield
    }) : () -> ()
    %barrier3A = arith.constant 0 : index
    tpu.barrier barrier_id(%barrier3A)
    %dma_start3A = arith.constant 0 : i32
    %dma_start3A_5 = arith.constant 0 : i32
    %dma_start3A_6 = arith.constant 0 : i32
    %dma_start3A_7 = arith.constant 0 : i32
    %dma_start3A_8 = arith.constant 0 : i32
    %dma_start3A_9 = tpu.memref_slice %arg9[%dma_start3A_5, %dma_start3A_7, %dma_start3A_8] : memref<4x128x64xf32, #tpu.memory_space<vmem>> -> memref<1x128x64xf32, #tpu.memory_space<vmem>>
    %dma_start3A_10 = tpu.memref_squeeze %dma_start3A_9 : memref<1x128x64xf32, #tpu.memory_space<vmem>> -> memref<128x64xf32, #tpu.memory_space<vmem>>
    %dma_start3A_11 = arith.constant 0 : i32
    %dma_start3A_12 = tpu.memref_slice %arg7[%dma_start3A, %dma_start3A_11] : memref<80x128xi32, #tpu.memory_space<vmem>> -> memref<1x128xi32, #tpu.memory_space<vmem>>
    %dma_start3A_13 = tpu.memref_squeeze %dma_start3A_12 : memref<1x128xi32, #tpu.memory_space<vmem>> -> memref<128xi32, #tpu.memory_space<vmem>>
    %dma_start3A_14 = arith.constant 0 : i32
    %dma_start3A_15 = arith.constant 0 : i32
    %dma_start3A_16 = tpu.memref_slice %arg2[%dma_start3A_14, %dma_start3A_15] : memref<10000x64xf32, #tpu.memory_space<hbm>> -> memref<10000x64xf32, #tpu.memory_space<hbm>>
    %dma_start3A_17 = tpu.memref_slice %arg11[%dma_start3A_6] : memref<4x!tpu.dma_semaphore, #tpu.memory_space<semaphore_mem>> -> memref<1x!tpu.dma_semaphore, #tpu.memory_space<semaphore_mem>>
    %dma_start3A_18 = tpu.memref_squeeze %dma_start3A_17 : memref<1x!tpu.dma_semaphore, #tpu.memory_space<semaphore_mem>> -> memref<!tpu.dma_semaphore, #tpu.memory_space<semaphore_mem>>
    tpu.enqueue_indirect_dma source(%dma_start3A_16 : memref<10000x64xf32, #tpu.memory_space<hbm>>) target(%dma_start3A_10 : memref<128x64xf32, #tpu.memory_space<vmem>>) offsets(%dma_start3A_13 : memref<128xi32, #tpu.memory_space<vmem>>) semaphore(%dma_start3A_18 : memref<!tpu.dma_semaphore, #tpu.memory_space<semaphore_mem>>)
    %dma_start3A_19 = arith.constant 1 : i32
    %dma_start3A_20 = arith.constant 1 : i32
    %dma_start3A_21 = arith.constant 1 : i32
    %dma_start3A_22 = arith.constant 0 : i32
    %dma_start3A_23 = arith.constant 0 : i32
    %dma_start3A_24 = tpu.memref_slice %arg9[%dma_start3A_20, %dma_start3A_22, %dma_start3A_23] : memref<4x128x64xf32, #tpu.memory_space<vmem>> -> memref<1x128x64xf32, #tpu.memory_space<vmem>>
    %dma_start3A_25 = tpu.memref_squeeze %dma_start3A_24 : memref<1x128x64xf32, #tpu.memory_space<vmem>> -> memref<128x64xf32, #tpu.memory_space<vmem>>
    %dma_start3A_26 = arith.constant 0 : i32
    %dma_start3A_27 = tpu.memref_slice %arg7[%dma_start3A_19, %dma_start3A_26] : memref<80x128xi32, #tpu.memory_space<vmem>> -> memref<1x128xi32, #tpu.memory_space<vmem>>
    %dma_start3A_28 = tpu.memref_squeeze %dma_start3A_27 : memref<1x128xi32, #tpu.memory_space<vmem>> -> memref<128xi32, #tpu.memory_space<vmem>>
    %dma_start3A_29 = arith.constant 0 : i32
    %dma_start3A_30 = arith.constant 0 : i32
    %dma_start3A_31 = tpu.memref_slice %arg2[%dma_start3A_29, %dma_start3A_30] : memref<10000x64xf32, #tpu.memory_space<hbm>> -> memref<10000x64xf32, #tpu.memory_space<hbm>>
    %dma_start3A_32 = tpu.memref_slice %arg11[%dma_start3A_21] : memref<4x!tpu.dma_semaphore, #tpu.memory_space<semaphore_mem>> -> memref<1x!tpu.dma_semaphore, #tpu.memory_space<semaphore_mem>>
    %dma_start3A_33 = tpu.memref_squeeze %dma_start3A_32 : memref<1x!tpu.dma_semaphore, #tpu.memory_space<semaphore_mem>> -> memref<!tpu.dma_semaphore, #tpu.memory_space<semaphore_mem>>
    tpu.enqueue_indirect_dma source(%dma_start3A_31 : memref<10000x64xf32, #tpu.memory_space<hbm>>) target(%dma_start3A_25 : memref<128x64xf32, #tpu.memory_space<vmem>>) offsets(%dma_start3A_28 : memref<128xi32, #tpu.memory_space<vmem>>) semaphore(%dma_start3A_33 : memref<!tpu.dma_semaphore, #tpu.memory_space<semaphore_mem>>)
    %dma_start3A_34 = arith.constant 2 : i32
    %dma_start3A_35 = arith.constant 2 : i32
    %dma_start3A_36 = arith.constant 2 : i32
    %dma_start3A_37 = arith.constant 0 : i32
    %dma_start3A_38 = arith.constant 0 : i32
    %dma_start3A_39 = tpu.memref_slice %arg9[%dma_start3A_35, %dma_start3A_37, %dma_start3A_38] : memref<4x128x64xf32, #tpu.memory_space<vmem>> -> memref<1x128x64xf32, #tpu.memory_space<vmem>>
    %dma_start3A_40 = tpu.memref_squeeze %dma_start3A_39 : memref<1x128x64xf32, #tpu.memory_space<vmem>> -> memref<128x64xf32, #tpu.memory_space<vmem>>
    %dma_start3A_41 = arith.constant 0 : i32
    %dma_start3A_42 = tpu.memref_slice %arg7[%dma_start3A_34, %dma_start3A_41] : memref<80x128xi32, #tpu.memory_space<vmem>> -> memref<1x128xi32, #tpu.memory_space<vmem>>
    %dma_start3A_43 = tpu.memref_squeeze %dma_start3A_42 : memref<1x128xi32, #tpu.memory_space<vmem>> -> memref<128xi32, #tpu.memory_space<vmem>>
    %dma_start3A_44 = arith.constant 0 : i32
    %dma_start3A_45 = arith.constant 0 : i32
    %dma_start3A_46 = tpu.memref_slice %arg2[%dma_start3A_44, %dma_start3A_45] : memref<10000x64xf32, #tpu.memory_space<hbm>> -> memref<10000x64xf32, #tpu.memory_space<hbm>>
    %dma_start3A_47 = tpu.memref_slice %arg11[%dma_start3A_36] : memref<4x!tpu.dma_semaphore, #tpu.memory_space<semaphore_mem>> -> memref<1x!tpu.dma_semaphore, #tpu.memory_space<semaphore_mem>>
    %dma_start3A_48 = tpu.memref_squeeze %dma_start3A_47 : memref<1x!tpu.dma_semaphore, #tpu.memory_space<semaphore_mem>> -> memref<!tpu.dma_semaphore, #tpu.memory_space<semaphore_mem>>
    tpu.enqueue_indirect_dma source(%dma_start3A_46 : memref<10000x64xf32, #tpu.memory_space<hbm>>) target(%dma_start3A_40 : memref<128x64xf32, #tpu.memory_space<vmem>>) offsets(%dma_start3A_43 : memref<128xi32, #tpu.memory_space<vmem>>) semaphore(%dma_start3A_48 : memref<!tpu.dma_semaphore, #tpu.memory_space<semaphore_mem>>)
    %dma_start3A_49 = arith.constant 3 : i32
    %dma_start3A_50 = arith.constant 3 : i32
    %dma_start3A_51 = arith.constant 3 : i32
    %dma_start3A_52 = arith.constant 0 : i32
    %dma_start3A_53 = arith.constant 0 : i32
    %dma_start3A_54 = tpu.memref_slice %arg9[%dma_start3A_50, %dma_start3A_52, %dma_start3A_53] : memref<4x128x64xf32, #tpu.memory_space<vmem>> -> memref<1x128x64xf32, #tpu.memory_space<vmem>>
    %dma_start3A_55 = tpu.memref_squeeze %dma_start3A_54 : memref<1x128x64xf32, #tpu.memory_space<vmem>> -> memref<128x64xf32, #tpu.memory_space<vmem>>
    %dma_start3A_56 = arith.constant 0 : i32
    %dma_start3A_57 = tpu.memref_slice %arg7[%dma_start3A_49, %dma_start3A_56] : memref<80x128xi32, #tpu.memory_space<vmem>> -> memref<1x128xi32, #tpu.memory_space<vmem>>
    %dma_start3A_58 = tpu.memref_squeeze %dma_start3A_57 : memref<1x128xi32, #tpu.memory_space<vmem>> -> memref<128xi32, #tpu.memory_space<vmem>>
    %dma_start3A_59 = arith.constant 0 : i32
    %dma_start3A_60 = arith.constant 0 : i32
    %dma_start3A_61 = tpu.memref_slice %arg2[%dma_start3A_59, %dma_start3A_60] : memref<10000x64xf32, #tpu.memory_space<hbm>> -> memref<10000x64xf32, #tpu.memory_space<hbm>>
    %dma_start3A_62 = tpu.memref_slice %arg11[%dma_start3A_51] : memref<4x!tpu.dma_semaphore, #tpu.memory_space<semaphore_mem>> -> memref<1x!tpu.dma_semaphore, #tpu.memory_space<semaphore_mem>>
    %dma_start3A_63 = tpu.memref_squeeze %dma_start3A_62 : memref<1x!tpu.dma_semaphore, #tpu.memory_space<semaphore_mem>> -> memref<!tpu.dma_semaphore, #tpu.memory_space<semaphore_mem>>
    tpu.enqueue_indirect_dma source(%dma_start3A_61 : memref<10000x64xf32, #tpu.memory_space<hbm>>) target(%dma_start3A_55 : memref<128x64xf32, #tpu.memory_space<vmem>>) offsets(%dma_start3A_58 : memref<128xi32, #tpu.memory_space<vmem>>) semaphore(%dma_start3A_63 : memref<!tpu.dma_semaphore, #tpu.memory_space<semaphore_mem>>)
    %scan3A = arith.constant 0 : i32
    %scan3A_64 = arith.constant 0 : i32
    %scan3A_65 = arith.constant 19 : i32
    %scan3A_66 = arith.addi %scan3A_64, %scan3A_65 : i32
    %scan3A_67 = arith.constant 1 : i32
    scf.for %scan3A_253 = %scan3A_64 to %scan3A_66 step %scan3A_67  : i32 {
      %mul3A_254 = arith.constant 4 : i32
      %mul3A_255 = arith.muli %scan3A_253, %mul3A_254 : i32
      %dma_wait3A_256 = arith.constant 0 : i32
      %dma_wait3A_257 = arith.constant 0 : i32
      %dma_wait3A_258 = arith.constant 0 : i32
      %dma_wait3A_259 = arith.constant 0 : i32
      %dma_wait3A_260 = arith.constant 0 : i32
      %dma_wait3A_261 = tpu.memref_slice %arg9[%dma_wait3A_257, %dma_wait3A_259, %dma_wait3A_260] : memref<4x128x64xf32, #tpu.memory_space<vmem>> -> memref<1x128x64xf32, #tpu.memory_space<vmem>>
      %dma_wait3A_262 = tpu.memref_squeeze %dma_wait3A_261 : memref<1x128x64xf32, #tpu.memory_space<vmem>> -> memref<128x64xf32, #tpu.memory_space<vmem>>
      %dma_wait3A_263 = arith.constant 0 : i32
      %dma_wait3A_264 = tpu.memref_slice %arg7[%dma_wait3A_256, %dma_wait3A_263] : memref<80x128xi32, #tpu.memory_space<vmem>> -> memref<1x128xi32, #tpu.memory_space<vmem>>
      %dma_wait3A_265 = tpu.memref_squeeze %dma_wait3A_264 : memref<1x128xi32, #tpu.memory_space<vmem>> -> memref<128xi32, #tpu.memory_space<vmem>>
      %dma_wait3A_266 = arith.constant 0 : i32
      %dma_wait3A_267 = arith.constant 0 : i32
      %dma_wait3A_268 = tpu.memref_slice %arg2[%dma_wait3A_266, %dma_wait3A_267] : memref<10000x64xf32, #tpu.memory_space<hbm>> -> memref<10000x64xf32, #tpu.memory_space<hbm>>
      %dma_wait3A_269 = tpu.memref_slice %arg11[%dma_wait3A_258] : memref<4x!tpu.dma_semaphore, #tpu.memory_space<semaphore_mem>> -> memref<1x!tpu.dma_semaphore, #tpu.memory_space<semaphore_mem>>
      %dma_wait3A_270 = tpu.memref_squeeze %dma_wait3A_269 : memref<1x!tpu.dma_semaphore, #tpu.memory_space<semaphore_mem>> -> memref<!tpu.dma_semaphore, #tpu.memory_space<semaphore_mem>>
      tpu.wait_indirect_dma semaphore(%dma_wait3A_270 : memref<!tpu.dma_semaphore, #tpu.memory_space<semaphore_mem>>) src(%dma_wait3A_268 : memref<10000x64xf32, #tpu.memory_space<hbm>>) dst(%dma_wait3A_262 : memref<128x64xf32, #tpu.memory_space<vmem>>)
      %add3A_271 = arith.constant 0 : i32
      %add3A_272 = arith.addi %mul3A_255, %add3A_271 : i32
      %dma_start3A_273 = arith.constant 0 : i32
      %dma_start3A_274 = arith.constant 0 : i32
      %dma_start3A_275 = arith.constant 0 : i32
      %dma_start3A_276 = arith.constant 0 : i32
      %dma_start3A_277 = tpu.memref_slice %arg9[%dma_start3A_273, %dma_start3A_275, %dma_start3A_276] : memref<4x128x64xf32, #tpu.memory_space<vmem>> -> memref<1x128x64xf32, #tpu.memory_space<vmem>>
      %dma_start3A_278 = tpu.memref_squeeze %dma_start3A_277 : memref<1x128x64xf32, #tpu.memory_space<vmem>> -> memref<128x64xf32, #tpu.memory_space<vmem>>
      %dma_start3A_279 = arith.constant 0 : i32
      %dma_start3A_280 = tpu.memref_slice %arg8[%add3A_272, %dma_start3A_279] : memref<80x128xi32, #tpu.memory_space<vmem>> -> memref<1x128xi32, #tpu.memory_space<vmem>>
      %dma_start3A_281 = tpu.memref_squeeze %dma_start3A_280 : memref<1x128xi32, #tpu.memory_space<vmem>> -> memref<128xi32, #tpu.memory_space<vmem>>
      %dma_start3A_282 = arith.constant 0 : i32
      %dma_start3A_283 = arith.constant 0 : i32
      %dma_start3A_284 = tpu.memref_slice %arg10[%dma_start3A_282, %dma_start3A_283] : memref<10240x64xf32, #tpu.memory_space<vmem_shared>> -> memref<10240x64xf32, #tpu.memory_space<vmem_shared>>
      %dma_start3A_285 = tpu.memref_slice %arg12[%dma_start3A_274] : memref<4x!tpu.dma_semaphore, #tpu.memory_space<semaphore_mem>> -> memref<1x!tpu.dma_semaphore, #tpu.memory_space<semaphore_mem>>
      %dma_start3A_286 = tpu.memref_squeeze %dma_start3A_285 : memref<1x!tpu.dma_semaphore, #tpu.memory_space<semaphore_mem>> -> memref<!tpu.dma_semaphore, #tpu.memory_space<semaphore_mem>>
      tpu.enqueue_indirect_dma source(%dma_start3A_278 : memref<128x64xf32, #tpu.memory_space<vmem>>) target(%dma_start3A_284 : memref<10240x64xf32, #tpu.memory_space<vmem_shared>>) offsets(%dma_start3A_281 : memref<128xi32, #tpu.memory_space<vmem>>) semaphore(%dma_start3A_286 : memref<!tpu.dma_semaphore, #tpu.memory_space<semaphore_mem>>) {add = true}
      %dma_wait3A_287 = arith.constant 0 : i32
      %dma_wait3A_288 = arith.constant 1 : i32
      %dma_wait3A_289 = arith.constant 1 : i32
      %dma_wait3A_290 = arith.constant 0 : i32
      %dma_wait3A_291 = arith.constant 0 : i32
      %dma_wait3A_292 = tpu.memref_slice %arg9[%dma_wait3A_288, %dma_wait3A_290, %dma_wait3A_291] : memref<4x128x64xf32, #tpu.memory_space<vmem>> -> memref<1x128x64xf32, #tpu.memory_space<vmem>>
      %dma_wait3A_293 = tpu.memref_squeeze %dma_wait3A_292 : memref<1x128x64xf32, #tpu.memory_space<vmem>> -> memref<128x64xf32, #tpu.memory_space<vmem>>
      %dma_wait3A_294 = arith.constant 0 : i32
      %dma_wait3A_295 = tpu.memref_slice %arg7[%dma_wait3A_287, %dma_wait3A_294] : memref<80x128xi32, #tpu.memory_space<vmem>> -> memref<1x128xi32, #tpu.memory_space<vmem>>
      %dma_wait3A_296 = tpu.memref_squeeze %dma_wait3A_295 : memref<1x128xi32, #tpu.memory_space<vmem>> -> memref<128xi32, #tpu.memory_space<vmem>>
      %dma_wait3A_297 = arith.constant 0 : i32
      %dma_wait3A_298 = arith.constant 0 : i32
      %dma_wait3A_299 = tpu.memref_slice %arg2[%dma_wait3A_297, %dma_wait3A_298] : memref<10000x64xf32, #tpu.memory_space<hbm>> -> memref<10000x64xf32, #tpu.memory_space<hbm>>
      %dma_wait3A_300 = tpu.memref_slice %arg11[%dma_wait3A_289] : memref<4x!tpu.dma_semaphore, #tpu.memory_space<semaphore_mem>> -> memref<1x!tpu.dma_semaphore, #tpu.memory_space<semaphore_mem>>
      %dma_wait3A_301 = tpu.memref_squeeze %dma_wait3A_300 : memref<1x!tpu.dma_semaphore, #tpu.memory_space<semaphore_mem>> -> memref<!tpu.dma_semaphore, #tpu.memory_space<semaphore_mem>>
      tpu.wait_indirect_dma semaphore(%dma_wait3A_301 : memref<!tpu.dma_semaphore, #tpu.memory_space<semaphore_mem>>) src(%dma_wait3A_299 : memref<10000x64xf32, #tpu.memory_space<hbm>>) dst(%dma_wait3A_293 : memref<128x64xf32, #tpu.memory_space<vmem>>)
      %add3A_302 = arith.constant 1 : i32
      %add3A_303 = arith.addi %mul3A_255, %add3A_302 : i32
      %dma_start3A_304 = arith.constant 1 : i32
      %dma_start3A_305 = arith.constant 1 : i32
      %dma_start3A_306 = arith.constant 0 : i32
      %dma_start3A_307 = arith.constant 0 : i32
      %dma_start3A_308 = tpu.memref_slice %arg9[%dma_start3A_304, %dma_start3A_306, %dma_start3A_307] : memref<4x128x64xf32, #tpu.memory_space<vmem>> -> memref<1x128x64xf32, #tpu.memory_space<vmem>>
      %dma_start3A_309 = tpu.memref_squeeze %dma_start3A_308 : memref<1x128x64xf32, #tpu.memory_space<vmem>> -> memref<128x64xf32, #tpu.memory_space<vmem>>
      %dma_start3A_310 = arith.constant 0 : i32
      %dma_start3A_311 = tpu.memref_slice %arg8[%add3A_303, %dma_start3A_310] : memref<80x128xi32, #tpu.memory_space<vmem>> -> memref<1x128xi32, #tpu.memory_space<vmem>>
      %dma_start3A_312 = tpu.memref_squeeze %dma_start3A_311 : memref<1x128xi32, #tpu.memory_space<vmem>> -> memref<128xi32, #tpu.memory_space<vmem>>
      %dma_start3A_313 = arith.constant 0 : i32
      %dma_start3A_314 = arith.constant 0 : i32
      %dma_start3A_315 = tpu.memref_slice %arg10[%dma_start3A_313, %dma_start3A_314] : memref<10240x64xf32, #tpu.memory_space<vmem_shared>> -> memref<10240x64xf32, #tpu.memory_space<vmem_shared>>
      %dma_start3A_316 = tpu.memref_slice %arg12[%dma_start3A_305] : memref<4x!tpu.dma_semaphore, #tpu.memory_space<semaphore_mem>> -> memref<1x!tpu.dma_semaphore, #tpu.memory_space<semaphore_mem>>
      %dma_start3A_317 = tpu.memref_squeeze %dma_start3A_316 : memref<1x!tpu.dma_semaphore, #tpu.memory_space<semaphore_mem>> -> memref<!tpu.dma_semaphore, #tpu.memory_space<semaphore_mem>>
      tpu.enqueue_indirect_dma source(%dma_start3A_309 : memref<128x64xf32, #tpu.memory_space<vmem>>) target(%dma_start3A_315 : memref<10240x64xf32, #tpu.memory_space<vmem_shared>>) offsets(%dma_start3A_312 : memref<128xi32, #tpu.memory_space<vmem>>) semaphore(%dma_start3A_317 : memref<!tpu.dma_semaphore, #tpu.memory_space<semaphore_mem>>) {add = true}
      %dma_wait3A_318 = arith.constant 0 : i32
      %dma_wait3A_319 = arith.constant 2 : i32
      %dma_wait3A_320 = arith.constant 2 : i32
      %dma_wait3A_321 = arith.constant 0 : i32
      %dma_wait3A_322 = arith.constant 0 : i32
      %dma_wait3A_323 = tpu.memref_slice %arg9[%dma_wait3A_319, %dma_wait3A_321, %dma_wait3A_322] : memref<4x128x64xf32, #tpu.memory_space<vmem>> -> memref<1x128x64xf32, #tpu.memory_space<vmem>>
      %dma_wait3A_324 = tpu.memref_squeeze %dma_wait3A_323 : memref<1x128x64xf32, #tpu.memory_space<vmem>> -> memref<128x64xf32, #tpu.memory_space<vmem>>
      %dma_wait3A_325 = arith.constant 0 : i32
      %dma_wait3A_326 = tpu.memref_slice %arg7[%dma_wait3A_318, %dma_wait3A_325] : memref<80x128xi32, #tpu.memory_space<vmem>> -> memref<1x128xi32, #tpu.memory_space<vmem>>
      %dma_wait3A_327 = tpu.memref_squeeze %dma_wait3A_326 : memref<1x128xi32, #tpu.memory_space<vmem>> -> memref<128xi32, #tpu.memory_space<vmem>>
      %dma_wait3A_328 = arith.constant 0 : i32
      %dma_wait3A_329 = arith.constant 0 : i32
      %dma_wait3A_330 = tpu.memref_slice %arg2[%dma_wait3A_328, %dma_wait3A_329] : memref<10000x64xf32, #tpu.memory_space<hbm>> -> memref<10000x64xf32, #tpu.memory_space<hbm>>
      %dma_wait3A_331 = tpu.memref_slice %arg11[%dma_wait3A_320] : memref<4x!tpu.dma_semaphore, #tpu.memory_space<semaphore_mem>> -> memref<1x!tpu.dma_semaphore, #tpu.memory_space<semaphore_mem>>
      %dma_wait3A_332 = tpu.memref_squeeze %dma_wait3A_331 : memref<1x!tpu.dma_semaphore, #tpu.memory_space<semaphore_mem>> -> memref<!tpu.dma_semaphore, #tpu.memory_space<semaphore_mem>>
      tpu.wait_indirect_dma semaphore(%dma_wait3A_332 : memref<!tpu.dma_semaphore, #tpu.memory_space<semaphore_mem>>) src(%dma_wait3A_330 : memref<10000x64xf32, #tpu.memory_space<hbm>>) dst(%dma_wait3A_324 : memref<128x64xf32, #tpu.memory_space<vmem>>)
      %add3A_333 = arith.constant 2 : i32
      %add3A_334 = arith.addi %mul3A_255, %add3A_333 : i32
      %dma_start3A_335 = arith.constant 2 : i32
      %dma_start3A_336 = arith.constant 2 : i32
      %dma_start3A_337 = arith.constant 0 : i32
      %dma_start3A_338 = arith.constant 0 : i32
      %dma_start3A_339 = tpu.memref_slice %arg9[%dma_start3A_335, %dma_start3A_337, %dma_start3A_338] : memref<4x128x64xf32, #tpu.memory_space<vmem>> -> memref<1x128x64xf32, #tpu.memory_space<vmem>>
      %dma_start3A_340 = tpu.memref_squeeze %dma_start3A_339 : memref<1x128x64xf32, #tpu.memory_space<vmem>> -> memref<128x64xf32, #tpu.memory_space<vmem>>
      %dma_start3A_341 = arith.constant 0 : i32
      %dma_start3A_342 = tpu.memref_slice %arg8[%add3A_334, %dma_start3A_341] : memref<80x128xi32, #tpu.memory_space<vmem>> -> memref<1x128xi32, #tpu.memory_space<vmem>>
      %dma_start3A_343 = tpu.memref_squeeze %dma_start3A_342 : memref<1x128xi32, #tpu.memory_space<vmem>> -> memref<128xi32, #tpu.memory_space<vmem>>
      %dma_start3A_344 = arith.constant 0 : i32
      %dma_start3A_345 = arith.constant 0 : i32
      %dma_start3A_346 = tpu.memref_slice %arg10[%dma_start3A_344, %dma_start3A_345] : memref<10240x64xf32, #tpu.memory_space<vmem_shared>> -> memref<10240x64xf32, #tpu.memory_space<vmem_shared>>
      %dma_start3A_347 = tpu.memref_slice %arg12[%dma_start3A_336] : memref<4x!tpu.dma_semaphore, #tpu.memory_space<semaphore_mem>> -> memref<1x!tpu.dma_semaphore, #tpu.memory_space<semaphore_mem>>
      %dma_start3A_348 = tpu.memref_squeeze %dma_start3A_347 : memref<1x!tpu.dma_semaphore, #tpu.memory_space<semaphore_mem>> -> memref<!tpu.dma_semaphore, #tpu.memory_space<semaphore_mem>>
      tpu.enqueue_indirect_dma source(%dma_start3A_340 : memref<128x64xf32, #tpu.memory_space<vmem>>) target(%dma_start3A_346 : memref<10240x64xf32, #tpu.memory_space<vmem_shared>>) offsets(%dma_start3A_343 : memref<128xi32, #tpu.memory_space<vmem>>) semaphore(%dma_start3A_348 : memref<!tpu.dma_semaphore, #tpu.memory_space<semaphore_mem>>) {add = true}
      %dma_wait3A_349 = arith.constant 0 : i32
      %dma_wait3A_350 = arith.constant 3 : i32
      %dma_wait3A_351 = arith.constant 3 : i32
      %dma_wait3A_352 = arith.constant 0 : i32
      %dma_wait3A_353 = arith.constant 0 : i32
      %dma_wait3A_354 = tpu.memref_slice %arg9[%dma_wait3A_350, %dma_wait3A_352, %dma_wait3A_353] : memref<4x128x64xf32, #tpu.memory_space<vmem>> -> memref<1x128x64xf32, #tpu.memory_space<vmem>>
      %dma_wait3A_355 = tpu.memref_squeeze %dma_wait3A_354 : memref<1x128x64xf32, #tpu.memory_space<vmem>> -> memref<128x64xf32, #tpu.memory_space<vmem>>
      %dma_wait3A_356 = arith.constant 0 : i32
      %dma_wait3A_357 = tpu.memref_slice %arg7[%dma_wait3A_349, %dma_wait3A_356] : memref<80x128xi32, #tpu.memory_space<vmem>> -> memref<1x128xi32, #tpu.memory_space<vmem>>
      %dma_wait3A_358 = tpu.memref_squeeze %dma_wait3A_357 : memref<1x128xi32, #tpu.memory_space<vmem>> -> memref<128xi32, #tpu.memory_space<vmem>>
      %dma_wait3A_359 = arith.constant 0 : i32
      %dma_wait3A_360 = arith.constant 0 : i32
      %dma_wait3A_361 = tpu.memref_slice %arg2[%dma_wait3A_359, %dma_wait3A_360] : memref<10000x64xf32, #tpu.memory_space<hbm>> -> memref<10000x64xf32, #tpu.memory_space<hbm>>
      %dma_wait3A_362 = tpu.memref_slice %arg11[%dma_wait3A_351] : memref<4x!tpu.dma_semaphore, #tpu.memory_space<semaphore_mem>> -> memref<1x!tpu.dma_semaphore, #tpu.memory_space<semaphore_mem>>
      %dma_wait3A_363 = tpu.memref_squeeze %dma_wait3A_362 : memref<1x!tpu.dma_semaphore, #tpu.memory_space<semaphore_mem>> -> memref<!tpu.dma_semaphore, #tpu.memory_space<semaphore_mem>>
      tpu.wait_indirect_dma semaphore(%dma_wait3A_363 : memref<!tpu.dma_semaphore, #tpu.memory_space<semaphore_mem>>) src(%dma_wait3A_361 : memref<10000x64xf32, #tpu.memory_space<hbm>>) dst(%dma_wait3A_355 : memref<128x64xf32, #tpu.memory_space<vmem>>)
      %add3A_364 = arith.constant 3 : i32
      %add3A_365 = arith.addi %mul3A_255, %add3A_364 : i32
      %dma_start3A_366 = arith.constant 3 : i32
      %dma_start3A_367 = arith.constant 3 : i32
      %dma_start3A_368 = arith.constant 0 : i32
      %dma_start3A_369 = arith.constant 0 : i32
      %dma_start3A_370 = tpu.memref_slice %arg9[%dma_start3A_366, %dma_start3A_368, %dma_start3A_369] : memref<4x128x64xf32, #tpu.memory_space<vmem>> -> memref<1x128x64xf32, #tpu.memory_space<vmem>>
      %dma_start3A_371 = tpu.memref_squeeze %dma_start3A_370 : memref<1x128x64xf32, #tpu.memory_space<vmem>> -> memref<128x64xf32, #tpu.memory_space<vmem>>
      %dma_start3A_372 = arith.constant 0 : i32
      %dma_start3A_373 = tpu.memref_slice %arg8[%add3A_365, %dma_start3A_372] : memref<80x128xi32, #tpu.memory_space<vmem>> -> memref<1x128xi32, #tpu.memory_space<vmem>>
      %dma_start3A_374 = tpu.memref_squeeze %dma_start3A_373 : memref<1x128xi32, #tpu.memory_space<vmem>> -> memref<128xi32, #tpu.memory_space<vmem>>
      %dma_start3A_375 = arith.constant 0 : i32
      %dma_start3A_376 = arith.constant 0 : i32
      %dma_start3A_377 = tpu.memref_slice %arg10[%dma_start3A_375, %dma_start3A_376] : memref<10240x64xf32, #tpu.memory_space<vmem_shared>> -> memref<10240x64xf32, #tpu.memory_space<vmem_shared>>
      %dma_start3A_378 = tpu.memref_slice %arg12[%dma_start3A_367] : memref<4x!tpu.dma_semaphore, #tpu.memory_space<semaphore_mem>> -> memref<1x!tpu.dma_semaphore, #tpu.memory_space<semaphore_mem>>
      %dma_start3A_379 = tpu.memref_squeeze %dma_start3A_378 : memref<1x!tpu.dma_semaphore, #tpu.memory_space<semaphore_mem>> -> memref<!tpu.dma_semaphore, #tpu.memory_space<semaphore_mem>>
      tpu.enqueue_indirect_dma source(%dma_start3A_371 : memref<128x64xf32, #tpu.memory_space<vmem>>) target(%dma_start3A_377 : memref<10240x64xf32, #tpu.memory_space<vmem_shared>>) offsets(%dma_start3A_374 : memref<128xi32, #tpu.memory_space<vmem>>) semaphore(%dma_start3A_379 : memref<!tpu.dma_semaphore, #tpu.memory_space<semaphore_mem>>) {add = true}
      %dma_wait3A_380 = arith.constant 0 : i32
      %dma_wait3A_381 = arith.constant 0 : i32
      %dma_wait3A_382 = arith.constant 0 : i32
      %dma_wait3A_383 = arith.constant 0 : i32
      %dma_wait3A_384 = arith.constant 0 : i32
      %dma_wait3A_385 = tpu.memref_slice %arg9[%dma_wait3A_380, %dma_wait3A_383, %dma_wait3A_384] : memref<4x128x64xf32, #tpu.memory_space<vmem>> -> memref<1x128x64xf32, #tpu.memory_space<vmem>>
      %dma_wait3A_386 = tpu.memref_squeeze %dma_wait3A_385 : memref<1x128x64xf32, #tpu.memory_space<vmem>> -> memref<128x64xf32, #tpu.memory_space<vmem>>
      %dma_wait3A_387 = arith.constant 0 : i32
      %dma_wait3A_388 = tpu.memref_slice %arg8[%dma_wait3A_381, %dma_wait3A_387] : memref<80x128xi32, #tpu.memory_space<vmem>> -> memref<1x128xi32, #tpu.memory_space<vmem>>
      %dma_wait3A_389 = tpu.memref_squeeze %dma_wait3A_388 : memref<1x128xi32, #tpu.memory_space<vmem>> -> memref<128xi32, #tpu.memory_space<vmem>>
      %dma_wait3A_390 = arith.constant 0 : i32
      %dma_wait3A_391 = arith.constant 0 : i32
      %dma_wait3A_392 = tpu.memref_slice %arg10[%dma_wait3A_390, %dma_wait3A_391] : memref<10240x64xf32, #tpu.memory_space<vmem_shared>> -> memref<10240x64xf32, #tpu.memory_space<vmem_shared>>
      %dma_wait3A_393 = tpu.memref_slice %arg12[%dma_wait3A_382] : memref<4x!tpu.dma_semaphore, #tpu.memory_space<semaphore_mem>> -> memref<1x!tpu.dma_semaphore, #tpu.memory_space<semaphore_mem>>
      %dma_wait3A_394 = tpu.memref_squeeze %dma_wait3A_393 : memref<1x!tpu.dma_semaphore, #tpu.memory_space<semaphore_mem>> -> memref<!tpu.dma_semaphore, #tpu.memory_space<semaphore_mem>>
      tpu.wait_indirect_dma semaphore(%dma_wait3A_394 : memref<!tpu.dma_semaphore, #tpu.memory_space<semaphore_mem>>) src(%dma_wait3A_386 : memref<128x64xf32, #tpu.memory_space<vmem>>) dst(%dma_wait3A_392 : memref<10240x64xf32, #tpu.memory_space<vmem_shared>>)
      %add3A_395 = arith.constant 0 : i32
      %add3A_396 = arith.addi %mul3A_255, %add3A_395 : i32
      %add3A_397 = arith.constant 4 : i32
      %add3A_398 = arith.addi %add3A_396, %add3A_397 : i32
      %dma_start3A_399 = arith.constant 0 : i32
      %dma_start3A_400 = arith.constant 0 : i32
      %dma_start3A_401 = arith.constant 0 : i32
      %dma_start3A_402 = arith.constant 0 : i32
      %dma_start3A_403 = tpu.memref_slice %arg9[%dma_start3A_399, %dma_start3A_401, %dma_start3A_402] : memref<4x128x64xf32, #tpu.memory_space<vmem>> -> memref<1x128x64xf32, #tpu.memory_space<vmem>>
      %dma_start3A_404 = tpu.memref_squeeze %dma_start3A_403 : memref<1x128x64xf32, #tpu.memory_space<vmem>> -> memref<128x64xf32, #tpu.memory_space<vmem>>
      %dma_start3A_405 = arith.constant 0 : i32
      %dma_start3A_406 = tpu.memref_slice %arg7[%add3A_398, %dma_start3A_405] : memref<80x128xi32, #tpu.memory_space<vmem>> -> memref<1x128xi32, #tpu.memory_space<vmem>>
      %dma_start3A_407 = tpu.memref_squeeze %dma_start3A_406 : memref<1x128xi32, #tpu.memory_space<vmem>> -> memref<128xi32, #tpu.memory_space<vmem>>
      %dma_start3A_408 = arith.constant 0 : i32
      %dma_start3A_409 = arith.constant 0 : i32
      %dma_start3A_410 = tpu.memref_slice %arg2[%dma_start3A_408, %dma_start3A_409] : memref<10000x64xf32, #tpu.memory_space<hbm>> -> memref<10000x64xf32, #tpu.memory_space<hbm>>
      %dma_start3A_411 = tpu.memref_slice %arg11[%dma_start3A_400] : memref<4x!tpu.dma_semaphore, #tpu.memory_space<semaphore_mem>> -> memref<1x!tpu.dma_semaphore, #tpu.memory_space<semaphore_mem>>
      %dma_start3A_412 = tpu.memref_squeeze %dma_start3A_411 : memref<1x!tpu.dma_semaphore, #tpu.memory_space<semaphore_mem>> -> memref<!tpu.dma_semaphore, #tpu.memory_space<semaphore_mem>>
      tpu.enqueue_indirect_dma source(%dma_start3A_410 : memref<10000x64xf32, #tpu.memory_space<hbm>>) target(%dma_start3A_404 : memref<128x64xf32, #tpu.memory_space<vmem>>) offsets(%dma_start3A_407 : memref<128xi32, #tpu.memory_space<vmem>>) semaphore(%dma_start3A_412 : memref<!tpu.dma_semaphore, #tpu.memory_space<semaphore_mem>>)
      %dma_wait3A_413 = arith.constant 1 : i32
      %dma_wait3A_414 = arith.constant 0 : i32
      %dma_wait3A_415 = arith.constant 1 : i32
      %dma_wait3A_416 = arith.constant 0 : i32
      %dma_wait3A_417 = arith.constant 0 : i32
      %dma_wait3A_418 = tpu.memref_slice %arg9[%dma_wait3A_413, %dma_wait3A_416, %dma_wait3A_417] : memref<4x128x64xf32, #tpu.memory_space<vmem>> -> memref<1x128x64xf32, #tpu.memory_space<vmem>>
      %dma_wait3A_419 = tpu.memref_squeeze %dma_wait3A_418 : memref<1x128x64xf32, #tpu.memory_space<vmem>> -> memref<128x64xf32, #tpu.memory_space<vmem>>
      %dma_wait3A_420 = arith.constant 0 : i32
      %dma_wait3A_421 = tpu.memref_slice %arg8[%dma_wait3A_414, %dma_wait3A_420] : memref<80x128xi32, #tpu.memory_space<vmem>> -> memref<1x128xi32, #tpu.memory_space<vmem>>
      %dma_wait3A_422 = tpu.memref_squeeze %dma_wait3A_421 : memref<1x128xi32, #tpu.memory_space<vmem>> -> memref<128xi32, #tpu.memory_space<vmem>>
      %dma_wait3A_423 = arith.constant 0 : i32
      %dma_wait3A_424 = arith.constant 0 : i32
      %dma_wait3A_425 = tpu.memref_slice %arg10[%dma_wait3A_423, %dma_wait3A_424] : memref<10240x64xf32, #tpu.memory_space<vmem_shared>> -> memref<10240x64xf32, #tpu.memory_space<vmem_shared>>
      %dma_wait3A_426 = tpu.memref_slice %arg12[%dma_wait3A_415] : memref<4x!tpu.dma_semaphore, #tpu.memory_space<semaphore_mem>> -> memref<1x!tpu.dma_semaphore, #tpu.memory_space<semaphore_mem>>
      %dma_wait3A_427 = tpu.memref_squeeze %dma_wait3A_426 : memref<1x!tpu.dma_semaphore, #tpu.memory_space<semaphore_mem>> -> memref<!tpu.dma_semaphore, #tpu.memory_space<semaphore_mem>>
      tpu.wait_indirect_dma semaphore(%dma_wait3A_427 : memref<!tpu.dma_semaphore, #tpu.memory_space<semaphore_mem>>) src(%dma_wait3A_419 : memref<128x64xf32, #tpu.memory_space<vmem>>) dst(%dma_wait3A_425 : memref<10240x64xf32, #tpu.memory_space<vmem_shared>>)
      %add3A_428 = arith.constant 1 : i32
      %add3A_429 = arith.addi %mul3A_255, %add3A_428 : i32
      %add3A_430 = arith.constant 4 : i32
      %add3A_431 = arith.addi %add3A_429, %add3A_430 : i32
      %dma_start3A_432 = arith.constant 1 : i32
      %dma_start3A_433 = arith.constant 1 : i32
      %dma_start3A_434 = arith.constant 0 : i32
      %dma_start3A_435 = arith.constant 0 : i32
      %dma_start3A_436 = tpu.memref_slice %arg9[%dma_start3A_432, %dma_start3A_434, %dma_start3A_435] : memref<4x128x64xf32, #tpu.memory_space<vmem>> -> memref<1x128x64xf32, #tpu.memory_space<vmem>>
      %dma_start3A_437 = tpu.memref_squeeze %dma_start3A_436 : memref<1x128x64xf32, #tpu.memory_space<vmem>> -> memref<128x64xf32, #tpu.memory_space<vmem>>
      %dma_start3A_438 = arith.constant 0 : i32
      %dma_start3A_439 = tpu.memref_slice %arg7[%add3A_431, %dma_start3A_438] : memref<80x128xi32, #tpu.memory_space<vmem>> -> memref<1x128xi32, #tpu.memory_space<vmem>>
      %dma_start3A_440 = tpu.memref_squeeze %dma_start3A_439 : memref<1x128xi32, #tpu.memory_space<vmem>> -> memref<128xi32, #tpu.memory_space<vmem>>
      %dma_start3A_441 = arith.constant 0 : i32
      %dma_start3A_442 = arith.constant 0 : i32
      %dma_start3A_443 = tpu.memref_slice %arg2[%dma_start3A_441, %dma_start3A_442] : memref<10000x64xf32, #tpu.memory_space<hbm>> -> memref<10000x64xf32, #tpu.memory_space<hbm>>
      %dma_start3A_444 = tpu.memref_slice %arg11[%dma_start3A_433] : memref<4x!tpu.dma_semaphore, #tpu.memory_space<semaphore_mem>> -> memref<1x!tpu.dma_semaphore, #tpu.memory_space<semaphore_mem>>
      %dma_start3A_445 = tpu.memref_squeeze %dma_start3A_444 : memref<1x!tpu.dma_semaphore, #tpu.memory_space<semaphore_mem>> -> memref<!tpu.dma_semaphore, #tpu.memory_space<semaphore_mem>>
      tpu.enqueue_indirect_dma source(%dma_start3A_443 : memref<10000x64xf32, #tpu.memory_space<hbm>>) target(%dma_start3A_437 : memref<128x64xf32, #tpu.memory_space<vmem>>) offsets(%dma_start3A_440 : memref<128xi32, #tpu.memory_space<vmem>>) semaphore(%dma_start3A_445 : memref<!tpu.dma_semaphore, #tpu.memory_space<semaphore_mem>>)
      %dma_wait3A_446 = arith.constant 2 : i32
      %dma_wait3A_447 = arith.constant 0 : i32
      %dma_wait3A_448 = arith.constant 2 : i32
      %dma_wait3A_449 = arith.constant 0 : i32
      %dma_wait3A_450 = arith.constant 0 : i32
      %dma_wait3A_451 = tpu.memref_slice %arg9[%dma_wait3A_446, %dma_wait3A_449, %dma_wait3A_450] : memref<4x128x64xf32, #tpu.memory_space<vmem>> -> memref<1x128x64xf32, #tpu.memory_space<vmem>>
      %dma_wait3A_452 = tpu.memref_squeeze %dma_wait3A_451 : memref<1x128x64xf32, #tpu.memory_space<vmem>> -> memref<128x64xf32, #tpu.memory_space<vmem>>
      %dma_wait3A_453 = arith.constant 0 : i32
      %dma_wait3A_454 = tpu.memref_slice %arg8[%dma_wait3A_447, %dma_wait3A_453] : memref<80x128xi32, #tpu.memory_space<vmem>> -> memref<1x128xi32, #tpu.memory_space<vmem>>
      %dma_wait3A_455 = tpu.memref_squeeze %dma_wait3A_454 : memref<1x128xi32, #tpu.memory_space<vmem>> -> memref<128xi32, #tpu.memory_space<vmem>>
      %dma_wait3A_456 = arith.constant 0 : i32
      %dma_wait3A_457 = arith.constant 0 : i32
      %dma_wait3A_458 = tpu.memref_slice %arg10[%dma_wait3A_456, %dma_wait3A_457] : memref<10240x64xf32, #tpu.memory_space<vmem_shared>> -> memref<10240x64xf32, #tpu.memory_space<vmem_shared>>
      %dma_wait3A_459 = tpu.memref_slice %arg12[%dma_wait3A_448] : memref<4x!tpu.dma_semaphore, #tpu.memory_space<semaphore_mem>> -> memref<1x!tpu.dma_semaphore, #tpu.memory_space<semaphore_mem>>
      %dma_wait3A_460 = tpu.memref_squeeze %dma_wait3A_459 : memref<1x!tpu.dma_semaphore, #tpu.memory_space<semaphore_mem>> -> memref<!tpu.dma_semaphore, #tpu.memory_space<semaphore_mem>>
      tpu.wait_indirect_dma semaphore(%dma_wait3A_460 : memref<!tpu.dma_semaphore, #tpu.memory_space<semaphore_mem>>) src(%dma_wait3A_452 : memref<128x64xf32, #tpu.memory_space<vmem>>) dst(%dma_wait3A_458 : memref<10240x64xf32, #tpu.memory_space<vmem_shared>>)
      %add3A_461 = arith.constant 2 : i32
      %add3A_462 = arith.addi %mul3A_255, %add3A_461 : i32
      %add3A_463 = arith.constant 4 : i32
      %add3A_464 = arith.addi %add3A_462, %add3A_463 : i32
      %dma_start3A_465 = arith.constant 2 : i32
      %dma_start3A_466 = arith.constant 2 : i32
      %dma_start3A_467 = arith.constant 0 : i32
      %dma_start3A_468 = arith.constant 0 : i32
      %dma_start3A_469 = tpu.memref_slice %arg9[%dma_start3A_465, %dma_start3A_467, %dma_start3A_468] : memref<4x128x64xf32, #tpu.memory_space<vmem>> -> memref<1x128x64xf32, #tpu.memory_space<vmem>>
      %dma_start3A_470 = tpu.memref_squeeze %dma_start3A_469 : memref<1x128x64xf32, #tpu.memory_space<vmem>> -> memref<128x64xf32, #tpu.memory_space<vmem>>
      %dma_start3A_471 = arith.constant 0 : i32
      %dma_start3A_472 = tpu.memref_slice %arg7[%add3A_464, %dma_start3A_471] : memref<80x128xi32, #tpu.memory_space<vmem>> -> memref<1x128xi32, #tpu.memory_space<vmem>>
      %dma_start3A_473 = tpu.memref_squeeze %dma_start3A_472 : memref<1x128xi32, #tpu.memory_space<vmem>> -> memref<128xi32, #tpu.memory_space<vmem>>
      %dma_start3A_474 = arith.constant 0 : i32
      %dma_start3A_475 = arith.constant 0 : i32
      %dma_start3A_476 = tpu.memref_slice %arg2[%dma_start3A_474, %dma_start3A_475] : memref<10000x64xf32, #tpu.memory_space<hbm>> -> memref<10000x64xf32, #tpu.memory_space<hbm>>
      %dma_start3A_477 = tpu.memref_slice %arg11[%dma_start3A_466] : memref<4x!tpu.dma_semaphore, #tpu.memory_space<semaphore_mem>> -> memref<1x!tpu.dma_semaphore, #tpu.memory_space<semaphore_mem>>
      %dma_start3A_478 = tpu.memref_squeeze %dma_start3A_477 : memref<1x!tpu.dma_semaphore, #tpu.memory_space<semaphore_mem>> -> memref<!tpu.dma_semaphore, #tpu.memory_space<semaphore_mem>>
      tpu.enqueue_indirect_dma source(%dma_start3A_476 : memref<10000x64xf32, #tpu.memory_space<hbm>>) target(%dma_start3A_470 : memref<128x64xf32, #tpu.memory_space<vmem>>) offsets(%dma_start3A_473 : memref<128xi32, #tpu.memory_space<vmem>>) semaphore(%dma_start3A_478 : memref<!tpu.dma_semaphore, #tpu.memory_space<semaphore_mem>>)
      %dma_wait3A_479 = arith.constant 3 : i32
      %dma_wait3A_480 = arith.constant 0 : i32
      %dma_wait3A_481 = arith.constant 3 : i32
      %dma_wait3A_482 = arith.constant 0 : i32
      %dma_wait3A_483 = arith.constant 0 : i32
      %dma_wait3A_484 = tpu.memref_slice %arg9[%dma_wait3A_479, %dma_wait3A_482, %dma_wait3A_483] : memref<4x128x64xf32, #tpu.memory_space<vmem>> -> memref<1x128x64xf32, #tpu.memory_space<vmem>>
      %dma_wait3A_485 = tpu.memref_squeeze %dma_wait3A_484 : memref<1x128x64xf32, #tpu.memory_space<vmem>> -> memref<128x64xf32, #tpu.memory_space<vmem>>
      %dma_wait3A_486 = arith.constant 0 : i32
      %dma_wait3A_487 = tpu.memref_slice %arg8[%dma_wait3A_480, %dma_wait3A_486] : memref<80x128xi32, #tpu.memory_space<vmem>> -> memref<1x128xi32, #tpu.memory_space<vmem>>
      %dma_wait3A_488 = tpu.memref_squeeze %dma_wait3A_487 : memref<1x128xi32, #tpu.memory_space<vmem>> -> memref<128xi32, #tpu.memory_space<vmem>>
      %dma_wait3A_489 = arith.constant 0 : i32
      %dma_wait3A_490 = arith.constant 0 : i32
      %dma_wait3A_491 = tpu.memref_slice %arg10[%dma_wait3A_489, %dma_wait3A_490] : memref<10240x64xf32, #tpu.memory_space<vmem_shared>> -> memref<10240x64xf32, #tpu.memory_space<vmem_shared>>
      %dma_wait3A_492 = tpu.memref_slice %arg12[%dma_wait3A_481] : memref<4x!tpu.dma_semaphore, #tpu.memory_space<semaphore_mem>> -> memref<1x!tpu.dma_semaphore, #tpu.memory_space<semaphore_mem>>
      %dma_wait3A_493 = tpu.memref_squeeze %dma_wait3A_492 : memref<1x!tpu.dma_semaphore, #tpu.memory_space<semaphore_mem>> -> memref<!tpu.dma_semaphore, #tpu.memory_space<semaphore_mem>>
      tpu.wait_indirect_dma semaphore(%dma_wait3A_493 : memref<!tpu.dma_semaphore, #tpu.memory_space<semaphore_mem>>) src(%dma_wait3A_485 : memref<128x64xf32, #tpu.memory_space<vmem>>) dst(%dma_wait3A_491 : memref<10240x64xf32, #tpu.memory_space<vmem_shared>>)
      %add3A_494 = arith.constant 3 : i32
      %add3A_495 = arith.addi %mul3A_255, %add3A_494 : i32
      %add3A_496 = arith.constant 4 : i32
      %add3A_497 = arith.addi %add3A_495, %add3A_496 : i32
      %dma_start3A_498 = arith.constant 3 : i32
      %dma_start3A_499 = arith.constant 3 : i32
      %dma_start3A_500 = arith.constant 0 : i32
      %dma_start3A_501 = arith.constant 0 : i32
      %dma_start3A_502 = tpu.memref_slice %arg9[%dma_start3A_498, %dma_start3A_500, %dma_start3A_501] : memref<4x128x64xf32, #tpu.memory_space<vmem>> -> memref<1x128x64xf32, #tpu.memory_space<vmem>>
      %dma_start3A_503 = tpu.memref_squeeze %dma_start3A_502 : memref<1x128x64xf32, #tpu.memory_space<vmem>> -> memref<128x64xf32, #tpu.memory_space<vmem>>
      %dma_start3A_504 = arith.constant 0 : i32
      %dma_start3A_505 = tpu.memref_slice %arg7[%add3A_497, %dma_start3A_504] : memref<80x128xi32, #tpu.memory_space<vmem>> -> memref<1x128xi32, #tpu.memory_space<vmem>>
      %dma_start3A_506 = tpu.memref_squeeze %dma_start3A_505 : memref<1x128xi32, #tpu.memory_space<vmem>> -> memref<128xi32, #tpu.memory_space<vmem>>
      %dma_start3A_507 = arith.constant 0 : i32
      %dma_start3A_508 = arith.constant 0 : i32
      %dma_start3A_509 = tpu.memref_slice %arg2[%dma_start3A_507, %dma_start3A_508] : memref<10000x64xf32, #tpu.memory_space<hbm>> -> memref<10000x64xf32, #tpu.memory_space<hbm>>
      %dma_start3A_510 = tpu.memref_slice %arg11[%dma_start3A_499] : memref<4x!tpu.dma_semaphore, #tpu.memory_space<semaphore_mem>> -> memref<1x!tpu.dma_semaphore, #tpu.memory_space<semaphore_mem>>
      %dma_start3A_511 = tpu.memref_squeeze %dma_start3A_510 : memref<1x!tpu.dma_semaphore, #tpu.memory_space<semaphore_mem>> -> memref<!tpu.dma_semaphore, #tpu.memory_space<semaphore_mem>>
      tpu.enqueue_indirect_dma source(%dma_start3A_509 : memref<10000x64xf32, #tpu.memory_space<hbm>>) target(%dma_start3A_503 : memref<128x64xf32, #tpu.memory_space<vmem>>) offsets(%dma_start3A_506 : memref<128xi32, #tpu.memory_space<vmem>>) semaphore(%dma_start3A_511 : memref<!tpu.dma_semaphore, #tpu.memory_space<semaphore_mem>>)
    }
    %scan3A_68 = arith.constant 19 : i32
    %dma_wait3A = arith.constant 0 : i32
    %dma_wait3A_69 = arith.constant 0 : i32
    %dma_wait3A_70 = arith.constant 0 : i32
    %dma_wait3A_71 = arith.constant 0 : i32
    %dma_wait3A_72 = arith.constant 0 : i32
    %dma_wait3A_73 = tpu.memref_slice %arg9[%dma_wait3A_69, %dma_wait3A_71, %dma_wait3A_72] : memref<4x128x64xf32, #tpu.memory_space<vmem>> -> memref<1x128x64xf32, #tpu.memory_space<vmem>>
    %dma_wait3A_74 = tpu.memref_squeeze %dma_wait3A_73 : memref<1x128x64xf32, #tpu.memory_space<vmem>> -> memref<128x64xf32, #tpu.memory_space<vmem>>
    %dma_wait3A_75 = arith.constant 0 : i32
    %dma_wait3A_76 = tpu.memref_slice %arg7[%dma_wait3A, %dma_wait3A_75] : memref<80x128xi32, #tpu.memory_space<vmem>> -> memref<1x128xi32, #tpu.memory_space<vmem>>
    %dma_wait3A_77 = tpu.memref_squeeze %dma_wait3A_76 : memref<1x128xi32, #tpu.memory_space<vmem>> -> memref<128xi32, #tpu.memory_space<vmem>>
    %dma_wait3A_78 = arith.constant 0 : i32
    %dma_wait3A_79 = arith.constant 0 : i32
    %dma_wait3A_80 = tpu.memref_slice %arg2[%dma_wait3A_78, %dma_wait3A_79] : memref<10000x64xf32, #tpu.memory_space<hbm>> -> memref<10000x64xf32, #tpu.memory_space<hbm>>
    %dma_wait3A_81 = tpu.memref_slice %arg11[%dma_wait3A_70] : memref<4x!tpu.dma_semaphore, #tpu.memory_space<semaphore_mem>> -> memref<1x!tpu.dma_semaphore, #tpu.memory_space<semaphore_mem>>
    %dma_wait3A_82 = tpu.memref_squeeze %dma_wait3A_81 : memref<1x!tpu.dma_semaphore, #tpu.memory_space<semaphore_mem>> -> memref<!tpu.dma_semaphore, #tpu.memory_space<semaphore_mem>>
    tpu.wait_indirect_dma semaphore(%dma_wait3A_82 : memref<!tpu.dma_semaphore, #tpu.memory_space<semaphore_mem>>) src(%dma_wait3A_80 : memref<10000x64xf32, #tpu.memory_space<hbm>>) dst(%dma_wait3A_74 : memref<128x64xf32, #tpu.memory_space<vmem>>)
    %dma_start3A_83 = arith.constant 0 : i32
    %dma_start3A_84 = arith.constant 76 : i32
    %dma_start3A_85 = arith.constant 0 : i32
    %dma_start3A_86 = arith.constant 0 : i32
    %dma_start3A_87 = arith.constant 0 : i32
    %dma_start3A_88 = tpu.memref_slice %arg9[%dma_start3A_83, %dma_start3A_86, %dma_start3A_87] : memref<4x128x64xf32, #tpu.memory_space<vmem>> -> memref<1x128x64xf32, #tpu.memory_space<vmem>>
    %dma_start3A_89 = tpu.memref_squeeze %dma_start3A_88 : memref<1x128x64xf32, #tpu.memory_space<vmem>> -> memref<128x64xf32, #tpu.memory_space<vmem>>
    %dma_start3A_90 = arith.constant 0 : i32
    %dma_start3A_91 = tpu.memref_slice %arg8[%dma_start3A_84, %dma_start3A_90] : memref<80x128xi32, #tpu.memory_space<vmem>> -> memref<1x128xi32, #tpu.memory_space<vmem>>
    %dma_start3A_92 = tpu.memref_squeeze %dma_start3A_91 : memref<1x128xi32, #tpu.memory_space<vmem>> -> memref<128xi32, #tpu.memory_space<vmem>>
    %dma_start3A_93 = arith.constant 0 : i32
    %dma_start3A_94 = arith.constant 0 : i32
    %dma_start3A_95 = tpu.memref_slice %arg10[%dma_start3A_93, %dma_start3A_94] : memref<10240x64xf32, #tpu.memory_space<vmem_shared>> -> memref<10240x64xf32, #tpu.memory_space<vmem_shared>>
    %dma_start3A_96 = tpu.memref_slice %arg12[%dma_start3A_85] : memref<4x!tpu.dma_semaphore, #tpu.memory_space<semaphore_mem>> -> memref<1x!tpu.dma_semaphore, #tpu.memory_space<semaphore_mem>>
    %dma_start3A_97 = tpu.memref_squeeze %dma_start3A_96 : memref<1x!tpu.dma_semaphore, #tpu.memory_space<semaphore_mem>> -> memref<!tpu.dma_semaphore, #tpu.memory_space<semaphore_mem>>
    tpu.enqueue_indirect_dma source(%dma_start3A_89 : memref<128x64xf32, #tpu.memory_space<vmem>>) target(%dma_start3A_95 : memref<10240x64xf32, #tpu.memory_space<vmem_shared>>) offsets(%dma_start3A_92 : memref<128xi32, #tpu.memory_space<vmem>>) semaphore(%dma_start3A_97 : memref<!tpu.dma_semaphore, #tpu.memory_space<semaphore_mem>>) {add = true}
    %dma_wait3A_98 = arith.constant 0 : i32
    %dma_wait3A_99 = arith.constant 1 : i32
    %dma_wait3A_100 = arith.constant 1 : i32
    %dma_wait3A_101 = arith.constant 0 : i32
    %dma_wait3A_102 = arith.constant 0 : i32
    %dma_wait3A_103 = tpu.memref_slice %arg9[%dma_wait3A_99, %dma_wait3A_101, %dma_wait3A_102] : memref<4x128x64xf32, #tpu.memory_space<vmem>> -> memref<1x128x64xf32, #tpu.memory_space<vmem>>
    %dma_wait3A_104 = tpu.memref_squeeze %dma_wait3A_103 : memref<1x128x64xf32, #tpu.memory_space<vmem>> -> memref<128x64xf32, #tpu.memory_space<vmem>>
    %dma_wait3A_105 = arith.constant 0 : i32
    %dma_wait3A_106 = tpu.memref_slice %arg7[%dma_wait3A_98, %dma_wait3A_105] : memref<80x128xi32, #tpu.memory_space<vmem>> -> memref<1x128xi32, #tpu.memory_space<vmem>>
    %dma_wait3A_107 = tpu.memref_squeeze %dma_wait3A_106 : memref<1x128xi32, #tpu.memory_space<vmem>> -> memref<128xi32, #tpu.memory_space<vmem>>
    %dma_wait3A_108 = arith.constant 0 : i32
    %dma_wait3A_109 = arith.constant 0 : i32
    %dma_wait3A_110 = tpu.memref_slice %arg2[%dma_wait3A_108, %dma_wait3A_109] : memref<10000x64xf32, #tpu.memory_space<hbm>> -> memref<10000x64xf32, #tpu.memory_space<hbm>>
    %dma_wait3A_111 = tpu.memref_slice %arg11[%dma_wait3A_100] : memref<4x!tpu.dma_semaphore, #tpu.memory_space<semaphore_mem>> -> memref<1x!tpu.dma_semaphore, #tpu.memory_space<semaphore_mem>>
    %dma_wait3A_112 = tpu.memref_squeeze %dma_wait3A_111 : memref<1x!tpu.dma_semaphore, #tpu.memory_space<semaphore_mem>> -> memref<!tpu.dma_semaphore, #tpu.memory_space<semaphore_mem>>
    tpu.wait_indirect_dma semaphore(%dma_wait3A_112 : memref<!tpu.dma_semaphore, #tpu.memory_space<semaphore_mem>>) src(%dma_wait3A_110 : memref<10000x64xf32, #tpu.memory_space<hbm>>) dst(%dma_wait3A_104 : memref<128x64xf32, #tpu.memory_space<vmem>>)
    %dma_start3A_113 = arith.constant 1 : i32
    %dma_start3A_114 = arith.constant 77 : i32
    %dma_start3A_115 = arith.constant 1 : i32
    %dma_start3A_116 = arith.constant 0 : i32
    %dma_start3A_117 = arith.constant 0 : i32
    %dma_start3A_118 = tpu.memref_slice %arg9[%dma_start3A_113, %dma_start3A_116, %dma_start3A_117] : memref<4x128x64xf32, #tpu.memory_space<vmem>> -> memref<1x128x64xf32, #tpu.memory_space<vmem>>
    %dma_start3A_119 = tpu.memref_squeeze %dma_start3A_118 : memref<1x128x64xf32, #tpu.memory_space<vmem>> -> memref<128x64xf32, #tpu.memory_space<vmem>>
    %dma_start3A_120 = arith.constant 0 : i32
    %dma_start3A_121 = tpu.memref_slice %arg8[%dma_start3A_114, %dma_start3A_120] : memref<80x128xi32, #tpu.memory_space<vmem>> -> memref<1x128xi32, #tpu.memory_space<vmem>>
    %dma_start3A_122 = tpu.memref_squeeze %dma_start3A_121 : memref<1x128xi32, #tpu.memory_space<vmem>> -> memref<128xi32, #tpu.memory_space<vmem>>
    %dma_start3A_123 = arith.constant 0 : i32
    %dma_start3A_124 = arith.constant 0 : i32
    %dma_start3A_125 = tpu.memref_slice %arg10[%dma_start3A_123, %dma_start3A_124] : memref<10240x64xf32, #tpu.memory_space<vmem_shared>> -> memref<10240x64xf32, #tpu.memory_space<vmem_shared>>
    %dma_start3A_126 = tpu.memref_slice %arg12[%dma_start3A_115] : memref<4x!tpu.dma_semaphore, #tpu.memory_space<semaphore_mem>> -> memref<1x!tpu.dma_semaphore, #tpu.memory_space<semaphore_mem>>
    %dma_start3A_127 = tpu.memref_squeeze %dma_start3A_126 : memref<1x!tpu.dma_semaphore, #tpu.memory_space<semaphore_mem>> -> memref<!tpu.dma_semaphore, #tpu.memory_space<semaphore_mem>>
    tpu.enqueue_indirect_dma source(%dma_start3A_119 : memref<128x64xf32, #tpu.memory_space<vmem>>) target(%dma_start3A_125 : memref<10240x64xf32, #tpu.memory_space<vmem_shared>>) offsets(%dma_start3A_122 : memref<128xi32, #tpu.memory_space<vmem>>) semaphore(%dma_start3A_127 : memref<!tpu.dma_semaphore, #tpu.memory_space<semaphore_mem>>) {add = true}
    %dma_wait3A_128 = arith.constant 0 : i32
    %dma_wait3A_129 = arith.constant 2 : i32
    %dma_wait3A_130 = arith.constant 2 : i32
    %dma_wait3A_131 = arith.constant 0 : i32
    %dma_wait3A_132 = arith.constant 0 : i32
    %dma_wait3A_133 = tpu.memref_slice %arg9[%dma_wait3A_129, %dma_wait3A_131, %dma_wait3A_132] : memref<4x128x64xf32, #tpu.memory_space<vmem>> -> memref<1x128x64xf32, #tpu.memory_space<vmem>>
    %dma_wait3A_134 = tpu.memref_squeeze %dma_wait3A_133 : memref<1x128x64xf32, #tpu.memory_space<vmem>> -> memref<128x64xf32, #tpu.memory_space<vmem>>
    %dma_wait3A_135 = arith.constant 0 : i32
    %dma_wait3A_136 = tpu.memref_slice %arg7[%dma_wait3A_128, %dma_wait3A_135] : memref<80x128xi32, #tpu.memory_space<vmem>> -> memref<1x128xi32, #tpu.memory_space<vmem>>
    %dma_wait3A_137 = tpu.memref_squeeze %dma_wait3A_136 : memref<1x128xi32, #tpu.memory_space<vmem>> -> memref<128xi32, #tpu.memory_space<vmem>>
    %dma_wait3A_138 = arith.constant 0 : i32
    %dma_wait3A_139 = arith.constant 0 : i32
    %dma_wait3A_140 = tpu.memref_slice %arg2[%dma_wait3A_138, %dma_wait3A_139] : memref<10000x64xf32, #tpu.memory_space<hbm>> -> memref<10000x64xf32, #tpu.memory_space<hbm>>
    %dma_wait3A_141 = tpu.memref_slice %arg11[%dma_wait3A_130] : memref<4x!tpu.dma_semaphore, #tpu.memory_space<semaphore_mem>> -> memref<1x!tpu.dma_semaphore, #tpu.memory_space<semaphore_mem>>
    %dma_wait3A_142 = tpu.memref_squeeze %dma_wait3A_141 : memref<1x!tpu.dma_semaphore, #tpu.memory_space<semaphore_mem>> -> memref<!tpu.dma_semaphore, #tpu.memory_space<semaphore_mem>>
    tpu.wait_indirect_dma semaphore(%dma_wait3A_142 : memref<!tpu.dma_semaphore, #tpu.memory_space<semaphore_mem>>) src(%dma_wait3A_140 : memref<10000x64xf32, #tpu.memory_space<hbm>>) dst(%dma_wait3A_134 : memref<128x64xf32, #tpu.memory_space<vmem>>)
    %dma_start3A_143 = arith.constant 2 : i32
    %dma_start3A_144 = arith.constant 78 : i32
    %dma_start3A_145 = arith.constant 2 : i32
    %dma_start3A_146 = arith.constant 0 : i32
    %dma_start3A_147 = arith.constant 0 : i32
    %dma_start3A_148 = tpu.memref_slice %arg9[%dma_start3A_143, %dma_start3A_146, %dma_start3A_147] : memref<4x128x64xf32, #tpu.memory_space<vmem>> -> memref<1x128x64xf32, #tpu.memory_space<vmem>>
    %dma_start3A_149 = tpu.memref_squeeze %dma_start3A_148 : memref<1x128x64xf32, #tpu.memory_space<vmem>> -> memref<128x64xf32, #tpu.memory_space<vmem>>
    %dma_start3A_150 = arith.constant 0 : i32
    %dma_start3A_151 = tpu.memref_slice %arg8[%dma_start3A_144, %dma_start3A_150] : memref<80x128xi32, #tpu.memory_space<vmem>> -> memref<1x128xi32, #tpu.memory_space<vmem>>
    %dma_start3A_152 = tpu.memref_squeeze %dma_start3A_151 : memref<1x128xi32, #tpu.memory_space<vmem>> -> memref<128xi32, #tpu.memory_space<vmem>>
    %dma_start3A_153 = arith.constant 0 : i32
    %dma_start3A_154 = arith.constant 0 : i32
    %dma_start3A_155 = tpu.memref_slice %arg10[%dma_start3A_153, %dma_start3A_154] : memref<10240x64xf32, #tpu.memory_space<vmem_shared>> -> memref<10240x64xf32, #tpu.memory_space<vmem_shared>>
    %dma_start3A_156 = tpu.memref_slice %arg12[%dma_start3A_145] : memref<4x!tpu.dma_semaphore, #tpu.memory_space<semaphore_mem>> -> memref<1x!tpu.dma_semaphore, #tpu.memory_space<semaphore_mem>>
    %dma_start3A_157 = tpu.memref_squeeze %dma_start3A_156 : memref<1x!tpu.dma_semaphore, #tpu.memory_space<semaphore_mem>> -> memref<!tpu.dma_semaphore, #tpu.memory_space<semaphore_mem>>
    tpu.enqueue_indirect_dma source(%dma_start3A_149 : memref<128x64xf32, #tpu.memory_space<vmem>>) target(%dma_start3A_155 : memref<10240x64xf32, #tpu.memory_space<vmem_shared>>) offsets(%dma_start3A_152 : memref<128xi32, #tpu.memory_space<vmem>>) semaphore(%dma_start3A_157 : memref<!tpu.dma_semaphore, #tpu.memory_space<semaphore_mem>>) {add = true}
    %dma_wait3A_158 = arith.constant 0 : i32
    %dma_wait3A_159 = arith.constant 3 : i32
    %dma_wait3A_160 = arith.constant 3 : i32
    %dma_wait3A_161 = arith.constant 0 : i32
    %dma_wait3A_162 = arith.constant 0 : i32
    %dma_wait3A_163 = tpu.memref_slice %arg9[%dma_wait3A_159, %dma_wait3A_161, %dma_wait3A_162] : memref<4x128x64xf32, #tpu.memory_space<vmem>> -> memref<1x128x64xf32, #tpu.memory_space<vmem>>
    %dma_wait3A_164 = tpu.memref_squeeze %dma_wait3A_163 : memref<1x128x64xf32, #tpu.memory_space<vmem>> -> memref<128x64xf32, #tpu.memory_space<vmem>>
    %dma_wait3A_165 = arith.constant 0 : i32
    %dma_wait3A_166 = tpu.memref_slice %arg7[%dma_wait3A_158, %dma_wait3A_165] : memref<80x128xi32, #tpu.memory_space<vmem>> -> memref<1x128xi32, #tpu.memory_space<vmem>>
    %dma_wait3A_167 = tpu.memref_squeeze %dma_wait3A_166 : memref<1x128xi32, #tpu.memory_space<vmem>> -> memref<128xi32, #tpu.memory_space<vmem>>
    %dma_wait3A_168 = arith.constant 0 : i32
    %dma_wait3A_169 = arith.constant 0 : i32
    %dma_wait3A_170 = tpu.memref_slice %arg2[%dma_wait3A_168, %dma_wait3A_169] : memref<10000x64xf32, #tpu.memory_space<hbm>> -> memref<10000x64xf32, #tpu.memory_space<hbm>>
    %dma_wait3A_171 = tpu.memref_slice %arg11[%dma_wait3A_160] : memref<4x!tpu.dma_semaphore, #tpu.memory_space<semaphore_mem>> -> memref<1x!tpu.dma_semaphore, #tpu.memory_space<semaphore_mem>>
    %dma_wait3A_172 = tpu.memref_squeeze %dma_wait3A_171 : memref<1x!tpu.dma_semaphore, #tpu.memory_space<semaphore_mem>> -> memref<!tpu.dma_semaphore, #tpu.memory_space<semaphore_mem>>
    tpu.wait_indirect_dma semaphore(%dma_wait3A_172 : memref<!tpu.dma_semaphore, #tpu.memory_space<semaphore_mem>>) src(%dma_wait3A_170 : memref<10000x64xf32, #tpu.memory_space<hbm>>) dst(%dma_wait3A_164 : memref<128x64xf32, #tpu.memory_space<vmem>>)
    %dma_start3A_173 = arith.constant 3 : i32
    %dma_start3A_174 = arith.constant 79 : i32
    %dma_start3A_175 = arith.constant 3 : i32
    %dma_start3A_176 = arith.constant 0 : i32
    %dma_start3A_177 = arith.constant 0 : i32
    %dma_start3A_178 = tpu.memref_slice %arg9[%dma_start3A_173, %dma_start3A_176, %dma_start3A_177] : memref<4x128x64xf32, #tpu.memory_space<vmem>> -> memref<1x128x64xf32, #tpu.memory_space<vmem>>
    %dma_start3A_179 = tpu.memref_squeeze %dma_start3A_178 : memref<1x128x64xf32, #tpu.memory_space<vmem>> -> memref<128x64xf32, #tpu.memory_space<vmem>>
    %dma_start3A_180 = arith.constant 0 : i32
    %dma_start3A_181 = tpu.memref_slice %arg8[%dma_start3A_174, %dma_start3A_180] : memref<80x128xi32, #tpu.memory_space<vmem>> -> memref<1x128xi32, #tpu.memory_space<vmem>>
    %dma_start3A_182 = tpu.memref_squeeze %dma_start3A_181 : memref<1x128xi32, #tpu.memory_space<vmem>> -> memref<128xi32, #tpu.memory_space<vmem>>
    %dma_start3A_183 = arith.constant 0 : i32
    %dma_start3A_184 = arith.constant 0 : i32
    %dma_start3A_185 = tpu.memref_slice %arg10[%dma_start3A_183, %dma_start3A_184] : memref<10240x64xf32, #tpu.memory_space<vmem_shared>> -> memref<10240x64xf32, #tpu.memory_space<vmem_shared>>
    %dma_start3A_186 = tpu.memref_slice %arg12[%dma_start3A_175] : memref<4x!tpu.dma_semaphore, #tpu.memory_space<semaphore_mem>> -> memref<1x!tpu.dma_semaphore, #tpu.memory_space<semaphore_mem>>
    %dma_start3A_187 = tpu.memref_squeeze %dma_start3A_186 : memref<1x!tpu.dma_semaphore, #tpu.memory_space<semaphore_mem>> -> memref<!tpu.dma_semaphore, #tpu.memory_space<semaphore_mem>>
    tpu.enqueue_indirect_dma source(%dma_start3A_179 : memref<128x64xf32, #tpu.memory_space<vmem>>) target(%dma_start3A_185 : memref<10240x64xf32, #tpu.memory_space<vmem_shared>>) offsets(%dma_start3A_182 : memref<128xi32, #tpu.memory_space<vmem>>) semaphore(%dma_start3A_187 : memref<!tpu.dma_semaphore, #tpu.memory_space<semaphore_mem>>) {add = true}
    %dma_wait3A_188 = arith.constant 0 : i32
    %dma_wait3A_189 = arith.constant 0 : i32
    %dma_wait3A_190 = arith.constant 0 : i32
    %dma_wait3A_191 = arith.constant 0 : i32
    %dma_wait3A_192 = arith.constant 0 : i32
    %dma_wait3A_193 = tpu.memref_slice %arg9[%dma_wait3A_188, %dma_wait3A_191, %dma_wait3A_192] : memref<4x128x64xf32, #tpu.memory_space<vmem>> -> memref<1x128x64xf32, #tpu.memory_space<vmem>>
    %dma_wait3A_194 = tpu.memref_squeeze %dma_wait3A_193 : memref<1x128x64xf32, #tpu.memory_space<vmem>> -> memref<128x64xf32, #tpu.memory_space<vmem>>
    %dma_wait3A_195 = arith.constant 0 : i32
    %dma_wait3A_196 = tpu.memref_slice %arg8[%dma_wait3A_189, %dma_wait3A_195] : memref<80x128xi32, #tpu.memory_space<vmem>> -> memref<1x128xi32, #tpu.memory_space<vmem>>
    %dma_wait3A_197 = tpu.memref_squeeze %dma_wait3A_196 : memref<1x128xi32, #tpu.memory_space<vmem>> -> memref<128xi32, #tpu.memory_space<vmem>>
    %dma_wait3A_198 = arith.constant 0 : i32
    %dma_wait3A_199 = arith.constant 0 : i32
    %dma_wait3A_200 = tpu.memref_slice %arg10[%dma_wait3A_198, %dma_wait3A_199] : memref<10240x64xf32, #tpu.memory_space<vmem_shared>> -> memref<10240x64xf32, #tpu.memory_space<vmem_shared>>
    %dma_wait3A_201 = tpu.memref_slice %arg12[%dma_wait3A_190] : memref<4x!tpu.dma_semaphore, #tpu.memory_space<semaphore_mem>> -> memref<1x!tpu.dma_semaphore, #tpu.memory_space<semaphore_mem>>
    %dma_wait3A_202 = tpu.memref_squeeze %dma_wait3A_201 : memref<1x!tpu.dma_semaphore, #tpu.memory_space<semaphore_mem>> -> memref<!tpu.dma_semaphore, #tpu.memory_space<semaphore_mem>>
    tpu.wait_indirect_dma semaphore(%dma_wait3A_202 : memref<!tpu.dma_semaphore, #tpu.memory_space<semaphore_mem>>) src(%dma_wait3A_194 : memref<128x64xf32, #tpu.memory_space<vmem>>) dst(%dma_wait3A_200 : memref<10240x64xf32, #tpu.memory_space<vmem_shared>>)
    %dma_wait3A_203 = arith.constant 1 : i32
    %dma_wait3A_204 = arith.constant 0 : i32
    %dma_wait3A_205 = arith.constant 1 : i32
    %dma_wait3A_206 = arith.constant 0 : i32
    %dma_wait3A_207 = arith.constant 0 : i32
    %dma_wait3A_208 = tpu.memref_slice %arg9[%dma_wait3A_203, %dma_wait3A_206, %dma_wait3A_207] : memref<4x128x64xf32, #tpu.memory_space<vmem>> -> memref<1x128x64xf32, #tpu.memory_space<vmem>>
    %dma_wait3A_209 = tpu.memref_squeeze %dma_wait3A_208 : memref<1x128x64xf32, #tpu.memory_space<vmem>> -> memref<128x64xf32, #tpu.memory_space<vmem>>
    %dma_wait3A_210 = arith.constant 0 : i32
    %dma_wait3A_211 = tpu.memref_slice %arg8[%dma_wait3A_204, %dma_wait3A_210] : memref<80x128xi32, #tpu.memory_space<vmem>> -> memref<1x128xi32, #tpu.memory_space<vmem>>
    %dma_wait3A_212 = tpu.memref_squeeze %dma_wait3A_211 : memref<1x128xi32, #tpu.memory_space<vmem>> -> memref<128xi32, #tpu.memory_space<vmem>>
    %dma_wait3A_213 = arith.constant 0 : i32
    %dma_wait3A_214 = arith.constant 0 : i32
    %dma_wait3A_215 = tpu.memref_slice %arg10[%dma_wait3A_213, %dma_wait3A_214] : memref<10240x64xf32, #tpu.memory_space<vmem_shared>> -> memref<10240x64xf32, #tpu.memory_space<vmem_shared>>
    %dma_wait3A_216 = tpu.memref_slice %arg12[%dma_wait3A_205] : memref<4x!tpu.dma_semaphore, #tpu.memory_space<semaphore_mem>> -> memref<1x!tpu.dma_semaphore, #tpu.memory_space<semaphore_mem>>
    %dma_wait3A_217 = tpu.memref_squeeze %dma_wait3A_216 : memref<1x!tpu.dma_semaphore, #tpu.memory_space<semaphore_mem>> -> memref<!tpu.dma_semaphore, #tpu.memory_space<semaphore_mem>>
    tpu.wait_indirect_dma semaphore(%dma_wait3A_217 : memref<!tpu.dma_semaphore, #tpu.memory_space<semaphore_mem>>) src(%dma_wait3A_209 : memref<128x64xf32, #tpu.memory_space<vmem>>) dst(%dma_wait3A_215 : memref<10240x64xf32, #tpu.memory_space<vmem_shared>>)
    %dma_wait3A_218 = arith.constant 2 : i32
    %dma_wait3A_219 = arith.constant 0 : i32
    %dma_wait3A_220 = arith.constant 2 : i32
    %dma_wait3A_221 = arith.constant 0 : i32
    %dma_wait3A_222 = arith.constant 0 : i32
    %dma_wait3A_223 = tpu.memref_slice %arg9[%dma_wait3A_218, %dma_wait3A_221, %dma_wait3A_222] : memref<4x128x64xf32, #tpu.memory_space<vmem>> -> memref<1x128x64xf32, #tpu.memory_space<vmem>>
    %dma_wait3A_224 = tpu.memref_squeeze %dma_wait3A_223 : memref<1x128x64xf32, #tpu.memory_space<vmem>> -> memref<128x64xf32, #tpu.memory_space<vmem>>
    %dma_wait3A_225 = arith.constant 0 : i32
    %dma_wait3A_226 = tpu.memref_slice %arg8[%dma_wait3A_219, %dma_wait3A_225] : memref<80x128xi32, #tpu.memory_space<vmem>> -> memref<1x128xi32, #tpu.memory_space<vmem>>
    %dma_wait3A_227 = tpu.memref_squeeze %dma_wait3A_226 : memref<1x128xi32, #tpu.memory_space<vmem>> -> memref<128xi32, #tpu.memory_space<vmem>>
    %dma_wait3A_228 = arith.constant 0 : i32
    %dma_wait3A_229 = arith.constant 0 : i32
    %dma_wait3A_230 = tpu.memref_slice %arg10[%dma_wait3A_228, %dma_wait3A_229] : memref<10240x64xf32, #tpu.memory_space<vmem_shared>> -> memref<10240x64xf32, #tpu.memory_space<vmem_shared>>
    %dma_wait3A_231 = tpu.memref_slice %arg12[%dma_wait3A_220] : memref<4x!tpu.dma_semaphore, #tpu.memory_space<semaphore_mem>> -> memref<1x!tpu.dma_semaphore, #tpu.memory_space<semaphore_mem>>
    %dma_wait3A_232 = tpu.memref_squeeze %dma_wait3A_231 : memref<1x!tpu.dma_semaphore, #tpu.memory_space<semaphore_mem>> -> memref<!tpu.dma_semaphore, #tpu.memory_space<semaphore_mem>>
    tpu.wait_indirect_dma semaphore(%dma_wait3A_232 : memref<!tpu.dma_semaphore, #tpu.memory_space<semaphore_mem>>) src(%dma_wait3A_224 : memref<128x64xf32, #tpu.memory_space<vmem>>) dst(%dma_wait3A_230 : memref<10240x64xf32, #tpu.memory_space<vmem_shared>>)
    %dma_wait3A_233 = arith.constant 3 : i32
    %dma_wait3A_234 = arith.constant 0 : i32
    %dma_wait3A_235 = arith.constant 3 : i32
    %dma_wait3A_236 = arith.constant 0 : i32
    %dma_wait3A_237 = arith.constant 0 : i32
    %dma_wait3A_238 = tpu.memref_slice %arg9[%dma_wait3A_233, %dma_wait3A_236, %dma_wait3A_237] : memref<4x128x64xf32, #tpu.memory_space<vmem>> -> memref<1x128x64xf32, #tpu.memory_space<vmem>>
    %dma_wait3A_239 = tpu.memref_squeeze %dma_wait3A_238 : memref<1x128x64xf32, #tpu.memory_space<vmem>> -> memref<128x64xf32, #tpu.memory_space<vmem>>
    %dma_wait3A_240 = arith.constant 0 : i32
    %dma_wait3A_241 = tpu.memref_slice %arg8[%dma_wait3A_234, %dma_wait3A_240] : memref<80x128xi32, #tpu.memory_space<vmem>> -> memref<1x128xi32, #tpu.memory_space<vmem>>
    %dma_wait3A_242 = tpu.memref_squeeze %dma_wait3A_241 : memref<1x128xi32, #tpu.memory_space<vmem>> -> memref<128xi32, #tpu.memory_space<vmem>>
    %dma_wait3A_243 = arith.constant 0 : i32
    %dma_wait3A_244 = arith.constant 0 : i32
    %dma_wait3A_245 = tpu.memref_slice %arg10[%dma_wait3A_243, %dma_wait3A_244] : memref<10240x64xf32, #tpu.memory_space<vmem_shared>> -> memref<10240x64xf32, #tpu.memory_space<vmem_shared>>
    %dma_wait3A_246 = tpu.memref_slice %arg12[%dma_wait3A_235] : memref<4x!tpu.dma_semaphore, #tpu.memory_space<semaphore_mem>> -> memref<1x!tpu.dma_semaphore, #tpu.memory_space<semaphore_mem>>
    %dma_wait3A_247 = tpu.memref_squeeze %dma_wait3A_246 : memref<1x!tpu.dma_semaphore, #tpu.memory_space<semaphore_mem>> -> memref<!tpu.dma_semaphore, #tpu.memory_space<semaphore_mem>>
    tpu.wait_indirect_dma semaphore(%dma_wait3A_247 : memref<!tpu.dma_semaphore, #tpu.memory_space<semaphore_mem>>) src(%dma_wait3A_239 : memref<128x64xf32, #tpu.memory_space<vmem>>) dst(%dma_wait3A_245 : memref<10240x64xf32, #tpu.memory_space<vmem_shared>>)
    %barrier3A_248 = arith.constant 0 : index
    tpu.barrier barrier_id(%barrier3A_248)
    %mul3A_249 = arith.constant 640 : i32
    %mul3A_250 = arith.muli %arg1, %mul3A_249 : i32
    %mul3A_251 = arith.constant 640 : i32
    %mul3A_252 = arith.muli %arg1, %mul3A_251 : i32
    "tpu.region"() ({
      %run_scoped3A = tpu.sem_alloc : memref<!tpu.dma_semaphore, #tpu.memory_space<semaphore_mem>>
      %dma_start3A_253 = arith.constant 0 : i32
      %dma_start3A_254 = arith.constant 0 : i32
      %dma_start3A_255 = tpu.memref_slice %arg6[%arg0, %dma_start3A_253, %dma_start3A_254] : memref<2x10240x64xf32, #tpu.memory_space<hbm>> -> memref<1x10240x64xf32, #tpu.memory_space<hbm>>
      %dma_start3A_256 = tpu.memref_squeeze %dma_start3A_255 : memref<1x10240x64xf32, #tpu.memory_space<hbm>> -> memref<10240x64xf32, #tpu.memory_space<hbm>>
      %dma_start3A_257 = arith.constant 0 : i32
      %dma_start3A_258 = tpu.memref_slice %dma_start3A_256[%mul3A_252, %dma_start3A_257] : memref<10240x64xf32, #tpu.memory_space<hbm>> -> memref<640x64xf32, #tpu.memory_space<hbm>>
      %dma_start3A_259 = arith.constant 0 : i32
      %dma_start3A_260 = tpu.memref_slice %arg10[%mul3A_250, %dma_start3A_259] : memref<10240x64xf32, #tpu.memory_space<vmem_shared>> -> memref<640x64xf32, #tpu.memory_space<vmem_shared>>
      tpu.enqueue_dma source(%dma_start3A_260 : memref<640x64xf32, #tpu.memory_space<vmem_shared>>) target(%dma_start3A_258 : memref<640x64xf32, #tpu.memory_space<hbm>>) target_semaphore(%run_scoped3A : memref<!tpu.dma_semaphore, #tpu.memory_space<semaphore_mem>>)
      %dma_wait3A_261 = arith.constant 0 : i32
      %dma_wait3A_262 = arith.constant 0 : i32
      %dma_wait3A_263 = tpu.memref_slice %arg6[%arg0, %dma_wait3A_261, %dma_wait3A_262] : memref<2x10240x64xf32, #tpu.memory_space<hbm>> -> memref<1x10240x64xf32, #tpu.memory_space<hbm>>
      %dma_wait3A_264 = tpu.memref_squeeze %dma_wait3A_263 : memref<1x10240x64xf32, #tpu.memory_space<hbm>> -> memref<10240x64xf32, #tpu.memory_space<hbm>>
      %dma_wait3A_265 = arith.constant 0 : i32
      %dma_wait3A_266 = tpu.memref_slice %dma_wait3A_264[%mul3A_252, %dma_wait3A_265] : memref<10240x64xf32, #tpu.memory_space<hbm>> -> memref<640x64xf32, #tpu.memory_space<hbm>>
      %dma_wait3A_267 = arith.constant 0 : i32
      %dma_wait3A_268 = tpu.memref_slice %arg10[%mul3A_250, %dma_wait3A_267] : memref<10240x64xf32, #tpu.memory_space<vmem_shared>> -> memref<640x64xf32, #tpu.memory_space<vmem_shared>>
      tpu.wait_dma2 semaphore(%run_scoped3A : memref<!tpu.dma_semaphore, #tpu.memory_space<semaphore_mem>>) src(%dma_wait3A_268 : memref<640x64xf32, #tpu.memory_space<vmem_shared>>) dst(%dma_wait3A_266 : memref<640x64xf32, #tpu.memory_space<hbm>>)
      tpu.yield
    }) : () -> ()
    return
  }
}

module attributes {stable_mosaic.version = 14 : i64} {
  func.func @_tc_pre_body(%arg0: memref<10000x128xf32, #tpu.memory_space<vmem>>, %arg1: memref<128x64xf32, #tpu.memory_space<vmem>>, %arg2: memref<64xf32, #tpu.memory_space<vmem>>, %arg3: memref<64x64xf32, #tpu.memory_space<vmem>>, %arg4: memref<2x10240xf32, #tpu.memory_space<vmem>>, %arg5: memref<10000x64xf32, #tpu.memory_space<vmem>>) attributes {dimension_semantics = [], scalar_prefetch = 0 : i64, scratch_operands = 0 : i64, tpu.core_type = #tpu.core_type<tc>} {
    %get3A = arith.constant 0 : index
    %get3A_0 = arith.constant 0 : index
    %get3A_1 = vector.load %arg4[%get3A, %get3A_0] : memref<2x10240xf32, #tpu.memory_space<vmem>>, vector<1x10000xf32>
    %get3A_2 = vector.shape_cast %get3A_1 : vector<1x10000xf32> to vector<10000xf32>
    %get3A_3 = arith.constant 1 : index
    %get3A_4 = arith.constant 0 : index
    %get3A_5 = vector.load %arg4[%get3A_3, %get3A_4] : memref<2x10240xf32, #tpu.memory_space<vmem>>, vector<1x10000xf32>
    %get3A_6 = vector.shape_cast %get3A_5 : vector<1x10000xf32> to vector<10000xf32>
    %add3A = arith.addf %get3A_2, %get3A_6 : vector<10000xf32>
    %add3A_7 = arith.constant 1.000000e+00 : f32
    %add3A_8 = vector.broadcast %add3A_7 : f32 to vector<10000xf32>
    %add3A_9 = arith.addf %add3A, %add3A_8 : vector<10000xf32>
    %rsqrt3A = math.rsqrt %add3A_9 : vector<10000xf32>
    %get3A_10 = arith.constant 0 : index
    %get3A_11 = arith.constant 0 : index
    %get3A_12 = vector.load %arg0[%get3A_10, %get3A_11] : memref<10000x128xf32, #tpu.memory_space<vmem>>, vector<10000x128xf32>
    %get3A_13 = arith.constant 0 : index
    %get3A_14 = arith.constant 0 : index
    %get3A_15 = vector.load %arg1[%get3A_13, %get3A_14] : memref<128x64xf32, #tpu.memory_space<vmem>>, vector<128x64xf32>
    %dot_general3A = arith.constant dense<0.000000e+00> : vector<10000x64xf32>
    %dot_general3A_16 = tpu.matmul %get3A_12, %get3A_15, %dot_general3A {dimension_numbers = #tpu.dot_dimension_numbers<[1], [0], [0], [1], [0, 0, 1, 1], [], []>, transpose_lhs_hint = false} : vector<10000x128xf32>, vector<128x64xf32>, vector<10000x64xf32> -> vector<10000x64xf32>
    %get3A_17 = arith.constant 0 : index
    %get3A_18 = vector.load %arg2[%get3A_17] : memref<64xf32, #tpu.memory_space<vmem>>, vector<64xf32>
    %broadcast_in_dim3A = vector.shape_cast %get3A_18 : vector<64xf32> to vector<1x64xf32>
    %add3A_19 = vector.broadcast %broadcast_in_dim3A : vector<1x64xf32> to vector<10000x64xf32>
    %add3A_20 = arith.addf %dot_general3A_16, %add3A_19 : vector<10000x64xf32>
    %broadcast_in_dim3A_21 = vector.shape_cast %rsqrt3A : vector<10000xf32> to vector<10000x1xf32>
    %get3A_22 = arith.constant 0 : index
    %get3A_23 = arith.constant 0 : index
    %get3A_24 = vector.load %arg3[%get3A_22, %get3A_23] : memref<64x64xf32, #tpu.memory_space<vmem>>, vector<64x64xf32>
    %dot_general3A_25 = arith.constant dense<0.000000e+00> : vector<10000x64xf32>
    %dot_general3A_26 = tpu.matmul %add3A_20, %get3A_24, %dot_general3A_25 {dimension_numbers = #tpu.dot_dimension_numbers<[1], [0], [0], [1], [0, 0, 1, 1], [], []>, transpose_lhs_hint = false} : vector<10000x64xf32>, vector<64x64xf32>, vector<10000x64xf32> -> vector<10000x64xf32>
    %mul3A = vector.broadcast %broadcast_in_dim3A_21 : vector<10000x1xf32> to vector<10000x64xf32>
    %mul3A_27 = arith.mulf %mul3A, %dot_general3A_26 : vector<10000x64xf32>
    %swap3A = arith.constant 0 : index
    %swap3A_28 = arith.constant 0 : index
    %swap3A_29 = vector.load %arg5[%swap3A, %swap3A_28] : memref<10000x64xf32, #tpu.memory_space<vmem>>, vector<10000x64xf32>
    tpu.vector_store %arg5[%swap3A, %swap3A_28], %mul3A_27 {strides = array<i32>} : memref<10000x64xf32, #tpu.memory_space<vmem>>, vector<10000x64xf32>,
    return
  }
}

module attributes {stable_mosaic.version = 14 : i64} {
  func.func @_tc_mid_body(%arg0: memref<2x10240x64xf32, #tpu.memory_space<vmem>>, %arg1: memref<10000x64xf32, #tpu.memory_space<vmem>>, %arg2: memref<2x10240xf32, #tpu.memory_space<vmem>>, %arg3: memref<64xf32, #tpu.memory_space<vmem>>, %arg4: memref<64x64xf32, #tpu.memory_space<vmem>>, %arg5: memref<10000x64xf32, #tpu.memory_space<vmem>>) attributes {dimension_semantics = [], scalar_prefetch = 0 : i64, scratch_operands = 0 : i64, tpu.core_type = #tpu.core_type<tc>} {
    %get3A = arith.constant 0 : index
    %get3A_0 = arith.constant 0 : index
    %get3A_1 = vector.load %arg2[%get3A, %get3A_0] : memref<2x10240xf32, #tpu.memory_space<vmem>>, vector<1x10000xf32>
    %get3A_2 = vector.shape_cast %get3A_1 : vector<1x10000xf32> to vector<10000xf32>
    %get3A_3 = arith.constant 1 : index
    %get3A_4 = arith.constant 0 : index
    %get3A_5 = vector.load %arg2[%get3A_3, %get3A_4] : memref<2x10240xf32, #tpu.memory_space<vmem>>, vector<1x10000xf32>
    %get3A_6 = vector.shape_cast %get3A_5 : vector<1x10000xf32> to vector<10000xf32>
    %add3A = arith.addf %get3A_2, %get3A_6 : vector<10000xf32>
    %add3A_7 = arith.constant 1.000000e+00 : f32
    %add3A_8 = vector.broadcast %add3A_7 : f32 to vector<10000xf32>
    %add3A_9 = arith.addf %add3A, %add3A_8 : vector<10000xf32>
    %rsqrt3A = math.rsqrt %add3A_9 : vector<10000xf32>
    %get3A_10 = arith.constant 0 : index
    %get3A_11 = arith.constant 0 : index
    %get3A_12 = arith.constant 0 : index
    %get3A_13 = vector.load %arg0[%get3A_10, %get3A_11, %get3A_12] : memref<2x10240x64xf32, #tpu.memory_space<vmem>>, vector<1x10000x64xf32>
    %get3A_14 = vector.shape_cast %get3A_13 : vector<1x10000x64xf32> to vector<10000x64xf32>
    %get3A_15 = arith.constant 1 : index
    %get3A_16 = arith.constant 0 : index
    %get3A_17 = arith.constant 0 : index
    %get3A_18 = vector.load %arg0[%get3A_15, %get3A_16, %get3A_17] : memref<2x10240x64xf32, #tpu.memory_space<vmem>>, vector<1x10000x64xf32>
    %get3A_19 = vector.shape_cast %get3A_18 : vector<1x10000x64xf32> to vector<10000x64xf32>
    %add3A_20 = arith.addf %get3A_14, %get3A_19 : vector<10000x64xf32>
    %get3A_21 = arith.constant 0 : index
    %get3A_22 = arith.constant 0 : index
    %get3A_23 = vector.load %arg1[%get3A_21, %get3A_22] : memref<10000x64xf32, #tpu.memory_space<vmem>>, vector<10000x64xf32>
    %add3A_24 = arith.addf %add3A_20, %get3A_23 : vector<10000x64xf32>
    %broadcast_in_dim3A = vector.shape_cast %rsqrt3A : vector<10000xf32> to vector<10000x1xf32>
    %mul3A = vector.broadcast %broadcast_in_dim3A : vector<10000x1xf32> to vector<10000x64xf32>
    %mul3A_25 = arith.mulf %mul3A, %add3A_24 : vector<10000x64xf32>
    %get3A_26 = arith.constant 0 : index
    %get3A_27 = vector.load %arg3[%get3A_26] : memref<64xf32, #tpu.memory_space<vmem>>, vector<64xf32>
    %broadcast_in_dim3A_28 = vector.shape_cast %get3A_27 : vector<64xf32> to vector<1x64xf32>
    %add3A_29 = vector.broadcast %broadcast_in_dim3A_28 : vector<1x64xf32> to vector<10000x64xf32>
    %add3A_30 = arith.addf %mul3A_25, %add3A_29 : vector<10000x64xf32>
    %max3A = arith.constant 0.000000e+00 : f32
    %max3A_31 = vector.broadcast %max3A : f32 to vector<10000x64xf32>
    %max3A_32 = arith.maximumf %add3A_30, %max3A_31 : vector<10000x64xf32>
    %broadcast_in_dim3A_33 = vector.shape_cast %rsqrt3A : vector<10000xf32> to vector<10000x1xf32>
    %get3A_34 = arith.constant 0 : index
    %get3A_35 = arith.constant 0 : index
    %get3A_36 = vector.load %arg4[%get3A_34, %get3A_35] : memref<64x64xf32, #tpu.memory_space<vmem>>, vector<64x64xf32>
    %dot_general3A = arith.constant dense<0.000000e+00> : vector<10000x64xf32>
    %dot_general3A_37 = tpu.matmul %max3A_32, %get3A_36, %dot_general3A {dimension_numbers = #tpu.dot_dimension_numbers<[1], [0], [0], [1], [0, 0, 1, 1], [], []>, transpose_lhs_hint = false} : vector<10000x64xf32>, vector<64x64xf32>, vector<10000x64xf32> -> vector<10000x64xf32>
    %mul3A_38 = vector.broadcast %broadcast_in_dim3A_33 : vector<10000x1xf32> to vector<10000x64xf32>
    %mul3A_39 = arith.mulf %mul3A_38, %dot_general3A_37 : vector<10000x64xf32>
    %swap3A = arith.constant 0 : index
    %swap3A_40 = arith.constant 0 : index
    %swap3A_41 = vector.load %arg5[%swap3A, %swap3A_40] : memref<10000x64xf32, #tpu.memory_space<vmem>>, vector<10000x64xf32>
    tpu.vector_store %arg5[%swap3A, %swap3A_40], %mul3A_39 {strides = array<i32>} : memref<10000x64xf32, #tpu.memory_space<vmem>>, vector<10000x64xf32>,
    return
  }
}

module attributes {stable_mosaic.version = 14 : i64} {
  func.func @_tc_post_body(%arg0: memref<2x10240x64xf32, #tpu.memory_space<vmem>>, %arg1: memref<10000x64xf32, #tpu.memory_space<vmem>>, %arg2: memref<2x10240xf32, #tpu.memory_space<vmem>>, %arg3: memref<64xf32, #tpu.memory_space<vmem>>, %arg4: memref<64x64xf32, #tpu.memory_space<vmem>>, %arg5: memref<64xf32, #tpu.memory_space<vmem>>, %arg6: memref<10000xi32, #tpu.memory_space<vmem>>, %arg7: memref<64x1xf32, #tpu.memory_space<vmem>>, %arg8: memref<1xf32, #tpu.memory_space<vmem>>, %arg9: memref<64xf32, #tpu.memory_space<vmem>>) attributes {dimension_semantics = [], scalar_prefetch = 0 : i64, scratch_operands = 0 : i64, tpu.core_type = #tpu.core_type<tc>} {
    %get3A = arith.constant 0 : index
    %get3A_0 = arith.constant 0 : index
    %get3A_1 = vector.load %arg2[%get3A, %get3A_0] : memref<2x10240xf32, #tpu.memory_space<vmem>>, vector<1x10000xf32>
    %get3A_2 = vector.shape_cast %get3A_1 : vector<1x10000xf32> to vector<10000xf32>
    %get3A_3 = arith.constant 1 : index
    %get3A_4 = arith.constant 0 : index
    %get3A_5 = vector.load %arg2[%get3A_3, %get3A_4] : memref<2x10240xf32, #tpu.memory_space<vmem>>, vector<1x10000xf32>
    %get3A_6 = vector.shape_cast %get3A_5 : vector<1x10000xf32> to vector<10000xf32>
    %add3A = arith.addf %get3A_2, %get3A_6 : vector<10000xf32>
    %add3A_7 = arith.constant 1.000000e+00 : f32
    %add3A_8 = vector.broadcast %add3A_7 : f32 to vector<10000xf32>
    %add3A_9 = arith.addf %add3A, %add3A_8 : vector<10000xf32>
    %rsqrt3A = math.rsqrt %add3A_9 : vector<10000xf32>
    %get3A_10 = arith.constant 0 : index
    %get3A_11 = arith.constant 0 : index
    %get3A_12 = arith.constant 0 : index
    %get3A_13 = vector.load %arg0[%get3A_10, %get3A_11, %get3A_12] : memref<2x10240x64xf32, #tpu.memory_space<vmem>>, vector<1x10000x64xf32>
    %get3A_14 = vector.shape_cast %get3A_13 : vector<1x10000x64xf32> to vector<10000x64xf32>
    %get3A_15 = arith.constant 1 : index
    %get3A_16 = arith.constant 0 : index
    %get3A_17 = arith.constant 0 : index
    %get3A_18 = vector.load %arg0[%get3A_15, %get3A_16, %get3A_17] : memref<2x10240x64xf32, #tpu.memory_space<vmem>>, vector<1x10000x64xf32>
    %get3A_19 = vector.shape_cast %get3A_18 : vector<1x10000x64xf32> to vector<10000x64xf32>
    %add3A_20 = arith.addf %get3A_14, %get3A_19 : vector<10000x64xf32>
    %get3A_21 = arith.constant 0 : index
    %get3A_22 = arith.constant 0 : index
    %get3A_23 = vector.load %arg1[%get3A_21, %get3A_22] : memref<10000x64xf32, #tpu.memory_space<vmem>>, vector<10000x64xf32>
    %add3A_24 = arith.addf %add3A_20, %get3A_23 : vector<10000x64xf32>
    %broadcast_in_dim3A = vector.shape_cast %rsqrt3A : vector<10000xf32> to vector<10000x1xf32>
    %mul3A = vector.broadcast %broadcast_in_dim3A : vector<10000x1xf32> to vector<10000x64xf32>
    %mul3A_25 = arith.mulf %mul3A, %add3A_24 : vector<10000x64xf32>
    %get3A_26 = arith.constant 0 : index
    %get3A_27 = vector.load %arg3[%get3A_26] : memref<64xf32, #tpu.memory_space<vmem>>, vector<64xf32>
    %broadcast_in_dim3A_28 = vector.shape_cast %get3A_27 : vector<64xf32> to vector<1x64xf32>
    %add3A_29 = vector.broadcast %broadcast_in_dim3A_28 : vector<1x64xf32> to vector<10000x64xf32>
    %add3A_30 = arith.addf %mul3A_25, %add3A_29 : vector<10000x64xf32>
    %max3A = arith.constant 0.000000e+00 : f32
    %max3A_31 = vector.broadcast %max3A : f32 to vector<10000x64xf32>
    %max3A_32 = arith.maximumf %add3A_30, %max3A_31 : vector<10000x64xf32>
    %get3A_33 = arith.constant 0 : index
    %get3A_34 = arith.constant 0 : index
    %get3A_35 = vector.load %arg4[%get3A_33, %get3A_34] : memref<64x64xf32, #tpu.memory_space<vmem>>, vector<64x64xf32>
    %dot_general3A = arith.constant dense<0.000000e+00> : vector<10000x64xf32>
    %dot_general3A_36 = tpu.matmul %max3A_32, %get3A_35, %dot_general3A {dimension_numbers = #tpu.dot_dimension_numbers<[1], [0], [0], [1], [0, 0, 1, 1], [], []>, transpose_lhs_hint = false} : vector<10000x64xf32>, vector<64x64xf32>, vector<10000x64xf32> -> vector<10000x64xf32>
    %get3A_37 = arith.constant 0 : index
    %get3A_38 = vector.load %arg5[%get3A_37] : memref<64xf32, #tpu.memory_space<vmem>>, vector<64xf32>
    %broadcast_in_dim3A_39 = vector.shape_cast %get3A_38 : vector<64xf32> to vector<1x64xf32>
    %add3A_40 = vector.broadcast %broadcast_in_dim3A_39 : vector<1x64xf32> to vector<10000x64xf32>
    %add3A_41 = arith.addf %dot_general3A_36, %add3A_40 : vector<10000x64xf32>
    %max3A_42 = arith.constant 0.000000e+00 : f32
    %max3A_43 = vector.broadcast %max3A_42 : f32 to vector<10000x64xf32>
    %max3A_44 = arith.maximumf %add3A_41, %max3A_43 : vector<10000x64xf32>
    %iota3A = tpu.iota {dimensions = array<i32: 0>} : vector<64x10000xi32>
    %get3A_45 = arith.constant 0 : index
    %get3A_46 = vector.load %arg6[%get3A_45] : memref<10000xi32, #tpu.memory_space<vmem>>, vector<10000xi32>
    %broadcast_in_dim3A_47 = vector.shape_cast %get3A_46 : vector<10000xi32> to vector<1x10000xi32>
    %eq3A = vector.broadcast %broadcast_in_dim3A_47 : vector<1x10000xi32> to vector<64x10000xi32>
    %eq3A_48 = arith.cmpi eq, %eq3A, %iota3A : vector<64x10000xi32>
    %convert_element_type3A = arith.extui %eq3A_48 : vector<64x10000xi1> to vector<64x10000xi32>
    %convert_element_type3A_49 = arith.sitofp %convert_element_type3A : vector<64x10000xi32> to vector<64x10000xf32>
    %dot_general3A_50 = arith.constant dense<0.000000e+00> : vector<64x64xf32>
    %dot_general3A_51 = tpu.matmul %convert_element_type3A_49, %max3A_44, %dot_general3A_50 {dimension_numbers = #tpu.dot_dimension_numbers<[1], [0], [0], [1], [0, 0, 1, 1], [], []>, transpose_lhs_hint = false} : vector<64x10000xf32>, vector<10000x64xf32>, vector<64x64xf32> -> vector<64x64xf32>
    %get3A_52 = arith.constant 0 : index
    %get3A_53 = arith.constant 0 : index
    %get3A_54 = vector.load %arg7[%get3A_52, %get3A_53] : memref<64x1xf32, #tpu.memory_space<vmem>>, vector<64x1xf32>
    %squeeze3A = vector.shape_cast %get3A_54 : vector<64x1xf32> to vector<64xf32>
    %broadcast_in_dim3A_55 = vector.shape_cast %squeeze3A : vector<64xf32> to vector<1x64xf32>
    %mul3A_56 = vector.broadcast %broadcast_in_dim3A_55 : vector<1x64xf32> to vector<64x64xf32>
    %mul3A_57 = arith.mulf %dot_general3A_51, %mul3A_56 : vector<64x64xf32>
    %reduce_sum3A = arith.constant dense<0.000000e+00> : vector<64xf32>
    %reduce_sum3A_58 = vector.multi_reduction <add>, %mul3A_57, %reduce_sum3A [1] : vector<64x64xf32> to vector<64xf32>
    %get3A_59 = arith.constant 0 : index
    %get3A_60 = vector.load %arg8[%get3A_59] : memref<1xf32, #tpu.memory_space<vmem>>, vector<1xf32>
    %get3A_61 = vector.extract %get3A_60[0] : f32 from vector<1xf32>
    %add3A_62 = vector.broadcast %get3A_61 : f32 to vector<64xf32>
    %add3A_63 = arith.addf %reduce_sum3A_58, %add3A_62 : vector<64xf32>
    %swap3A = arith.constant 0 : index
    %swap3A_64 = vector.load %arg9[%swap3A] : memref<64xf32, #tpu.memory_space<vmem>>, vector<64xf32>
    tpu.vector_store %arg9[%swap3A], %add3A_63 {strides = array<i32>} : memref<64xf32, #tpu.memory_space<vmem>>, vector<64xf32>,
    return
  }
}

</mosaic_0001>

<sc_bundles>
// kernel: kernel.10.cloned.1.call-start
scs
__scs_entry_jumppad:
0x0: {  	(pc) =	sbr.rel $0x88, $3  }
0x1: {  	(tag) =	ssettag $0x0;
	lr =	simm.s32 $0x1  }
0x2: {  	[smem:$0x3F92] =	sst lr;
	_ =	strace $0xD0000000  }
0x3: {  	_ = 	snop  }
0x4: {  	_ = 	snop  }
0x5: {  	_ = 	snop  }
0x6: {  	_ = 	snop  }
0x7: {  	_ = 	snop  }
__scs_overlays_trampoline_lowered:
0x8: {  	[smem:$0x3FA1] =	sst s0  }
0x9: {  	[smem:$0x3FA2] =	sst s1  }
0xa: {  	[smem:$0x3FA3] =	sst s2  }
0xb: {  	[smem:$0x3FA4] =	sst s3  }
0xc: {  	[smem:$0x3FA5] =	sst s4  }
0xd: {  	[smem:$0x3FA6] =	sst s5  }
0xe: {  	[smem:$0x3FA7] =	sst s6  }
0xf: {  	[smem:$0x3FA8] =	sst s7  }
0x10: {  	[smem:$0x3FA9] =	sst s8  }
0x11: {  	[smem:$0x3FAA] =	sst s9;
	s0 =	simm.s32 @!p0 $0x0  }
0x12: {  	s1 =	sld [smem:$0x3F90];
	s0 =	simm.s32 @p0 $0x1  }
0x13: {  	[smem:$0x3FAB] =	sst s0;
	s0 =	simm.s32 @!p1 $0x0  }
0x14: {  	s2 =	sld [smem:$0x3F8F];
	s0 =	simm.s32 @p1 $0x1  }
0x15: {  	[smem:$0x3FAC] =	sst s0;
	s0 =	simm.s32 @!p2 $0x0  }
0x16: {  	s3 =	sld [smem:$0x3FDB];
	s0 =	simm.s32 @p2 $0x1  }
0x17: {  	s4 =	simm.s32 $0x1BF5;
	[smem:$0x3FAE] =	sst s0  }
0x18: {  	s0 =	sld [smem:$0x3F91];
	_ =	swait.ge [sflag:s4], $0x0  }
0x19: {  	s7 =	sld [smem:$0x3F92]  }
0x1a: {  	s8 =	sadd.s32 $0xFFFFE003, lr  }
0x1b: {  	s9 =	sadd.s32 $0xFFFFFEF7, lr;
	s5 =	simm.s32 $0xFFFFFFFF;
	p2 =	slt.u32 s8, $0xFFFFF086  }
0x1c: {  	p1 =	slt.u32 s9, $0xF7A;
	s5 =	simm.s32 @!p2 $0x0  }
0x1d: {  	s5 =	simm.s32 @p1 $0x1;
	p0 =	seq.s32 s7, s2  }
0x1e: {  	s7 =	smul.u32 @!p0 $0xF7A, s2;
	p2 =	seq.s32 @!p0 s5, $0x0  }
0x1f: {  	s9 =	smul.u32 $0xF7A, s1;
	s8 =	simm.s32 @!p0 $0x1BF5;
	p2 =	por !p2, p0  }
0x20: {  	[sflag:s8] =	ssyncset.s32 @!p0 $0xFFFFF086;
	s6 =	sadd.s32 @!p0 s3, s7;
	s7 =	simm.s32 @!p0 $0x108  }
0x21: {  	s3 =	sadd.s32 s3, s9;
	s6 =	sadd.s32 @!p0 $0x88, s6;
	s7 =	simm.s32 @p2 $0x1082  }
0x22: {  	[simem:s7], [sflag:s8] =	dma.local @!p0 [hbm:s6], $0xF7A  }
0x23: {  	s9 =	sor.u32 $0xD0000000, s2;
	s6 =	simm.s32 $0x108;
	_ =	swait.ge @!p0 [sflag:s8], $0x0  }
0x24: {  	s3 =	sadd.s32 $0x88, s3;
	s6 =	simm.s32 @!p1 $0x1082;
	[sflag:s4] =	ssyncset.s32 $0xFFFFF086  }
0x25: {  	[simem:s6], [sflag:s4] =	dma.local [hbm:s3], $0xF7A  }
0x26: {  	[smem:$0x3F92] =	sst s1;
	(tag) =	ssettag s2;
	_ =	strace s9  }
0x27: {  	s1 =	sld [smem:$0x3FA2]  }
0x28: {  	s2 =	sld [smem:$0x3FA3]  }
0x29: {  	s4 =	sld [smem:$0x3FA5]  }
0x2a: {  	p0 =	seq.s32 s5, $0x0;
	s5 =	sld [smem:$0x3FA6]  }
0x2b: {  	s6 =	sld [smem:$0x3FA7]  }
0x2c: {  	s7 =	sld [smem:$0x3FA8]  }
0x2d: {  	s3 =	simm.s32 $0x108;
	s8 =	sld [smem:$0x3FA9]  }
0x2e: {  	s3 =	simm.s32 @!p0 $0x1082;
	s9 =	sld [smem:$0x3FAA]  }
0x2f: {  	lr =	sadd.s32 s0, s3;
	s0 =	sld [smem:$0x3FA1]  }
0x30: {  	s3 =	sld [smem:$0x3FA4]  }
0x31: {  	[smem:$0x3FAD] =	sst s10  }
0x32: {  	s10 =	sld [smem:$0x3FAB];
	_ =	sdelay $0x3  }
0x33: {  	p0 =	seq.s32 s10, $0x1;
	s10 =	sld [smem:$0x3FAD];
	_ =	sdelay $0x3  }
0x34: {  	[smem:$0x3FAD] =	sst s10  }
0x35: {  	s10 =	sld [smem:$0x3FAC];
	_ =	sdelay $0x3  }
0x36: {  	p1 =	seq.s32 s10, $0x1;
	s10 =	sld [smem:$0x3FAD];
	_ =	sdelay $0x3  }
0x37: {  	[smem:$0x3FAD] =	sst s10  }
0x38: {  	s10 =	sld [smem:$0x3FAE]  }
0x39: {  	_ = 	snop;
	(pc) =	sbr.ind lr, $3  }
0x3a: {  	_ = 	snop  }
0x3b: {  	_ = 	snop  }
0x3c: {  	p2 =	seq.s32 s10, $0x1;
	s10 =	sld [smem:$0x3FAD]  }
0x3d: {  	_ =	shalt  }
0x3e: {  	_ =	shalt  }
0x3f: {  	_ =	shalt  }
0x40: {  	_ =	shalt  }
0x41: {  	_ =	shalt  }
0x42: {  	_ =	shalt  }
0x43: {  	_ =	shalt  }
0x44: {  	_ =	shalt  }
0x45: {  	_ =	shalt  }
0x46: {  	_ =	shalt  }
0x47: {  	_ =	shalt  }
0x48: {  	_ =	shalt  }
0x49: {  	_ =	shalt  }
0x4a: {  	_ =	shalt  }
0x4b: {  	_ =	shalt  }
0x4c: {  	_ =	shalt  }
0x4d: {  	_ =	shalt  }
0x4e: {  	_ =	shalt  }
0x4f: {  	_ =	shalt  }
0x50: {  	_ =	shalt  }
0x51: {  	_ =	shalt  }
0x52: {  	_ =	shalt  }
0x53: {  	_ =	shalt  }
0x54: {  	_ =	shalt  }
0x55: {  	_ =	shalt  }
0x56: {  	_ =	shalt  }
0x57: {  	_ =	shalt  }
0x58: {  	_ =	shalt  }
0x59: {  	_ =	shalt  }
0x5a: {  	_ =	shalt  }
0x5b: {  	_ =	shalt  }
0x5c: {  	_ =	shalt  }
0x5d: {  	_ =	shalt  }
0x5e: {  	_ =	shalt  }
0x5f: {  	_ =	shalt  }
0x60: {  	_ =	shalt  }
0x61: {  	_ =	shalt  }
0x62: {  	_ =	shalt  }
0x63: {  	_ =	shalt  }
0x64: {  	_ =	shalt  }
0x65: {  	_ =	shalt  }
0x66: {  	_ =	shalt  }
0x67: {  	_ =	shalt  }
0x68: {  	_ =	shalt  }
0x69: {  	_ =	shalt  }
0x6a: {  	_ =	shalt  }
0x6b: {  	_ =	shalt  }
0x6c: {  	_ =	shalt  }
0x6d: {  	_ =	shalt  }
0x6e: {  	_ =	shalt  }
0x6f: {  	_ =	shalt  }
0x70: {  	_ =	shalt  }
0x71: {  	_ =	shalt  }
0x72: {  	_ =	shalt  }
0x73: {  	_ =	shalt  }
0x74: {  	_ =	shalt  }
0x75: {  	_ =	shalt  }
0x76: {  	_ =	shalt  }
0x77: {  	_ =	shalt  }
0x78: {  	_ =	shalt  }
0x79: {  	_ =	shalt  }
0x7a: {  	_ =	shalt  }
0x7b: {  	_ =	shalt  }
0x7c: {  	_ =	shalt  }
0x7d: {  	_ =	shalt  }
0x7e: {  	_ =	shalt  }
0x7f: {  	_ =	shalt  }
0x80: {  	_ =	shalt  }
0x81: {  	_ =	shalt  }
0x82: {  	_ =	shalt  }
0x83: {  	_ =	shalt  }
0x84: {  	_ =	shalt  }
0x85: {  	_ =	shalt  }
0x86: {  	_ =	shalt  }
0x87: {  	_ =	shalt  }
.Lfunc_end0:
.L_simem_size_0:
called_computation_lowered:
.L_overlay_start_0:
0x88: {  	s2 =	sld [smem:$0x3FD9]  }
0x89: {  	s3 =	sld [smem:$0x3FFE];
	_ =	sdelay $0x1  }
0x8a: {  	s1 =	srdreg.scid  }
0x8b: {  	s0 =	sand.u32 $0x1, s1  }
0x8c: {  	s16 =	sshll.u32 s0, $0xA;
	s2 =	sadd.s32 s3, s2  }
0x8d: {  	s2 =	sadd.s32 s2, s16  }
0x8e: {  	[smem:$0x3FB9] =	sst s2  }
0x8f: {  	_ = 	snop  }
0x90: {  	(tm) =	ssettm $0x1  }
0x91: {  	s17 =	sld [smem:$0x3FFB];
	_ =	sdelay $0x3  }
0x92: {  	_ =	strace s17  }
0x93: {  	s2 =	sld [smem:$0x3FFC];
	_ =	sdelay $0x3  }
0x94: {  	_ =	strace s2  }
0x95: {  	s2 =	sld [smem:$0x3FFD];
	_ =	sdelay $0x3  }
0x96: {  	_ =	strace s2  }
0x97: {  	_ =	strace $0x8FFFFFFF  }
0x98: {  	s18 =	sld [smem:$0x3FDB];
	_ =	sdelay $0x1  }
0x99: {  	s19 =	simm.s32 $_scs_section_size  }
0x9a: {  	s4 =	simm.s32 $_size__tile_overlayer_lowered;
	s5 =	simm.s32 $_tile_overlayer_lowered  }
0x9b: {  	s22 =	simm.s32 $0x1BFF;
	s21 =	sshll.u32 s5, $0x1;
	s2 =	sadd.s32 s19, s18  }
0x9c: {  	s6 =	simm.s32 $0x0;
	s20 =	sshll.u32 s4, $0x1;
	s4 =	sadd.s32 s21, s2  }
0x9d: {  	[timem:s6], [sflag:s22] =	dma.local [hbm:s4], s20  }
0x9e: {  	_ =	swait.ge [sflag:s22], s20  }
0x9f: {  	s3 =	ssub.s32 $0x0, s20;
	[sflag:s22] =	ssyncset.done $0x0  }
0xa0: {  	[sflag:s22] =	ssyncadd.s32 s3;
	_ =	sdelay $0x1  }
0xa1: {  	s23 =	simm.s32 $0x1B8B  }
0xa2: {  	_ =	swait.ge [sflag:s23], $0x1  }
0xa3: {  	[sflag:s23] =	ssyncset.done $0x0  }
0xa4: {  	s25 =	simm.s32 $0x1B8E;
	s24 =	sld [smem:$0x3FFE];
	[sflag:s23] =	ssyncadd.s32 $0xFFFFFFFF  }
0xa5: {  	s26 =	simm.s32 $execute0_lowered;
	[smem:$0x3FD2] =	sst s25  }
0xa6: {  	s4 =	sshll.u32 s26, $0x1;
	_ =	strace $0x80000046;
	[dreg:$0x1] =	wrdreg $0xFFFFFFFF  }
0xa7: {  	s28 =	simm.s32 $_size_execute0_lowered;
	s2 =	sadd.s32 s2, s4;
	[dreg:$0x0] =	wrdreg $0x0  }
0xa8: {  	s4 =	sshll.u32 s28, $0x1;
	[dreg:$0x2] =	wrdreg s2  }
0xa9: {  	[dreg:$0x3] =	wrdreg s4  }
0xaa: {  	[dreg:$0x4] =	wrdreg $0xC0  }
0xab: {  	_ =	task [dreg:s6], $0x5FFFF  }
0xac: {  	[dreg:$0x1] =	wrdreg $0xFFFFFFFF  }
0xad: {  	[dreg:$0x0] =	wrdreg $0x60  }
0xae: {  	[dreg:$0x2] =	wrdreg s24  }
0xaf: {  	[dreg:$0x3] =	wrdreg $0x28800  }
0xb0: {  	[dreg:$0x4] =	wrdreg $0x9  }
0xb1: {  	_ =	task.clear_ibuf [dreg:s6], $0x5FFFF;
	_ =	strace $0x90000046  }
0xb2: {  	s29 =	simm.s32 $0x9;
	_ =	strace $0x80000048  }
0xb3: {  	_ =	swait.ge [sflag:s29], $0x1  }
0xb4: {  	[sflag:s29] =	ssyncadd.s32 $0xFFFFFFFF  }
0xb5: {  	_ =	strace $0x90000048  }
0xb6: {  	_ =	sfence  }
0xb7: {  	s30 =	sld [smem:$0x0];
	_ =	sdelay $0x2  }
0xb8: {  	s31 =	sshll.u32 s1, $0xD;
	s1 =	sshrl.u32 s1, $0x2  }
0xb9: {  	s3 =	sand.u32 $0x4000, s31;
	s1 =	sadd.s32 s1, s30  }
0xba: {  	s0 =	sor.u32 s3, s0;
	s1 =	sshll.u32 s1, $0x11  }
0xbb: {  	s0 =	sor.u32 s1, s0  }
0xbc: {  	s0 =	sadd.s32 $0x8F2B, s0  }
0xbd: {  	[sflag:s0] =	ssyncadd.remote.s32 $0x1  }
0xbe: {  	_ =	sfence.sel $0xFFFF  }
0xbf: {  	[dreg:$0x0] =	wrdreg $0xFFFFFFFF;
	(pc) =	sbr.abs _section_cstart, $3  }
0xc0: {  	[dreg:$0x1] =	wrdreg $0xFFFFFFFF  }
0xc1: {  	_ =	task.clear_ibuf [dreg:s6], $0x2FFFF;
	_ =	strace $0x9FFFFFFF  }
0xc2: {  	(tm) =	ssettm $0x7FFFFFFF  }
0xc3: {  	_ =	shalt  }
tec
execute0_lowered:
.L_overlay_start_1:
0x0: {  	(tag) =	ssettag $0x1  }
0x1: {  	s5 =	rddreg [dreg:$0x0]  }
0x2: {  	s0 =	srdreg.scid;
	s2 =	rddreg [dreg:$0x1]  }
0x3: {  	s3 =	simm.s32 $0x0;
	s12 =	simm.s32 $0x2800;
	s13 =	simm.s32 $0x1  }
0x4: {  	s14 =	simm.s32 $0x20;
	s4 =	sand.u32 $0x1, s0;
	s0 =	stileid.u32  }
0x5: {  	s15 =	simm.s32 $0x10;
	s16 =	simm.s32 $0x0;
	s7 =	smul.u32 $0x500, s0  }
0x6: {  	[smem:$0x7FF] =	sst s3;
	s1 =	sshll.u32 s4, $0x4;
	s8 =	smul.u32 $0x280, s0  }
0x7: {  	s9 =	sshll.u32 s4, $0x7;
	s4 =	ssub.s32 $0x2, s4;
	s31 =	sshll.u32 s0, $0x6  }
0x8: {  	s6 =	sor.u32 s0, s1;
	s1 =	rddreg [dreg:$0x2];
	_ =	strace $0x80000047  }
0x9: {  	s10 =	sshrl.u32 s4, $0x1;
	s6 =	smul.u32 $0x500, s6;
	s7 =	sor.u32 s9, s7  }
0xa: {  	s30 =	sshrl.u32 s8, $0x3;
	s10 =	ssub.s32 s4, s10;
	s11 =	sadd.s32 s8, s2  }
0xb: {  	s8 =	simm.s32 $0x2;
	s7 =	sshrl.u32 s7, $0x3;
	s9 =	sadd.s32 s30, s5  }
0xc: {  	s6 =	sadd.s32 s6, s5;
	s7 =	sadd.s32 s7, s5;
	s5 =	sadd.s32 $0xCA00, s9  }
0xd: {  	s9 =	sor.u32 $0x1C02, s31;
	s4 =	sadd.s32 $0x2A00, s6;
	s6 =	sadd.s32 $0xD000, s7  }
0xe: {  	v0 =	vimm.f32 $1.000000000e+00;
	s7 =	smax.u32 s10, $0x1;
	s10 =	sshrl.u32 s11, $0x3;
	s11 =	simm.s32 $0x80  }
.LBB2_1:
0xf: {  	[tilespmem:$0x2800] =	vst v0  }
0x10: {  	[tilespmem:$0x2810] =	vst v0  }
0x11: {  	[tilespmem:$0x2820] =	vst v0  }
0x12: {  	[tilespmem:$0x2830] =	vst v0  }
0x13: {  	[tilespmem:$0x2840] =	vst v0  }
0x14: {  	[tilespmem:$0x2850] =	vst v0  }
0x15: {  	[tilespmem:$0x2860] =	vst v0  }
0x16: {  	[tilespmem:$0x2870] =	vst v0  }
0x17: {  	[tilespmem:s3], [sflag:$0x2] =	stream.linear.gather [hbm4b:s4+s3], $0x2800, $0x38;
	[tilespmem:$0x2B00] =	vst v63  }
0x18: {  	_ =	swait.ge [sflag:s8], $0x2800  }
0x19: {  	[sflag:s8] =	ssyncset.done $0x0  }
0x1a: {  	[sflag:s8] =	ssyncadd.s32 $0xFFFFD800  }
0x1b: {  	[spmem:s10], [sflag:s9] =	dma.local [hbm:s5], $0x50  }
0x1c: {  	_ =	swait.ge [sflag:s8], $0x50  }
0x1d: {  	[sflag:s8] =	ssyncset.done $0x0  }
0x1e: {  	[sflag:s8] =	ssyncadd.s32 $0xFFFFFFB0  }
0x1f: {  	s17 =	simm.s32 $0x0;
	[bflag:$0x0] =	sbarrier.arrive $0xFFFF  }
.LBB2_2:
0x20: {  	p0 =	sne.s32 s17, $0x9E00  }
.Ltmp0:
0x21: {  	_ = 	snop;
	(pc) =	sbr.rel @p0 .LBB2_2-.Ltmp0, $3  }
0x22: {  	_ =	sdelay $0x1  }
0x23: {  	s18 =	sshra.s32 s17, $0x2;
	s17 =	sadd.s32 $0x200, s17  }
0x24: {  	[spmem:s2] =	stream.indirect.scatter.add.f32 [tilespmem:s12], [sflag:$0x1], $0x1, s18, s11, $0xb8;
	[tilespmem:$0x2B00] =	vst v63  }
0x25: {  	_ =	swait.ge [sflag:s13], $0x80  }
0x26: {  	s17 =	simm.s32 $0x4F;
	[sflag:s13] =	ssyncset.done $0x0  }
.LBB2_4:
0x27: {  	p0 =	sne.s32 s17, $0x1;
	s17 =	sadd.s32 $0xFFFFFFFF, s17;
	[sflag:s13] =	ssyncadd.s32 $0xFFFFFF80  }
.Ltmp1:
0x28: {  	(pc) =	sbr.rel @p0 .LBB2_4-.Ltmp1, $3  }
0x29: {  	_ =	sdelay $0x1  }
0x2a: {  	_ =	swait.ge [sflag:s13], $0x80  }
0x2b: {  	[sflag:s13] =	ssyncset.done $0x0  }
0x2c: {  	s16 =	sadd.s32 $0x1, s16  }
0x2d: {  	[sflag:s13] =	ssyncadd.s32 $0xFFFFFF80;
	p0 =	sne.s32 s16, s7  }
.Ltmp2:
0x2e: {  	[bflag:$0x0] =	sbarrier.arrive $0xFFFF;
	(pc) =	sbr.rel @p0 .LBB2_1-.Ltmp2, $4  }
0x2f: {  	[hbm:s6@s14], [sflag:s9] =	dma.strided [spmem:s10@s15], $0x50, s13, $0x10   }
0x30: {  	_ =	swait.ge [sflag:s8], $0x50  }
0x31: {  	[sflag:s8] =	ssyncset.done $0x0  }
0x32: {  	[sflag:s8] =	ssyncadd.s32 $0xFFFFFFB0  }
0x33: {  	_ =	sfence.sel $0x180000  }
0x34: {  	[bflag:$0x0] =	sbarrier.arrive $0xFFFF  }
0x35: {  	p0 =	sne.s32 s0, $0x0;
	_ =	strace $0x90000047  }
0x36: {  	s0 =	sadd.s32 @!p0 $0x100000, s1;
	[bflag:$0x2] =	sbarrier.arrive $0xFFFF  }
0x37: {  	[sflag:s0] =	ssyncadd.tile.s32 @!p0 $0x1;
	_ =	shalt  }
.Lfunc_end2:
_tile_overlayer_lowered:
.L_overlay_start_2:
0x38: {  	(tag) =	ssettag $0x2  }
0x39: {  	s0 =	rddreg [dreg:$0x0];
	s2 =	stileid.u32  }
0x3a: {  	s1 =	rddreg [dreg:$0x1];
	p0 =	sne.s32 s2, $0x0  }
0x3b: {  	s3 =	rddreg [dreg:$0x2];
	[bflag:$0x3] =	sbarrier.arrive $0xFFFF;
	s2 =	simm.s32 @!p0 $0x1C02  }
0x3c: {  	[timem:s3], [sflag:s2] =	dma.local @!p0 [hbm:s0], s1  }
0x3d: {  	s0 =	simm.s32 @!p0 $0x2  }
0x3e: {  	_ =	swait.ge @!p0 [sflag:s0], s1  }
0x3f: {  	s1 =	ssub.s32 @!p0 $0x0, s1;
	[sflag:s0] =	ssyncset.done @!p0 $0x0  }
0x40: {  	[sflag:s0] =	ssyncadd.s32 @!p0 s1  }
0x41: {  	[bflag:$0x3] =	sbarrier.arrive $0xFFFF  }
0x42: {  	_ =	shalt  }

// kernel: kernel.13.cloned.1.call-start
scs
__scs_entry_jumppad:
0x0: {  	(pc) =	sbr.rel $0x88, $3  }
0x1: {  	(tag) =	ssettag $0x0;
	lr =	simm.s32 $0x1  }
0x2: {  	[smem:$0x3F92] =	sst lr;
	_ =	strace $0xD0000000  }
0x3: {  	_ = 	snop  }
0x4: {  	_ = 	snop  }
0x5: {  	_ = 	snop  }
0x6: {  	_ = 	snop  }
0x7: {  	_ = 	snop  }
__scs_overlays_trampoline_lowered:
0x8: {  	[smem:$0x3FA1] =	sst s0  }
0x9: {  	[smem:$0x3FA2] =	sst s1  }
0xa: {  	[smem:$0x3FA3] =	sst s2  }
0xb: {  	[smem:$0x3FA4] =	sst s3  }
0xc: {  	[smem:$0x3FA5] =	sst s4  }
0xd: {  	[smem:$0x3FA6] =	sst s5  }
0xe: {  	[smem:$0x3FA7] =	sst s6  }
0xf: {  	[smem:$0x3FA8] =	sst s7  }
0x10: {  	[smem:$0x3FA9] =	sst s8  }
0x11: {  	[smem:$0x3FAA] =	sst s9;
	s0 =	simm.s32 @!p0 $0x0  }
0x12: {  	s1 =	sld [smem:$0x3F90];
	s0 =	simm.s32 @p0 $0x1  }
0x13: {  	[smem:$0x3FAB] =	sst s0;
	s0 =	simm.s32 @!p1 $0x0  }
0x14: {  	s2 =	sld [smem:$0x3F8F];
	s0 =	simm.s32 @p1 $0x1  }
0x15: {  	[smem:$0x3FAC] =	sst s0;
	s0 =	simm.s32 @!p2 $0x0  }
0x16: {  	s3 =	sld [smem:$0x3FDB];
	s0 =	simm.s32 @p2 $0x1  }
0x17: {  	s4 =	simm.s32 $0x1BF5;
	[smem:$0x3FAE] =	sst s0  }
0x18: {  	s0 =	sld [smem:$0x3F91];
	_ =	swait.ge [sflag:s4], $0x0  }
0x19: {  	s7 =	sld [smem:$0x3F92]  }
0x1a: {  	s8 =	sadd.s32 $0xFFFFE003, lr  }
0x1b: {  	s9 =	sadd.s32 $0xFFFFFEF7, lr;
	s5 =	simm.s32 $0xFFFFFFFF;
	p2 =	slt.u32 s8, $0xFFFFF086  }
0x1c: {  	p1 =	slt.u32 s9, $0xF7A;
	s5 =	simm.s32 @!p2 $0x0  }
0x1d: {  	s5 =	simm.s32 @p1 $0x1;
	p0 =	seq.s32 s7, s2  }
0x1e: {  	s7 =	smul.u32 @!p0 $0xF7A, s2;
	p2 =	seq.s32 @!p0 s5, $0x0  }
0x1f: {  	s9 =	smul.u32 $0xF7A, s1;
	s8 =	simm.s32 @!p0 $0x1BF5;
	p2 =	por !p2, p0  }
0x20: {  	[sflag:s8] =	ssyncset.s32 @!p0 $0xFFFFF086;
	s6 =	sadd.s32 @!p0 s3, s7;
	s7 =	simm.s32 @!p0 $0x108  }
0x21: {  	s3 =	sadd.s32 s3, s9;
	s6 =	sadd.s32 @!p0 $0x88, s6;
	s7 =	simm.s32 @p2 $0x1082  }
0x22: {  	[simem:s7], [sflag:s8] =	dma.local @!p0 [hbm:s6], $0xF7A  }
0x23: {  	s9 =	sor.u32 $0xD0000000, s2;
	s6 =	simm.s32 $0x108;
	_ =	swait.ge @!p0 [sflag:s8], $0x0  }
0x24: {  	s3 =	sadd.s32 $0x88, s3;
	s6 =	simm.s32 @!p1 $0x1082;
	[sflag:s4] =	ssyncset.s32 $0xFFFFF086  }
0x25: {  	[simem:s6], [sflag:s4] =	dma.local [hbm:s3], $0xF7A  }
0x26: {  	[smem:$0x3F92] =	sst s1;
	(tag) =	ssettag s2;
	_ =	strace s9  }
0x27: {  	s1 =	sld [smem:$0x3FA2]  }
0x28: {  	s2 =	sld [smem:$0x3FA3]  }
0x29: {  	s4 =	sld [smem:$0x3FA5]  }
0x2a: {  	p0 =	seq.s32 s5, $0x0;
	s5 =	sld [smem:$0x3FA6]  }
0x2b: {  	s6 =	sld [smem:$0x3FA7]  }
0x2c: {  	s7 =	sld [smem:$0x3FA8]  }
0x2d: {  	s3 =	simm.s32 $0x108;
	s8 =	sld [smem:$0x3FA9]  }
0x2e: {  	s3 =	simm.s32 @!p0 $0x1082;
	s9 =	sld [smem:$0x3FAA]  }
0x2f: {  	lr =	sadd.s32 s0, s3;
	s0 =	sld [smem:$0x3FA1]  }
0x30: {  	s3 =	sld [smem:$0x3FA4]  }
0x31: {  	[smem:$0x3FAD] =	sst s10  }
0x32: {  	s10 =	sld [smem:$0x3FAB];
	_ =	sdelay $0x3  }
0x33: {  	p0 =	seq.s32 s10, $0x1;
	s10 =	sld [smem:$0x3FAD];
	_ =	sdelay $0x3  }
0x34: {  	[smem:$0x3FAD] =	sst s10  }
0x35: {  	s10 =	sld [smem:$0x3FAC];
	_ =	sdelay $0x3  }
0x36: {  	p1 =	seq.s32 s10, $0x1;
	s10 =	sld [smem:$0x3FAD];
	_ =	sdelay $0x3  }
0x37: {  	[smem:$0x3FAD] =	sst s10  }
0x38: {  	s10 =	sld [smem:$0x3FAE]  }
0x39: {  	_ = 	snop;
	(pc) =	sbr.ind lr, $3  }
0x3a: {  	_ = 	snop  }
0x3b: {  	_ = 	snop  }
0x3c: {  	p2 =	seq.s32 s10, $0x1;
	s10 =	sld [smem:$0x3FAD]  }
0x3d: {  	_ =	shalt  }
0x3e: {  	_ =	shalt  }
0x3f: {  	_ =	shalt  }
0x40: {  	_ =	shalt  }
0x41: {  	_ =	shalt  }
0x42: {  	_ =	shalt  }
0x43: {  	_ =	shalt  }
0x44: {  	_ =	shalt  }
0x45: {  	_ =	shalt  }
0x46: {  	_ =	shalt  }
0x47: {  	_ =	shalt  }
0x48: {  	_ =	shalt  }
0x49: {  	_ =	shalt  }
0x4a: {  	_ =	shalt  }
0x4b: {  	_ =	shalt  }
0x4c: {  	_ =	shalt  }
0x4d: {  	_ =	shalt  }
0x4e: {  	_ =	shalt  }
0x4f: {  	_ =	shalt  }
0x50: {  	_ =	shalt  }
0x51: {  	_ =	shalt  }
0x52: {  	_ =	shalt  }
0x53: {  	_ =	shalt  }
0x54: {  	_ =	shalt  }
0x55: {  	_ =	shalt  }
0x56: {  	_ =	shalt  }
0x57: {  	_ =	shalt  }
0x58: {  	_ =	shalt  }
0x59: {  	_ =	shalt  }
0x5a: {  	_ =	shalt  }
0x5b: {  	_ =	shalt  }
0x5c: {  	_ =	shalt  }
0x5d: {  	_ =	shalt  }
0x5e: {  	_ =	shalt  }
0x5f: {  	_ =	shalt  }
0x60: {  	_ =	shalt  }
0x61: {  	_ =	shalt  }
0x62: {  	_ =	shalt  }
0x63: {  	_ =	shalt  }
0x64: {  	_ =	shalt  }
0x65: {  	_ =	shalt  }
0x66: {  	_ =	shalt  }
0x67: {  	_ =	shalt  }
0x68: {  	_ =	shalt  }
0x69: {  	_ =	shalt  }
0x6a: {  	_ =	shalt  }
0x6b: {  	_ =	shalt  }
0x6c: {  	_ =	shalt  }
0x6d: {  	_ =	shalt  }
0x6e: {  	_ =	shalt  }
0x6f: {  	_ =	shalt  }
0x70: {  	_ =	shalt  }
0x71: {  	_ =	shalt  }
0x72: {  	_ =	shalt  }
0x73: {  	_ =	shalt  }
0x74: {  	_ =	shalt  }
0x75: {  	_ =	shalt  }
0x76: {  	_ =	shalt  }
0x77: {  	_ =	shalt  }
0x78: {  	_ =	shalt  }
0x79: {  	_ =	shalt  }
0x7a: {  	_ =	shalt  }
0x7b: {  	_ =	shalt  }
0x7c: {  	_ =	shalt  }
0x7d: {  	_ =	shalt  }
0x7e: {  	_ =	shalt  }
0x7f: {  	_ =	shalt  }
0x80: {  	_ =	shalt  }
0x81: {  	_ =	shalt  }
0x82: {  	_ =	shalt  }
0x83: {  	_ =	shalt  }
0x84: {  	_ =	shalt  }
0x85: {  	_ =	shalt  }
0x86: {  	_ =	shalt  }
0x87: {  	_ =	shalt  }
.Lfunc_end0:
.L_simem_size_0:
called_computation.1_lowered:
.L_overlay_start_0:
0x88: {  	s2 =	sld [smem:$0x3FD9]  }
0x89: {  	s3 =	sld [smem:$0x3FFE];
	_ =	sdelay $0x1  }
0x8a: {  	s1 =	srdreg.scid  }
0x8b: {  	s0 =	sand.u32 $0x1, s1  }
0x8c: {  	s16 =	sshll.u32 s0, $0xA;
	s2 =	sadd.s32 s3, s2  }
0x8d: {  	s2 =	sadd.s32 s2, s16  }
0x8e: {  	[smem:$0x3FB9] =	sst s2  }
0x8f: {  	_ = 	snop  }
0x90: {  	(tm) =	ssettm $0x1  }
0x91: {  	s17 =	sld [smem:$0x3FFB];
	_ =	sdelay $0x3  }
0x92: {  	_ =	strace s17  }
0x93: {  	s2 =	sld [smem:$0x3FFC];
	_ =	sdelay $0x3  }
0x94: {  	_ =	strace s2  }
0x95: {  	s2 =	sld [smem:$0x3FFD];
	_ =	sdelay $0x3  }
0x96: {  	_ =	strace s2  }
0x97: {  	_ =	strace $0x8FFFFFFF  }
0x98: {  	s18 =	sld [smem:$0x3FDB];
	_ =	sdelay $0x1  }
0x99: {  	s19 =	simm.s32 $_scs_section_size  }
0x9a: {  	s4 =	simm.s32 $_size__tile_overlayer_lowered;
	s5 =	simm.s32 $_tile_overlayer_lowered  }
0x9b: {  	s22 =	simm.s32 $0x1BFF;
	s21 =	sshll.u32 s5, $0x1;
	s2 =	sadd.s32 s19, s18  }
0x9c: {  	s6 =	simm.s32 $0x0;
	s20 =	sshll.u32 s4, $0x1;
	s4 =	sadd.s32 s21, s2  }
0x9d: {  	[timem:s6], [sflag:s22] =	dma.local [hbm:s4], s20  }
0x9e: {  	_ =	swait.ge [sflag:s22], s20  }
0x9f: {  	s3 =	ssub.s32 $0x0, s20;
	[sflag:s22] =	ssyncset.done $0x0  }
0xa0: {  	[sflag:s22] =	ssyncadd.s32 s3;
	_ =	sdelay $0x1  }
0xa1: {  	s23 =	simm.s32 $0x1B8B  }
0xa2: {  	_ =	swait.ge [sflag:s23], $0x1  }
0xa3: {  	[sflag:s23] =	ssyncset.done $0x0  }
0xa4: {  	s25 =	simm.s32 $0x1B8E;
	s24 =	sld [smem:$0x3FFE];
	[sflag:s23] =	ssyncadd.s32 $0xFFFFFFFF  }
0xa5: {  	s26 =	simm.s32 $execute0_lowered;
	[smem:$0x3FD2] =	sst s25  }
0xa6: {  	s4 =	sshll.u32 s26, $0x1;
	_ =	strace $0x80000049;
	[dreg:$0x1] =	wrdreg $0xFFFFFFFF  }
0xa7: {  	s28 =	simm.s32 $_size_execute0_lowered;
	s2 =	sadd.s32 s2, s4;
	[dreg:$0x0] =	wrdreg $0x0  }
0xa8: {  	s4 =	sshll.u32 s28, $0x1;
	[dreg:$0x2] =	wrdreg s2  }
0xa9: {  	[dreg:$0x3] =	wrdreg s4  }
0xaa: {  	[dreg:$0x4] =	wrdreg $0xC0  }
0xab: {  	_ =	task [dreg:s6], $0x5FFFF  }
0xac: {  	[dreg:$0x1] =	wrdreg $0xFFFFFFFF  }
0xad: {  	[dreg:$0x0] =	wrdreg $0x60  }
0xae: {  	[dreg:$0x2] =	wrdreg s24  }
0xaf: {  	[dreg:$0x3] =	wrdreg $0xD0000  }
0xb0: {  	[dreg:$0x4] =	wrdreg $0x9  }
0xb1: {  	_ =	task.clear_ibuf [dreg:s6], $0x5FFFF;
	_ =	strace $0x90000049  }
0xb2: {  	s29 =	simm.s32 $0x9;
	_ =	strace $0x8000004B  }
0xb3: {  	_ =	swait.ge [sflag:s29], $0x1  }
0xb4: {  	[sflag:s29] =	ssyncadd.s32 $0xFFFFFFFF  }
0xb5: {  	_ =	strace $0x9000004B  }
0xb6: {  	_ =	sfence  }
0xb7: {  	s30 =	sld [smem:$0x0];
	_ =	sdelay $0x2  }
0xb8: {  	s31 =	sshll.u32 s1, $0xD;
	s1 =	sshrl.u32 s1, $0x2  }
0xb9: {  	s3 =	sand.u32 $0x4000, s31;
	s1 =	sadd.s32 s1, s30  }
0xba: {  	s0 =	sor.u32 s3, s0;
	s1 =	sshll.u32 s1, $0x11  }
0xbb: {  	s0 =	sor.u32 s1, s0  }
0xbc: {  	s0 =	sadd.s32 $0x8F2B, s0  }
0xbd: {  	[sflag:s0] =	ssyncadd.remote.s32 $0x1  }
0xbe: {  	_ =	sfence.sel $0xFFFF  }
0xbf: {  	[dreg:$0x0] =	wrdreg $0xFFFFFFFF;
	(pc) =	sbr.abs _section_cstart, $3  }
0xc0: {  	[dreg:$0x1] =	wrdreg $0xFFFFFFFF  }
0xc1: {  	_ =	task.clear_ibuf [dreg:s6], $0x2FFFF;
	_ =	strace $0x9FFFFFFF  }
0xc2: {  	(tm) =	ssettm $0x7FFFFFFF  }
0xc3: {  	_ =	shalt  }
tec
execute0_lowered:
.L_overlay_start_1:
0x0: {  	(tag) =	ssettag $0x1  }
0x1: {  	s0 =	srdreg.scid;
	s1 =	rddreg [dreg:$0x0]  }
0x2: {  	s11 =	stileid.u32;
	s2 =	rddreg [dreg:$0x1]  }
0x3: {  	s13 =	simm.s32 $0x80;
	s14 =	simm.s32 $0x5000;
	s15 =	simm.s32 $0x7000  }
0x4: {  	s17 =	simm.s32 $0x9000;
	s19 =	simm.s32 $0xB000;
	s20 =	simm.s32 $0x1  }
0x5: {  	s21 =	simm.s32 $0x2;
	s22 =	simm.s32 $0x3;
	s23 =	simm.s32 $0x4  }
0x6: {  	s25 =	simm.s32 $0x5;
	s28 =	simm.s32 $0x7;
	s29 =	simm.s32 $0x8  }
0x7: {  	s31 =	simm.s32 $0x4E80;
	s0 =	sand.u32 $0x1, s0;
	s7 =	smul.u32 $0xA000, s11  }
0x8: {  	s30 =	sshll.u32 s11, $0x6;
	s3 =	sshll.u32 s0, $0x4;
	s6 =	smul.u32 $0x14000, s0  }
0x9: {  	s0 =	ssub.s32 $0x2, s0;
	s4 =	sor.u32 s11, s3;
	s3 =	simm.s32 $0x0  }
0xa: {  	s10 =	sshrl.u32 s7, $0x3;
	s26 =	sshrl.u32 s0, $0x1;
	s12 =	sadd.s32 s7, s2  }
0xb: {  	s11 =	sor.u32 $0x1C09, s30;
	s5 =	smul.u32 $0x500, s4;
	[smem:$0x7FF] =	sst s3  }
0xc: {  	s4 =	sadd.s32 $0x17A00, s1;
	s9 =	sadd.s32 s10, s1;
	s0 =	ssub.s32 s0, s26  }
0xd: {  	s12 =	sshrl.u32 s12, $0x3;
	s26 =	simm.s32 $0x6;
	_ =	strace $0x8000004A  }
0xe: {  	s7 =	sadd.s32 $0x2B400, s9;
	s9 =	simm.s32 $0x9;
	s8 =	sadd.s32 s5, s1  }
0xf: {  	s1 =	sadd.s32 s6, s1;
	s5 =	sadd.s32 $0xDA00, s8;
	s6 =	sadd.s32 $0x2A00, s8  }
0x10: {  	s1 =	sadd.s32 $0x3F400, s1;
	s8 =	smax.u32 s0, $0x1;
	s0 =	simm.s32 $0x4F80  }
0x11: {  	s24 =	sadd.s32 s10, s1;
	s1 =	simm.s32 $0x4F00;
	s10 =	simm.s32 $0x0  }
.LBB2_1:
0x12: {  	[tilespmem:s3], [sflag:$0x9] =	stream.linear.gather [hbm4b:s5+s3], $0x2800, $0x38;
	[tilespmem:$0x17000] =	vst v63  }
0x13: {  	_ =	swait.ge [sflag:s9], $0x2800  }
0x14: {  	[sflag:s9] =	ssyncset.done $0x0  }
0x15: {  	s16 =	simm.s32 $0x2800;
	[sflag:s9] =	ssyncadd.s32 $0xFFFFD800  }
0x16: {  	[tilespmem:s16], [sflag:$0x9] =	stream.linear.gather [hbm4b:s6+s3], $0x2800, $0x38;
	[tilespmem:$0x17000] =	vst v63  }
0x17: {  	_ =	swait.ge [sflag:s9], $0x2800  }
0x18: {  	[sflag:s9] =	ssyncset.done $0x0  }
0x19: {  	[sflag:s9] =	ssyncadd.s32 $0xFFFFD800  }
0x1a: {  	[spmem:s12], [sflag:s11] =	dma.local [hbm:s7], $0x1400  }
0x1b: {  	_ =	swait.ge [sflag:s9], $0x1400  }
0x1c: {  	[sflag:s9] =	ssyncset.done $0x0  }
0x1d: {  	[sflag:s9] =	ssyncadd.s32 $0xFFFFEC00  }
0x1e: {  	[bflag:$0x0] =	sbarrier.arrive $0xFFFF  }
0x1f: {  	[tilespmem:s14], [sflag:$0x1] =	stream.indirect.gather [hbm4b:s4+s13], $0x40, s3, s13, $0xb8;
	[tilespmem:$0x17000] =	vst v63  }
0x20: {  	_ = 	snop  }
0x21: {  	[tilespmem:s15], [sflag:$0x2] =	stream.indirect.gather [hbm4b:s4+s13], $0x40, s13, s13, $0xb8;
	[tilespmem:$0x17000] =	vst v63  }
0x22: {  	s30 =	simm.s32 $0x100  }
0x23: {  	[tilespmem:s17], [sflag:$0x3] =	stream.indirect.gather [hbm4b:s4+s13], $0x40, s30, s13, $0xb8;
	[tilespmem:$0x17000] =	vst v63  }
0x24: {  	s18 =	simm.s32 $0x180  }
0x25: {  	[tilespmem:s19], [sflag:$0x4] =	stream.indirect.gather [hbm4b:s4+s13], $0x40, s18, s13, $0xb8;
	[tilespmem:$0x17000] =	vst v63  }
0x26: {  	_ =	swait.ge [sflag:s20], $0x2000  }
0x27: {  	[sflag:s20] =	ssyncset.done $0x0  }
0x28: {  	s30 =	simm.s32 $0x2800;
	[sflag:s20] =	ssyncadd.s32 $0xFFFFE000  }
0x29: {  	[spmem:s2] =	stream.indirect.scatter.add.f32 [tilespmem:s14], [sflag:$0x5], $0x40, s30, s13, $0xb8;
	[tilespmem:$0x17000] =	vst v63  }
0x2a: {  	_ =	swait.ge [sflag:s21], $0x2000  }
0x2b: {  	[sflag:s21] =	ssyncset.done $0x0  }
0x2c: {  	s18 =	simm.s32 $0x2880;
	[sflag:s21] =	ssyncadd.s32 $0xFFFFE000  }
0x2d: {  	[spmem:s2] =	stream.indirect.scatter.add.f32 [tilespmem:s15], [sflag:$0x6], $0x40, s18, s13, $0xb8;
	[tilespmem:$0x17000] =	vst v63  }
0x2e: {  	_ =	swait.ge [sflag:s22], $0x2000  }
0x2f: {  	[sflag:s22] =	ssyncset.done $0x0  }
0x30: {  	s30 =	simm.s32 $0x2900;
	[sflag:s22] =	ssyncadd.s32 $0xFFFFE000  }
0x31: {  	[spmem:s2] =	stream.indirect.scatter.add.f32 [tilespmem:s17], [sflag:$0x7], $0x40, s30, s13, $0xb8;
	[tilespmem:$0x17000] =	vst v63  }
0x32: {  	_ =	swait.ge [sflag:s23], $0x2000  }
0x33: {  	[sflag:s23] =	ssyncset.done $0x0  }
0x34: {  	s18 =	simm.s32 $0x2980;
	[sflag:s23] =	ssyncadd.s32 $0xFFFFE000  }
0x35: {  	[spmem:s2] =	stream.indirect.scatter.add.f32 [tilespmem:s19], [sflag:$0x8], $0x40, s18, s13, $0xb8;
	[tilespmem:$0x17000] =	vst v63  }
0x36: {  	_ =	swait.ge [sflag:s25], $0x2000  }
0x37: {  	[sflag:s25] =	ssyncset.done $0x0  }
0x38: {  	s30 =	simm.s32 $0x200;
	[sflag:s25] =	ssyncadd.s32 $0xFFFFE000  }
0x39: {  	[tilespmem:s14], [sflag:$0x1] =	stream.indirect.gather [hbm4b:s4+s13], $0x40, s30, s13, $0xb8;
	[tilespmem:$0x17000] =	vst v63  }
0x3a: {  	_ =	swait.ge [sflag:s26], $0x2000  }
0x3b: {  	[sflag:s26] =	ssyncset.done $0x0  }
0x3c: {  	s18 =	simm.s32 $0x280;
	[sflag:s26] =	ssyncadd.s32 $0xFFFFE000  }
0x3d: {  	[tilespmem:s15], [sflag:$0x2] =	stream.indirect.gather [hbm4b:s4+s13], $0x40, s18, s13, $0xb8;
	[tilespmem:$0x17000] =	vst v63  }
0x3e: {  	_ =	swait.ge [sflag:s28], $0x2000  }
0x3f: {  	[sflag:s28] =	ssyncset.done $0x0  }
0x40: {  	s30 =	simm.s32 $0x300;
	[sflag:s28] =	ssyncadd.s32 $0xFFFFE000  }
0x41: {  	[tilespmem:s17], [sflag:$0x3] =	stream.indirect.gather [hbm4b:s4+s13], $0x40, s30, s13, $0xb8;
	[tilespmem:$0x17000] =	vst v63  }
0x42: {  	_ =	swait.ge [sflag:s29], $0x2000  }
0x43: {  	[sflag:s29] =	ssyncset.done $0x0  }
0x44: {  	s16 =	simm.s32 $0x800;
	s18 =	simm.s32 $0x380;
	[sflag:s29] =	ssyncadd.s32 $0xFFFFE000  }
.LBB2_2:
0x45: {  	[tilespmem:s19], [sflag:$0x4] =	stream.indirect.gather [hbm4b:s4+s13], $0x40, s18, s13, $0xb8;
	[tilespmem:$0x17000] =	vst v63  }
0x46: {  	s18 =	smov.u32 s16  }
0x47: {  	p0 =	sne.s32 s16, $0x9000;
	s16 =	sadd.s32 $0x800, s16;
	_ =	swait.ge [sflag:s20], $0x2000  }
0x48: {  	s18 =	sshra.s32 s18, $0x2;
	[sflag:s20] =	ssyncset.done $0x0  }
0x49: {  	s30 =	sadd.s32 $0x2800, s18;
	[sflag:s20] =	ssyncadd.s32 $0xFFFFE000  }
0x4a: {  	[spmem:s2] =	stream.indirect.scatter.add.f32 [tilespmem:s14], [sflag:$0x5], $0x40, s30, s13, $0xb8;
	[tilespmem:$0x17000] =	vst v63  }
0x4b: {  	_ =	swait.ge [sflag:s21], $0x2000  }
0x4c: {  	[sflag:s21] =	ssyncset.done $0x0  }
0x4d: {  	s30 =	sadd.s32 $0x2880, s18;
	[sflag:s21] =	ssyncadd.s32 $0xFFFFE000  }
0x4e: {  	[spmem:s2] =	stream.indirect.scatter.add.f32 [tilespmem:s15], [sflag:$0x6], $0x40, s30, s13, $0xb8;
	[tilespmem:$0x17000] =	vst v63  }
0x4f: {  	_ =	swait.ge [sflag:s22], $0x2000  }
0x50: {  	[sflag:s22] =	ssyncset.done $0x0  }
0x51: {  	s30 =	sadd.s32 $0x2900, s18;
	[sflag:s22] =	ssyncadd.s32 $0xFFFFE000  }
0x52: {  	[spmem:s2] =	stream.indirect.scatter.add.f32 [tilespmem:s17], [sflag:$0x7], $0x40, s30, s13, $0xb8;
	[tilespmem:$0x17000] =	vst v63  }
0x53: {  	_ =	swait.ge [sflag:s23], $0x2000  }
0x54: {  	[sflag:s23] =	ssyncset.done $0x0  }
0x55: {  	s30 =	sadd.s32 $0x2980, s18;
	[sflag:s23] =	ssyncadd.s32 $0xFFFFE000  }
0x56: {  	[spmem:s2] =	stream.indirect.scatter.add.f32 [tilespmem:s19], [sflag:$0x8], $0x40, s30, s13, $0xb8;
	[tilespmem:$0x17000] =	vst v63  }
0x57: {  	_ =	swait.ge [sflag:s25], $0x2000  }
0x58: {  	[sflag:s25] =	ssyncset.done $0x0  }
0x59: {  	s30 =	sadd.s32 $0x200, s18;
	[sflag:s25] =	ssyncadd.s32 $0xFFFFE000  }
0x5a: {  	[tilespmem:s14], [sflag:$0x1] =	stream.indirect.gather [hbm4b:s4+s13], $0x40, s30, s13, $0xb8;
	[tilespmem:$0x17000] =	vst v63  }
0x5b: {  	_ =	swait.ge [sflag:s26], $0x2000  }
0x5c: {  	[sflag:s26] =	ssyncset.done $0x0  }
0x5d: {  	s30 =	sadd.s32 $0x280, s18;
	[sflag:s26] =	ssyncadd.s32 $0xFFFFE000  }
0x5e: {  	[tilespmem:s15], [sflag:$0x2] =	stream.indirect.gather [hbm4b:s4+s13], $0x40, s30, s13, $0xb8;
	[tilespmem:$0x17000] =	vst v63  }
0x5f: {  	_ =	swait.ge [sflag:s28], $0x2000  }
0x60: {  	[sflag:s28] =	ssyncset.done $0x0  }
.Ltmp0:
0x61: {  	s30 =	sadd.s32 $0x300, s18;
	[sflag:s28] =	ssyncadd.s32 $0xFFFFE000;
	(pc) =	sbr.rel @p0 .LBB2_2-.Ltmp0, $4  }
0x62: {  	[tilespmem:s17], [sflag:$0x3] =	stream.indirect.gather [hbm4b:s4+s13], $0x40, s30, s13, $0xb8;
	[tilespmem:$0x17000] =	vst v63  }
0x63: {  	_ =	swait.ge [sflag:s29], $0x2000  }
0x64: {  	[sflag:s29] =	ssyncset.done $0x0  }
0x65: {  	s18 =	sadd.s32 $0x380, s18;
	[sflag:s29] =	ssyncadd.s32 $0xFFFFE000  }
0x66: {  	[tilespmem:s19], [sflag:$0x4] =	stream.indirect.gather [hbm4b:s4+s13], $0x40, s18, s13, $0xb8;
	[tilespmem:$0x17000] =	vst v63  }
0x67: {  	_ =	swait.ge [sflag:s20], $0x2000  }
0x68: {  	[sflag:s20] =	ssyncset.done $0x0  }
0x69: {  	s16 =	simm.s32 $0x4E00;
	[sflag:s20] =	ssyncadd.s32 $0xFFFFE000  }
0x6a: {  	[spmem:s2] =	stream.indirect.scatter.add.f32 [tilespmem:s14], [sflag:$0x5], $0x40, s16, s13, $0xb8;
	[tilespmem:$0x17000] =	vst v63  }
0x6b: {  	_ =	swait.ge [sflag:s21], $0x2000  }
0x6c: {  	[sflag:s21] =	ssyncset.done $0x0  }
0x6d: {  	[sflag:s21] =	ssyncadd.s32 $0xFFFFE000  }
0x6e: {  	[spmem:s2] =	stream.indirect.scatter.add.f32 [tilespmem:s15], [sflag:$0x6], $0x40, s31, s13, $0xb8;
	[tilespmem:$0x17000] =	vst v63  }
0x6f: {  	_ =	swait.ge [sflag:s22], $0x2000  }
0x70: {  	[sflag:s22] =	ssyncset.done $0x0  }
0x71: {  	[sflag:s22] =	ssyncadd.s32 $0xFFFFE000  }
0x72: {  	[spmem:s2] =	stream.indirect.scatter.add.f32 [tilespmem:s17], [sflag:$0x7], $0x40, s1, s13, $0xb8;
	[tilespmem:$0x17000] =	vst v63  }
0x73: {  	_ =	swait.ge [sflag:s23], $0x2000  }
0x74: {  	[sflag:s23] =	ssyncset.done $0x0  }
0x75: {  	[sflag:s23] =	ssyncadd.s32 $0xFFFFE000  }
0x76: {  	[spmem:s2] =	stream.indirect.scatter.add.f32 [tilespmem:s19], [sflag:$0x8], $0x40, s0, s13, $0xb8;
	[tilespmem:$0x17000] =	vst v63  }
0x77: {  	_ =	swait.ge [sflag:s25], $0x2000  }
0x78: {  	[sflag:s25] =	ssyncset.done $0x0  }
0x79: {  	[sflag:s25] =	ssyncadd.s32 $0xFFFFE000  }
0x7a: {  	_ =	swait.ge [sflag:s26], $0x2000  }
0x7b: {  	[sflag:s26] =	ssyncset.done $0x0  }
0x7c: {  	[sflag:s26] =	ssyncadd.s32 $0xFFFFE000  }
0x7d: {  	_ =	swait.ge [sflag:s28], $0x2000  }
0x7e: {  	[sflag:s28] =	ssyncset.done $0x0  }
0x7f: {  	[sflag:s28] =	ssyncadd.s32 $0xFFFFE000  }
0x80: {  	_ =	swait.ge [sflag:s29], $0x2000  }
0x81: {  	s10 =	sadd.s32 $0x1, s10;
	[sflag:s29] =	ssyncset.done $0x0  }
0x82: {  	p0 =	sne.s32 s10, s8;
	[sflag:s29] =	ssyncadd.s32 $0xFFFFE000  }
.Ltmp1:
0x83: {  	[bflag:$0x0] =	sbarrier.arrive $0xFFFF;
	(pc) =	sbr.rel @p0 .LBB2_1-.Ltmp1, $4  }
0x84: {  	[hbm:s24], [sflag:s11] =	dma.local [spmem:s12], $0x1400  }
0x85: {  	_ =	swait.ge [sflag:s9], $0x1400  }
0x86: {  	[sflag:s9] =	ssyncset.done $0x0  }
0x87: {  	[sflag:s9] =	ssyncadd.s32 $0xFFFFEC00  }
0x88: {  	_ =	sfence.sel $0x180000  }
0x89: {  	[bflag:$0x0] =	sbarrier.arrive $0xFFFF  }
0x8a: {  	_ =	strace $0x9000004A  }
0x8b: {  	s0 =	stileid.u32;
	[bflag:$0x2] =	sbarrier.arrive $0xFFFF  }
0x8c: {  	p0 =	sne.s32 s0, $0x0;
	s0 =	rddreg [dreg:$0x2]  }
0x8d: {  	s0 =	sadd.s32 @!p0 $0x100000, s0  }
0x8e: {  	[sflag:s0] =	ssyncadd.tile.s32 @!p0 $0x1;
	_ =	shalt  }
.Lfunc_end2:
_tile_overlayer_lowered:
.L_overlay_start_2:
0x8f: {  	(tag) =	ssettag $0x2  }
0x90: {  	s0 =	rddreg [dreg:$0x0];
	s2 =	stileid.u32  }
0x91: {  	s1 =	rddreg [dreg:$0x1];
	p0 =	sne.s32 s2, $0x0  }
0x92: {  	s3 =	rddreg [dreg:$0x2];
	[bflag:$0x3] =	sbarrier.arrive $0xFFFF;
	s2 =	simm.s32 @!p0 $0x1C09  }
0x93: {  	[timem:s3], [sflag:s2] =	dma.local @!p0 [hbm:s0], s1  }
0x94: {  	s0 =	simm.s32 @!p0 $0x9  }
0x95: {  	_ =	swait.ge @!p0 [sflag:s0], s1  }
0x96: {  	s1 =	ssub.s32 @!p0 $0x0, s1;
	[sflag:s0] =	ssyncset.done @!p0 $0x0  }
0x97: {  	[sflag:s0] =	ssyncadd.s32 @!p0 s1  }
0x98: {  	[bflag:$0x3] =	sbarrier.arrive $0xFFFF  }
0x99: {  	_ =	shalt  }

// kernel: kernel.16.cloned.1.call-start
scs
__scs_entry_jumppad:
0x0: {  	(pc) =	sbr.rel $0x88, $3  }
0x1: {  	(tag) =	ssettag $0x0;
	lr =	simm.s32 $0x1  }
0x2: {  	[smem:$0x3F92] =	sst lr;
	_ =	strace $0xD0000000  }
0x3: {  	_ = 	snop  }
0x4: {  	_ = 	snop  }
0x5: {  	_ = 	snop  }
0x6: {  	_ = 	snop  }
0x7: {  	_ = 	snop  }
__scs_overlays_trampoline_lowered:
0x8: {  	[smem:$0x3FA1] =	sst s0  }
0x9: {  	[smem:$0x3FA2] =	sst s1  }
0xa: {  	[smem:$0x3FA3] =	sst s2  }
0xb: {  	[smem:$0x3FA4] =	sst s3  }
0xc: {  	[smem:$0x3FA5] =	sst s4  }
0xd: {  	[smem:$0x3FA6] =	sst s5  }
0xe: {  	[smem:$0x3FA7] =	sst s6  }
0xf: {  	[smem:$0x3FA8] =	sst s7  }
0x10: {  	[smem:$0x3FA9] =	sst s8  }
0x11: {  	[smem:$0x3FAA] =	sst s9;
	s0 =	simm.s32 @!p0 $0x0  }
0x12: {  	s1 =	sld [smem:$0x3F90];
	s0 =	simm.s32 @p0 $0x1  }
0x13: {  	[smem:$0x3FAB] =	sst s0;
	s0 =	simm.s32 @!p1 $0x0  }
0x14: {  	s2 =	sld [smem:$0x3F8F];
	s0 =	simm.s32 @p1 $0x1  }
0x15: {  	[smem:$0x3FAC] =	sst s0;
	s0 =	simm.s32 @!p2 $0x0  }
0x16: {  	s3 =	sld [smem:$0x3FDB];
	s0 =	simm.s32 @p2 $0x1  }
0x17: {  	s4 =	simm.s32 $0x1BF5;
	[smem:$0x3FAE] =	sst s0  }
0x18: {  	s0 =	sld [smem:$0x3F91];
	_ =	swait.ge [sflag:s4], $0x0  }
0x19: {  	s7 =	sld [smem:$0x3F92]  }
0x1a: {  	s8 =	sadd.s32 $0xFFFFE003, lr  }
0x1b: {  	s9 =	sadd.s32 $0xFFFFFEF7, lr;
	s5 =	simm.s32 $0xFFFFFFFF;
	p2 =	slt.u32 s8, $0xFFFFF086  }
0x1c: {  	p1 =	slt.u32 s9, $0xF7A;
	s5 =	simm.s32 @!p2 $0x0  }
0x1d: {  	s5 =	simm.s32 @p1 $0x1;
	p0 =	seq.s32 s7, s2  }
0x1e: {  	s7 =	smul.u32 @!p0 $0xF7A, s2;
	p2 =	seq.s32 @!p0 s5, $0x0  }
0x1f: {  	s9 =	smul.u32 $0xF7A, s1;
	s8 =	simm.s32 @!p0 $0x1BF5;
	p2 =	por !p2, p0  }
0x20: {  	[sflag:s8] =	ssyncset.s32 @!p0 $0xFFFFF086;
	s6 =	sadd.s32 @!p0 s3, s7;
	s7 =	simm.s32 @!p0 $0x108  }
0x21: {  	s3 =	sadd.s32 s3, s9;
	s6 =	sadd.s32 @!p0 $0x88, s6;
	s7 =	simm.s32 @p2 $0x1082  }
0x22: {  	[simem:s7], [sflag:s8] =	dma.local @!p0 [hbm:s6], $0xF7A  }
0x23: {  	s9 =	sor.u32 $0xD0000000, s2;
	s6 =	simm.s32 $0x108;
	_ =	swait.ge @!p0 [sflag:s8], $0x0  }
0x24: {  	s3 =	sadd.s32 $0x88, s3;
	s6 =	simm.s32 @!p1 $0x1082;
	[sflag:s4] =	ssyncset.s32 $0xFFFFF086  }
0x25: {  	[simem:s6], [sflag:s4] =	dma.local [hbm:s3], $0xF7A  }
0x26: {  	[smem:$0x3F92] =	sst s1;
	(tag) =	ssettag s2;
	_ =	strace s9  }
0x27: {  	s1 =	sld [smem:$0x3FA2]  }
0x28: {  	s2 =	sld [smem:$0x3FA3]  }
0x29: {  	s4 =	sld [smem:$0x3FA5]  }
0x2a: {  	p0 =	seq.s32 s5, $0x0;
	s5 =	sld [smem:$0x3FA6]  }
0x2b: {  	s6 =	sld [smem:$0x3FA7]  }
0x2c: {  	s7 =	sld [smem:$0x3FA8]  }
0x2d: {  	s3 =	simm.s32 $0x108;
	s8 =	sld [smem:$0x3FA9]  }
0x2e: {  	s3 =	simm.s32 @!p0 $0x1082;
	s9 =	sld [smem:$0x3FAA]  }
0x2f: {  	lr =	sadd.s32 s0, s3;
	s0 =	sld [smem:$0x3FA1]  }
0x30: {  	s3 =	sld [smem:$0x3FA4]  }
0x31: {  	[smem:$0x3FAD] =	sst s10  }
0x32: {  	s10 =	sld [smem:$0x3FAB];
	_ =	sdelay $0x3  }
0x33: {  	p0 =	seq.s32 s10, $0x1;
	s10 =	sld [smem:$0x3FAD];
	_ =	sdelay $0x3  }
0x34: {  	[smem:$0x3FAD] =	sst s10  }
0x35: {  	s10 =	sld [smem:$0x3FAC];
	_ =	sdelay $0x3  }
0x36: {  	p1 =	seq.s32 s10, $0x1;
	s10 =	sld [smem:$0x3FAD];
	_ =	sdelay $0x3  }
0x37: {  	[smem:$0x3FAD] =	sst s10  }
0x38: {  	s10 =	sld [smem:$0x3FAE]  }
0x39: {  	_ = 	snop;
	(pc) =	sbr.ind lr, $3  }
0x3a: {  	_ = 	snop  }
0x3b: {  	_ = 	snop  }
0x3c: {  	p2 =	seq.s32 s10, $0x1;
	s10 =	sld [smem:$0x3FAD]  }
0x3d: {  	_ =	shalt  }
0x3e: {  	_ =	shalt  }
0x3f: {  	_ =	shalt  }
0x40: {  	_ =	shalt  }
0x41: {  	_ =	shalt  }
0x42: {  	_ =	shalt  }
0x43: {  	_ =	shalt  }
0x44: {  	_ =	shalt  }
0x45: {  	_ =	shalt  }
0x46: {  	_ =	shalt  }
0x47: {  	_ =	shalt  }
0x48: {  	_ =	shalt  }
0x49: {  	_ =	shalt  }
0x4a: {  	_ =	shalt  }
0x4b: {  	_ =	shalt  }
0x4c: {  	_ =	shalt  }
0x4d: {  	_ =	shalt  }
0x4e: {  	_ =	shalt  }
0x4f: {  	_ =	shalt  }
0x50: {  	_ =	shalt  }
0x51: {  	_ =	shalt  }
0x52: {  	_ =	shalt  }
0x53: {  	_ =	shalt  }
0x54: {  	_ =	shalt  }
0x55: {  	_ =	shalt  }
0x56: {  	_ =	shalt  }
0x57: {  	_ =	shalt  }
0x58: {  	_ =	shalt  }
0x59: {  	_ =	shalt  }
0x5a: {  	_ =	shalt  }
0x5b: {  	_ =	shalt  }
0x5c: {  	_ =	shalt  }
0x5d: {  	_ =	shalt  }
0x5e: {  	_ =	shalt  }
0x5f: {  	_ =	shalt  }
0x60: {  	_ =	shalt  }
0x61: {  	_ =	shalt  }
0x62: {  	_ =	shalt  }
0x63: {  	_ =	shalt  }
0x64: {  	_ =	shalt  }
0x65: {  	_ =	shalt  }
0x66: {  	_ =	shalt  }
0x67: {  	_ =	shalt  }
0x68: {  	_ =	shalt  }
0x69: {  	_ =	shalt  }
0x6a: {  	_ =	shalt  }
0x6b: {  	_ =	shalt  }
0x6c: {  	_ =	shalt  }
0x6d: {  	_ =	shalt  }
0x6e: {  	_ =	shalt  }
0x6f: {  	_ =	shalt  }
0x70: {  	_ =	shalt  }
0x71: {  	_ =	shalt  }
0x72: {  	_ =	shalt  }
0x73: {  	_ =	shalt  }
0x74: {  	_ =	shalt  }
0x75: {  	_ =	shalt  }
0x76: {  	_ =	shalt  }
0x77: {  	_ =	shalt  }
0x78: {  	_ =	shalt  }
0x79: {  	_ =	shalt  }
0x7a: {  	_ =	shalt  }
0x7b: {  	_ =	shalt  }
0x7c: {  	_ =	shalt  }
0x7d: {  	_ =	shalt  }
0x7e: {  	_ =	shalt  }
0x7f: {  	_ =	shalt  }
0x80: {  	_ =	shalt  }
0x81: {  	_ =	shalt  }
0x82: {  	_ =	shalt  }
0x83: {  	_ =	shalt  }
0x84: {  	_ =	shalt  }
0x85: {  	_ =	shalt  }
0x86: {  	_ =	shalt  }
0x87: {  	_ =	shalt  }
.Lfunc_end0:
.L_simem_size_0:
called_computation.2_lowered:
.L_overlay_start_0:
0x88: {  	s2 =	sld [smem:$0x3FD9]  }
0x89: {  	s3 =	sld [smem:$0x3FFE];
	_ =	sdelay $0x1  }
0x8a: {  	s1 =	srdreg.scid  }
0x8b: {  	s0 =	sand.u32 $0x1, s1  }
0x8c: {  	s16 =	sshll.u32 s0, $0xA;
	s2 =	sadd.s32 s3, s2  }
0x8d: {  	s2 =	sadd.s32 s2, s16  }
0x8e: {  	[smem:$0x3FB9] =	sst s2  }
0x8f: {  	_ = 	snop  }
0x90: {  	(tm) =	ssettm $0x1  }
0x91: {  	s17 =	sld [smem:$0x3FFB];
	_ =	sdelay $0x3  }
0x92: {  	_ =	strace s17  }
0x93: {  	s2 =	sld [smem:$0x3FFC];
	_ =	sdelay $0x3  }
0x94: {  	_ =	strace s2  }
0x95: {  	s2 =	sld [smem:$0x3FFD];
	_ =	sdelay $0x3  }
0x96: {  	_ =	strace s2  }
0x97: {  	_ =	strace $0x8FFFFFFF  }
0x98: {  	s18 =	sld [smem:$0x3FDB];
	_ =	sdelay $0x1  }
0x99: {  	s19 =	simm.s32 $_scs_section_size  }
0x9a: {  	s4 =	simm.s32 $_size__tile_overlayer_lowered;
	s5 =	simm.s32 $_tile_overlayer_lowered  }
0x9b: {  	s22 =	simm.s32 $0x1BFF;
	s21 =	sshll.u32 s5, $0x1;
	s2 =	sadd.s32 s19, s18  }
0x9c: {  	s6 =	simm.s32 $0x0;
	s20 =	sshll.u32 s4, $0x1;
	s4 =	sadd.s32 s21, s2  }
0x9d: {  	[timem:s6], [sflag:s22] =	dma.local [hbm:s4], s20  }
0x9e: {  	_ =	swait.ge [sflag:s22], s20  }
0x9f: {  	s3 =	ssub.s32 $0x0, s20;
	[sflag:s22] =	ssyncset.done $0x0  }
0xa0: {  	[sflag:s22] =	ssyncadd.s32 s3;
	_ =	sdelay $0x1  }
0xa1: {  	s23 =	simm.s32 $0x1B8B  }
0xa2: {  	_ =	swait.ge [sflag:s23], $0x1  }
0xa3: {  	[sflag:s23] =	ssyncset.done $0x0  }
0xa4: {  	s25 =	simm.s32 $0x1B8E;
	s24 =	sld [smem:$0x3FFE];
	[sflag:s23] =	ssyncadd.s32 $0xFFFFFFFF  }
0xa5: {  	s26 =	simm.s32 $execute0_lowered;
	[smem:$0x3FD2] =	sst s25  }
0xa6: {  	s4 =	sshll.u32 s26, $0x1;
	_ =	strace $0x8000004C;
	[dreg:$0x1] =	wrdreg $0xFFFFFFFF  }
0xa7: {  	s28 =	simm.s32 $_size_execute0_lowered;
	s2 =	sadd.s32 s2, s4;
	[dreg:$0x0] =	wrdreg $0x0  }
0xa8: {  	s4 =	sshll.u32 s28, $0x1;
	[dreg:$0x2] =	wrdreg s2  }
0xa9: {  	[dreg:$0x3] =	wrdreg s4  }
0xaa: {  	[dreg:$0x4] =	wrdreg $0xC0  }
0xab: {  	_ =	task [dreg:s6], $0x5FFFF  }
0xac: {  	[dreg:$0x1] =	wrdreg $0xFFFFFFFF  }
0xad: {  	[dreg:$0x0] =	wrdreg $0x60  }
0xae: {  	[dreg:$0x2] =	wrdreg s24  }
0xaf: {  	[dreg:$0x3] =	wrdreg $0xD0000  }
0xb0: {  	[dreg:$0x4] =	wrdreg $0x9  }
0xb1: {  	_ =	task.clear_ibuf [dreg:s6], $0x5FFFF;
	_ =	strace $0x9000004C  }
0xb2: {  	s29 =	simm.s32 $0x9;
	_ =	strace $0x8000004E  }
0xb3: {  	_ =	swait.ge [sflag:s29], $0x1  }
0xb4: {  	[sflag:s29] =	ssyncadd.s32 $0xFFFFFFFF  }
0xb5: {  	_ =	strace $0x9000004E  }
0xb6: {  	_ =	sfence  }
0xb7: {  	s30 =	sld [smem:$0x0];
	_ =	sdelay $0x2  }
0xb8: {  	s31 =	sshll.u32 s1, $0xD;
	s1 =	sshrl.u32 s1, $0x2  }
0xb9: {  	s3 =	sand.u32 $0x4000, s31;
	s1 =	sadd.s32 s1, s30  }
0xba: {  	s0 =	sor.u32 s3, s0;
	s1 =	sshll.u32 s1, $0x11  }
0xbb: {  	s0 =	sor.u32 s1, s0  }
0xbc: {  	s0 =	sadd.s32 $0x8F2B, s0  }
0xbd: {  	[sflag:s0] =	ssyncadd.remote.s32 $0x1  }
0xbe: {  	_ =	sfence.sel $0xFFFF  }
0xbf: {  	[dreg:$0x0] =	wrdreg $0xFFFFFFFF;
	(pc) =	sbr.abs _section_cstart, $3  }
0xc0: {  	[dreg:$0x1] =	wrdreg $0xFFFFFFFF  }
0xc1: {  	_ =	task.clear_ibuf [dreg:s6], $0x2FFFF;
	_ =	strace $0x9FFFFFFF  }
0xc2: {  	(tm) =	ssettm $0x7FFFFFFF  }
0xc3: {  	_ =	shalt  }
tec
execute0_lowered:
.L_overlay_start_1:
0x0: {  	(tag) =	ssettag $0x1  }
0x1: {  	s0 =	srdreg.scid;
	s1 =	rddreg [dreg:$0x0]  }
0x2: {  	s11 =	stileid.u32;
	s2 =	rddreg [dreg:$0x1]  }
0x3: {  	s13 =	simm.s32 $0x80;
	s14 =	simm.s32 $0x5000;
	s15 =	simm.s32 $0x7000  }
0x4: {  	s17 =	simm.s32 $0x9000;
	s19 =	simm.s32 $0xB000;
	s20 =	simm.s32 $0x1  }
0x5: {  	s21 =	simm.s32 $0x2;
	s22 =	simm.s32 $0x3;
	s23 =	simm.s32 $0x4  }
0x6: {  	s25 =	simm.s32 $0x5;
	s28 =	simm.s32 $0x7;
	s29 =	simm.s32 $0x8  }
0x7: {  	s31 =	simm.s32 $0x4E80;
	s0 =	sand.u32 $0x1, s0;
	s7 =	smul.u32 $0xA000, s11  }
0x8: {  	s30 =	sshll.u32 s11, $0x6;
	s3 =	sshll.u32 s0, $0x4;
	s6 =	smul.u32 $0x14000, s0  }
0x9: {  	s0 =	ssub.s32 $0x2, s0;
	s4 =	sor.u32 s11, s3;
	s3 =	simm.s32 $0x0  }
0xa: {  	s10 =	sshrl.u32 s7, $0x3;
	s26 =	sshrl.u32 s0, $0x1;
	s12 =	sadd.s32 s7, s2  }
0xb: {  	s11 =	sor.u32 $0x1C09, s30;
	s5 =	smul.u32 $0x500, s4;
	[smem:$0x7FF] =	sst s3  }
0xc: {  	s4 =	sadd.s32 $0x17A00, s1;
	s9 =	sadd.s32 s10, s1;
	s0 =	ssub.s32 s0, s26  }
0xd: {  	s12 =	sshrl.u32 s12, $0x3;
	s26 =	simm.s32 $0x6;
	_ =	strace $0x8000004D  }
0xe: {  	s7 =	sadd.s32 $0x2B400, s9;
	s9 =	simm.s32 $0x9;
	s8 =	sadd.s32 s5, s1  }
0xf: {  	s1 =	sadd.s32 s6, s1;
	s5 =	sadd.s32 $0xDA00, s8;
	s6 =	sadd.s32 $0x2A00, s8  }
0x10: {  	s1 =	sadd.s32 $0x3F400, s1;
	s8 =	smax.u32 s0, $0x1;
	s0 =	simm.s32 $0x4F80  }
0x11: {  	s24 =	sadd.s32 s10, s1;
	s1 =	simm.s32 $0x4F00;
	s10 =	simm.s32 $0x0  }
.LBB2_1:
0x12: {  	[tilespmem:s3], [sflag:$0x9] =	stream.linear.gather [hbm4b:s5+s3], $0x2800, $0x38;
	[tilespmem:$0x17000] =	vst v63  }
0x13: {  	_ =	swait.ge [sflag:s9], $0x2800  }
0x14: {  	[sflag:s9] =	ssyncset.done $0x0  }
0x15: {  	s16 =	simm.s32 $0x2800;
	[sflag:s9] =	ssyncadd.s32 $0xFFFFD800  }
0x16: {  	[tilespmem:s16], [sflag:$0x9] =	stream.linear.gather [hbm4b:s6+s3], $0x2800, $0x38;
	[tilespmem:$0x17000] =	vst v63  }
0x17: {  	_ =	swait.ge [sflag:s9], $0x2800  }
0x18: {  	[sflag:s9] =	ssyncset.done $0x0  }
0x19: {  	[sflag:s9] =	ssyncadd.s32 $0xFFFFD800  }
0x1a: {  	[spmem:s12], [sflag:s11] =	dma.local [hbm:s7], $0x1400  }
0x1b: {  	_ =	swait.ge [sflag:s9], $0x1400  }
0x1c: {  	[sflag:s9] =	ssyncset.done $0x0  }
0x1d: {  	[sflag:s9] =	ssyncadd.s32 $0xFFFFEC00  }
0x1e: {  	[bflag:$0x0] =	sbarrier.arrive $0xFFFF  }
0x1f: {  	[tilespmem:s14], [sflag:$0x1] =	stream.indirect.gather [hbm4b:s4+s13], $0x40, s3, s13, $0xb8;
	[tilespmem:$0x17000] =	vst v63  }
0x20: {  	_ = 	snop  }
0x21: {  	[tilespmem:s15], [sflag:$0x2] =	stream.indirect.gather [hbm4b:s4+s13], $0x40, s13, s13, $0xb8;
	[tilespmem:$0x17000] =	vst v63  }
0x22: {  	s30 =	simm.s32 $0x100  }
0x23: {  	[tilespmem:s17], [sflag:$0x3] =	stream.indirect.gather [hbm4b:s4+s13], $0x40, s30, s13, $0xb8;
	[tilespmem:$0x17000] =	vst v63  }
0x24: {  	s18 =	simm.s32 $0x180  }
0x25: {  	[tilespmem:s19], [sflag:$0x4] =	stream.indirect.gather [hbm4b:s4+s13], $0x40, s18, s13, $0xb8;
	[tilespmem:$0x17000] =	vst v63  }
0x26: {  	_ =	swait.ge [sflag:s20], $0x2000  }
0x27: {  	[sflag:s20] =	ssyncset.done $0x0  }
0x28: {  	s30 =	simm.s32 $0x2800;
	[sflag:s20] =	ssyncadd.s32 $0xFFFFE000  }
0x29: {  	[spmem:s2] =	stream.indirect.scatter.add.f32 [tilespmem:s14], [sflag:$0x5], $0x40, s30, s13, $0xb8;
	[tilespmem:$0x17000] =	vst v63  }
0x2a: {  	_ =	swait.ge [sflag:s21], $0x2000  }
0x2b: {  	[sflag:s21] =	ssyncset.done $0x0  }
0x2c: {  	s18 =	simm.s32 $0x2880;
	[sflag:s21] =	ssyncadd.s32 $0xFFFFE000  }
0x2d: {  	[spmem:s2] =	stream.indirect.scatter.add.f32 [tilespmem:s15], [sflag:$0x6], $0x40, s18, s13, $0xb8;
	[tilespmem:$0x17000] =	vst v63  }
0x2e: {  	_ =	swait.ge [sflag:s22], $0x2000  }
0x2f: {  	[sflag:s22] =	ssyncset.done $0x0  }
0x30: {  	s30 =	simm.s32 $0x2900;
	[sflag:s22] =	ssyncadd.s32 $0xFFFFE000  }
0x31: {  	[spmem:s2] =	stream.indirect.scatter.add.f32 [tilespmem:s17], [sflag:$0x7], $0x40, s30, s13, $0xb8;
	[tilespmem:$0x17000] =	vst v63  }
0x32: {  	_ =	swait.ge [sflag:s23], $0x2000  }
0x33: {  	[sflag:s23] =	ssyncset.done $0x0  }
0x34: {  	s18 =	simm.s32 $0x2980;
	[sflag:s23] =	ssyncadd.s32 $0xFFFFE000  }
0x35: {  	[spmem:s2] =	stream.indirect.scatter.add.f32 [tilespmem:s19], [sflag:$0x8], $0x40, s18, s13, $0xb8;
	[tilespmem:$0x17000] =	vst v63  }
0x36: {  	_ =	swait.ge [sflag:s25], $0x2000  }
0x37: {  	[sflag:s25] =	ssyncset.done $0x0  }
0x38: {  	s30 =	simm.s32 $0x200;
	[sflag:s25] =	ssyncadd.s32 $0xFFFFE000  }
0x39: {  	[tilespmem:s14], [sflag:$0x1] =	stream.indirect.gather [hbm4b:s4+s13], $0x40, s30, s13, $0xb8;
	[tilespmem:$0x17000] =	vst v63  }
0x3a: {  	_ =	swait.ge [sflag:s26], $0x2000  }
0x3b: {  	[sflag:s26] =	ssyncset.done $0x0  }
0x3c: {  	s18 =	simm.s32 $0x280;
	[sflag:s26] =	ssyncadd.s32 $0xFFFFE000  }
0x3d: {  	[tilespmem:s15], [sflag:$0x2] =	stream.indirect.gather [hbm4b:s4+s13], $0x40, s18, s13, $0xb8;
	[tilespmem:$0x17000] =	vst v63  }
0x3e: {  	_ =	swait.ge [sflag:s28], $0x2000  }
0x3f: {  	[sflag:s28] =	ssyncset.done $0x0  }
0x40: {  	s30 =	simm.s32 $0x300;
	[sflag:s28] =	ssyncadd.s32 $0xFFFFE000  }
0x41: {  	[tilespmem:s17], [sflag:$0x3] =	stream.indirect.gather [hbm4b:s4+s13], $0x40, s30, s13, $0xb8;
	[tilespmem:$0x17000] =	vst v63  }
0x42: {  	_ =	swait.ge [sflag:s29], $0x2000  }
0x43: {  	[sflag:s29] =	ssyncset.done $0x0  }
0x44: {  	s16 =	simm.s32 $0x800;
	s18 =	simm.s32 $0x380;
	[sflag:s29] =	ssyncadd.s32 $0xFFFFE000  }
.LBB2_2:
0x45: {  	[tilespmem:s19], [sflag:$0x4] =	stream.indirect.gather [hbm4b:s4+s13], $0x40, s18, s13, $0xb8;
	[tilespmem:$0x17000] =	vst v63  }
0x46: {  	s18 =	smov.u32 s16  }
0x47: {  	p0 =	sne.s32 s16, $0x9000;
	s16 =	sadd.s32 $0x800, s16;
	_ =	swait.ge [sflag:s20], $0x2000  }
0x48: {  	s18 =	sshra.s32 s18, $0x2;
	[sflag:s20] =	ssyncset.done $0x0  }
0x49: {  	s30 =	sadd.s32 $0x2800, s18;
	[sflag:s20] =	ssyncadd.s32 $0xFFFFE000  }
0x4a: {  	[spmem:s2] =	stream.indirect.scatter.add.f32 [tilespmem:s14], [sflag:$0x5], $0x40, s30, s13, $0xb8;
	[tilespmem:$0x17000] =	vst v63  }
0x4b: {  	_ =	swait.ge [sflag:s21], $0x2000  }
0x4c: {  	[sflag:s21] =	ssyncset.done $0x0  }
0x4d: {  	s30 =	sadd.s32 $0x2880, s18;
	[sflag:s21] =	ssyncadd.s32 $0xFFFFE000  }
0x4e: {  	[spmem:s2] =	stream.indirect.scatter.add.f32 [tilespmem:s15], [sflag:$0x6], $0x40, s30, s13, $0xb8;
	[tilespmem:$0x17000] =	vst v63  }
0x4f: {  	_ =	swait.ge [sflag:s22], $0x2000  }
0x50: {  	[sflag:s22] =	ssyncset.done $0x0  }
0x51: {  	s30 =	sadd.s32 $0x2900, s18;
	[sflag:s22] =	ssyncadd.s32 $0xFFFFE000  }
0x52: {  	[spmem:s2] =	stream.indirect.scatter.add.f32 [tilespmem:s17], [sflag:$0x7], $0x40, s30, s13, $0xb8;
	[tilespmem:$0x17000] =	vst v63  }
0x53: {  	_ =	swait.ge [sflag:s23], $0x2000  }
0x54: {  	[sflag:s23] =	ssyncset.done $0x0  }
0x55: {  	s30 =	sadd.s32 $0x2980, s18;
	[sflag:s23] =	ssyncadd.s32 $0xFFFFE000  }
0x56: {  	[spmem:s2] =	stream.indirect.scatter.add.f32 [tilespmem:s19], [sflag:$0x8], $0x40, s30, s13, $0xb8;
	[tilespmem:$0x17000] =	vst v63  }
0x57: {  	_ =	swait.ge [sflag:s25], $0x2000  }
0x58: {  	[sflag:s25] =	ssyncset.done $0x0  }
0x59: {  	s30 =	sadd.s32 $0x200, s18;
	[sflag:s25] =	ssyncadd.s32 $0xFFFFE000  }
0x5a: {  	[tilespmem:s14], [sflag:$0x1] =	stream.indirect.gather [hbm4b:s4+s13], $0x40, s30, s13, $0xb8;
	[tilespmem:$0x17000] =	vst v63  }
0x5b: {  	_ =	swait.ge [sflag:s26], $0x2000  }
0x5c: {  	[sflag:s26] =	ssyncset.done $0x0  }
0x5d: {  	s30 =	sadd.s32 $0x280, s18;
	[sflag:s26] =	ssyncadd.s32 $0xFFFFE000  }
0x5e: {  	[tilespmem:s15], [sflag:$0x2] =	stream.indirect.gather [hbm4b:s4+s13], $0x40, s30, s13, $0xb8;
	[tilespmem:$0x17000] =	vst v63  }
0x5f: {  	_ =	swait.ge [sflag:s28], $0x2000  }
0x60: {  	[sflag:s28] =	ssyncset.done $0x0  }
.Ltmp0:
0x61: {  	s30 =	sadd.s32 $0x300, s18;
	[sflag:s28] =	ssyncadd.s32 $0xFFFFE000;
	(pc) =	sbr.rel @p0 .LBB2_2-.Ltmp0, $4  }
0x62: {  	[tilespmem:s17], [sflag:$0x3] =	stream.indirect.gather [hbm4b:s4+s13], $0x40, s30, s13, $0xb8;
	[tilespmem:$0x17000] =	vst v63  }
0x63: {  	_ =	swait.ge [sflag:s29], $0x2000  }
0x64: {  	[sflag:s29] =	ssyncset.done $0x0  }
0x65: {  	s18 =	sadd.s32 $0x380, s18;
	[sflag:s29] =	ssyncadd.s32 $0xFFFFE000  }
0x66: {  	[tilespmem:s19], [sflag:$0x4] =	stream.indirect.gather [hbm4b:s4+s13], $0x40, s18, s13, $0xb8;
	[tilespmem:$0x17000] =	vst v63  }
0x67: {  	_ =	swait.ge [sflag:s20], $0x2000  }
0x68: {  	[sflag:s20] =	ssyncset.done $0x0  }
0x69: {  	s16 =	simm.s32 $0x4E00;
	[sflag:s20] =	ssyncadd.s32 $0xFFFFE000  }
0x6a: {  	[spmem:s2] =	stream.indirect.scatter.add.f32 [tilespmem:s14], [sflag:$0x5], $0x40, s16, s13, $0xb8;
	[tilespmem:$0x17000] =	vst v63  }
0x6b: {  	_ =	swait.ge [sflag:s21], $0x2000  }
0x6c: {  	[sflag:s21] =	ssyncset.done $0x0  }
0x6d: {  	[sflag:s21] =	ssyncadd.s32 $0xFFFFE000  }
0x6e: {  	[spmem:s2] =	stream.indirect.scatter.add.f32 [tilespmem:s15], [sflag:$0x6], $0x40, s31, s13, $0xb8;
	[tilespmem:$0x17000] =	vst v63  }
0x6f: {  	_ =	swait.ge [sflag:s22], $0x2000  }
0x70: {  	[sflag:s22] =	ssyncset.done $0x0  }
0x71: {  	[sflag:s22] =	ssyncadd.s32 $0xFFFFE000  }
0x72: {  	[spmem:s2] =	stream.indirect.scatter.add.f32 [tilespmem:s17], [sflag:$0x7], $0x40, s1, s13, $0xb8;
	[tilespmem:$0x17000] =	vst v63  }
0x73: {  	_ =	swait.ge [sflag:s23], $0x2000  }
0x74: {  	[sflag:s23] =	ssyncset.done $0x0  }
0x75: {  	[sflag:s23] =	ssyncadd.s32 $0xFFFFE000  }
0x76: {  	[spmem:s2] =	stream.indirect.scatter.add.f32 [tilespmem:s19], [sflag:$0x8], $0x40, s0, s13, $0xb8;
	[tilespmem:$0x17000] =	vst v63  }
0x77: {  	_ =	swait.ge [sflag:s25], $0x2000  }
0x78: {  	[sflag:s25] =	ssyncset.done $0x0  }
0x79: {  	[sflag:s25] =	ssyncadd.s32 $0xFFFFE000  }
0x7a: {  	_ =	swait.ge [sflag:s26], $0x2000  }
0x7b: {  	[sflag:s26] =	ssyncset.done $0x0  }
0x7c: {  	[sflag:s26] =	ssyncadd.s32 $0xFFFFE000  }
0x7d: {  	_ =	swait.ge [sflag:s28], $0x2000  }
0x7e: {  	[sflag:s28] =	ssyncset.done $0x0  }
0x7f: {  	[sflag:s28] =	ssyncadd.s32 $0xFFFFE000  }
0x80: {  	_ =	swait.ge [sflag:s29], $0x2000  }
0x81: {  	s10 =	sadd.s32 $0x1, s10;
	[sflag:s29] =	ssyncset.done $0x0  }
0x82: {  	p0 =	sne.s32 s10, s8;
	[sflag:s29] =	ssyncadd.s32 $0xFFFFE000  }
.Ltmp1:
0x83: {  	[bflag:$0x0] =	sbarrier.arrive $0xFFFF;
	(pc) =	sbr.rel @p0 .LBB2_1-.Ltmp1, $4  }
0x84: {  	[hbm:s24], [sflag:s11] =	dma.local [spmem:s12], $0x1400  }
0x85: {  	_ =	swait.ge [sflag:s9], $0x1400  }
0x86: {  	[sflag:s9] =	ssyncset.done $0x0  }
0x87: {  	[sflag:s9] =	ssyncadd.s32 $0xFFFFEC00  }
0x88: {  	_ =	sfence.sel $0x180000  }
0x89: {  	[bflag:$0x0] =	sbarrier.arrive $0xFFFF  }
0x8a: {  	_ =	strace $0x9000004D  }
0x8b: {  	s0 =	stileid.u32;
	[bflag:$0x2] =	sbarrier.arrive $0xFFFF  }
0x8c: {  	p0 =	sne.s32 s0, $0x0;
	s0 =	rddreg [dreg:$0x2]  }
0x8d: {  	s0 =	sadd.s32 @!p0 $0x100000, s0  }
0x8e: {  	[sflag:s0] =	ssyncadd.tile.s32 @!p0 $0x1;
	_ =	shalt  }
.Lfunc_end2:
_tile_overlayer_lowered:
.L_overlay_start_2:
0x8f: {  	(tag) =	ssettag $0x2  }
0x90: {  	s0 =	rddreg [dreg:$0x0];
	s2 =	stileid.u32  }
0x91: {  	s1 =	rddreg [dreg:$0x1];
	p0 =	sne.s32 s2, $0x0  }
0x92: {  	s3 =	rddreg [dreg:$0x2];
	[bflag:$0x3] =	sbarrier.arrive $0xFFFF;
	s2 =	simm.s32 @!p0 $0x1C09  }
0x93: {  	[timem:s3], [sflag:s2] =	dma.local @!p0 [hbm:s0], s1  }
0x94: {  	s0 =	simm.s32 @!p0 $0x9  }
0x95: {  	_ =	swait.ge @!p0 [sflag:s0], s1  }
0x96: {  	s1 =	ssub.s32 @!p0 $0x0, s1;
	[sflag:s0] =	ssyncset.done @!p0 $0x0  }
0x97: {  	[sflag:s0] =	ssyncadd.s32 @!p0 s1  }
0x98: {  	[bflag:$0x3] =	sbarrier.arrive $0xFFFF  }
0x99: {  	_ =	shalt  }

// kernel: kernel.19.cloned.1.call-start
scs
__scs_entry_jumppad:
0x0: {  	(pc) =	sbr.rel $0x88, $3  }
0x1: {  	(tag) =	ssettag $0x0;
	lr =	simm.s32 $0x1  }
0x2: {  	[smem:$0x3F92] =	sst lr;
	_ =	strace $0xD0000000  }
0x3: {  	_ = 	snop  }
0x4: {  	_ = 	snop  }
0x5: {  	_ = 	snop  }
0x6: {  	_ = 	snop  }
0x7: {  	_ = 	snop  }
__scs_overlays_trampoline_lowered:
0x8: {  	[smem:$0x3FA1] =	sst s0  }
0x9: {  	[smem:$0x3FA2] =	sst s1  }
0xa: {  	[smem:$0x3FA3] =	sst s2  }
0xb: {  	[smem:$0x3FA4] =	sst s3  }
0xc: {  	[smem:$0x3FA5] =	sst s4  }
0xd: {  	[smem:$0x3FA6] =	sst s5  }
0xe: {  	[smem:$0x3FA7] =	sst s6  }
0xf: {  	[smem:$0x3FA8] =	sst s7  }
0x10: {  	[smem:$0x3FA9] =	sst s8  }
0x11: {  	[smem:$0x3FAA] =	sst s9;
	s0 =	simm.s32 @!p0 $0x0  }
0x12: {  	s1 =	sld [smem:$0x3F90];
	s0 =	simm.s32 @p0 $0x1  }
0x13: {  	[smem:$0x3FAB] =	sst s0;
	s0 =	simm.s32 @!p1 $0x0  }
0x14: {  	s2 =	sld [smem:$0x3F8F];
	s0 =	simm.s32 @p1 $0x1  }
0x15: {  	[smem:$0x3FAC] =	sst s0;
	s0 =	simm.s32 @!p2 $0x0  }
0x16: {  	s3 =	sld [smem:$0x3FDB];
	s0 =	simm.s32 @p2 $0x1  }
0x17: {  	s4 =	simm.s32 $0x1BF5;
	[smem:$0x3FAE] =	sst s0  }
0x18: {  	s0 =	sld [smem:$0x3F91];
	_ =	swait.ge [sflag:s4], $0x0  }
0x19: {  	s7 =	sld [smem:$0x3F92]  }
0x1a: {  	s8 =	sadd.s32 $0xFFFFE003, lr  }
0x1b: {  	s9 =	sadd.s32 $0xFFFFFEF7, lr;
	s5 =	simm.s32 $0xFFFFFFFF;
	p2 =	slt.u32 s8, $0xFFFFF086  }
0x1c: {  	p1 =	slt.u32 s9, $0xF7A;
	s5 =	simm.s32 @!p2 $0x0  }
0x1d: {  	s5 =	simm.s32 @p1 $0x1;
	p0 =	seq.s32 s7, s2  }
0x1e: {  	s7 =	smul.u32 @!p0 $0xF7A, s2;
	p2 =	seq.s32 @!p0 s5, $0x0  }
0x1f: {  	s9 =	smul.u32 $0xF7A, s1;
	s8 =	simm.s32 @!p0 $0x1BF5;
	p2 =	por !p2, p0  }
0x20: {  	[sflag:s8] =	ssyncset.s32 @!p0 $0xFFFFF086;
	s6 =	sadd.s32 @!p0 s3, s7;
	s7 =	simm.s32 @!p0 $0x108  }
0x21: {  	s3 =	sadd.s32 s3, s9;
	s6 =	sadd.s32 @!p0 $0x88, s6;
	s7 =	simm.s32 @p2 $0x1082  }
0x22: {  	[simem:s7], [sflag:s8] =	dma.local @!p0 [hbm:s6], $0xF7A  }
0x23: {  	s9 =	sor.u32 $0xD0000000, s2;
	s6 =	simm.s32 $0x108;
	_ =	swait.ge @!p0 [sflag:s8], $0x0  }
0x24: {  	s3 =	sadd.s32 $0x88, s3;
	s6 =	simm.s32 @!p1 $0x1082;
	[sflag:s4] =	ssyncset.s32 $0xFFFFF086  }
0x25: {  	[simem:s6], [sflag:s4] =	dma.local [hbm:s3], $0xF7A  }
0x26: {  	[smem:$0x3F92] =	sst s1;
	(tag) =	ssettag s2;
	_ =	strace s9  }
0x27: {  	s1 =	sld [smem:$0x3FA2]  }
0x28: {  	s2 =	sld [smem:$0x3FA3]  }
0x29: {  	s4 =	sld [smem:$0x3FA5]  }
0x2a: {  	p0 =	seq.s32 s5, $0x0;
	s5 =	sld [smem:$0x3FA6]  }
0x2b: {  	s6 =	sld [smem:$0x3FA7]  }
0x2c: {  	s7 =	sld [smem:$0x3FA8]  }
0x2d: {  	s3 =	simm.s32 $0x108;
	s8 =	sld [smem:$0x3FA9]  }
0x2e: {  	s3 =	simm.s32 @!p0 $0x1082;
	s9 =	sld [smem:$0x3FAA]  }
0x2f: {  	lr =	sadd.s32 s0, s3;
	s0 =	sld [smem:$0x3FA1]  }
0x30: {  	s3 =	sld [smem:$0x3FA4]  }
0x31: {  	[smem:$0x3FAD] =	sst s10  }
0x32: {  	s10 =	sld [smem:$0x3FAB];
	_ =	sdelay $0x3  }
0x33: {  	p0 =	seq.s32 s10, $0x1;
	s10 =	sld [smem:$0x3FAD];
	_ =	sdelay $0x3  }
0x34: {  	[smem:$0x3FAD] =	sst s10  }
0x35: {  	s10 =	sld [smem:$0x3FAC];
	_ =	sdelay $0x3  }
0x36: {  	p1 =	seq.s32 s10, $0x1;
	s10 =	sld [smem:$0x3FAD];
	_ =	sdelay $0x3  }
0x37: {  	[smem:$0x3FAD] =	sst s10  }
0x38: {  	s10 =	sld [smem:$0x3FAE]  }
0x39: {  	_ = 	snop;
	(pc) =	sbr.ind lr, $3  }
0x3a: {  	_ = 	snop  }
0x3b: {  	_ = 	snop  }
0x3c: {  	p2 =	seq.s32 s10, $0x1;
	s10 =	sld [smem:$0x3FAD]  }
0x3d: {  	_ =	shalt  }
0x3e: {  	_ =	shalt  }
0x3f: {  	_ =	shalt  }
0x40: {  	_ =	shalt  }
0x41: {  	_ =	shalt  }
0x42: {  	_ =	shalt  }
0x43: {  	_ =	shalt  }
0x44: {  	_ =	shalt  }
0x45: {  	_ =	shalt  }
0x46: {  	_ =	shalt  }
0x47: {  	_ =	shalt  }
0x48: {  	_ =	shalt  }
0x49: {  	_ =	shalt  }
0x4a: {  	_ =	shalt  }
0x4b: {  	_ =	shalt  }
0x4c: {  	_ =	shalt  }
0x4d: {  	_ =	shalt  }
0x4e: {  	_ =	shalt  }
0x4f: {  	_ =	shalt  }
0x50: {  	_ =	shalt  }
0x51: {  	_ =	shalt  }
0x52: {  	_ =	shalt  }
0x53: {  	_ =	shalt  }
0x54: {  	_ =	shalt  }
0x55: {  	_ =	shalt  }
0x56: {  	_ =	shalt  }
0x57: {  	_ =	shalt  }
0x58: {  	_ =	shalt  }
0x59: {  	_ =	shalt  }
0x5a: {  	_ =	shalt  }
0x5b: {  	_ =	shalt  }
0x5c: {  	_ =	shalt  }
0x5d: {  	_ =	shalt  }
0x5e: {  	_ =	shalt  }
0x5f: {  	_ =	shalt  }
0x60: {  	_ =	shalt  }
0x61: {  	_ =	shalt  }
0x62: {  	_ =	shalt  }
0x63: {  	_ =	shalt  }
0x64: {  	_ =	shalt  }
0x65: {  	_ =	shalt  }
0x66: {  	_ =	shalt  }
0x67: {  	_ =	shalt  }
0x68: {  	_ =	shalt  }
0x69: {  	_ =	shalt  }
0x6a: {  	_ =	shalt  }
0x6b: {  	_ =	shalt  }
0x6c: {  	_ =	shalt  }
0x6d: {  	_ =	shalt  }
0x6e: {  	_ =	shalt  }
0x6f: {  	_ =	shalt  }
0x70: {  	_ =	shalt  }
0x71: {  	_ =	shalt  }
0x72: {  	_ =	shalt  }
0x73: {  	_ =	shalt  }
0x74: {  	_ =	shalt  }
0x75: {  	_ =	shalt  }
0x76: {  	_ =	shalt  }
0x77: {  	_ =	shalt  }
0x78: {  	_ =	shalt  }
0x79: {  	_ =	shalt  }
0x7a: {  	_ =	shalt  }
0x7b: {  	_ =	shalt  }
0x7c: {  	_ =	shalt  }
0x7d: {  	_ =	shalt  }
0x7e: {  	_ =	shalt  }
0x7f: {  	_ =	shalt  }
0x80: {  	_ =	shalt  }
0x81: {  	_ =	shalt  }
0x82: {  	_ =	shalt  }
0x83: {  	_ =	shalt  }
0x84: {  	_ =	shalt  }
0x85: {  	_ =	shalt  }
0x86: {  	_ =	shalt  }
0x87: {  	_ =	shalt  }
.Lfunc_end0:
.L_simem_size_0:
called_computation.3_lowered:
.L_overlay_start_0:
0x88: {  	s2 =	sld [smem:$0x3FD9]  }
0x89: {  	s3 =	sld [smem:$0x3FFE];
	_ =	sdelay $0x1  }
0x8a: {  	s1 =	srdreg.scid  }
0x8b: {  	s0 =	sand.u32 $0x1, s1  }
0x8c: {  	s16 =	sshll.u32 s0, $0xA;
	s2 =	sadd.s32 s3, s2  }
0x8d: {  	s2 =	sadd.s32 s2, s16  }
0x8e: {  	[smem:$0x3FB9] =	sst s2  }
0x8f: {  	_ = 	snop  }
0x90: {  	(tm) =	ssettm $0x1  }
0x91: {  	s17 =	sld [smem:$0x3FFB];
	_ =	sdelay $0x3  }
0x92: {  	_ =	strace s17  }
0x93: {  	s2 =	sld [smem:$0x3FFC];
	_ =	sdelay $0x3  }
0x94: {  	_ =	strace s2  }
0x95: {  	s2 =	sld [smem:$0x3FFD];
	_ =	sdelay $0x3  }
0x96: {  	_ =	strace s2  }
0x97: {  	_ =	strace $0x8FFFFFFF  }
0x98: {  	s18 =	sld [smem:$0x3FDB];
	_ =	sdelay $0x1  }
0x99: {  	s19 =	simm.s32 $_scs_section_size  }
0x9a: {  	s4 =	simm.s32 $_size__tile_overlayer_lowered;
	s5 =	simm.s32 $_tile_overlayer_lowered  }
0x9b: {  	s22 =	simm.s32 $0x1BFF;
	s21 =	sshll.u32 s5, $0x1;
	s2 =	sadd.s32 s19, s18  }
0x9c: {  	s6 =	simm.s32 $0x0;
	s20 =	sshll.u32 s4, $0x1;
	s4 =	sadd.s32 s21, s2  }
0x9d: {  	[timem:s6], [sflag:s22] =	dma.local [hbm:s4], s20  }
0x9e: {  	_ =	swait.ge [sflag:s22], s20  }
0x9f: {  	s3 =	ssub.s32 $0x0, s20;
	[sflag:s22] =	ssyncset.done $0x0  }
0xa0: {  	[sflag:s22] =	ssyncadd.s32 s3;
	_ =	sdelay $0x1  }
0xa1: {  	s23 =	simm.s32 $0x1B8B  }
0xa2: {  	_ =	swait.ge [sflag:s23], $0x1  }
0xa3: {  	[sflag:s23] =	ssyncset.done $0x0  }
0xa4: {  	s25 =	simm.s32 $0x1B8E;
	s24 =	sld [smem:$0x3FFE];
	[sflag:s23] =	ssyncadd.s32 $0xFFFFFFFF  }
0xa5: {  	s26 =	simm.s32 $execute0_lowered;
	[smem:$0x3FD2] =	sst s25  }
0xa6: {  	s4 =	sshll.u32 s26, $0x1;
	_ =	strace $0x8000004F;
	[dreg:$0x1] =	wrdreg $0xFFFFFFFF  }
0xa7: {  	s28 =	simm.s32 $_size_execute0_lowered;
	s2 =	sadd.s32 s2, s4;
	[dreg:$0x0] =	wrdreg $0x0  }
0xa8: {  	s4 =	sshll.u32 s28, $0x1;
	[dreg:$0x2] =	wrdreg s2  }
0xa9: {  	[dreg:$0x3] =	wrdreg s4  }
0xaa: {  	[dreg:$0x4] =	wrdreg $0xC0  }
0xab: {  	_ =	task [dreg:s6], $0x5FFFF  }
0xac: {  	[dreg:$0x1] =	wrdreg $0xFFFFFFFF  }
0xad: {  	[dreg:$0x0] =	wrdreg $0x60  }
0xae: {  	[dreg:$0x2] =	wrdreg s24  }
0xaf: {  	[dreg:$0x3] =	wrdreg $0xD0000  }
0xb0: {  	[dreg:$0x4] =	wrdreg $0x9  }
0xb1: {  	_ =	task.clear_ibuf [dreg:s6], $0x5FFFF;
	_ =	strace $0x9000004F  }
0xb2: {  	s29 =	simm.s32 $0x9;
	_ =	strace $0x80000051  }
0xb3: {  	_ =	swait.ge [sflag:s29], $0x1  }
0xb4: {  	[sflag:s29] =	ssyncadd.s32 $0xFFFFFFFF  }
0xb5: {  	_ =	strace $0x90000051  }
0xb6: {  	_ =	sfence  }
0xb7: {  	s30 =	sld [smem:$0x0];
	_ =	sdelay $0x2  }
0xb8: {  	s31 =	sshll.u32 s1, $0xD;
	s1 =	sshrl.u32 s1, $0x2  }
0xb9: {  	s3 =	sand.u32 $0x4000, s31;
	s1 =	sadd.s32 s1, s30  }
0xba: {  	s0 =	sor.u32 s3, s0;
	s1 =	sshll.u32 s1, $0x11  }
0xbb: {  	s0 =	sor.u32 s1, s0  }
0xbc: {  	s0 =	sadd.s32 $0x8F2B, s0  }
0xbd: {  	[sflag:s0] =	ssyncadd.remote.s32 $0x1  }
0xbe: {  	_ =	sfence.sel $0xFFFF  }
0xbf: {  	[dreg:$0x0] =	wrdreg $0xFFFFFFFF;
	(pc) =	sbr.abs _section_cstart, $3  }
0xc0: {  	[dreg:$0x1] =	wrdreg $0xFFFFFFFF  }
0xc1: {  	_ =	task.clear_ibuf [dreg:s6], $0x2FFFF;
	_ =	strace $0x9FFFFFFF  }
0xc2: {  	(tm) =	ssettm $0x7FFFFFFF  }
0xc3: {  	_ =	shalt  }
tec
execute0_lowered:
.L_overlay_start_1:
0x0: {  	(tag) =	ssettag $0x1  }
0x1: {  	s0 =	srdreg.scid;
	s1 =	rddreg [dreg:$0x0]  }
0x2: {  	s11 =	stileid.u32;
	s2 =	rddreg [dreg:$0x1]  }
0x3: {  	s13 =	simm.s32 $0x80;
	s14 =	simm.s32 $0x5000;
	s15 =	simm.s32 $0x7000  }
0x4: {  	s17 =	simm.s32 $0x9000;
	s19 =	simm.s32 $0xB000;
	s20 =	simm.s32 $0x1  }
0x5: {  	s21 =	simm.s32 $0x2;
	s22 =	simm.s32 $0x3;
	s23 =	simm.s32 $0x4  }
0x6: {  	s25 =	simm.s32 $0x5;
	s28 =	simm.s32 $0x7;
	s29 =	simm.s32 $0x8  }
0x7: {  	s31 =	simm.s32 $0x4E80;
	s0 =	sand.u32 $0x1, s0;
	s7 =	smul.u32 $0xA000, s11  }
0x8: {  	s30 =	sshll.u32 s11, $0x6;
	s3 =	sshll.u32 s0, $0x4;
	s6 =	smul.u32 $0x14000, s0  }
0x9: {  	s0 =	ssub.s32 $0x2, s0;
	s4 =	sor.u32 s11, s3;
	s3 =	simm.s32 $0x0  }
0xa: {  	s10 =	sshrl.u32 s7, $0x3;
	s26 =	sshrl.u32 s0, $0x1;
	s12 =	sadd.s32 s7, s2  }
0xb: {  	s11 =	sor.u32 $0x1C09, s30;
	s5 =	smul.u32 $0x500, s4;
	[smem:$0x7FF] =	sst s3  }
0xc: {  	s4 =	sadd.s32 $0x17A00, s1;
	s9 =	sadd.s32 s10, s1;
	s0 =	ssub.s32 s0, s26  }
0xd: {  	s12 =	sshrl.u32 s12, $0x3;
	s26 =	simm.s32 $0x6;
	_ =	strace $0x80000050  }
0xe: {  	s7 =	sadd.s32 $0x2B400, s9;
	s9 =	simm.s32 $0x9;
	s8 =	sadd.s32 s5, s1  }
0xf: {  	s1 =	sadd.s32 s6, s1;
	s5 =	sadd.s32 $0xDA00, s8;
	s6 =	sadd.s32 $0x2A00, s8  }
0x10: {  	s1 =	sadd.s32 $0x3F400, s1;
	s8 =	smax.u32 s0, $0x1;
	s0 =	simm.s32 $0x4F80  }
0x11: {  	s24 =	sadd.s32 s10, s1;
	s1 =	simm.s32 $0x4F00;
	s10 =	simm.s32 $0x0  }
.LBB2_1:
0x12: {  	[tilespmem:s3], [sflag:$0x9] =	stream.linear.gather [hbm4b:s5+s3], $0x2800, $0x38;
	[tilespmem:$0x17000] =	vst v63  }
0x13: {  	_ =	swait.ge [sflag:s9], $0x2800  }
0x14: {  	[sflag:s9] =	ssyncset.done $0x0  }
0x15: {  	s16 =	simm.s32 $0x2800;
	[sflag:s9] =	ssyncadd.s32 $0xFFFFD800  }
0x16: {  	[tilespmem:s16], [sflag:$0x9] =	stream.linear.gather [hbm4b:s6+s3], $0x2800, $0x38;
	[tilespmem:$0x17000] =	vst v63  }
0x17: {  	_ =	swait.ge [sflag:s9], $0x2800  }
0x18: {  	[sflag:s9] =	ssyncset.done $0x0  }
0x19: {  	[sflag:s9] =	ssyncadd.s32 $0xFFFFD800  }
0x1a: {  	[spmem:s12], [sflag:s11] =	dma.local [hbm:s7], $0x1400  }
0x1b: {  	_ =	swait.ge [sflag:s9], $0x1400  }
0x1c: {  	[sflag:s9] =	ssyncset.done $0x0  }
0x1d: {  	[sflag:s9] =	ssyncadd.s32 $0xFFFFEC00  }
0x1e: {  	[bflag:$0x0] =	sbarrier.arrive $0xFFFF  }
0x1f: {  	[tilespmem:s14], [sflag:$0x1] =	stream.indirect.gather [hbm4b:s4+s13], $0x40, s3, s13, $0xb8;
	[tilespmem:$0x17000] =	vst v63  }
0x20: {  	_ = 	snop  }
0x21: {  	[tilespmem:s15], [sflag:$0x2] =	stream.indirect.gather [hbm4b:s4+s13], $0x40, s13, s13, $0xb8;
	[tilespmem:$0x17000] =	vst v63  }
0x22: {  	s30 =	simm.s32 $0x100  }
0x23: {  	[tilespmem:s17], [sflag:$0x3] =	stream.indirect.gather [hbm4b:s4+s13], $0x40, s30, s13, $0xb8;
	[tilespmem:$0x17000] =	vst v63  }
0x24: {  	s18 =	simm.s32 $0x180  }
0x25: {  	[tilespmem:s19], [sflag:$0x4] =	stream.indirect.gather [hbm4b:s4+s13], $0x40, s18, s13, $0xb8;
	[tilespmem:$0x17000] =	vst v63  }
0x26: {  	_ =	swait.ge [sflag:s20], $0x2000  }
0x27: {  	[sflag:s20] =	ssyncset.done $0x0  }
0x28: {  	s30 =	simm.s32 $0x2800;
	[sflag:s20] =	ssyncadd.s32 $0xFFFFE000  }
0x29: {  	[spmem:s2] =	stream.indirect.scatter.add.f32 [tilespmem:s14], [sflag:$0x5], $0x40, s30, s13, $0xb8;
	[tilespmem:$0x17000] =	vst v63  }
0x2a: {  	_ =	swait.ge [sflag:s21], $0x2000  }
0x2b: {  	[sflag:s21] =	ssyncset.done $0x0  }
0x2c: {  	s18 =	simm.s32 $0x2880;
	[sflag:s21] =	ssyncadd.s32 $0xFFFFE000  }
0x2d: {  	[spmem:s2] =	stream.indirect.scatter.add.f32 [tilespmem:s15], [sflag:$0x6], $0x40, s18, s13, $0xb8;
	[tilespmem:$0x17000] =	vst v63  }
0x2e: {  	_ =	swait.ge [sflag:s22], $0x2000  }
0x2f: {  	[sflag:s22] =	ssyncset.done $0x0  }
0x30: {  	s30 =	simm.s32 $0x2900;
	[sflag:s22] =	ssyncadd.s32 $0xFFFFE000  }
0x31: {  	[spmem:s2] =	stream.indirect.scatter.add.f32 [tilespmem:s17], [sflag:$0x7], $0x40, s30, s13, $0xb8;
	[tilespmem:$0x17000] =	vst v63  }
0x32: {  	_ =	swait.ge [sflag:s23], $0x2000  }
0x33: {  	[sflag:s23] =	ssyncset.done $0x0  }
0x34: {  	s18 =	simm.s32 $0x2980;
	[sflag:s23] =	ssyncadd.s32 $0xFFFFE000  }
0x35: {  	[spmem:s2] =	stream.indirect.scatter.add.f32 [tilespmem:s19], [sflag:$0x8], $0x40, s18, s13, $0xb8;
	[tilespmem:$0x17000] =	vst v63  }
0x36: {  	_ =	swait.ge [sflag:s25], $0x2000  }
0x37: {  	[sflag:s25] =	ssyncset.done $0x0  }
0x38: {  	s30 =	simm.s32 $0x200;
	[sflag:s25] =	ssyncadd.s32 $0xFFFFE000  }
0x39: {  	[tilespmem:s14], [sflag:$0x1] =	stream.indirect.gather [hbm4b:s4+s13], $0x40, s30, s13, $0xb8;
	[tilespmem:$0x17000] =	vst v63  }
0x3a: {  	_ =	swait.ge [sflag:s26], $0x2000  }
0x3b: {  	[sflag:s26] =	ssyncset.done $0x0  }
0x3c: {  	s18 =	simm.s32 $0x280;
	[sflag:s26] =	ssyncadd.s32 $0xFFFFE000  }
0x3d: {  	[tilespmem:s15], [sflag:$0x2] =	stream.indirect.gather [hbm4b:s4+s13], $0x40, s18, s13, $0xb8;
	[tilespmem:$0x17000] =	vst v63  }
0x3e: {  	_ =	swait.ge [sflag:s28], $0x2000  }
0x3f: {  	[sflag:s28] =	ssyncset.done $0x0  }
0x40: {  	s30 =	simm.s32 $0x300;
	[sflag:s28] =	ssyncadd.s32 $0xFFFFE000  }
0x41: {  	[tilespmem:s17], [sflag:$0x3] =	stream.indirect.gather [hbm4b:s4+s13], $0x40, s30, s13, $0xb8;
	[tilespmem:$0x17000] =	vst v63  }
0x42: {  	_ =	swait.ge [sflag:s29], $0x2000  }
0x43: {  	[sflag:s29] =	ssyncset.done $0x0  }
0x44: {  	s16 =	simm.s32 $0x800;
	s18 =	simm.s32 $0x380;
	[sflag:s29] =	ssyncadd.s32 $0xFFFFE000  }
.LBB2_2:
0x45: {  	[tilespmem:s19], [sflag:$0x4] =	stream.indirect.gather [hbm4b:s4+s13], $0x40, s18, s13, $0xb8;
	[tilespmem:$0x17000] =	vst v63  }
0x46: {  	s18 =	smov.u32 s16  }
0x47: {  	p0 =	sne.s32 s16, $0x9000;
	s16 =	sadd.s32 $0x800, s16;
	_ =	swait.ge [sflag:s20], $0x2000  }
0x48: {  	s18 =	sshra.s32 s18, $0x2;
	[sflag:s20] =	ssyncset.done $0x0  }
0x49: {  	s30 =	sadd.s32 $0x2800, s18;
	[sflag:s20] =	ssyncadd.s32 $0xFFFFE000  }
0x4a: {  	[spmem:s2] =	stream.indirect.scatter.add.f32 [tilespmem:s14], [sflag:$0x5], $0x40, s30, s13, $0xb8;
	[tilespmem:$0x17000] =	vst v63  }
0x4b: {  	_ =	swait.ge [sflag:s21], $0x2000  }
0x4c: {  	[sflag:s21] =	ssyncset.done $0x0  }
0x4d: {  	s30 =	sadd.s32 $0x2880, s18;
	[sflag:s21] =	ssyncadd.s32 $0xFFFFE000  }
0x4e: {  	[spmem:s2] =	stream.indirect.scatter.add.f32 [tilespmem:s15], [sflag:$0x6], $0x40, s30, s13, $0xb8;
	[tilespmem:$0x17000] =	vst v63  }
0x4f: {  	_ =	swait.ge [sflag:s22], $0x2000  }
0x50: {  	[sflag:s22] =	ssyncset.done $0x0  }
0x51: {  	s30 =	sadd.s32 $0x2900, s18;
	[sflag:s22] =	ssyncadd.s32 $0xFFFFE000  }
0x52: {  	[spmem:s2] =	stream.indirect.scatter.add.f32 [tilespmem:s17], [sflag:$0x7], $0x40, s30, s13, $0xb8;
	[tilespmem:$0x17000] =	vst v63  }
0x53: {  	_ =	swait.ge [sflag:s23], $0x2000  }
0x54: {  	[sflag:s23] =	ssyncset.done $0x0  }
0x55: {  	s30 =	sadd.s32 $0x2980, s18;
	[sflag:s23] =	ssyncadd.s32 $0xFFFFE000  }
0x56: {  	[spmem:s2] =	stream.indirect.scatter.add.f32 [tilespmem:s19], [sflag:$0x8], $0x40, s30, s13, $0xb8;
	[tilespmem:$0x17000] =	vst v63  }
0x57: {  	_ =	swait.ge [sflag:s25], $0x2000  }
0x58: {  	[sflag:s25] =	ssyncset.done $0x0  }
0x59: {  	s30 =	sadd.s32 $0x200, s18;
	[sflag:s25] =	ssyncadd.s32 $0xFFFFE000  }
0x5a: {  	[tilespmem:s14], [sflag:$0x1] =	stream.indirect.gather [hbm4b:s4+s13], $0x40, s30, s13, $0xb8;
	[tilespmem:$0x17000] =	vst v63  }
0x5b: {  	_ =	swait.ge [sflag:s26], $0x2000  }
0x5c: {  	[sflag:s26] =	ssyncset.done $0x0  }
0x5d: {  	s30 =	sadd.s32 $0x280, s18;
	[sflag:s26] =	ssyncadd.s32 $0xFFFFE000  }
0x5e: {  	[tilespmem:s15], [sflag:$0x2] =	stream.indirect.gather [hbm4b:s4+s13], $0x40, s30, s13, $0xb8;
	[tilespmem:$0x17000] =	vst v63  }
0x5f: {  	_ =	swait.ge [sflag:s28], $0x2000  }
0x60: {  	[sflag:s28] =	ssyncset.done $0x0  }
.Ltmp0:
0x61: {  	s30 =	sadd.s32 $0x300, s18;
	[sflag:s28] =	ssyncadd.s32 $0xFFFFE000;
	(pc) =	sbr.rel @p0 .LBB2_2-.Ltmp0, $4  }
0x62: {  	[tilespmem:s17], [sflag:$0x3] =	stream.indirect.gather [hbm4b:s4+s13], $0x40, s30, s13, $0xb8;
	[tilespmem:$0x17000] =	vst v63  }
0x63: {  	_ =	swait.ge [sflag:s29], $0x2000  }
0x64: {  	[sflag:s29] =	ssyncset.done $0x0  }
0x65: {  	s18 =	sadd.s32 $0x380, s18;
	[sflag:s29] =	ssyncadd.s32 $0xFFFFE000  }
0x66: {  	[tilespmem:s19], [sflag:$0x4] =	stream.indirect.gather [hbm4b:s4+s13], $0x40, s18, s13, $0xb8;
	[tilespmem:$0x17000] =	vst v63  }
0x67: {  	_ =	swait.ge [sflag:s20], $0x2000  }
0x68: {  	[sflag:s20] =	ssyncset.done $0x0  }
0x69: {  	s16 =	simm.s32 $0x4E00;
	[sflag:s20] =	ssyncadd.s32 $0xFFFFE000  }
0x6a: {  	[spmem:s2] =	stream.indirect.scatter.add.f32 [tilespmem:s14], [sflag:$0x5], $0x40, s16, s13, $0xb8;
	[tilespmem:$0x17000] =	vst v63  }
0x6b: {  	_ =	swait.ge [sflag:s21], $0x2000  }
0x6c: {  	[sflag:s21] =	ssyncset.done $0x0  }
0x6d: {  	[sflag:s21] =	ssyncadd.s32 $0xFFFFE000  }
0x6e: {  	[spmem:s2] =	stream.indirect.scatter.add.f32 [tilespmem:s15], [sflag:$0x6], $0x40, s31, s13, $0xb8;
	[tilespmem:$0x17000] =	vst v63  }
0x6f: {  	_ =	swait.ge [sflag:s22], $0x2000  }
0x70: {  	[sflag:s22] =	ssyncset.done $0x0  }
0x71: {  	[sflag:s22] =	ssyncadd.s32 $0xFFFFE000  }
0x72: {  	[spmem:s2] =	stream.indirect.scatter.add.f32 [tilespmem:s17], [sflag:$0x7], $0x40, s1, s13, $0xb8;
	[tilespmem:$0x17000] =	vst v63  }
0x73: {  	_ =	swait.ge [sflag:s23], $0x2000  }
0x74: {  	[sflag:s23] =	ssyncset.done $0x0  }
0x75: {  	[sflag:s23] =	ssyncadd.s32 $0xFFFFE000  }
0x76: {  	[spmem:s2] =	stream.indirect.scatter.add.f32 [tilespmem:s19], [sflag:$0x8], $0x40, s0, s13, $0xb8;
	[tilespmem:$0x17000] =	vst v63  }
0x77: {  	_ =	swait.ge [sflag:s25], $0x2000  }
0x78: {  	[sflag:s25] =	ssyncset.done $0x0  }
0x79: {  	[sflag:s25] =	ssyncadd.s32 $0xFFFFE000  }
0x7a: {  	_ =	swait.ge [sflag:s26], $0x2000  }
0x7b: {  	[sflag:s26] =	ssyncset.done $0x0  }
0x7c: {  	[sflag:s26] =	ssyncadd.s32 $0xFFFFE000  }
0x7d: {  	_ =	swait.ge [sflag:s28], $0x2000  }
0x7e: {  	[sflag:s28] =	ssyncset.done $0x0  }
0x7f: {  	[sflag:s28] =	ssyncadd.s32 $0xFFFFE000  }
0x80: {  	_ =	swait.ge [sflag:s29], $0x2000  }
0x81: {  	s10 =	sadd.s32 $0x1, s10;
	[sflag:s29] =	ssyncset.done $0x0  }
0x82: {  	p0 =	sne.s32 s10, s8;
	[sflag:s29] =	ssyncadd.s32 $0xFFFFE000  }
.Ltmp1:
0x83: {  	[bflag:$0x0] =	sbarrier.arrive $0xFFFF;
	(pc) =	sbr.rel @p0 .LBB2_1-.Ltmp1, $4  }
0x84: {  	[hbm:s24], [sflag:s11] =	dma.local [spmem:s12], $0x1400  }
0x85: {  	_ =	swait.ge [sflag:s9], $0x1400  }
0x86: {  	[sflag:s9] =	ssyncset.done $0x0  }
0x87: {  	[sflag:s9] =	ssyncadd.s32 $0xFFFFEC00  }
0x88: {  	_ =	sfence.sel $0x180000  }
0x89: {  	[bflag:$0x0] =	sbarrier.arrive $0xFFFF  }
0x8a: {  	_ =	strace $0x90000050  }
0x8b: {  	s0 =	stileid.u32;
	[bflag:$0x2] =	sbarrier.arrive $0xFFFF  }
0x8c: {  	p0 =	sne.s32 s0, $0x0;
	s0 =	rddreg [dreg:$0x2]  }
0x8d: {  	s0 =	sadd.s32 @!p0 $0x100000, s0  }
0x8e: {  	[sflag:s0] =	ssyncadd.tile.s32 @!p0 $0x1;
	_ =	shalt  }
.Lfunc_end2:
_tile_overlayer_lowered:
.L_overlay_start_2:
0x8f: {  	(tag) =	ssettag $0x2  }
0x90: {  	s0 =	rddreg [dreg:$0x0];
	s2 =	stileid.u32  }
0x91: {  	s1 =	rddreg [dreg:$0x1];
	p0 =	sne.s32 s2, $0x0  }
0x92: {  	s3 =	rddreg [dreg:$0x2];
	[bflag:$0x3] =	sbarrier.arrive $0xFFFF;
	s2 =	simm.s32 @!p0 $0x1C09  }
0x93: {  	[timem:s3], [sflag:s2] =	dma.local @!p0 [hbm:s0], s1  }
0x94: {  	s0 =	simm.s32 @!p0 $0x9  }
0x95: {  	_ =	swait.ge @!p0 [sflag:s0], s1  }
0x96: {  	s1 =	ssub.s32 @!p0 $0x0, s1;
	[sflag:s0] =	ssyncset.done @!p0 $0x0  }
0x97: {  	[sflag:s0] =	ssyncadd.s32 @!p0 s1  }
0x98: {  	[bflag:$0x3] =	sbarrier.arrive $0xFFFF  }
0x99: {  	_ =	shalt  }

</sc_bundles>
